<compile_context>
chip_gen: v7x
topology: tpu7x:2x2x1
jax: 0.10.2.dev20260603
libtpu: 0.0.44.dev20260713+nightly
codegen_flags: <defaults>
</compile_context>

<pallas_src>
import functools

import jax
import jax.numpy as jnp
from jax import lax
from jax.experimental import pallas as pl
from jax.experimental.pallas import tpu as pltpu
from jax.experimental.pallas import tpu_sc as plsc

_POS = 0.5
_NEG = 0.3
_LOW = 0.1
_N_PAD = 20480
_NW = 32
_PER_W = _N_PAD // _NW
_CHUNKS = _PER_W // 16
_G = 64
_BIG = 2**30


def _lane():
    return lax.broadcasted_iota(jnp.int32, (16,), 0)


def _bcast(x, l):
    idx = jnp.full((16,), l, jnp.int32)
    return x.at[idx].get(mode="promise_in_bounds")


def _bmax(x):
    for k in (1, 2, 4, 8):
        x = jnp.maximum(x, x.at[_lane() ^ k].get(mode="promise_in_bounds"))
    return x


def _bmin(x):
    for k in (1, 2, 4, 8):
        x = jnp.minimum(x, x.at[_lane() ^ k].get(mode="promise_in_bounds"))
    return x


def _wid():
    return lax.axis_index("s") * 2 + lax.axis_index("c")


def _phase1(ax0, ay0, ax1, ay1, gb0, gb1, gb2, gb3,
            assign_out, candv_out, candi_out,
            a0r, a1r, a2r, a3r, g0r, g1r, g2r, g3r,
            rmr, rir, asgr, cvr, cir, aar):
    wid = _wid()
    base = wid * _PER_W
    pltpu.sync_copy(ax0.at[pl.ds(base, _PER_W)], a0r)
    pltpu.sync_copy(ay0.at[pl.ds(base, _PER_W)], a1r)
    pltpu.sync_copy(ax1.at[pl.ds(base, _PER_W)], a2r)
    pltpu.sync_copy(ay1.at[pl.ds(base, _PER_W)], a3r)
    pltpu.sync_copy(gb0, g0r)
    pltpu.sync_copy(gb1, g1r)
    pltpu.sync_copy(gb2, g2r)
    pltpu.sync_copy(gb3, g3r)

    lane = _lane()
    neg1f = jnp.full((16,), -1.0, jnp.float32)
    zeroi = jnp.full((16,), 0, jnp.int32)

    def init_c(c, _):
        off = c * 16
        rmr[pl.ds(off, 16)] = neg1f
        rir[pl.ds(off, 16)] = zeroi
        a0 = a0r[pl.ds(off, 16)]
        a1 = a1r[pl.ds(off, 16)]
        a2 = a2r[pl.ds(off, 16)]
        a3 = a3r[pl.ds(off, 16)]
        aar[pl.ds(off, 16)] = (a2 - a0) * (a3 - a1)
        return 0
    lax.fori_loop(0, _CHUNKS, init_c, 0)

    def per_gt(g, _):
        goff = g * 16
        g0 = g0r[pl.ds(goff, 16)]
        g1 = g1r[pl.ds(goff, 16)]
        g2 = g2r[pl.ds(goff, 16)]
        g3 = g3r[pl.ds(goff, 16)]
        area_b = (g2 - g0) * (g3 - g1)
        gvec = jnp.full((16,), g, jnp.int32)

        def per_chunk4(c4, carry):
            t1, t2, t3, j1, j2, j3 = carry
            ious = []
            for u in range(4):
                off = c4 * 64 + u * 16
                a0 = a0r[pl.ds(off, 16)]
                a1 = a1r[pl.ds(off, 16)]
                a2 = a2r[pl.ds(off, 16)]
                a3 = a3r[pl.ds(off, 16)]
                area_a = aar[pl.ds(off, 16)]
                ltx = jnp.maximum(a0, g0)
                lty = jnp.maximum(a1, g1)
                rbx = jnp.minimum(a2, g2)
                rby = jnp.minimum(a3, g3)
                w = jnp.maximum(rbx - ltx, 0.0)
                h = jnp.maximum(rby - lty, 0.0)
                inter = w * h
                union = area_a + area_b - inter
                iou = inter / jnp.maximum(union, 1e-9)
                ious.append(iou)

                rm = rmr[pl.ds(off, 16)]
                upd = iou > rm
                rmr[pl.ds(off, 16)] = jnp.where(upd, iou, rm)
                rir[pl.ds(off, 16)] = jnp.where(upd, gvec, rir[pl.ds(off, 16)])

            for u in range(4):
                off = c4 * 64 + u * 16
                iou = ious[u]
                gidx = (base + off) + lane
                b1 = iou > t1
                b2 = iou > t2
                b3 = iou > t3
                t3n = jnp.where(b2, t2, jnp.where(b3, iou, t3))
                j3n = jnp.where(b2, j2, jnp.where(b3, gidx, j3))
                t2n = jnp.where(b1, t1, jnp.where(b2, iou, t2))
                j2n = jnp.where(b1, j1, jnp.where(b2, gidx, j2))
                t1, t2, t3 = jnp.where(b1, iou, t1), t2n, t3n
                j1, j2, j3 = jnp.where(b1, gidx, j1), j2n, j3n
            return t1, t2, t3, j1, j2, j3

        init = (neg1f, neg1f, neg1f, zeroi, zeroi, zeroi)
        t1, t2, t3, j1, j2, j3 = lax.fori_loop(0, _CHUNKS // 4, per_chunk4,
                                               init)

        d = zeroi
        m1 = _bmax(t1)
        i1 = _bmin(jnp.where(t1 == m1, j1, _BIG))
        d = d + jnp.where((t1 == m1) & (j1 == i1), 1, 0)
        ev = jnp.where(d == 1, t2, t1)
        ej = jnp.where(d == 1, j2, j1)
        m2 = _bmax(ev)
        i2 = _bmin(jnp.where(ev == m2, ej, _BIG))
        d = d + jnp.where((ev == m2) & (ej == i2), 1, 0)
        ev = jnp.where(d == 2, t3, jnp.where(d == 1, t2, t1))
        ej = jnp.where(d == 2, j3, jnp.where(d == 1, j2, j1))
        m3 = _bmax(ev)
        i3 = _bmin(jnp.where(ev == m3, ej, _BIG))

        cvr[g] = jnp.where(
            lane == 0, m1, jnp.where(lane == 1, m2,
                                     jnp.where(lane == 2, m3, -1.0)))
        cir[g] = jnp.where(
            lane == 0, i1, jnp.where(lane == 1, i2,
                                     jnp.where(lane == 2, i3, _BIG)))
        return 0

    lax.fori_loop(0, _G, per_gt, 0)

    def base_c(c, _):
        off = c * 16
        rm = rmr[pl.ds(off, 16)]
        a = jnp.where(rm > _POS, rir[pl.ds(off, 16)], -2)
        a = jnp.where(rm < _NEG, -1, a)
        asgr[pl.ds(off, 16)] = a
        return 0
    lax.fori_loop(0, _CHUNKS, base_c, 0)

    pltpu.sync_copy(asgr, assign_out.at[pl.ds(base, _PER_W)])
    pltpu.sync_copy(cvr, candv_out.at[wid])
    pltpu.sync_copy(cir, candi_out.at[wid])


def _phase2(candv, candi, writes_out, cva, cia, wvr):
    wid = _wid()
    lane = _lane()

    for t in range(2):
        g = wid * 2 + t
        goff = g * 16
        pltpu.sync_copy(candv.at[:, g], cva)
        pltpu.sync_copy(candi.at[:, g], cia)

        ms = []
        is_ = []
        for _r in range(3):
            def fold_max(w, run):
                return jnp.maximum(run, cva[w])
            runm = lax.fori_loop(0, _NW, fold_max,
                                 jnp.full((16,), -1.0, jnp.float32))
            mv = _bmax(runm)

            def fold_idx(w, run):
                return jnp.minimum(
                    run, jnp.where(cva[w] == mv, cia[w], _BIG))
            runi = lax.fori_loop(0, _NW, fold_idx,
                                 jnp.full((16,), _BIG, jnp.int32))
            iv = _bmin(runi)

            def mask_out(w, _):
                cva[w] = jnp.where(cia[w] == iv, -1.0, cva[w])
                return 0
            lax.fori_loop(0, _NW, mask_out, 0)
            ms.append(mv)
            is_.append(iv)

        m1, m2, m3 = ms
        i1, i2, i3 = is_
        nposv = (jnp.where(m1 > _POS, 1, 0) + jnp.where(m2 > _POS, 1, 0)
                 + jnp.where(m3 > _POS, 1, 0))
        condv = nposv < 3
        l2 = jnp.where((m2 > _LOW) & condv, i2, -1)
        l3 = jnp.where((m3 > _LOW) & condv, i3, -1)
        wvr[...] = jnp.where(lane == 0, i1,
                             jnp.where(lane == 1, l2,
                                       jnp.where(lane == 2, l3, -1)))
        pltpu.sync_copy(wvr, writes_out.at[pl.ds(goff, 16)])


def _phase3(assign, writes, final_out, asgr, wvr):
    wid = _wid()
    base = wid * _PER_W
    lane = _lane()
    pltpu.sync_copy(assign.at[pl.ds(base, _PER_W)], asgr)
    pltpu.sync_copy(writes, wvr)

    def per_gt(g, _):
        wv = wvr[pl.ds(g * 16, 16)]
        t0 = _bcast(wv, 0)
        t1 = _bcast(wv, 1)
        t2 = _bcast(wv, 2)
        gvec = jnp.full((16,), g, jnp.int32)

        def per_chunk4(c4, _c):
            for u in range(4):
                off = c4 * 64 + u * 16
                a = asgr[pl.ds(off, 16)]
                gidx = (base + off) + lane
                upd = (gidx == t0) | (gidx == t1) | (gidx == t2)
                asgr[pl.ds(off, 16)] = jnp.where(upd, gvec, a)
            return 0
        lax.fori_loop(0, _CHUNKS // 4, per_chunk4, 0)
        return 0
    lax.fori_loop(0, _G, per_gt, 0)

    pltpu.sync_copy(asgr, final_out.at[pl.ds(base, _PER_W)])


@functools.lru_cache(maxsize=1)
def _build():
    mesh = plsc.VectorSubcoreMesh(core_axis_name="c", subcore_axis_name="s")
    f32, i32 = jnp.float32, jnp.int32
    p1 = pl.kernel(
        _phase1, mesh=mesh,
        out_type=(
            jax.ShapeDtypeStruct((_N_PAD,), i32),
            jax.ShapeDtypeStruct((_NW, _G, 16), f32),
            jax.ShapeDtypeStruct((_NW, _G, 16), i32),
        ),
        scratch_types=[
            pltpu.VMEM((_PER_W,), f32),
            pltpu.VMEM((_PER_W,), f32),
            pltpu.VMEM((_PER_W,), f32),
            pltpu.VMEM((_PER_W,), f32),
            pltpu.VMEM((_G * 16,), f32),
            pltpu.VMEM((_G * 16,), f32),
            pltpu.VMEM((_G * 16,), f32),
            pltpu.VMEM((_G * 16,), f32),
            pltpu.VMEM((_PER_W,), f32),
            pltpu.VMEM((_PER_W,), i32),
            pltpu.VMEM((_PER_W,), i32),
            pltpu.VMEM((_G, 16), f32),
            pltpu.VMEM((_G, 16), i32),
            pltpu.VMEM((_PER_W,), f32),
        ],
    )
    p2 = pl.kernel(
        _phase2, mesh=mesh,
        out_type=jax.ShapeDtypeStruct((_G * 16,), i32),
        scratch_types=[
            pltpu.VMEM((_NW, 16), f32),
            pltpu.VMEM((_NW, 16), i32),
            pltpu.VMEM((16,), i32),
        ],
    )
    p3 = pl.kernel(
        _phase3, mesh=mesh,
        out_type=jax.ShapeDtypeStruct((_N_PAD,), i32),
        scratch_types=[
            pltpu.VMEM((_PER_W,), i32),
            pltpu.VMEM((_G * 16,), i32),
        ],
    )
    return p1, p2, p3


def kernel(anchor, gt):
    n = anchor.shape[0]
    a = jnp.pad(anchor, ((0, _N_PAD - n), (0, 0)))
    gb = [jnp.repeat(gt[:, c], 16) for c in range(4)]
    p1, p2, p3 = _build()
    assign, candv, candi = p1(a[:, 0], a[:, 1], a[:, 2], a[:, 3], *gb)
    writes = p2(candv, candi)
    final = p3(assign, writes)
    return final[:n]

# --- scband reference (transcript-rebuilt; emitter-appended) ---
"""Pipeline reference for scband-s3fd-assign-55697135894691 (READ-ONLY COPY).

The authoritative reference and input builder live on the scoring server;
editing this copy changes nothing except your own understanding.
"""

import jax, jax.numpy as jnp
import numpy as np

POS_THRESH = 0.5
NEG_THRESH = 0.3
MIN_ANCHOR = 3


def bbox_overlaps(a, b):
    # a: [N,4] xyxy, b: [G,4] xyxy -> IoU [N,G]
    area_a = (a[:, 2] - a[:, 0]) * (a[:, 3] - a[:, 1])
    area_b = (b[:, 2] - b[:, 0]) * (b[:, 3] - b[:, 1])
    lt = jnp.maximum(a[:, None, :2], b[None, :, :2])
    rb = jnp.minimum(a[:, None, 2:], b[None, :, 2:])
    wh = jnp.clip(rb - lt, 0.0)
    inter = wh[..., 0] * wh[..., 1]
    union = area_a[:, None] + area_b[None, :] - inter
    return inter / jnp.maximum(union, 1e-9)


def setup_inputs(seed: int = 0) -> dict:
    key = jax.random.key(seed)
    k1, k2, k3, k4 = jax.random.split(key, 4)
    N, G = 20000, 64
    axy = jax.random.uniform(k1, (N, 2), minval=0.0, maxval=960.0)
    awh = jax.random.uniform(k2, (N, 2), minval=8.0, maxval=64.0)
    anchor = jnp.concatenate([axy, axy + awh], axis=1).astype(jnp.float32)
    gxy = jax.random.uniform(k3, (G, 2), minval=0.0, maxval=900.0)
    gwh = jax.random.uniform(k4, (G, 2), minval=30.0, maxval=180.0)
    gt = jnp.concatenate([gxy, gxy + gwh], axis=1).astype(jnp.float32)
    return {"anchor": anchor, "gt": gt}


def reference(anchor, gt):
    N = anchor.shape[0]
    assign_index = jnp.full((N,), -2, dtype=jnp.int32)
    iou_mat = bbox_overlaps(anchor, gt)  # [N, G]
    max_iou = jnp.max(iou_mat, axis=1)
    max_iou_index = jnp.argmax(iou_mat, axis=1).astype(jnp.int32)
    assign_index = jnp.where(max_iou < NEG_THRESH, jnp.int32(-1), assign_index)
    assign_index = jnp.where(max_iou > POS_THRESH, max_iou_index, assign_index)
    iou_t = iou_mat.T  # [G, N]
    values, ranks = jax.lax.top_k(iou_t, MIN_ANCHOR)  # [G, k]
    G = iou_t.shape[0]
    for idx in range(G):
        v = values[idx]
        rank = ranks[idx]
        # force-assign the best anchor of this gt
        assign_index = assign_index.at[rank[0]].set(jnp.int32(idx))
        cond = jnp.sum(v > POS_THRESH) < MIN_ANCHOR
        cur = assign_index[rank]
        assign_index = assign_index.at[rank].set(
            jnp.where((v > 0.1) & cond, jnp.int32(idx), cur)
        )
    return assign_index

if __name__ == "__main__":
    import jax
    _d = setup_inputs()
    print(jax.jit(kernel)(*tuple(_d.values())))

</pallas_src>

<mosaic_0001>
#map = affine_map<(d0, d1) -> (0)>
#map1 = affine_map<(d0, d1) -> (0, 0, 0)>
module attributes {stable_mosaic.version = 14 : i64} {
  func.func @_phase1(%arg0: i32, %arg1: i32, %arg2: memref<20480xf32, #tpu.memory_space<hbm>>, %arg3: memref<20480xf32, #tpu.memory_space<hbm>>, %arg4: memref<20480xf32, #tpu.memory_space<hbm>>, %arg5: memref<20480xf32, #tpu.memory_space<hbm>>, %arg6: memref<1024xf32, #tpu.memory_space<hbm>>, %arg7: memref<1024xf32, #tpu.memory_space<hbm>>, %arg8: memref<1024xf32, #tpu.memory_space<hbm>>, %arg9: memref<1024xf32, #tpu.memory_space<hbm>>, %arg10: memref<20480xi32, #tpu.memory_space<hbm>>, %arg11: memref<32x64x16xf32, #tpu.memory_space<hbm>>, %arg12: memref<32x64x16xi32, #tpu.memory_space<hbm>>, %arg13: memref<640xf32, #tpu.memory_space<vmem>>, %arg14: memref<640xf32, #tpu.memory_space<vmem>>, %arg15: memref<640xf32, #tpu.memory_space<vmem>>, %arg16: memref<640xf32, #tpu.memory_space<vmem>>, %arg17: memref<1024xf32, #tpu.memory_space<vmem>>, %arg18: memref<1024xf32, #tpu.memory_space<vmem>>, %arg19: memref<1024xf32, #tpu.memory_space<vmem>>, %arg20: memref<1024xf32, #tpu.memory_space<vmem>>, %arg21: memref<640xf32, #tpu.memory_space<vmem>>, %arg22: memref<640xi32, #tpu.memory_space<vmem>>, %arg23: memref<640xi32, #tpu.memory_space<vmem>>, %arg24: memref<64x16xf32, #tpu.memory_space<vmem>>, %arg25: memref<64x16xi32, #tpu.memory_space<vmem>>, %arg26: memref<640xf32, #tpu.memory_space<vmem>>) attributes {dimension_semantics = [#tpu.dimension_semantics<core_parallel>, #tpu.dimension_semantics<subcore_parallel>], iteration_bounds = array<i64: 2, 16>, scalar_prefetch = 0 : i64, scratch_operands = 14 : i64, tpu.core_type = #tpu.core_type<sc_vector_subcore>, window_params = [{transform_indices = #map}, {transform_indices = #map}, {transform_indices = #map}, {transform_indices = #map}, {transform_indices = #map}, {transform_indices = #map}, {transform_indices = #map}, {transform_indices = #map}, {transform_indices = #map}, {transform_indices = #map1}, {transform_indices = #map1}]} {
    %mul3A = arith.constant 2 : i32
    %mul3A_0 = arith.muli %arg1, %mul3A : i32
    %add3A = arith.addi %mul3A_0, %arg0 : i32
    %mul3A_1 = arith.constant 640 : i32
    %mul3A_2 = arith.muli %add3A, %mul3A_1 : i32
    "tpu.region"() ({
      %run_scoped3A = tpu.sem_alloc : memref<!tpu.dma_semaphore, #tpu.memory_space<semaphore_mem>>
      %dma_start3A = tpu.memref_slice %arg2[%mul3A_2] : memref<20480xf32, #tpu.memory_space<hbm>> -> memref<640xf32, #tpu.memory_space<hbm>>
      %dma_start3A_26 = tpu.memref_slice %arg2[%mul3A_2] : memref<20480xf32, #tpu.memory_space<hbm>> -> memref<640xf32, #tpu.memory_space<hbm>>
      tpu.enqueue_dma source(%dma_start3A_26 : memref<640xf32, #tpu.memory_space<hbm>>) target(%arg13 : memref<640xf32, #tpu.memory_space<vmem>>) target_semaphore(%run_scoped3A : memref<!tpu.dma_semaphore, #tpu.memory_space<semaphore_mem>>)
      %dma_wait3A = tpu.memref_slice %arg2[%mul3A_2] : memref<20480xf32, #tpu.memory_space<hbm>> -> memref<640xf32, #tpu.memory_space<hbm>>
      %dma_wait3A_27 = tpu.memref_slice %arg2[%mul3A_2] : memref<20480xf32, #tpu.memory_space<hbm>> -> memref<640xf32, #tpu.memory_space<hbm>>
      tpu.wait_dma2 semaphore(%run_scoped3A : memref<!tpu.dma_semaphore, #tpu.memory_space<semaphore_mem>>) src(%dma_wait3A_27 : memref<640xf32, #tpu.memory_space<hbm>>) dst(%arg13 : memref<640xf32, #tpu.memory_space<vmem>>)
      tpu.yield
    }) : () -> ()
    "tpu.region"() ({
      %run_scoped3A = tpu.sem_alloc : memref<!tpu.dma_semaphore, #tpu.memory_space<semaphore_mem>>
      %dma_start3A = tpu.memref_slice %arg3[%mul3A_2] : memref<20480xf32, #tpu.memory_space<hbm>> -> memref<640xf32, #tpu.memory_space<hbm>>
      %dma_start3A_26 = tpu.memref_slice %arg3[%mul3A_2] : memref<20480xf32, #tpu.memory_space<hbm>> -> memref<640xf32, #tpu.memory_space<hbm>>
      tpu.enqueue_dma source(%dma_start3A_26 : memref<640xf32, #tpu.memory_space<hbm>>) target(%arg14 : memref<640xf32, #tpu.memory_space<vmem>>) target_semaphore(%run_scoped3A : memref<!tpu.dma_semaphore, #tpu.memory_space<semaphore_mem>>)
      %dma_wait3A = tpu.memref_slice %arg3[%mul3A_2] : memref<20480xf32, #tpu.memory_space<hbm>> -> memref<640xf32, #tpu.memory_space<hbm>>
      %dma_wait3A_27 = tpu.memref_slice %arg3[%mul3A_2] : memref<20480xf32, #tpu.memory_space<hbm>> -> memref<640xf32, #tpu.memory_space<hbm>>
      tpu.wait_dma2 semaphore(%run_scoped3A : memref<!tpu.dma_semaphore, #tpu.memory_space<semaphore_mem>>) src(%dma_wait3A_27 : memref<640xf32, #tpu.memory_space<hbm>>) dst(%arg14 : memref<640xf32, #tpu.memory_space<vmem>>)
      tpu.yield
    }) : () -> ()
    "tpu.region"() ({
      %run_scoped3A = tpu.sem_alloc : memref<!tpu.dma_semaphore, #tpu.memory_space<semaphore_mem>>
      %dma_start3A = tpu.memref_slice %arg4[%mul3A_2] : memref<20480xf32, #tpu.memory_space<hbm>> -> memref<640xf32, #tpu.memory_space<hbm>>
      %dma_start3A_26 = tpu.memref_slice %arg4[%mul3A_2] : memref<20480xf32, #tpu.memory_space<hbm>> -> memref<640xf32, #tpu.memory_space<hbm>>
      tpu.enqueue_dma source(%dma_start3A_26 : memref<640xf32, #tpu.memory_space<hbm>>) target(%arg15 : memref<640xf32, #tpu.memory_space<vmem>>) target_semaphore(%run_scoped3A : memref<!tpu.dma_semaphore, #tpu.memory_space<semaphore_mem>>)
      %dma_wait3A = tpu.memref_slice %arg4[%mul3A_2] : memref<20480xf32, #tpu.memory_space<hbm>> -> memref<640xf32, #tpu.memory_space<hbm>>
      %dma_wait3A_27 = tpu.memref_slice %arg4[%mul3A_2] : memref<20480xf32, #tpu.memory_space<hbm>> -> memref<640xf32, #tpu.memory_space<hbm>>
      tpu.wait_dma2 semaphore(%run_scoped3A : memref<!tpu.dma_semaphore, #tpu.memory_space<semaphore_mem>>) src(%dma_wait3A_27 : memref<640xf32, #tpu.memory_space<hbm>>) dst(%arg15 : memref<640xf32, #tpu.memory_space<vmem>>)
      tpu.yield
    }) : () -> ()
    "tpu.region"() ({
      %run_scoped3A = tpu.sem_alloc : memref<!tpu.dma_semaphore, #tpu.memory_space<semaphore_mem>>
      %dma_start3A = tpu.memref_slice %arg5[%mul3A_2] : memref<20480xf32, #tpu.memory_space<hbm>> -> memref<640xf32, #tpu.memory_space<hbm>>
      %dma_start3A_26 = tpu.memref_slice %arg5[%mul3A_2] : memref<20480xf32, #tpu.memory_space<hbm>> -> memref<640xf32, #tpu.memory_space<hbm>>
      tpu.enqueue_dma source(%dma_start3A_26 : memref<640xf32, #tpu.memory_space<hbm>>) target(%arg16 : memref<640xf32, #tpu.memory_space<vmem>>) target_semaphore(%run_scoped3A : memref<!tpu.dma_semaphore, #tpu.memory_space<semaphore_mem>>)
      %dma_wait3A = tpu.memref_slice %arg5[%mul3A_2] : memref<20480xf32, #tpu.memory_space<hbm>> -> memref<640xf32, #tpu.memory_space<hbm>>
      %dma_wait3A_27 = tpu.memref_slice %arg5[%mul3A_2] : memref<20480xf32, #tpu.memory_space<hbm>> -> memref<640xf32, #tpu.memory_space<hbm>>
      tpu.wait_dma2 semaphore(%run_scoped3A : memref<!tpu.dma_semaphore, #tpu.memory_space<semaphore_mem>>) src(%dma_wait3A_27 : memref<640xf32, #tpu.memory_space<hbm>>) dst(%arg16 : memref<640xf32, #tpu.memory_space<vmem>>)
      tpu.yield
    }) : () -> ()
    "tpu.region"() ({
      %run_scoped3A = tpu.sem_alloc : memref<!tpu.dma_semaphore, #tpu.memory_space<semaphore_mem>>
      tpu.enqueue_dma source(%arg6 : memref<1024xf32, #tpu.memory_space<hbm>>) target(%arg17 : memref<1024xf32, #tpu.memory_space<vmem>>) target_semaphore(%run_scoped3A : memref<!tpu.dma_semaphore, #tpu.memory_space<semaphore_mem>>)
      tpu.wait_dma2 semaphore(%run_scoped3A : memref<!tpu.dma_semaphore, #tpu.memory_space<semaphore_mem>>) src(%arg6 : memref<1024xf32, #tpu.memory_space<hbm>>) dst(%arg17 : memref<1024xf32, #tpu.memory_space<vmem>>)
      tpu.yield
    }) : () -> ()
    "tpu.region"() ({
      %run_scoped3A = tpu.sem_alloc : memref<!tpu.dma_semaphore, #tpu.memory_space<semaphore_mem>>
      tpu.enqueue_dma source(%arg7 : memref<1024xf32, #tpu.memory_space<hbm>>) target(%arg18 : memref<1024xf32, #tpu.memory_space<vmem>>) target_semaphore(%run_scoped3A : memref<!tpu.dma_semaphore, #tpu.memory_space<semaphore_mem>>)
      tpu.wait_dma2 semaphore(%run_scoped3A : memref<!tpu.dma_semaphore, #tpu.memory_space<semaphore_mem>>) src(%arg7 : memref<1024xf32, #tpu.memory_space<hbm>>) dst(%arg18 : memref<1024xf32, #tpu.memory_space<vmem>>)
      tpu.yield
    }) : () -> ()
    "tpu.region"() ({
      %run_scoped3A = tpu.sem_alloc : memref<!tpu.dma_semaphore, #tpu.memory_space<semaphore_mem>>
      tpu.enqueue_dma source(%arg8 : memref<1024xf32, #tpu.memory_space<hbm>>) target(%arg19 : memref<1024xf32, #tpu.memory_space<vmem>>) target_semaphore(%run_scoped3A : memref<!tpu.dma_semaphore, #tpu.memory_space<semaphore_mem>>)
      tpu.wait_dma2 semaphore(%run_scoped3A : memref<!tpu.dma_semaphore, #tpu.memory_space<semaphore_mem>>) src(%arg8 : memref<1024xf32, #tpu.memory_space<hbm>>) dst(%arg19 : memref<1024xf32, #tpu.memory_space<vmem>>)
      tpu.yield
    }) : () -> ()
    "tpu.region"() ({
      %run_scoped3A = tpu.sem_alloc : memref<!tpu.dma_semaphore, #tpu.memory_space<semaphore_mem>>
      tpu.enqueue_dma source(%arg9 : memref<1024xf32, #tpu.memory_space<hbm>>) target(%arg20 : memref<1024xf32, #tpu.memory_space<vmem>>) target_semaphore(%run_scoped3A : memref<!tpu.dma_semaphore, #tpu.memory_space<semaphore_mem>>)
      tpu.wait_dma2 semaphore(%run_scoped3A : memref<!tpu.dma_semaphore, #tpu.memory_space<semaphore_mem>>) src(%arg9 : memref<1024xf32, #tpu.memory_space<hbm>>) dst(%arg20 : memref<1024xf32, #tpu.memory_space<vmem>>)
      tpu.yield
    }) : () -> ()
    %iota3A = tpu.iota {dimensions = array<i32: 0>} : vector<16xi32>
    %broadcast_in_dim3A = arith.constant -1.000000e+00 : f32
    %broadcast_in_dim3A_3 = vector.broadcast %broadcast_in_dim3A : f32 to vector<16xf32>
    %broadcast_in_dim3A_4 = arith.constant 0 : i32
    %broadcast_in_dim3A_5 = vector.broadcast %broadcast_in_dim3A_4 : i32 to vector<16xi32>
    %scan3A = arith.constant 0 : i32
    %scan3A_6 = arith.constant 0 : i32
    %scan3A_7 = arith.constant 40 : i32
    %scan3A_8 = arith.addi %scan3A_6, %scan3A_7 : i32
    %scan3A_9 = arith.constant 1 : i32
    %scan3A_10 = scf.for %scan3A_26 = %scan3A_6 to %scan3A_8 step %scan3A_9 iter_args(%scan3A_27 = %scan3A) -> (i32)  : i32 {
      %mul3A_28 = arith.constant 16 : i32
      %mul3A_29 = arith.muli %scan3A_26, %mul3A_28 : i32
      %swap3A = arith.index_cast %mul3A_29 : i32 to index
      %swap3A_30 = tpu.vector_load %arg21[%swap3A] {strides = array<i32>} : memref<640xf32, #tpu.memory_space<vmem>>, vector<16xf32>,
      %swap3A_31 = vector.shape_cast %swap3A_30 : vector<16xf32> to vector<16xf32>
      %swap3A_32 = vector.shape_cast %broadcast_in_dim3A_3 : vector<16xf32> to vector<16xf32>
      tpu.vector_store %arg21[%swap3A], %swap3A_32 {strides = array<i32>} : memref<640xf32, #tpu.memory_space<vmem>>, vector<16xf32>,
      %swap3A_33 = arith.index_cast %mul3A_29 : i32 to index
      %swap3A_34 = tpu.vector_load %arg22[%swap3A_33] {strides = array<i32>} : memref<640xi32, #tpu.memory_space<vmem>>, vector<16xi32>,
      %swap3A_35 = vector.shape_cast %swap3A_34 : vector<16xi32> to vector<16xi32>
      %swap3A_36 = vector.shape_cast %broadcast_in_dim3A_5 : vector<16xi32> to vector<16xi32>
      tpu.vector_store %arg22[%swap3A_33], %swap3A_36 {strides = array<i32>} : memref<640xi32, #tpu.memory_space<vmem>>, vector<16xi32>,
      %get3A = arith.index_cast %mul3A_29 : i32 to index
      %get3A_37 = tpu.vector_load %arg13[%get3A] {strides = array<i32>} : memref<640xf32, #tpu.memory_space<vmem>>, vector<16xf32>,
      %get3A_38 = vector.shape_cast %get3A_37 : vector<16xf32> to vector<16xf32>
      %get3A_39 = arith.index_cast %mul3A_29 : i32 to index
      %get3A_40 = tpu.vector_load %arg14[%get3A_39] {strides = array<i32>} : memref<640xf32, #tpu.memory_space<vmem>>, vector<16xf32>,
      %get3A_41 = vector.shape_cast %get3A_40 : vector<16xf32> to vector<16xf32>
      %get3A_42 = arith.index_cast %mul3A_29 : i32 to index
      %get3A_43 = tpu.vector_load %arg15[%get3A_42] {strides = array<i32>} : memref<640xf32, #tpu.memory_space<vmem>>, vector<16xf32>,
      %get3A_44 = vector.shape_cast %get3A_43 : vector<16xf32> to vector<16xf32>
      %get3A_45 = arith.index_cast %mul3A_29 : i32 to index
      %get3A_46 = tpu.vector_load %arg16[%get3A_45] {strides = array<i32>} : memref<640xf32, #tpu.memory_space<vmem>>, vector<16xf32>,
      %get3A_47 = vector.shape_cast %get3A_46 : vector<16xf32> to vector<16xf32>
      %sub3A = arith.subf %get3A_44, %get3A_38 : vector<16xf32>
      %sub3A_48 = arith.subf %get3A_47, %get3A_41 : vector<16xf32>
      %mul3A_49 = arith.mulf %sub3A, %sub3A_48 : vector<16xf32>
      %swap3A_50 = arith.index_cast %mul3A_29 : i32 to index
      %swap3A_51 = tpu.vector_load %arg26[%swap3A_50] {strides = array<i32>} : memref<640xf32, #tpu.memory_space<vmem>>, vector<16xf32>,
      %swap3A_52 = vector.shape_cast %swap3A_51 : vector<16xf32> to vector<16xf32>
      %swap3A_53 = vector.shape_cast %mul3A_49 : vector<16xf32> to vector<16xf32>
      tpu.vector_store %arg26[%swap3A_50], %swap3A_53 {strides = array<i32>} : memref<640xf32, #tpu.memory_space<vmem>>, vector<16xf32>,
      %scan3A_54 = arith.constant 0 : i32
      scf.yield %scan3A_54 : i32
    }
    %scan3A_11 = arith.constant 40 : i32
    %scan3A_12 = arith.constant 0 : i32
    %scan3A_13 = arith.constant 0 : i32
    %scan3A_14 = arith.constant 64 : i32
    %scan3A_15 = arith.addi %scan3A_13, %scan3A_14 : i32
    %scan3A_16 = arith.constant 1 : i32
    %scan3A_17 = scf.for %scan3A_26 = %scan3A_13 to %scan3A_15 step %scan3A_16 iter_args(%scan3A_27 = %scan3A_12) -> (i32)  : i32 {
      %mul3A_28 = arith.constant 16 : i32
      %mul3A_29 = arith.muli %scan3A_26, %mul3A_28 : i32
      %get3A = arith.index_cast %mul3A_29 : i32 to index
      %get3A_30 = tpu.vector_load %arg17[%get3A] {strides = array<i32>} : memref<1024xf32, #tpu.memory_space<vmem>>, vector<16xf32>,
      %get3A_31 = vector.shape_cast %get3A_30 : vector<16xf32> to vector<16xf32>
      %get3A_32 = arith.index_cast %mul3A_29 : i32 to index
      %get3A_33 = tpu.vector_load %arg18[%get3A_32] {strides = array<i32>} : memref<1024xf32, #tpu.memory_space<vmem>>, vector<16xf32>,
      %get3A_34 = vector.shape_cast %get3A_33 : vector<16xf32> to vector<16xf32>
      %get3A_35 = arith.index_cast %mul3A_29 : i32 to index
      %get3A_36 = tpu.vector_load %arg19[%get3A_35] {strides = array<i32>} : memref<1024xf32, #tpu.memory_space<vmem>>, vector<16xf32>,
      %get3A_37 = vector.shape_cast %get3A_36 : vector<16xf32> to vector<16xf32>
      %get3A_38 = arith.index_cast %mul3A_29 : i32 to index
      %get3A_39 = tpu.vector_load %arg20[%get3A_38] {strides = array<i32>} : memref<1024xf32, #tpu.memory_space<vmem>>, vector<16xf32>,
      %get3A_40 = vector.shape_cast %get3A_39 : vector<16xf32> to vector<16xf32>
      %sub3A = arith.subf %get3A_37, %get3A_31 : vector<16xf32>
      %sub3A_41 = arith.subf %get3A_40, %get3A_34 : vector<16xf32>
      %mul3A_42 = arith.mulf %sub3A, %sub3A_41 : vector<16xf32>
      %broadcast_in_dim3A_43 = vector.broadcast %scan3A_26 : i32 to vector<16xi32>
      %scan3A_44 = arith.constant 0 : i32
      %scan3A_45 = arith.constant 10 : i32
      %scan3A_46 = arith.addi %scan3A_44, %scan3A_45 : i32
      %scan3A_47 = arith.constant 1 : i32
      %scan3A_48:6 = scf.for %scan3A_493 = %scan3A_44 to %scan3A_46 step %scan3A_47 iter_args(%scan3A_494 = %broadcast_in_dim3A_3, %scan3A_495 = %broadcast_in_dim3A_3, %scan3A_496 = %broadcast_in_dim3A_3, %scan3A_497 = %broadcast_in_dim3A_5, %scan3A_498 = %broadcast_in_dim3A_5, %scan3A_499 = %broadcast_in_dim3A_5) -> (vector<16xf32>, vector<16xf32>, vector<16xf32>, vector<16xi32>, vector<16xi32>, vector<16xi32>)  : i32 {
        %mul3A_500 = arith.constant 64 : i32
        %mul3A_501 = arith.muli %scan3A_493, %mul3A_500 : i32
        %add3A_502 = arith.constant 0 : i32
        %add3A_503 = arith.addi %mul3A_501, %add3A_502 : i32
        %get3A_504 = arith.index_cast %add3A_503 : i32 to index
        %get3A_505 = tpu.vector_load %arg13[%get3A_504] {strides = array<i32>} : memref<640xf32, #tpu.memory_space<vmem>>, vector<16xf32>,
        %get3A_506 = vector.shape_cast %get3A_505 : vector<16xf32> to vector<16xf32>
        %get3A_507 = arith.index_cast %add3A_503 : i32 to index
        %get3A_508 = tpu.vector_load %arg14[%get3A_507] {strides = array<i32>} : memref<640xf32, #tpu.memory_space<vmem>>, vector<16xf32>,
        %get3A_509 = vector.shape_cast %get3A_508 : vector<16xf32> to vector<16xf32>
        %get3A_510 = arith.index_cast %add3A_503 : i32 to index
        %get3A_511 = tpu.vector_load %arg15[%get3A_510] {strides = array<i32>} : memref<640xf32, #tpu.memory_space<vmem>>, vector<16xf32>,
        %get3A_512 = vector.shape_cast %get3A_511 : vector<16xf32> to vector<16xf32>
        %get3A_513 = arith.index_cast %add3A_503 : i32 to index
        %get3A_514 = tpu.vector_load %arg16[%get3A_513] {strides = array<i32>} : memref<640xf32, #tpu.memory_space<vmem>>, vector<16xf32>,
        %get3A_515 = vector.shape_cast %get3A_514 : vector<16xf32> to vector<16xf32>
        %get3A_516 = arith.index_cast %add3A_503 : i32 to index
        %get3A_517 = tpu.vector_load %arg26[%get3A_516] {strides = array<i32>} : memref<640xf32, #tpu.memory_space<vmem>>, vector<16xf32>,
        %get3A_518 = vector.shape_cast %get3A_517 : vector<16xf32> to vector<16xf32>
        %max3A_519 = arith.maximumf %get3A_506, %get3A_31 : vector<16xf32>
        %max3A_520 = arith.maximumf %get3A_509, %get3A_34 : vector<16xf32>
        %min3A_521 = arith.minimumf %get3A_512, %get3A_37 : vector<16xf32>
        %min3A_522 = arith.minimumf %get3A_515, %get3A_40 : vector<16xf32>
        %sub3A_523 = arith.subf %min3A_521, %max3A_519 : vector<16xf32>
        %max3A_524 = arith.constant 0.000000e+00 : f32
        %max3A_525 = vector.broadcast %max3A_524 : f32 to vector<16xf32>
        %max3A_526 = arith.maximumf %sub3A_523, %max3A_525 : vector<16xf32>
        %sub3A_527 = arith.subf %min3A_522, %max3A_520 : vector<16xf32>
        %max3A_528 = arith.constant 0.000000e+00 : f32
        %max3A_529 = vector.broadcast %max3A_528 : f32 to vector<16xf32>
        %max3A_530 = arith.maximumf %sub3A_527, %max3A_529 : vector<16xf32>
        %mul3A_531 = arith.mulf %max3A_526, %max3A_530 : vector<16xf32>
        %add3A_532 = arith.addf %get3A_518, %mul3A_42 : vector<16xf32>
        %sub3A_533 = arith.subf %add3A_532, %mul3A_531 : vector<16xf32>
        %max3A_534 = arith.constant 9.99999971E-10 : f32
        %max3A_535 = vector.broadcast %max3A_534 : f32 to vector<16xf32>
        %max3A_536 = arith.maximumf %sub3A_533, %max3A_535 : vector<16xf32>
        %div3A = arith.divf %mul3A_531, %max3A_536 : vector<16xf32>
        %get3A_537 = arith.index_cast %add3A_503 : i32 to index
        %get3A_538 = tpu.vector_load %arg21[%get3A_537] {strides = array<i32>} : memref<640xf32, #tpu.memory_space<vmem>>, vector<16xf32>,
        %get3A_539 = vector.shape_cast %get3A_538 : vector<16xf32> to vector<16xf32>
        %gt3A = arith.cmpf ogt, %div3A, %get3A_539 : vector<16xf32>
        %select_n3A_540 = arith.select %gt3A, %div3A, %get3A_539 : vector<16xi1>, vector<16xf32>
        %swap3A_541 = arith.index_cast %add3A_503 : i32 to index
        %swap3A_542 = tpu.vector_load %arg21[%swap3A_541] {strides = array<i32>} : memref<640xf32, #tpu.memory_space<vmem>>, vector<16xf32>,
        %swap3A_543 = vector.shape_cast %swap3A_542 : vector<16xf32> to vector<16xf32>
        %swap3A_544 = vector.shape_cast %select_n3A_540 : vector<16xf32> to vector<16xf32>
        tpu.vector_store %arg21[%swap3A_541], %swap3A_544 {strides = array<i32>} : memref<640xf32, #tpu.memory_space<vmem>>, vector<16xf32>,
        %get3A_545 = arith.index_cast %add3A_503 : i32 to index
        %get3A_546 = tpu.vector_load %arg22[%get3A_545] {strides = array<i32>} : memref<640xi32, #tpu.memory_space<vmem>>, vector<16xi32>,
        %get3A_547 = vector.shape_cast %get3A_546 : vector<16xi32> to vector<16xi32>
        %select_n3A_548 = arith.select %gt3A, %broadcast_in_dim3A_43, %get3A_547 : vector<16xi1>, vector<16xi32>
        %swap3A_549 = arith.index_cast %add3A_503 : i32 to index
        %swap3A_550 = tpu.vector_load %arg22[%swap3A_549] {strides = array<i32>} : memref<640xi32, #tpu.memory_space<vmem>>, vector<16xi32>,
        %swap3A_551 = vector.shape_cast %swap3A_550 : vector<16xi32> to vector<16xi32>
        %swap3A_552 = vector.shape_cast %select_n3A_548 : vector<16xi32> to vector<16xi32>
        tpu.vector_store %arg22[%swap3A_549], %swap3A_552 {strides = array<i32>} : memref<640xi32, #tpu.memory_space<vmem>>, vector<16xi32>,
        %mul3A_553 = arith.constant 64 : i32
        %mul3A_554 = arith.muli %scan3A_493, %mul3A_553 : i32
        %add3A_555 = arith.constant 16 : i32
        %add3A_556 = arith.addi %mul3A_554, %add3A_555 : i32
        %get3A_557 = arith.index_cast %add3A_556 : i32 to index
        %get3A_558 = tpu.vector_load %arg13[%get3A_557] {strides = array<i32>} : memref<640xf32, #tpu.memory_space<vmem>>, vector<16xf32>,
        %get3A_559 = vector.shape_cast %get3A_558 : vector<16xf32> to vector<16xf32>
        %get3A_560 = arith.index_cast %add3A_556 : i32 to index
        %get3A_561 = tpu.vector_load %arg14[%get3A_560] {strides = array<i32>} : memref<640xf32, #tpu.memory_space<vmem>>, vector<16xf32>,
        %get3A_562 = vector.shape_cast %get3A_561 : vector<16xf32> to vector<16xf32>
        %get3A_563 = arith.index_cast %add3A_556 : i32 to index
        %get3A_564 = tpu.vector_load %arg15[%get3A_563] {strides = array<i32>} : memref<640xf32, #tpu.memory_space<vmem>>, vector<16xf32>,
        %get3A_565 = vector.shape_cast %get3A_564 : vector<16xf32> to vector<16xf32>
        %get3A_566 = arith.index_cast %add3A_556 : i32 to index
        %get3A_567 = tpu.vector_load %arg16[%get3A_566] {strides = array<i32>} : memref<640xf32, #tpu.memory_space<vmem>>, vector<16xf32>,
        %get3A_568 = vector.shape_cast %get3A_567 : vector<16xf32> to vector<16xf32>
        %get3A_569 = arith.index_cast %add3A_556 : i32 to index
        %get3A_570 = tpu.vector_load %arg26[%get3A_569] {strides = array<i32>} : memref<640xf32, #tpu.memory_space<vmem>>, vector<16xf32>,
        %get3A_571 = vector.shape_cast %get3A_570 : vector<16xf32> to vector<16xf32>
        %max3A_572 = arith.maximumf %get3A_559, %get3A_31 : vector<16xf32>
        %max3A_573 = arith.maximumf %get3A_562, %get3A_34 : vector<16xf32>
        %min3A_574 = arith.minimumf %get3A_565, %get3A_37 : vector<16xf32>
        %min3A_575 = arith.minimumf %get3A_568, %get3A_40 : vector<16xf32>
        %sub3A_576 = arith.subf %min3A_574, %max3A_572 : vector<16xf32>
        %max3A_577 = arith.constant 0.000000e+00 : f32
        %max3A_578 = vector.broadcast %max3A_577 : f32 to vector<16xf32>
        %max3A_579 = arith.maximumf %sub3A_576, %max3A_578 : vector<16xf32>
        %sub3A_580 = arith.subf %min3A_575, %max3A_573 : vector<16xf32>
        %max3A_581 = arith.constant 0.000000e+00 : f32
        %max3A_582 = vector.broadcast %max3A_581 : f32 to vector<16xf32>
        %max3A_583 = arith.maximumf %sub3A_580, %max3A_582 : vector<16xf32>
        %mul3A_584 = arith.mulf %max3A_579, %max3A_583 : vector<16xf32>
        %add3A_585 = arith.addf %get3A_571, %mul3A_42 : vector<16xf32>
        %sub3A_586 = arith.subf %add3A_585, %mul3A_584 : vector<16xf32>
        %max3A_587 = arith.constant 9.99999971E-10 : f32
        %max3A_588 = vector.broadcast %max3A_587 : f32 to vector<16xf32>
        %max3A_589 = arith.maximumf %sub3A_586, %max3A_588 : vector<16xf32>
        %div3A_590 = arith.divf %mul3A_584, %max3A_589 : vector<16xf32>
        %get3A_591 = arith.index_cast %add3A_556 : i32 to index
        %get3A_592 = tpu.vector_load %arg21[%get3A_591] {strides = array<i32>} : memref<640xf32, #tpu.memory_space<vmem>>, vector<16xf32>,
        %get3A_593 = vector.shape_cast %get3A_592 : vector<16xf32> to vector<16xf32>
        %gt3A_594 = arith.cmpf ogt, %div3A_590, %get3A_593 : vector<16xf32>
        %select_n3A_595 = arith.select %gt3A_594, %div3A_590, %get3A_593 : vector<16xi1>, vector<16xf32>
        %swap3A_596 = arith.index_cast %add3A_556 : i32 to index
        %swap3A_597 = tpu.vector_load %arg21[%swap3A_596] {strides = array<i32>} : memref<640xf32, #tpu.memory_space<vmem>>, vector<16xf32>,
        %swap3A_598 = vector.shape_cast %swap3A_597 : vector<16xf32> to vector<16xf32>
        %swap3A_599 = vector.shape_cast %select_n3A_595 : vector<16xf32> to vector<16xf32>
        tpu.vector_store %arg21[%swap3A_596], %swap3A_599 {strides = array<i32>} : memref<640xf32, #tpu.memory_space<vmem>>, vector<16xf32>,
        %get3A_600 = arith.index_cast %add3A_556 : i32 to index
        %get3A_601 = tpu.vector_load %arg22[%get3A_600] {strides = array<i32>} : memref<640xi32, #tpu.memory_space<vmem>>, vector<16xi32>,
        %get3A_602 = vector.shape_cast %get3A_601 : vector<16xi32> to vector<16xi32>
        %select_n3A_603 = arith.select %gt3A_594, %broadcast_in_dim3A_43, %get3A_602 : vector<16xi1>, vector<16xi32>
        %swap3A_604 = arith.index_cast %add3A_556 : i32 to index
        %swap3A_605 = tpu.vector_load %arg22[%swap3A_604] {strides = array<i32>} : memref<640xi32, #tpu.memory_space<vmem>>, vector<16xi32>,
        %swap3A_606 = vector.shape_cast %swap3A_605 : vector<16xi32> to vector<16xi32>
        %swap3A_607 = vector.shape_cast %select_n3A_603 : vector<16xi32> to vector<16xi32>
        tpu.vector_store %arg22[%swap3A_604], %swap3A_607 {strides = array<i32>} : memref<640xi32, #tpu.memory_space<vmem>>, vector<16xi32>,
        %mul3A_608 = arith.constant 64 : i32
        %mul3A_609 = arith.muli %scan3A_493, %mul3A_608 : i32
        %add3A_610 = arith.constant 32 : i32
        %add3A_611 = arith.addi %mul3A_609, %add3A_610 : i32
        %get3A_612 = arith.index_cast %add3A_611 : i32 to index
        %get3A_613 = tpu.vector_load %arg13[%get3A_612] {strides = array<i32>} : memref<640xf32, #tpu.memory_space<vmem>>, vector<16xf32>,
        %get3A_614 = vector.shape_cast %get3A_613 : vector<16xf32> to vector<16xf32>
        %get3A_615 = arith.index_cast %add3A_611 : i32 to index
        %get3A_616 = tpu.vector_load %arg14[%get3A_615] {strides = array<i32>} : memref<640xf32, #tpu.memory_space<vmem>>, vector<16xf32>,
        %get3A_617 = vector.shape_cast %get3A_616 : vector<16xf32> to vector<16xf32>
        %get3A_618 = arith.index_cast %add3A_611 : i32 to index
        %get3A_619 = tpu.vector_load %arg15[%get3A_618] {strides = array<i32>} : memref<640xf32, #tpu.memory_space<vmem>>, vector<16xf32>,
        %get3A_620 = vector.shape_cast %get3A_619 : vector<16xf32> to vector<16xf32>
        %get3A_621 = arith.index_cast %add3A_611 : i32 to index
        %get3A_622 = tpu.vector_load %arg16[%get3A_621] {strides = array<i32>} : memref<640xf32, #tpu.memory_space<vmem>>, vector<16xf32>,
        %get3A_623 = vector.shape_cast %get3A_622 : vector<16xf32> to vector<16xf32>
        %get3A_624 = arith.index_cast %add3A_611 : i32 to index
        %get3A_625 = tpu.vector_load %arg26[%get3A_624] {strides = array<i32>} : memref<640xf32, #tpu.memory_space<vmem>>, vector<16xf32>,
        %get3A_626 = vector.shape_cast %get3A_625 : vector<16xf32> to vector<16xf32>
        %max3A_627 = arith.maximumf %get3A_614, %get3A_31 : vector<16xf32>
        %max3A_628 = arith.maximumf %get3A_617, %get3A_34 : vector<16xf32>
        %min3A_629 = arith.minimumf %get3A_620, %get3A_37 : vector<16xf32>
        %min3A_630 = arith.minimumf %get3A_623, %get3A_40 : vector<16xf32>
        %sub3A_631 = arith.subf %min3A_629, %max3A_627 : vector<16xf32>
        %max3A_632 = arith.constant 0.000000e+00 : f32
        %max3A_633 = vector.broadcast %max3A_632 : f32 to vector<16xf32>
        %max3A_634 = arith.maximumf %sub3A_631, %max3A_633 : vector<16xf32>
        %sub3A_635 = arith.subf %min3A_630, %max3A_628 : vector<16xf32>
        %max3A_636 = arith.constant 0.000000e+00 : f32
        %max3A_637 = vector.broadcast %max3A_636 : f32 to vector<16xf32>
        %max3A_638 = arith.maximumf %sub3A_635, %max3A_637 : vector<16xf32>
        %mul3A_639 = arith.mulf %max3A_634, %max3A_638 : vector<16xf32>
        %add3A_640 = arith.addf %get3A_626, %mul3A_42 : vector<16xf32>
        %sub3A_641 = arith.subf %add3A_640, %mul3A_639 : vector<16xf32>
        %max3A_642 = arith.constant 9.99999971E-10 : f32
        %max3A_643 = vector.broadcast %max3A_642 : f32 to vector<16xf32>
        %max3A_644 = arith.maximumf %sub3A_641, %max3A_643 : vector<16xf32>
        %div3A_645 = arith.divf %mul3A_639, %max3A_644 : vector<16xf32>
        %get3A_646 = arith.index_cast %add3A_611 : i32 to index
        %get3A_647 = tpu.vector_load %arg21[%get3A_646] {strides = array<i32>} : memref<640xf32, #tpu.memory_space<vmem>>, vector<16xf32>,
        %get3A_648 = vector.shape_cast %get3A_647 : vector<16xf32> to vector<16xf32>
        %gt3A_649 = arith.cmpf ogt, %div3A_645, %get3A_648 : vector<16xf32>
        %select_n3A_650 = arith.select %gt3A_649, %div3A_645, %get3A_648 : vector<16xi1>, vector<16xf32>
        %swap3A_651 = arith.index_cast %add3A_611 : i32 to index
        %swap3A_652 = tpu.vector_load %arg21[%swap3A_651] {strides = array<i32>} : memref<640xf32, #tpu.memory_space<vmem>>, vector<16xf32>,
        %swap3A_653 = vector.shape_cast %swap3A_652 : vector<16xf32> to vector<16xf32>
        %swap3A_654 = vector.shape_cast %select_n3A_650 : vector<16xf32> to vector<16xf32>
        tpu.vector_store %arg21[%swap3A_651], %swap3A_654 {strides = array<i32>} : memref<640xf32, #tpu.memory_space<vmem>>, vector<16xf32>,
        %get3A_655 = arith.index_cast %add3A_611 : i32 to index
        %get3A_656 = tpu.vector_load %arg22[%get3A_655] {strides = array<i32>} : memref<640xi32, #tpu.memory_space<vmem>>, vector<16xi32>,
        %get3A_657 = vector.shape_cast %get3A_656 : vector<16xi32> to vector<16xi32>
        %select_n3A_658 = arith.select %gt3A_649, %broadcast_in_dim3A_43, %get3A_657 : vector<16xi1>, vector<16xi32>
        %swap3A_659 = arith.index_cast %add3A_611 : i32 to index
        %swap3A_660 = tpu.vector_load %arg22[%swap3A_659] {strides = array<i32>} : memref<640xi32, #tpu.memory_space<vmem>>, vector<16xi32>,
        %swap3A_661 = vector.shape_cast %swap3A_660 : vector<16xi32> to vector<16xi32>
        %swap3A_662 = vector.shape_cast %select_n3A_658 : vector<16xi32> to vector<16xi32>
        tpu.vector_store %arg22[%swap3A_659], %swap3A_662 {strides = array<i32>} : memref<640xi32, #tpu.memory_space<vmem>>, vector<16xi32>,
        %mul3A_663 = arith.constant 64 : i32
        %mul3A_664 = arith.muli %scan3A_493, %mul3A_663 : i32
        %add3A_665 = arith.constant 48 : i32
        %add3A_666 = arith.addi %mul3A_664, %add3A_665 : i32
        %get3A_667 = arith.index_cast %add3A_666 : i32 to index
        %get3A_668 = tpu.vector_load %arg13[%get3A_667] {strides = array<i32>} : memref<640xf32, #tpu.memory_space<vmem>>, vector<16xf32>,
        %get3A_669 = vector.shape_cast %get3A_668 : vector<16xf32> to vector<16xf32>
        %get3A_670 = arith.index_cast %add3A_666 : i32 to index
        %get3A_671 = tpu.vector_load %arg14[%get3A_670] {strides = array<i32>} : memref<640xf32, #tpu.memory_space<vmem>>, vector<16xf32>,
        %get3A_672 = vector.shape_cast %get3A_671 : vector<16xf32> to vector<16xf32>
        %get3A_673 = arith.index_cast %add3A_666 : i32 to index
        %get3A_674 = tpu.vector_load %arg15[%get3A_673] {strides = array<i32>} : memref<640xf32, #tpu.memory_space<vmem>>, vector<16xf32>,
        %get3A_675 = vector.shape_cast %get3A_674 : vector<16xf32> to vector<16xf32>
        %get3A_676 = arith.index_cast %add3A_666 : i32 to index
        %get3A_677 = tpu.vector_load %arg16[%get3A_676] {strides = array<i32>} : memref<640xf32, #tpu.memory_space<vmem>>, vector<16xf32>,
        %get3A_678 = vector.shape_cast %get3A_677 : vector<16xf32> to vector<16xf32>
        %get3A_679 = arith.index_cast %add3A_666 : i32 to index
        %get3A_680 = tpu.vector_load %arg26[%get3A_679] {strides = array<i32>} : memref<640xf32, #tpu.memory_space<vmem>>, vector<16xf32>,
        %get3A_681 = vector.shape_cast %get3A_680 : vector<16xf32> to vector<16xf32>
        %max3A_682 = arith.maximumf %get3A_669, %get3A_31 : vector<16xf32>
        %max3A_683 = arith.maximumf %get3A_672, %get3A_34 : vector<16xf32>
        %min3A_684 = arith.minimumf %get3A_675, %get3A_37 : vector<16xf32>
        %min3A_685 = arith.minimumf %get3A_678, %get3A_40 : vector<16xf32>
        %sub3A_686 = arith.subf %min3A_684, %max3A_682 : vector<16xf32>
        %max3A_687 = arith.constant 0.000000e+00 : f32
        %max3A_688 = vector.broadcast %max3A_687 : f32 to vector<16xf32>
        %max3A_689 = arith.maximumf %sub3A_686, %max3A_688 : vector<16xf32>
        %sub3A_690 = arith.subf %min3A_685, %max3A_683 : vector<16xf32>
        %max3A_691 = arith.constant 0.000000e+00 : f32
        %max3A_692 = vector.broadcast %max3A_691 : f32 to vector<16xf32>
        %max3A_693 = arith.maximumf %sub3A_690, %max3A_692 : vector<16xf32>
        %mul3A_694 = arith.mulf %max3A_689, %max3A_693 : vector<16xf32>
        %add3A_695 = arith.addf %get3A_681, %mul3A_42 : vector<16xf32>
        %sub3A_696 = arith.subf %add3A_695, %mul3A_694 : vector<16xf32>
        %max3A_697 = arith.constant 9.99999971E-10 : f32
        %max3A_698 = vector.broadcast %max3A_697 : f32 to vector<16xf32>
        %max3A_699 = arith.maximumf %sub3A_696, %max3A_698 : vector<16xf32>
        %div3A_700 = arith.divf %mul3A_694, %max3A_699 : vector<16xf32>
        %get3A_701 = arith.index_cast %add3A_666 : i32 to index
        %get3A_702 = tpu.vector_load %arg21[%get3A_701] {strides = array<i32>} : memref<640xf32, #tpu.memory_space<vmem>>, vector<16xf32>,
        %get3A_703 = vector.shape_cast %get3A_702 : vector<16xf32> to vector<16xf32>
        %gt3A_704 = arith.cmpf ogt, %div3A_700, %get3A_703 : vector<16xf32>
        %select_n3A_705 = arith.select %gt3A_704, %div3A_700, %get3A_703 : vector<16xi1>, vector<16xf32>
        %swap3A_706 = arith.index_cast %add3A_666 : i32 to index
        %swap3A_707 = tpu.vector_load %arg21[%swap3A_706] {strides = array<i32>} : memref<640xf32, #tpu.memory_space<vmem>>, vector<16xf32>,
        %swap3A_708 = vector.shape_cast %swap3A_707 : vector<16xf32> to vector<16xf32>
        %swap3A_709 = vector.shape_cast %select_n3A_705 : vector<16xf32> to vector<16xf32>
        tpu.vector_store %arg21[%swap3A_706], %swap3A_709 {strides = array<i32>} : memref<640xf32, #tpu.memory_space<vmem>>, vector<16xf32>,
        %get3A_710 = arith.index_cast %add3A_666 : i32 to index
        %get3A_711 = tpu.vector_load %arg22[%get3A_710] {strides = array<i32>} : memref<640xi32, #tpu.memory_space<vmem>>, vector<16xi32>,
        %get3A_712 = vector.shape_cast %get3A_711 : vector<16xi32> to vector<16xi32>
        %select_n3A_713 = arith.select %gt3A_704, %broadcast_in_dim3A_43, %get3A_712 : vector<16xi1>, vector<16xi32>
        %swap3A_714 = arith.index_cast %add3A_666 : i32 to index
        %swap3A_715 = tpu.vector_load %arg22[%swap3A_714] {strides = array<i32>} : memref<640xi32, #tpu.memory_space<vmem>>, vector<16xi32>,
        %swap3A_716 = vector.shape_cast %swap3A_715 : vector<16xi32> to vector<16xi32>
        %swap3A_717 = vector.shape_cast %select_n3A_713 : vector<16xi32> to vector<16xi32>
        tpu.vector_store %arg22[%swap3A_714], %swap3A_717 {strides = array<i32>} : memref<640xi32, #tpu.memory_space<vmem>>, vector<16xi32>,
        %mul3A_718 = arith.constant 64 : i32
        %mul3A_719 = arith.muli %scan3A_493, %mul3A_718 : i32
        %add3A_720 = arith.constant 0 : i32
        %add3A_721 = arith.addi %mul3A_719, %add3A_720 : i32
        %add3A_722 = arith.addi %mul3A_2, %add3A_721 : i32
        %add3A_723 = vector.broadcast %add3A_722 : i32 to vector<16xi32>
        %add3A_724 = arith.addi %add3A_723, %iota3A : vector<16xi32>
        %gt3A_725 = arith.cmpf ogt, %div3A, %scan3A_494 : vector<16xf32>
        %gt3A_726 = arith.cmpf ogt, %div3A, %scan3A_495 : vector<16xf32>
        %gt3A_727 = arith.cmpf ogt, %div3A, %scan3A_496 : vector<16xf32>
        %select_n3A_728 = arith.select %gt3A_727, %div3A, %scan3A_496 : vector<16xi1>, vector<16xf32>
        %select_n3A_729 = arith.select %gt3A_726, %scan3A_495, %select_n3A_728 : vector<16xi1>, vector<16xf32>
        %select_n3A_730 = arith.select %gt3A_727, %add3A_724, %scan3A_499 : vector<16xi1>, vector<16xi32>
        %select_n3A_731 = arith.select %gt3A_726, %scan3A_498, %select_n3A_730 : vector<16xi1>, vector<16xi32>
        %select_n3A_732 = arith.select %gt3A_726, %div3A, %scan3A_495 : vector<16xi1>, vector<16xf32>
        %select_n3A_733 = arith.select %gt3A_725, %scan3A_494, %select_n3A_732 : vector<16xi1>, vector<16xf32>
        %select_n3A_734 = arith.select %gt3A_726, %add3A_724, %scan3A_498 : vector<16xi1>, vector<16xi32>
        %select_n3A_735 = arith.select %gt3A_725, %scan3A_497, %select_n3A_734 : vector<16xi1>, vector<16xi32>
        %select_n3A_736 = arith.select %gt3A_725, %div3A, %scan3A_494 : vector<16xi1>, vector<16xf32>
        %select_n3A_737 = arith.select %gt3A_725, %add3A_724, %scan3A_497 : vector<16xi1>, vector<16xi32>
        %mul3A_738 = arith.constant 64 : i32
        %mul3A_739 = arith.muli %scan3A_493, %mul3A_738 : i32
        %add3A_740 = arith.constant 16 : i32
        %add3A_741 = arith.addi %mul3A_739, %add3A_740 : i32
        %add3A_742 = arith.addi %mul3A_2, %add3A_741 : i32
        %add3A_743 = vector.broadcast %add3A_742 : i32 to vector<16xi32>
        %add3A_744 = arith.addi %add3A_743, %iota3A : vector<16xi32>
        %gt3A_745 = arith.cmpf ogt, %div3A_590, %select_n3A_736 : vector<16xf32>
        %gt3A_746 = arith.cmpf ogt, %div3A_590, %select_n3A_733 : vector<16xf32>
        %gt3A_747 = arith.cmpf ogt, %div3A_590, %select_n3A_729 : vector<16xf32>
        %select_n3A_748 = arith.select %gt3A_747, %div3A_590, %select_n3A_729 : vector<16xi1>, vector<16xf32>
        %select_n3A_749 = arith.select %gt3A_746, %select_n3A_733, %select_n3A_748 : vector<16xi1>, vector<16xf32>
        %select_n3A_750 = arith.select %gt3A_747, %add3A_744, %select_n3A_731 : vector<16xi1>, vector<16xi32>
        %select_n3A_751 = arith.select %gt3A_746, %select_n3A_735, %select_n3A_750 : vector<16xi1>, vector<16xi32>
        %select_n3A_752 = arith.select %gt3A_746, %div3A_590, %select_n3A_733 : vector<16xi1>, vector<16xf32>
        %select_n3A_753 = arith.select %gt3A_745, %select_n3A_736, %select_n3A_752 : vector<16xi1>, vector<16xf32>
        %select_n3A_754 = arith.select %gt3A_746, %add3A_744, %select_n3A_735 : vector<16xi1>, vector<16xi32>
        %select_n3A_755 = arith.select %gt3A_745, %select_n3A_737, %select_n3A_754 : vector<16xi1>, vector<16xi32>
        %select_n3A_756 = arith.select %gt3A_745, %div3A_590, %select_n3A_736 : vector<16xi1>, vector<16xf32>
        %select_n3A_757 = arith.select %gt3A_745, %add3A_744, %select_n3A_737 : vector<16xi1>, vector<16xi32>
        %mul3A_758 = arith.constant 64 : i32
        %mul3A_759 = arith.muli %scan3A_493, %mul3A_758 : i32
        %add3A_760 = arith.constant 32 : i32
        %add3A_761 = arith.addi %mul3A_759, %add3A_760 : i32
        %add3A_762 = arith.addi %mul3A_2, %add3A_761 : i32
        %add3A_763 = vector.broadcast %add3A_762 : i32 to vector<16xi32>
        %add3A_764 = arith.addi %add3A_763, %iota3A : vector<16xi32>
        %gt3A_765 = arith.cmpf ogt, %div3A_645, %select_n3A_756 : vector<16xf32>
        %gt3A_766 = arith.cmpf ogt, %div3A_645, %select_n3A_753 : vector<16xf32>
        %gt3A_767 = arith.cmpf ogt, %div3A_645, %select_n3A_749 : vector<16xf32>
        %select_n3A_768 = arith.select %gt3A_767, %div3A_645, %select_n3A_749 : vector<16xi1>, vector<16xf32>
        %select_n3A_769 = arith.select %gt3A_766, %select_n3A_753, %select_n3A_768 : vector<16xi1>, vector<16xf32>
        %select_n3A_770 = arith.select %gt3A_767, %add3A_764, %select_n3A_751 : vector<16xi1>, vector<16xi32>
        %select_n3A_771 = arith.select %gt3A_766, %select_n3A_755, %select_n3A_770 : vector<16xi1>, vector<16xi32>
        %select_n3A_772 = arith.select %gt3A_766, %div3A_645, %select_n3A_753 : vector<16xi1>, vector<16xf32>
        %select_n3A_773 = arith.select %gt3A_765, %select_n3A_756, %select_n3A_772 : vector<16xi1>, vector<16xf32>
        %select_n3A_774 = arith.select %gt3A_766, %add3A_764, %select_n3A_755 : vector<16xi1>, vector<16xi32>
        %select_n3A_775 = arith.select %gt3A_765, %select_n3A_757, %select_n3A_774 : vector<16xi1>, vector<16xi32>
        %select_n3A_776 = arith.select %gt3A_765, %div3A_645, %select_n3A_756 : vector<16xi1>, vector<16xf32>
        %select_n3A_777 = arith.select %gt3A_765, %add3A_764, %select_n3A_757 : vector<16xi1>, vector<16xi32>
        %mul3A_778 = arith.constant 64 : i32
        %mul3A_779 = arith.muli %scan3A_493, %mul3A_778 : i32
        %add3A_780 = arith.constant 48 : i32
        %add3A_781 = arith.addi %mul3A_779, %add3A_780 : i32
        %add3A_782 = arith.addi %mul3A_2, %add3A_781 : i32
        %add3A_783 = vector.broadcast %add3A_782 : i32 to vector<16xi32>
        %add3A_784 = arith.addi %add3A_783, %iota3A : vector<16xi32>
        %gt3A_785 = arith.cmpf ogt, %div3A_700, %select_n3A_776 : vector<16xf32>
        %gt3A_786 = arith.cmpf ogt, %div3A_700, %select_n3A_773 : vector<16xf32>
        %gt3A_787 = arith.cmpf ogt, %div3A_700, %select_n3A_769 : vector<16xf32>
        %select_n3A_788 = arith.select %gt3A_787, %div3A_700, %select_n3A_769 : vector<16xi1>, vector<16xf32>
        %select_n3A_789 = arith.select %gt3A_786, %select_n3A_773, %select_n3A_788 : vector<16xi1>, vector<16xf32>
        %select_n3A_790 = arith.select %gt3A_787, %add3A_784, %select_n3A_771 : vector<16xi1>, vector<16xi32>
        %select_n3A_791 = arith.select %gt3A_786, %select_n3A_775, %select_n3A_790 : vector<16xi1>, vector<16xi32>
        %select_n3A_792 = arith.select %gt3A_786, %div3A_700, %select_n3A_773 : vector<16xi1>, vector<16xf32>
        %select_n3A_793 = arith.select %gt3A_785, %select_n3A_776, %select_n3A_792 : vector<16xi1>, vector<16xf32>
        %select_n3A_794 = arith.select %gt3A_786, %add3A_784, %select_n3A_775 : vector<16xi1>, vector<16xi32>
        %select_n3A_795 = arith.select %gt3A_785, %select_n3A_777, %select_n3A_794 : vector<16xi1>, vector<16xi32>
        %select_n3A_796 = arith.select %gt3A_785, %div3A_700, %select_n3A_776 : vector<16xi1>, vector<16xf32>
        %select_n3A_797 = arith.select %gt3A_785, %add3A_784, %select_n3A_777 : vector<16xi1>, vector<16xi32>
        scf.yield %select_n3A_796, %select_n3A_793, %select_n3A_789, %select_n3A_797, %select_n3A_795, %select_n3A_791 : vector<16xf32>, vector<16xf32>, vector<16xf32>, vector<16xi32>, vector<16xi32>, vector<16xi32>
      }
      %scan3A_49 = arith.constant 10 : i32
      %iota3A_50 = tpu.iota {dimensions = array<i32: 0>} : vector<16xi32>
      %xor3A = arith.constant 1 : i32
      %xor3A_51 = vector.broadcast %xor3A : i32 to vector<16xi32>
      %xor3A_52 = arith.xori %iota3A_50, %xor3A_51 : vector<16xi32>
      %lt3A = arith.constant 0 : i32
      %lt3A_53 = vector.broadcast %lt3A : i32 to vector<16xi32>
      %lt3A_54 = arith.cmpi slt, %xor3A_52, %lt3A_53 : vector<16xi32>
      %add3A_55 = arith.constant 16 : i32
      %add3A_56 = vector.broadcast %add3A_55 : i32 to vector<16xi32>
      %add3A_57 = arith.addi %xor3A_52, %add3A_56 : vector<16xi32>
      %select_n3A = arith.select %lt3A_54, %add3A_57, %xor3A_52 : vector<16xi1>, vector<16xi32>
      %broadcast_in_dim3A_58 = vector.shape_cast %select_n3A : vector<16xi32> to vector<16x1xi32>
      %gather3A = vector.shape_cast %broadcast_in_dim3A_58 : vector<16x1xi32> to vector<16xi32>
      %gather3A_59 = tpu.dynamic_gather %scan3A_48#0[%gather3A] in [0] : vector<16xf32>, vector<16xi32> -> vector<16xf32>
      %max3A = arith.maximumf %scan3A_48#0, %gather3A_59 : vector<16xf32>
      %iota3A_60 = tpu.iota {dimensions = array<i32: 0>} : vector<16xi32>
      %xor3A_61 = arith.constant 2 : i32
      %xor3A_62 = vector.broadcast %xor3A_61 : i32 to vector<16xi32>
      %xor3A_63 = arith.xori %iota3A_60, %xor3A_62 : vector<16xi32>
      %lt3A_64 = arith.constant 0 : i32
      %lt3A_65 = vector.broadcast %lt3A_64 : i32 to vector<16xi32>
      %lt3A_66 = arith.cmpi slt, %xor3A_63, %lt3A_65 : vector<16xi32>
      %add3A_67 = arith.constant 16 : i32
      %add3A_68 = vector.broadcast %add3A_67 : i32 to vector<16xi32>
      %add3A_69 = arith.addi %xor3A_63, %add3A_68 : vector<16xi32>
      %select_n3A_70 = arith.select %lt3A_66, %add3A_69, %xor3A_63 : vector<16xi1>, vector<16xi32>
      %broadcast_in_dim3A_71 = vector.shape_cast %select_n3A_70 : vector<16xi32> to vector<16x1xi32>
      %gather3A_72 = vector.shape_cast %broadcast_in_dim3A_71 : vector<16x1xi32> to vector<16xi32>
      %gather3A_73 = tpu.dynamic_gather %max3A[%gather3A_72] in [0] : vector<16xf32>, vector<16xi32> -> vector<16xf32>
      %max3A_74 = arith.maximumf %max3A, %gather3A_73 : vector<16xf32>
      %iota3A_75 = tpu.iota {dimensions = array<i32: 0>} : vector<16xi32>
      %xor3A_76 = arith.constant 4 : i32
      %xor3A_77 = vector.broadcast %xor3A_76 : i32 to vector<16xi32>
      %xor3A_78 = arith.xori %iota3A_75, %xor3A_77 : vector<16xi32>
      %lt3A_79 = arith.constant 0 : i32
      %lt3A_80 = vector.broadcast %lt3A_79 : i32 to vector<16xi32>
      %lt3A_81 = arith.cmpi slt, %xor3A_78, %lt3A_80 : vector<16xi32>
      %add3A_82 = arith.constant 16 : i32
      %add3A_83 = vector.broadcast %add3A_82 : i32 to vector<16xi32>
      %add3A_84 = arith.addi %xor3A_78, %add3A_83 : vector<16xi32>
      %select_n3A_85 = arith.select %lt3A_81, %add3A_84, %xor3A_78 : vector<16xi1>, vector<16xi32>
      %broadcast_in_dim3A_86 = vector.shape_cast %select_n3A_85 : vector<16xi32> to vector<16x1xi32>
      %gather3A_87 = vector.shape_cast %broadcast_in_dim3A_86 : vector<16x1xi32> to vector<16xi32>
      %gather3A_88 = tpu.dynamic_gather %max3A_74[%gather3A_87] in [0] : vector<16xf32>, vector<16xi32> -> vector<16xf32>
      %max3A_89 = arith.maximumf %max3A_74, %gather3A_88 : vector<16xf32>
      %iota3A_90 = tpu.iota {dimensions = array<i32: 0>} : vector<16xi32>
      %xor3A_91 = arith.constant 8 : i32
      %xor3A_92 = vector.broadcast %xor3A_91 : i32 to vector<16xi32>
      %xor3A_93 = arith.xori %iota3A_90, %xor3A_92 : vector<16xi32>
      %lt3A_94 = arith.constant 0 : i32
      %lt3A_95 = vector.broadcast %lt3A_94 : i32 to vector<16xi32>
      %lt3A_96 = arith.cmpi slt, %xor3A_93, %lt3A_95 : vector<16xi32>
      %add3A_97 = arith.constant 16 : i32
      %add3A_98 = vector.broadcast %add3A_97 : i32 to vector<16xi32>
      %add3A_99 = arith.addi %xor3A_93, %add3A_98 : vector<16xi32>
      %select_n3A_100 = arith.select %lt3A_96, %add3A_99, %xor3A_93 : vector<16xi1>, vector<16xi32>
      %broadcast_in_dim3A_101 = vector.shape_cast %select_n3A_100 : vector<16xi32> to vector<16x1xi32>
      %gather3A_102 = vector.shape_cast %broadcast_in_dim3A_101 : vector<16x1xi32> to vector<16xi32>
      %gather3A_103 = tpu.dynamic_gather %max3A_89[%gather3A_102] in [0] : vector<16xf32>, vector<16xi32> -> vector<16xf32>
      %max3A_104 = arith.maximumf %max3A_89, %gather3A_103 : vector<16xf32>
      %eq3A = arith.cmpf oeq, %scan3A_48#0, %max3A_104 : vector<16xf32>
      %jit3A = arith.constant 1073741824 : i32
      %broadcast_in_dim3A_105 = vector.broadcast %jit3A : i32 to vector<16xi32>
      %select_n3A_106 = arith.select %eq3A, %scan3A_48#3, %broadcast_in_dim3A_105 : vector<16xi1>, vector<16xi32>
      %iota3A_107 = tpu.iota {dimensions = array<i32: 0>} : vector<16xi32>
      %xor3A_108 = arith.constant 1 : i32
      %xor3A_109 = vector.broadcast %xor3A_108 : i32 to vector<16xi32>
      %xor3A_110 = arith.xori %iota3A_107, %xor3A_109 : vector<16xi32>
      %lt3A_111 = arith.constant 0 : i32
      %lt3A_112 = vector.broadcast %lt3A_111 : i32 to vector<16xi32>
      %lt3A_113 = arith.cmpi slt, %xor3A_110, %lt3A_112 : vector<16xi32>
      %add3A_114 = arith.constant 16 : i32
      %add3A_115 = vector.broadcast %add3A_114 : i32 to vector<16xi32>
      %add3A_116 = arith.addi %xor3A_110, %add3A_115 : vector<16xi32>
      %select_n3A_117 = arith.select %lt3A_113, %add3A_116, %xor3A_110 : vector<16xi1>, vector<16xi32>
      %broadcast_in_dim3A_118 = vector.shape_cast %select_n3A_117 : vector<16xi32> to vector<16x1xi32>
      %gather3A_119 = vector.shape_cast %broadcast_in_dim3A_118 : vector<16x1xi32> to vector<16xi32>
      %gather3A_120 = tpu.dynamic_gather %select_n3A_106[%gather3A_119] in [0] : vector<16xi32>, vector<16xi32> -> vector<16xi32>
      %min3A = arith.minsi %select_n3A_106, %gather3A_120 : vector<16xi32>
      %iota3A_121 = tpu.iota {dimensions = array<i32: 0>} : vector<16xi32>
      %xor3A_122 = arith.constant 2 : i32
      %xor3A_123 = vector.broadcast %xor3A_122 : i32 to vector<16xi32>
      %xor3A_124 = arith.xori %iota3A_121, %xor3A_123 : vector<16xi32>
      %lt3A_125 = arith.constant 0 : i32
      %lt3A_126 = vector.broadcast %lt3A_125 : i32 to vector<16xi32>
      %lt3A_127 = arith.cmpi slt, %xor3A_124, %lt3A_126 : vector<16xi32>
      %add3A_128 = arith.constant 16 : i32
      %add3A_129 = vector.broadcast %add3A_128 : i32 to vector<16xi32>
      %add3A_130 = arith.addi %xor3A_124, %add3A_129 : vector<16xi32>
      %select_n3A_131 = arith.select %lt3A_127, %add3A_130, %xor3A_124 : vector<16xi1>, vector<16xi32>
      %broadcast_in_dim3A_132 = vector.shape_cast %select_n3A_131 : vector<16xi32> to vector<16x1xi32>
      %gather3A_133 = vector.shape_cast %broadcast_in_dim3A_132 : vector<16x1xi32> to vector<16xi32>
      %gather3A_134 = tpu.dynamic_gather %min3A[%gather3A_133] in [0] : vector<16xi32>, vector<16xi32> -> vector<16xi32>
      %min3A_135 = arith.minsi %min3A, %gather3A_134 : vector<16xi32>
      %iota3A_136 = tpu.iota {dimensions = array<i32: 0>} : vector<16xi32>
      %xor3A_137 = arith.constant 4 : i32
      %xor3A_138 = vector.broadcast %xor3A_137 : i32 to vector<16xi32>
      %xor3A_139 = arith.xori %iota3A_136, %xor3A_138 : vector<16xi32>
      %lt3A_140 = arith.constant 0 : i32
      %lt3A_141 = vector.broadcast %lt3A_140 : i32 to vector<16xi32>
      %lt3A_142 = arith.cmpi slt, %xor3A_139, %lt3A_141 : vector<16xi32>
      %add3A_143 = arith.constant 16 : i32
      %add3A_144 = vector.broadcast %add3A_143 : i32 to vector<16xi32>
      %add3A_145 = arith.addi %xor3A_139, %add3A_144 : vector<16xi32>
      %select_n3A_146 = arith.select %lt3A_142, %add3A_145, %xor3A_139 : vector<16xi1>, vector<16xi32>
      %broadcast_in_dim3A_147 = vector.shape_cast %select_n3A_146 : vector<16xi32> to vector<16x1xi32>
      %gather3A_148 = vector.shape_cast %broadcast_in_dim3A_147 : vector<16x1xi32> to vector<16xi32>
      %gather3A_149 = tpu.dynamic_gather %min3A_135[%gather3A_148] in [0] : vector<16xi32>, vector<16xi32> -> vector<16xi32>
      %min3A_150 = arith.minsi %min3A_135, %gather3A_149 : vector<16xi32>
      %iota3A_151 = tpu.iota {dimensions = array<i32: 0>} : vector<16xi32>
      %xor3A_152 = arith.constant 8 : i32
      %xor3A_153 = vector.broadcast %xor3A_152 : i32 to vector<16xi32>
      %xor3A_154 = arith.xori %iota3A_151, %xor3A_153 : vector<16xi32>
      %lt3A_155 = arith.constant 0 : i32
      %lt3A_156 = vector.broadcast %lt3A_155 : i32 to vector<16xi32>
      %lt3A_157 = arith.cmpi slt, %xor3A_154, %lt3A_156 : vector<16xi32>
      %add3A_158 = arith.constant 16 : i32
      %add3A_159 = vector.broadcast %add3A_158 : i32 to vector<16xi32>
      %add3A_160 = arith.addi %xor3A_154, %add3A_159 : vector<16xi32>
      %select_n3A_161 = arith.select %lt3A_157, %add3A_160, %xor3A_154 : vector<16xi1>, vector<16xi32>
      %broadcast_in_dim3A_162 = vector.shape_cast %select_n3A_161 : vector<16xi32> to vector<16x1xi32>
      %gather3A_163 = vector.shape_cast %broadcast_in_dim3A_162 : vector<16x1xi32> to vector<16xi32>
      %gather3A_164 = tpu.dynamic_gather %min3A_150[%gather3A_163] in [0] : vector<16xi32>, vector<16xi32> -> vector<16xi32>
      %min3A_165 = arith.minsi %min3A_150, %gather3A_164 : vector<16xi32>
      %eq3A_166 = arith.cmpf oeq, %scan3A_48#0, %max3A_104 : vector<16xf32>
      %eq3A_167 = arith.cmpi eq, %scan3A_48#3, %min3A_165 : vector<16xi32>
      %and3A = arith.andi %eq3A_166, %eq3A_167 : vector<16xi1>
      %jit3A_168 = arith.constant 1 : i32
      %jit3A_169 = arith.constant 0 : i32
      %broadcast_in_dim3A_170 = vector.broadcast %jit3A_168 : i32 to vector<16xi32>
      %broadcast_in_dim3A_171 = vector.broadcast %jit3A_169 : i32 to vector<16xi32>
      %select_n3A_172 = arith.select %and3A, %broadcast_in_dim3A_170, %broadcast_in_dim3A_171 : vector<16xi1>, vector<16xi32>
      %add3A_173 = arith.addi %broadcast_in_dim3A_5, %select_n3A_172 : vector<16xi32>
      %eq3A_174 = arith.constant 1 : i32
      %eq3A_175 = vector.broadcast %eq3A_174 : i32 to vector<16xi32>
      %eq3A_176 = arith.cmpi eq, %add3A_173, %eq3A_175 : vector<16xi32>
      %select_n3A_177 = arith.select %eq3A_176, %scan3A_48#1, %scan3A_48#0 : vector<16xi1>, vector<16xf32>
      %eq3A_178 = arith.constant 1 : i32
      %eq3A_179 = vector.broadcast %eq3A_178 : i32 to vector<16xi32>
      %eq3A_180 = arith.cmpi eq, %add3A_173, %eq3A_179 : vector<16xi32>
      %select_n3A_181 = arith.select %eq3A_180, %scan3A_48#4, %scan3A_48#3 : vector<16xi1>, vector<16xi32>
      %iota3A_182 = tpu.iota {dimensions = array<i32: 0>} : vector<16xi32>
      %xor3A_183 = arith.constant 1 : i32
      %xor3A_184 = vector.broadcast %xor3A_183 : i32 to vector<16xi32>
      %xor3A_185 = arith.xori %iota3A_182, %xor3A_184 : vector<16xi32>
      %lt3A_186 = arith.constant 0 : i32
      %lt3A_187 = vector.broadcast %lt3A_186 : i32 to vector<16xi32>
      %lt3A_188 = arith.cmpi slt, %xor3A_185, %lt3A_187 : vector<16xi32>
      %add3A_189 = arith.constant 16 : i32
      %add3A_190 = vector.broadcast %add3A_189 : i32 to vector<16xi32>
      %add3A_191 = arith.addi %xor3A_185, %add3A_190 : vector<16xi32>
      %select_n3A_192 = arith.select %lt3A_188, %add3A_191, %xor3A_185 : vector<16xi1>, vector<16xi32>
      %broadcast_in_dim3A_193 = vector.shape_cast %select_n3A_192 : vector<16xi32> to vector<16x1xi32>
      %gather3A_194 = vector.shape_cast %broadcast_in_dim3A_193 : vector<16x1xi32> to vector<16xi32>
      %gather3A_195 = tpu.dynamic_gather %select_n3A_177[%gather3A_194] in [0] : vector<16xf32>, vector<16xi32> -> vector<16xf32>
      %max3A_196 = arith.maximumf %select_n3A_177, %gather3A_195 : vector<16xf32>
      %iota3A_197 = tpu.iota {dimensions = array<i32: 0>} : vector<16xi32>
      %xor3A_198 = arith.constant 2 : i32
      %xor3A_199 = vector.broadcast %xor3A_198 : i32 to vector<16xi32>
      %xor3A_200 = arith.xori %iota3A_197, %xor3A_199 : vector<16xi32>
      %lt3A_201 = arith.constant 0 : i32
      %lt3A_202 = vector.broadcast %lt3A_201 : i32 to vector<16xi32>
      %lt3A_203 = arith.cmpi slt, %xor3A_200, %lt3A_202 : vector<16xi32>
      %add3A_204 = arith.constant 16 : i32
      %add3A_205 = vector.broadcast %add3A_204 : i32 to vector<16xi32>
      %add3A_206 = arith.addi %xor3A_200, %add3A_205 : vector<16xi32>
      %select_n3A_207 = arith.select %lt3A_203, %add3A_206, %xor3A_200 : vector<16xi1>, vector<16xi32>
      %broadcast_in_dim3A_208 = vector.shape_cast %select_n3A_207 : vector<16xi32> to vector<16x1xi32>
      %gather3A_209 = vector.shape_cast %broadcast_in_dim3A_208 : vector<16x1xi32> to vector<16xi32>
      %gather3A_210 = tpu.dynamic_gather %max3A_196[%gather3A_209] in [0] : vector<16xf32>, vector<16xi32> -> vector<16xf32>
      %max3A_211 = arith.maximumf %max3A_196, %gather3A_210 : vector<16xf32>
      %iota3A_212 = tpu.iota {dimensions = array<i32: 0>} : vector<16xi32>
      %xor3A_213 = arith.constant 4 : i32
      %xor3A_214 = vector.broadcast %xor3A_213 : i32 to vector<16xi32>
      %xor3A_215 = arith.xori %iota3A_212, %xor3A_214 : vector<16xi32>
      %lt3A_216 = arith.constant 0 : i32
      %lt3A_217 = vector.broadcast %lt3A_216 : i32 to vector<16xi32>
      %lt3A_218 = arith.cmpi slt, %xor3A_215, %lt3A_217 : vector<16xi32>
      %add3A_219 = arith.constant 16 : i32
      %add3A_220 = vector.broadcast %add3A_219 : i32 to vector<16xi32>
      %add3A_221 = arith.addi %xor3A_215, %add3A_220 : vector<16xi32>
      %select_n3A_222 = arith.select %lt3A_218, %add3A_221, %xor3A_215 : vector<16xi1>, vector<16xi32>
      %broadcast_in_dim3A_223 = vector.shape_cast %select_n3A_222 : vector<16xi32> to vector<16x1xi32>
      %gather3A_224 = vector.shape_cast %broadcast_in_dim3A_223 : vector<16x1xi32> to vector<16xi32>
      %gather3A_225 = tpu.dynamic_gather %max3A_211[%gather3A_224] in [0] : vector<16xf32>, vector<16xi32> -> vector<16xf32>
      %max3A_226 = arith.maximumf %max3A_211, %gather3A_225 : vector<16xf32>
      %iota3A_227 = tpu.iota {dimensions = array<i32: 0>} : vector<16xi32>
      %xor3A_228 = arith.constant 8 : i32
      %xor3A_229 = vector.broadcast %xor3A_228 : i32 to vector<16xi32>
      %xor3A_230 = arith.xori %iota3A_227, %xor3A_229 : vector<16xi32>
      %lt3A_231 = arith.constant 0 : i32
      %lt3A_232 = vector.broadcast %lt3A_231 : i32 to vector<16xi32>
      %lt3A_233 = arith.cmpi slt, %xor3A_230, %lt3A_232 : vector<16xi32>
      %add3A_234 = arith.constant 16 : i32
      %add3A_235 = vector.broadcast %add3A_234 : i32 to vector<16xi32>
      %add3A_236 = arith.addi %xor3A_230, %add3A_235 : vector<16xi32>
      %select_n3A_237 = arith.select %lt3A_233, %add3A_236, %xor3A_230 : vector<16xi1>, vector<16xi32>
      %broadcast_in_dim3A_238 = vector.shape_cast %select_n3A_237 : vector<16xi32> to vector<16x1xi32>
      %gather3A_239 = vector.shape_cast %broadcast_in_dim3A_238 : vector<16x1xi32> to vector<16xi32>
      %gather3A_240 = tpu.dynamic_gather %max3A_226[%gather3A_239] in [0] : vector<16xf32>, vector<16xi32> -> vector<16xf32>
      %max3A_241 = arith.maximumf %max3A_226, %gather3A_240 : vector<16xf32>
      %eq3A_242 = arith.cmpf oeq, %select_n3A_177, %max3A_241 : vector<16xf32>
      %jit3A_243 = arith.constant 1073741824 : i32
      %broadcast_in_dim3A_244 = vector.broadcast %jit3A_243 : i32 to vector<16xi32>
      %select_n3A_245 = arith.select %eq3A_242, %select_n3A_181, %broadcast_in_dim3A_244 : vector<16xi1>, vector<16xi32>
      %iota3A_246 = tpu.iota {dimensions = array<i32: 0>} : vector<16xi32>
      %xor3A_247 = arith.constant 1 : i32
      %xor3A_248 = vector.broadcast %xor3A_247 : i32 to vector<16xi32>
      %xor3A_249 = arith.xori %iota3A_246, %xor3A_248 : vector<16xi32>
      %lt3A_250 = arith.constant 0 : i32
      %lt3A_251 = vector.broadcast %lt3A_250 : i32 to vector<16xi32>
      %lt3A_252 = arith.cmpi slt, %xor3A_249, %lt3A_251 : vector<16xi32>
      %add3A_253 = arith.constant 16 : i32
      %add3A_254 = vector.broadcast %add3A_253 : i32 to vector<16xi32>
      %add3A_255 = arith.addi %xor3A_249, %add3A_254 : vector<16xi32>
      %select_n3A_256 = arith.select %lt3A_252, %add3A_255, %xor3A_249 : vector<16xi1>, vector<16xi32>
      %broadcast_in_dim3A_257 = vector.shape_cast %select_n3A_256 : vector<16xi32> to vector<16x1xi32>
      %gather3A_258 = vector.shape_cast %broadcast_in_dim3A_257 : vector<16x1xi32> to vector<16xi32>
      %gather3A_259 = tpu.dynamic_gather %select_n3A_245[%gather3A_258] in [0] : vector<16xi32>, vector<16xi32> -> vector<16xi32>
      %min3A_260 = arith.minsi %select_n3A_245, %gather3A_259 : vector<16xi32>
      %iota3A_261 = tpu.iota {dimensions = array<i32: 0>} : vector<16xi32>
      %xor3A_262 = arith.constant 2 : i32
      %xor3A_263 = vector.broadcast %xor3A_262 : i32 to vector<16xi32>
      %xor3A_264 = arith.xori %iota3A_261, %xor3A_263 : vector<16xi32>
      %lt3A_265 = arith.constant 0 : i32
      %lt3A_266 = vector.broadcast %lt3A_265 : i32 to vector<16xi32>
      %lt3A_267 = arith.cmpi slt, %xor3A_264, %lt3A_266 : vector<16xi32>
      %add3A_268 = arith.constant 16 : i32
      %add3A_269 = vector.broadcast %add3A_268 : i32 to vector<16xi32>
      %add3A_270 = arith.addi %xor3A_264, %add3A_269 : vector<16xi32>
      %select_n3A_271 = arith.select %lt3A_267, %add3A_270, %xor3A_264 : vector<16xi1>, vector<16xi32>
      %broadcast_in_dim3A_272 = vector.shape_cast %select_n3A_271 : vector<16xi32> to vector<16x1xi32>
      %gather3A_273 = vector.shape_cast %broadcast_in_dim3A_272 : vector<16x1xi32> to vector<16xi32>
      %gather3A_274 = tpu.dynamic_gather %min3A_260[%gather3A_273] in [0] : vector<16xi32>, vector<16xi32> -> vector<16xi32>
      %min3A_275 = arith.minsi %min3A_260, %gather3A_274 : vector<16xi32>
      %iota3A_276 = tpu.iota {dimensions = array<i32: 0>} : vector<16xi32>
      %xor3A_277 = arith.constant 4 : i32
      %xor3A_278 = vector.broadcast %xor3A_277 : i32 to vector<16xi32>
      %xor3A_279 = arith.xori %iota3A_276, %xor3A_278 : vector<16xi32>
      %lt3A_280 = arith.constant 0 : i32
      %lt3A_281 = vector.broadcast %lt3A_280 : i32 to vector<16xi32>
      %lt3A_282 = arith.cmpi slt, %xor3A_279, %lt3A_281 : vector<16xi32>
      %add3A_283 = arith.constant 16 : i32
      %add3A_284 = vector.broadcast %add3A_283 : i32 to vector<16xi32>
      %add3A_285 = arith.addi %xor3A_279, %add3A_284 : vector<16xi32>
      %select_n3A_286 = arith.select %lt3A_282, %add3A_285, %xor3A_279 : vector<16xi1>, vector<16xi32>
      %broadcast_in_dim3A_287 = vector.shape_cast %select_n3A_286 : vector<16xi32> to vector<16x1xi32>
      %gather3A_288 = vector.shape_cast %broadcast_in_dim3A_287 : vector<16x1xi32> to vector<16xi32>
      %gather3A_289 = tpu.dynamic_gather %min3A_275[%gather3A_288] in [0] : vector<16xi32>, vector<16xi32> -> vector<16xi32>
      %min3A_290 = arith.minsi %min3A_275, %gather3A_289 : vector<16xi32>
      %iota3A_291 = tpu.iota {dimensions = array<i32: 0>} : vector<16xi32>
      %xor3A_292 = arith.constant 8 : i32
      %xor3A_293 = vector.broadcast %xor3A_292 : i32 to vector<16xi32>
      %xor3A_294 = arith.xori %iota3A_291, %xor3A_293 : vector<16xi32>
      %lt3A_295 = arith.constant 0 : i32
      %lt3A_296 = vector.broadcast %lt3A_295 : i32 to vector<16xi32>
      %lt3A_297 = arith.cmpi slt, %xor3A_294, %lt3A_296 : vector<16xi32>
      %add3A_298 = arith.constant 16 : i32
      %add3A_299 = vector.broadcast %add3A_298 : i32 to vector<16xi32>
      %add3A_300 = arith.addi %xor3A_294, %add3A_299 : vector<16xi32>
      %select_n3A_301 = arith.select %lt3A_297, %add3A_300, %xor3A_294 : vector<16xi1>, vector<16xi32>
      %broadcast_in_dim3A_302 = vector.shape_cast %select_n3A_301 : vector<16xi32> to vector<16x1xi32>
      %gather3A_303 = vector.shape_cast %broadcast_in_dim3A_302 : vector<16x1xi32> to vector<16xi32>
      %gather3A_304 = tpu.dynamic_gather %min3A_290[%gather3A_303] in [0] : vector<16xi32>, vector<16xi32> -> vector<16xi32>
      %min3A_305 = arith.minsi %min3A_290, %gather3A_304 : vector<16xi32>
      %eq3A_306 = arith.cmpf oeq, %select_n3A_177, %max3A_241 : vector<16xf32>
      %eq3A_307 = arith.cmpi eq, %select_n3A_181, %min3A_305 : vector<16xi32>
      %and3A_308 = arith.andi %eq3A_306, %eq3A_307 : vector<16xi1>
      %jit3A_309 = arith.constant 1 : i32
      %jit3A_310 = arith.constant 0 : i32
      %broadcast_in_dim3A_311 = vector.broadcast %jit3A_309 : i32 to vector<16xi32>
      %broadcast_in_dim3A_312 = vector.broadcast %jit3A_310 : i32 to vector<16xi32>
      %select_n3A_313 = arith.select %and3A_308, %broadcast_in_dim3A_311, %broadcast_in_dim3A_312 : vector<16xi1>, vector<16xi32>
      %add3A_314 = arith.addi %add3A_173, %select_n3A_313 : vector<16xi32>
      %eq3A_315 = arith.constant 2 : i32
      %eq3A_316 = vector.broadcast %eq3A_315 : i32 to vector<16xi32>
      %eq3A_317 = arith.cmpi eq, %add3A_314, %eq3A_316 : vector<16xi32>
      %eq3A_318 = arith.constant 1 : i32
      %eq3A_319 = vector.broadcast %eq3A_318 : i32 to vector<16xi32>
      %eq3A_320 = arith.cmpi eq, %add3A_314, %eq3A_319 : vector<16xi32>
      %select_n3A_321 = arith.select %eq3A_320, %scan3A_48#1, %scan3A_48#0 : vector<16xi1>, vector<16xf32>
      %select_n3A_322 = arith.select %eq3A_317, %scan3A_48#2, %select_n3A_321 : vector<16xi1>, vector<16xf32>
      %eq3A_323 = arith.constant 2 : i32
      %eq3A_324 = vector.broadcast %eq3A_323 : i32 to vector<16xi32>
      %eq3A_325 = arith.cmpi eq, %add3A_314, %eq3A_324 : vector<16xi32>
      %eq3A_326 = arith.constant 1 : i32
      %eq3A_327 = vector.broadcast %eq3A_326 : i32 to vector<16xi32>
      %eq3A_328 = arith.cmpi eq, %add3A_314, %eq3A_327 : vector<16xi32>
      %select_n3A_329 = arith.select %eq3A_328, %scan3A_48#4, %scan3A_48#3 : vector<16xi1>, vector<16xi32>
      %select_n3A_330 = arith.select %eq3A_325, %scan3A_48#5, %select_n3A_329 : vector<16xi1>, vector<16xi32>
      %iota3A_331 = tpu.iota {dimensions = array<i32: 0>} : vector<16xi32>
      %xor3A_332 = arith.constant 1 : i32
      %xor3A_333 = vector.broadcast %xor3A_332 : i32 to vector<16xi32>
      %xor3A_334 = arith.xori %iota3A_331, %xor3A_333 : vector<16xi32>
      %lt3A_335 = arith.constant 0 : i32
      %lt3A_336 = vector.broadcast %lt3A_335 : i32 to vector<16xi32>
      %lt3A_337 = arith.cmpi slt, %xor3A_334, %lt3A_336 : vector<16xi32>
      %add3A_338 = arith.constant 16 : i32
      %add3A_339 = vector.broadcast %add3A_338 : i32 to vector<16xi32>
      %add3A_340 = arith.addi %xor3A_334, %add3A_339 : vector<16xi32>
      %select_n3A_341 = arith.select %lt3A_337, %add3A_340, %xor3A_334 : vector<16xi1>, vector<16xi32>
      %broadcast_in_dim3A_342 = vector.shape_cast %select_n3A_341 : vector<16xi32> to vector<16x1xi32>
      %gather3A_343 = vector.shape_cast %broadcast_in_dim3A_342 : vector<16x1xi32> to vector<16xi32>
      %gather3A_344 = tpu.dynamic_gather %select_n3A_322[%gather3A_343] in [0] : vector<16xf32>, vector<16xi32> -> vector<16xf32>
      %max3A_345 = arith.maximumf %select_n3A_322, %gather3A_344 : vector<16xf32>
      %iota3A_346 = tpu.iota {dimensions = array<i32: 0>} : vector<16xi32>
      %xor3A_347 = arith.constant 2 : i32
      %xor3A_348 = vector.broadcast %xor3A_347 : i32 to vector<16xi32>
      %xor3A_349 = arith.xori %iota3A_346, %xor3A_348 : vector<16xi32>
      %lt3A_350 = arith.constant 0 : i32
      %lt3A_351 = vector.broadcast %lt3A_350 : i32 to vector<16xi32>
      %lt3A_352 = arith.cmpi slt, %xor3A_349, %lt3A_351 : vector<16xi32>
      %add3A_353 = arith.constant 16 : i32
      %add3A_354 = vector.broadcast %add3A_353 : i32 to vector<16xi32>
      %add3A_355 = arith.addi %xor3A_349, %add3A_354 : vector<16xi32>
      %select_n3A_356 = arith.select %lt3A_352, %add3A_355, %xor3A_349 : vector<16xi1>, vector<16xi32>
      %broadcast_in_dim3A_357 = vector.shape_cast %select_n3A_356 : vector<16xi32> to vector<16x1xi32>
      %gather3A_358 = vector.shape_cast %broadcast_in_dim3A_357 : vector<16x1xi32> to vector<16xi32>
      %gather3A_359 = tpu.dynamic_gather %max3A_345[%gather3A_358] in [0] : vector<16xf32>, vector<16xi32> -> vector<16xf32>
      %max3A_360 = arith.maximumf %max3A_345, %gather3A_359 : vector<16xf32>
      %iota3A_361 = tpu.iota {dimensions = array<i32: 0>} : vector<16xi32>
      %xor3A_362 = arith.constant 4 : i32
      %xor3A_363 = vector.broadcast %xor3A_362 : i32 to vector<16xi32>
      %xor3A_364 = arith.xori %iota3A_361, %xor3A_363 : vector<16xi32>
      %lt3A_365 = arith.constant 0 : i32
      %lt3A_366 = vector.broadcast %lt3A_365 : i32 to vector<16xi32>
      %lt3A_367 = arith.cmpi slt, %xor3A_364, %lt3A_366 : vector<16xi32>
      %add3A_368 = arith.constant 16 : i32
      %add3A_369 = vector.broadcast %add3A_368 : i32 to vector<16xi32>
      %add3A_370 = arith.addi %xor3A_364, %add3A_369 : vector<16xi32>
      %select_n3A_371 = arith.select %lt3A_367, %add3A_370, %xor3A_364 : vector<16xi1>, vector<16xi32>
      %broadcast_in_dim3A_372 = vector.shape_cast %select_n3A_371 : vector<16xi32> to vector<16x1xi32>
      %gather3A_373 = vector.shape_cast %broadcast_in_dim3A_372 : vector<16x1xi32> to vector<16xi32>
      %gather3A_374 = tpu.dynamic_gather %max3A_360[%gather3A_373] in [0] : vector<16xf32>, vector<16xi32> -> vector<16xf32>
      %max3A_375 = arith.maximumf %max3A_360, %gather3A_374 : vector<16xf32>
      %iota3A_376 = tpu.iota {dimensions = array<i32: 0>} : vector<16xi32>
      %xor3A_377 = arith.constant 8 : i32
      %xor3A_378 = vector.broadcast %xor3A_377 : i32 to vector<16xi32>
      %xor3A_379 = arith.xori %iota3A_376, %xor3A_378 : vector<16xi32>
      %lt3A_380 = arith.constant 0 : i32
      %lt3A_381 = vector.broadcast %lt3A_380 : i32 to vector<16xi32>
      %lt3A_382 = arith.cmpi slt, %xor3A_379, %lt3A_381 : vector<16xi32>
      %add3A_383 = arith.constant 16 : i32
      %add3A_384 = vector.broadcast %add3A_383 : i32 to vector<16xi32>
      %add3A_385 = arith.addi %xor3A_379, %add3A_384 : vector<16xi32>
      %select_n3A_386 = arith.select %lt3A_382, %add3A_385, %xor3A_379 : vector<16xi1>, vector<16xi32>
      %broadcast_in_dim3A_387 = vector.shape_cast %select_n3A_386 : vector<16xi32> to vector<16x1xi32>
      %gather3A_388 = vector.shape_cast %broadcast_in_dim3A_387 : vector<16x1xi32> to vector<16xi32>
      %gather3A_389 = tpu.dynamic_gather %max3A_375[%gather3A_388] in [0] : vector<16xf32>, vector<16xi32> -> vector<16xf32>
      %max3A_390 = arith.maximumf %max3A_375, %gather3A_389 : vector<16xf32>
      %eq3A_391 = arith.cmpf oeq, %select_n3A_322, %max3A_390 : vector<16xf32>
      %jit3A_392 = arith.constant 1073741824 : i32
      %broadcast_in_dim3A_393 = vector.broadcast %jit3A_392 : i32 to vector<16xi32>
      %select_n3A_394 = arith.select %eq3A_391, %select_n3A_330, %broadcast_in_dim3A_393 : vector<16xi1>, vector<16xi32>
      %iota3A_395 = tpu.iota {dimensions = array<i32: 0>} : vector<16xi32>
      %xor3A_396 = arith.constant 1 : i32
      %xor3A_397 = vector.broadcast %xor3A_396 : i32 to vector<16xi32>
      %xor3A_398 = arith.xori %iota3A_395, %xor3A_397 : vector<16xi32>
      %lt3A_399 = arith.constant 0 : i32
      %lt3A_400 = vector.broadcast %lt3A_399 : i32 to vector<16xi32>
      %lt3A_401 = arith.cmpi slt, %xor3A_398, %lt3A_400 : vector<16xi32>
      %add3A_402 = arith.constant 16 : i32
      %add3A_403 = vector.broadcast %add3A_402 : i32 to vector<16xi32>
      %add3A_404 = arith.addi %xor3A_398, %add3A_403 : vector<16xi32>
      %select_n3A_405 = arith.select %lt3A_401, %add3A_404, %xor3A_398 : vector<16xi1>, vector<16xi32>
      %broadcast_in_dim3A_406 = vector.shape_cast %select_n3A_405 : vector<16xi32> to vector<16x1xi32>
      %gather3A_407 = vector.shape_cast %broadcast_in_dim3A_406 : vector<16x1xi32> to vector<16xi32>
      %gather3A_408 = tpu.dynamic_gather %select_n3A_394[%gather3A_407] in [0] : vector<16xi32>, vector<16xi32> -> vector<16xi32>
      %min3A_409 = arith.minsi %select_n3A_394, %gather3A_408 : vector<16xi32>
      %iota3A_410 = tpu.iota {dimensions = array<i32: 0>} : vector<16xi32>
      %xor3A_411 = arith.constant 2 : i32
      %xor3A_412 = vector.broadcast %xor3A_411 : i32 to vector<16xi32>
      %xor3A_413 = arith.xori %iota3A_410, %xor3A_412 : vector<16xi32>
      %lt3A_414 = arith.constant 0 : i32
      %lt3A_415 = vector.broadcast %lt3A_414 : i32 to vector<16xi32>
      %lt3A_416 = arith.cmpi slt, %xor3A_413, %lt3A_415 : vector<16xi32>
      %add3A_417 = arith.constant 16 : i32
      %add3A_418 = vector.broadcast %add3A_417 : i32 to vector<16xi32>
      %add3A_419 = arith.addi %xor3A_413, %add3A_418 : vector<16xi32>
      %select_n3A_420 = arith.select %lt3A_416, %add3A_419, %xor3A_413 : vector<16xi1>, vector<16xi32>
      %broadcast_in_dim3A_421 = vector.shape_cast %select_n3A_420 : vector<16xi32> to vector<16x1xi32>
      %gather3A_422 = vector.shape_cast %broadcast_in_dim3A_421 : vector<16x1xi32> to vector<16xi32>
      %gather3A_423 = tpu.dynamic_gather %min3A_409[%gather3A_422] in [0] : vector<16xi32>, vector<16xi32> -> vector<16xi32>
      %min3A_424 = arith.minsi %min3A_409, %gather3A_423 : vector<16xi32>
      %iota3A_425 = tpu.iota {dimensions = array<i32: 0>} : vector<16xi32>
      %xor3A_426 = arith.constant 4 : i32
      %xor3A_427 = vector.broadcast %xor3A_426 : i32 to vector<16xi32>
      %xor3A_428 = arith.xori %iota3A_425, %xor3A_427 : vector<16xi32>
      %lt3A_429 = arith.constant 0 : i32
      %lt3A_430 = vector.broadcast %lt3A_429 : i32 to vector<16xi32>
      %lt3A_431 = arith.cmpi slt, %xor3A_428, %lt3A_430 : vector<16xi32>
      %add3A_432 = arith.constant 16 : i32
      %add3A_433 = vector.broadcast %add3A_432 : i32 to vector<16xi32>
      %add3A_434 = arith.addi %xor3A_428, %add3A_433 : vector<16xi32>
      %select_n3A_435 = arith.select %lt3A_431, %add3A_434, %xor3A_428 : vector<16xi1>, vector<16xi32>
      %broadcast_in_dim3A_436 = vector.shape_cast %select_n3A_435 : vector<16xi32> to vector<16x1xi32>
      %gather3A_437 = vector.shape_cast %broadcast_in_dim3A_436 : vector<16x1xi32> to vector<16xi32>
      %gather3A_438 = tpu.dynamic_gather %min3A_424[%gather3A_437] in [0] : vector<16xi32>, vector<16xi32> -> vector<16xi32>
      %min3A_439 = arith.minsi %min3A_424, %gather3A_438 : vector<16xi32>
      %iota3A_440 = tpu.iota {dimensions = array<i32: 0>} : vector<16xi32>
      %xor3A_441 = arith.constant 8 : i32
      %xor3A_442 = vector.broadcast %xor3A_441 : i32 to vector<16xi32>
      %xor3A_443 = arith.xori %iota3A_440, %xor3A_442 : vector<16xi32>
      %lt3A_444 = arith.constant 0 : i32
      %lt3A_445 = vector.broadcast %lt3A_444 : i32 to vector<16xi32>
      %lt3A_446 = arith.cmpi slt, %xor3A_443, %lt3A_445 : vector<16xi32>
      %add3A_447 = arith.constant 16 : i32
      %add3A_448 = vector.broadcast %add3A_447 : i32 to vector<16xi32>
      %add3A_449 = arith.addi %xor3A_443, %add3A_448 : vector<16xi32>
      %select_n3A_450 = arith.select %lt3A_446, %add3A_449, %xor3A_443 : vector<16xi1>, vector<16xi32>
      %broadcast_in_dim3A_451 = vector.shape_cast %select_n3A_450 : vector<16xi32> to vector<16x1xi32>
      %gather3A_452 = vector.shape_cast %broadcast_in_dim3A_451 : vector<16x1xi32> to vector<16xi32>
      %gather3A_453 = tpu.dynamic_gather %min3A_439[%gather3A_452] in [0] : vector<16xi32>, vector<16xi32> -> vector<16xi32>
      %min3A_454 = arith.minsi %min3A_439, %gather3A_453 : vector<16xi32>
      %eq3A_455 = arith.constant 0 : i32
      %eq3A_456 = vector.broadcast %eq3A_455 : i32 to vector<16xi32>
      %eq3A_457 = arith.cmpi eq, %iota3A, %eq3A_456 : vector<16xi32>
      %eq3A_458 = arith.constant 1 : i32
      %eq3A_459 = vector.broadcast %eq3A_458 : i32 to vector<16xi32>
      %eq3A_460 = arith.cmpi eq, %iota3A, %eq3A_459 : vector<16xi32>
      %eq3A_461 = arith.constant 2 : i32
      %eq3A_462 = vector.broadcast %eq3A_461 : i32 to vector<16xi32>
      %eq3A_463 = arith.cmpi eq, %iota3A, %eq3A_462 : vector<16xi32>
      %jit3A_464 = arith.constant -1.000000e+00 : f32
      %broadcast_in_dim3A_465 = vector.broadcast %jit3A_464 : f32 to vector<16xf32>
      %select_n3A_466 = arith.select %eq3A_463, %max3A_390, %broadcast_in_dim3A_465 : vector<16xi1>, vector<16xf32>
      %select_n3A_467 = arith.select %eq3A_460, %max3A_241, %select_n3A_466 : vector<16xi1>, vector<16xf32>
      %select_n3A_468 = arith.select %eq3A_457, %max3A_104, %select_n3A_467 : vector<16xi1>, vector<16xf32>
      %swap3A = arith.index_cast %scan3A_26 : i32 to index
      %swap3A_469 = arith.constant 0 : index
      %swap3A_470 = tpu.vector_load %arg24[%swap3A, %swap3A_469] {strides = array<i32>} : memref<64x16xf32, #tpu.memory_space<vmem>>, vector<1x16xf32>,
      %swap3A_471 = vector.shape_cast %swap3A_470 : vector<1x16xf32> to vector<16xf32>
      %swap3A_472 = vector.shape_cast %select_n3A_468 : vector<16xf32> to vector<1x16xf32>
      tpu.vector_store %arg24[%swap3A, %swap3A_469], %swap3A_472 {strides = array<i32>} : memref<64x16xf32, #tpu.memory_space<vmem>>, vector<1x16xf32>,
      %eq3A_473 = arith.constant 0 : i32
      %eq3A_474 = vector.broadcast %eq3A_473 : i32 to vector<16xi32>
      %eq3A_475 = arith.cmpi eq, %iota3A, %eq3A_474 : vector<16xi32>
      %eq3A_476 = arith.constant 1 : i32
      %eq3A_477 = vector.broadcast %eq3A_476 : i32 to vector<16xi32>
      %eq3A_478 = arith.cmpi eq, %iota3A, %eq3A_477 : vector<16xi32>
      %eq3A_479 = arith.constant 2 : i32
      %eq3A_480 = vector.broadcast %eq3A_479 : i32 to vector<16xi32>
      %eq3A_481 = arith.cmpi eq, %iota3A, %eq3A_480 : vector<16xi32>
      %jit3A_482 = arith.constant 1073741824 : i32
      %broadcast_in_dim3A_483 = vector.broadcast %jit3A_482 : i32 to vector<16xi32>
      %select_n3A_484 = arith.select %eq3A_481, %min3A_454, %broadcast_in_dim3A_483 : vector<16xi1>, vector<16xi32>
      %select_n3A_485 = arith.select %eq3A_478, %min3A_305, %select_n3A_484 : vector<16xi1>, vector<16xi32>
      %select_n3A_486 = arith.select %eq3A_475, %min3A_165, %select_n3A_485 : vector<16xi1>, vector<16xi32>
      %swap3A_487 = arith.index_cast %scan3A_26 : i32 to index
      %swap3A_488 = arith.constant 0 : index
      %swap3A_489 = tpu.vector_load %arg25[%swap3A_487, %swap3A_488] {strides = array<i32>} : memref<64x16xi32, #tpu.memory_space<vmem>>, vector<1x16xi32>,
      %swap3A_490 = vector.shape_cast %swap3A_489 : vector<1x16xi32> to vector<16xi32>
      %swap3A_491 = vector.shape_cast %select_n3A_486 : vector<16xi32> to vector<1x16xi32>
      tpu.vector_store %arg25[%swap3A_487, %swap3A_488], %swap3A_491 {strides = array<i32>} : memref<64x16xi32, #tpu.memory_space<vmem>>, vector<1x16xi32>,
      %scan3A_492 = arith.constant 0 : i32
      scf.yield %scan3A_492 : i32
    }
    %scan3A_18 = arith.constant 64 : i32
    %scan3A_19 = arith.constant 0 : i32
    %scan3A_20 = arith.constant 0 : i32
    %scan3A_21 = arith.constant 40 : i32
    %scan3A_22 = arith.addi %scan3A_20, %scan3A_21 : i32
    %scan3A_23 = arith.constant 1 : i32
    %scan3A_24 = scf.for %scan3A_26 = %scan3A_20 to %scan3A_22 step %scan3A_23 iter_args(%scan3A_27 = %scan3A_19) -> (i32)  : i32 {
      %mul3A_28 = arith.constant 16 : i32
      %mul3A_29 = arith.muli %scan3A_26, %mul3A_28 : i32
      %get3A = arith.index_cast %mul3A_29 : i32 to index
      %get3A_30 = tpu.vector_load %arg21[%get3A] {strides = array<i32>} : memref<640xf32, #tpu.memory_space<vmem>>, vector<16xf32>,
      %get3A_31 = vector.shape_cast %get3A_30 : vector<16xf32> to vector<16xf32>
      %gt3A = arith.constant 5.000000e-01 : f32
      %gt3A_32 = vector.broadcast %gt3A : f32 to vector<16xf32>
      %gt3A_33 = arith.cmpf ogt, %get3A_31, %gt3A_32 : vector<16xf32>
      %get3A_34 = arith.index_cast %mul3A_29 : i32 to index
      %get3A_35 = tpu.vector_load %arg22[%get3A_34] {strides = array<i32>} : memref<640xi32, #tpu.memory_space<vmem>>, vector<16xi32>,
      %get3A_36 = vector.shape_cast %get3A_35 : vector<16xi32> to vector<16xi32>
      %jit3A = arith.constant -2 : i32
      %broadcast_in_dim3A_37 = vector.broadcast %jit3A : i32 to vector<16xi32>
      %select_n3A = arith.select %gt3A_33, %get3A_36, %broadcast_in_dim3A_37 : vector<16xi1>, vector<16xi32>
      %lt3A = arith.constant 3.000000e-01 : f32
      %lt3A_38 = vector.broadcast %lt3A : f32 to vector<16xf32>
      %lt3A_39 = arith.cmpf olt, %get3A_31, %lt3A_38 : vector<16xf32>
      %jit3A_40 = arith.constant -1 : i32
      %broadcast_in_dim3A_41 = vector.broadcast %jit3A_40 : i32 to vector<16xi32>
      %select_n3A_42 = arith.select %lt3A_39, %broadcast_in_dim3A_41, %select_n3A : vector<16xi1>, vector<16xi32>
      %swap3A = arith.index_cast %mul3A_29 : i32 to index
      %swap3A_43 = tpu.vector_load %arg23[%swap3A] {strides = array<i32>} : memref<640xi32, #tpu.memory_space<vmem>>, vector<16xi32>,
      %swap3A_44 = vector.shape_cast %swap3A_43 : vector<16xi32> to vector<16xi32>
      %swap3A_45 = vector.shape_cast %select_n3A_42 : vector<16xi32> to vector<16xi32>
      tpu.vector_store %arg23[%swap3A], %swap3A_45 {strides = array<i32>} : memref<640xi32, #tpu.memory_space<vmem>>, vector<16xi32>,
      %scan3A_46 = arith.constant 0 : i32
      scf.yield %scan3A_46 : i32
    }
    %scan3A_25 = arith.constant 40 : i32
    "tpu.region"() ({
      %run_scoped3A = tpu.sem_alloc : memref<!tpu.dma_semaphore, #tpu.memory_space<semaphore_mem>>
      %dma_start3A = tpu.memref_slice %arg10[%mul3A_2] : memref<20480xi32, #tpu.memory_space<hbm>> -> memref<640xi32, #tpu.memory_space<hbm>>
      %dma_start3A_26 = tpu.memref_slice %arg10[%mul3A_2] : memref<20480xi32, #tpu.memory_space<hbm>> -> memref<640xi32, #tpu.memory_space<hbm>>
      tpu.enqueue_dma source(%arg23 : memref<640xi32, #tpu.memory_space<vmem>>) target(%dma_start3A_26 : memref<640xi32, #tpu.memory_space<hbm>>) target_semaphore(%run_scoped3A : memref<!tpu.dma_semaphore, #tpu.memory_space<semaphore_mem>>)
      %dma_wait3A = tpu.memref_slice %arg10[%mul3A_2] : memref<20480xi32, #tpu.memory_space<hbm>> -> memref<640xi32, #tpu.memory_space<hbm>>
      %dma_wait3A_27 = tpu.memref_slice %arg10[%mul3A_2] : memref<20480xi32, #tpu.memory_space<hbm>> -> memref<640xi32, #tpu.memory_space<hbm>>
      tpu.wait_dma2 semaphore(%run_scoped3A : memref<!tpu.dma_semaphore, #tpu.memory_space<semaphore_mem>>) src(%arg23 : memref<640xi32, #tpu.memory_space<vmem>>) dst(%dma_wait3A_27 : memref<640xi32, #tpu.memory_space<hbm>>)
      tpu.yield
    }) : () -> ()
    "tpu.region"() ({
      %run_scoped3A = tpu.sem_alloc : memref<!tpu.dma_semaphore, #tpu.memory_space<semaphore_mem>>
      %dma_start3A = arith.constant 0 : i32
      %dma_start3A_26 = arith.constant 0 : i32
      %dma_start3A_27 = tpu.memref_slice %arg11[%add3A, %dma_start3A, %dma_start3A_26] : memref<32x64x16xf32, #tpu.memory_space<hbm>> -> memref<1x64x16xf32, #tpu.memory_space<hbm>>
      %dma_start3A_28 = tpu.memref_squeeze %dma_start3A_27 : memref<1x64x16xf32, #tpu.memory_space<hbm>> -> memref<64x16xf32, #tpu.memory_space<hbm>>
      %dma_start3A_29 = arith.constant 0 : i32
      %dma_start3A_30 = arith.constant 0 : i32
      %dma_start3A_31 = tpu.memref_slice %arg11[%add3A, %dma_start3A_29, %dma_start3A_30] : memref<32x64x16xf32, #tpu.memory_space<hbm>> -> memref<1x64x16xf32, #tpu.memory_space<hbm>>
      %dma_start3A_32 = tpu.memref_squeeze %dma_start3A_31 : memref<1x64x16xf32, #tpu.memory_space<hbm>> -> memref<64x16xf32, #tpu.memory_space<hbm>>
      tpu.enqueue_dma source(%arg24 : memref<64x16xf32, #tpu.memory_space<vmem>>) target(%dma_start3A_32 : memref<64x16xf32, #tpu.memory_space<hbm>>) target_semaphore(%run_scoped3A : memref<!tpu.dma_semaphore, #tpu.memory_space<semaphore_mem>>)
      %dma_wait3A = arith.constant 0 : i32
      %dma_wait3A_33 = arith.constant 0 : i32
      %dma_wait3A_34 = tpu.memref_slice %arg11[%add3A, %dma_wait3A, %dma_wait3A_33] : memref<32x64x16xf32, #tpu.memory_space<hbm>> -> memref<1x64x16xf32, #tpu.memory_space<hbm>>
      %dma_wait3A_35 = tpu.memref_squeeze %dma_wait3A_34 : memref<1x64x16xf32, #tpu.memory_space<hbm>> -> memref<64x16xf32, #tpu.memory_space<hbm>>
      %dma_wait3A_36 = arith.constant 0 : i32
      %dma_wait3A_37 = arith.constant 0 : i32
      %dma_wait3A_38 = tpu.memref_slice %arg11[%add3A, %dma_wait3A_36, %dma_wait3A_37] : memref<32x64x16xf32, #tpu.memory_space<hbm>> -> memref<1x64x16xf32, #tpu.memory_space<hbm>>
      %dma_wait3A_39 = tpu.memref_squeeze %dma_wait3A_38 : memref<1x64x16xf32, #tpu.memory_space<hbm>> -> memref<64x16xf32, #tpu.memory_space<hbm>>
      tpu.wait_dma2 semaphore(%run_scoped3A : memref<!tpu.dma_semaphore, #tpu.memory_space<semaphore_mem>>) src(%arg24 : memref<64x16xf32, #tpu.memory_space<vmem>>) dst(%dma_wait3A_39 : memref<64x16xf32, #tpu.memory_space<hbm>>)
      tpu.yield
    }) : () -> ()
    "tpu.region"() ({
      %run_scoped3A = tpu.sem_alloc : memref<!tpu.dma_semaphore, #tpu.memory_space<semaphore_mem>>
      %dma_start3A = arith.constant 0 : i32
      %dma_start3A_26 = arith.constant 0 : i32
      %dma_start3A_27 = tpu.memref_slice %arg12[%add3A, %dma_start3A, %dma_start3A_26] : memref<32x64x16xi32, #tpu.memory_space<hbm>> -> memref<1x64x16xi32, #tpu.memory_space<hbm>>
      %dma_start3A_28 = tpu.memref_squeeze %dma_start3A_27 : memref<1x64x16xi32, #tpu.memory_space<hbm>> -> memref<64x16xi32, #tpu.memory_space<hbm>>
      %dma_start3A_29 = arith.constant 0 : i32
      %dma_start3A_30 = arith.constant 0 : i32
      %dma_start3A_31 = tpu.memref_slice %arg12[%add3A, %dma_start3A_29, %dma_start3A_30] : memref<32x64x16xi32, #tpu.memory_space<hbm>> -> memref<1x64x16xi32, #tpu.memory_space<hbm>>
      %dma_start3A_32 = tpu.memref_squeeze %dma_start3A_31 : memref<1x64x16xi32, #tpu.memory_space<hbm>> -> memref<64x16xi32, #tpu.memory_space<hbm>>
      tpu.enqueue_dma source(%arg25 : memref<64x16xi32, #tpu.memory_space<vmem>>) target(%dma_start3A_32 : memref<64x16xi32, #tpu.memory_space<hbm>>) target_semaphore(%run_scoped3A : memref<!tpu.dma_semaphore, #tpu.memory_space<semaphore_mem>>)
      %dma_wait3A = arith.constant 0 : i32
      %dma_wait3A_33 = arith.constant 0 : i32
      %dma_wait3A_34 = tpu.memref_slice %arg12[%add3A, %dma_wait3A, %dma_wait3A_33] : memref<32x64x16xi32, #tpu.memory_space<hbm>> -> memref<1x64x16xi32, #tpu.memory_space<hbm>>
      %dma_wait3A_35 = tpu.memref_squeeze %dma_wait3A_34 : memref<1x64x16xi32, #tpu.memory_space<hbm>> -> memref<64x16xi32, #tpu.memory_space<hbm>>
      %dma_wait3A_36 = arith.constant 0 : i32
      %dma_wait3A_37 = arith.constant 0 : i32
      %dma_wait3A_38 = tpu.memref_slice %arg12[%add3A, %dma_wait3A_36, %dma_wait3A_37] : memref<32x64x16xi32, #tpu.memory_space<hbm>> -> memref<1x64x16xi32, #tpu.memory_space<hbm>>
      %dma_wait3A_39 = tpu.memref_squeeze %dma_wait3A_38 : memref<1x64x16xi32, #tpu.memory_space<hbm>> -> memref<64x16xi32, #tpu.memory_space<hbm>>
      tpu.wait_dma2 semaphore(%run_scoped3A : memref<!tpu.dma_semaphore, #tpu.memory_space<semaphore_mem>>) src(%arg25 : memref<64x16xi32, #tpu.memory_space<vmem>>) dst(%dma_wait3A_39 : memref<64x16xi32, #tpu.memory_space<hbm>>)
      tpu.yield
    }) : () -> ()
    return
  }
}

#map = affine_map<(d0, d1) -> (0, 0, 0)>
#map1 = affine_map<(d0, d1) -> (0)>
module attributes {stable_mosaic.version = 14 : i64} {
  func.func @_phase2(%arg0: i32, %arg1: i32, %arg2: memref<32x64x16xf32, #tpu.memory_space<hbm>>, %arg3: memref<32x64x16xi32, #tpu.memory_space<hbm>>, %arg4: memref<1024xi32, #tpu.memory_space<hbm>>, %arg5: memref<32x16xf32, #tpu.memory_space<vmem>>, %arg6: memref<32x16xi32, #tpu.memory_space<vmem>>, %arg7: memref<16xi32, #tpu.memory_space<vmem>>) attributes {dimension_semantics = [#tpu.dimension_semantics<core_parallel>, #tpu.dimension_semantics<subcore_parallel>], iteration_bounds = array<i64: 2, 16>, scalar_prefetch = 0 : i64, scratch_operands = 3 : i64, tpu.core_type = #tpu.core_type<sc_vector_subcore>, window_params = [{transform_indices = #map}, {transform_indices = #map}, {transform_indices = #map1}]} {
    %mul3A = arith.constant 2 : i32
    %mul3A_0 = arith.muli %arg1, %mul3A : i32
    %add3A = arith.addi %mul3A_0, %arg0 : i32
    %iota3A = tpu.iota {dimensions = array<i32: 0>} : vector<16xi32>
    %mul3A_1 = arith.constant 2 : i32
    %mul3A_2 = arith.muli %add3A, %mul3A_1 : i32
    %add3A_3 = arith.constant 0 : i32
    %add3A_4 = arith.addi %mul3A_2, %add3A_3 : i32
    %mul3A_5 = arith.constant 16 : i32
    %mul3A_6 = arith.muli %add3A_4, %mul3A_5 : i32
    "tpu.region"() ({
      %run_scoped3A = tpu.sem_alloc : memref<!tpu.dma_semaphore, #tpu.memory_space<semaphore_mem>>
      %dma_start3A = arith.constant 0 : i32
      %dma_start3A_980 = arith.constant 0 : i32
      %dma_start3A_981 = tpu.memref_slice %arg2[%dma_start3A, %add3A_4, %dma_start3A_980] : memref<32x64x16xf32, #tpu.memory_space<hbm>> -> memref<32x1x16xf32, #tpu.memory_space<hbm>>
      %dma_start3A_982 = tpu.memref_squeeze %dma_start3A_981 : memref<32x1x16xf32, #tpu.memory_space<hbm>> -> memref<32x16xf32, #tpu.memory_space<hbm>>
      %dma_start3A_983 = arith.constant 0 : i32
      %dma_start3A_984 = arith.constant 0 : i32
      %dma_start3A_985 = tpu.memref_slice %arg2[%dma_start3A_983, %add3A_4, %dma_start3A_984] : memref<32x64x16xf32, #tpu.memory_space<hbm>> -> memref<32x1x16xf32, #tpu.memory_space<hbm>>
      %dma_start3A_986 = tpu.memref_squeeze %dma_start3A_985 : memref<32x1x16xf32, #tpu.memory_space<hbm>> -> memref<32x16xf32, #tpu.memory_space<hbm>>
      tpu.enqueue_dma source(%dma_start3A_986 : memref<32x16xf32, #tpu.memory_space<hbm>>) target(%arg5 : memref<32x16xf32, #tpu.memory_space<vmem>>) target_semaphore(%run_scoped3A : memref<!tpu.dma_semaphore, #tpu.memory_space<semaphore_mem>>)
      %dma_wait3A = arith.constant 0 : i32
      %dma_wait3A_987 = arith.constant 0 : i32
      %dma_wait3A_988 = tpu.memref_slice %arg2[%dma_wait3A, %add3A_4, %dma_wait3A_987] : memref<32x64x16xf32, #tpu.memory_space<hbm>> -> memref<32x1x16xf32, #tpu.memory_space<hbm>>
      %dma_wait3A_989 = tpu.memref_squeeze %dma_wait3A_988 : memref<32x1x16xf32, #tpu.memory_space<hbm>> -> memref<32x16xf32, #tpu.memory_space<hbm>>
      %dma_wait3A_990 = arith.constant 0 : i32
      %dma_wait3A_991 = arith.constant 0 : i32
      %dma_wait3A_992 = tpu.memref_slice %arg2[%dma_wait3A_990, %add3A_4, %dma_wait3A_991] : memref<32x64x16xf32, #tpu.memory_space<hbm>> -> memref<32x1x16xf32, #tpu.memory_space<hbm>>
      %dma_wait3A_993 = tpu.memref_squeeze %dma_wait3A_992 : memref<32x1x16xf32, #tpu.memory_space<hbm>> -> memref<32x16xf32, #tpu.memory_space<hbm>>
      tpu.wait_dma2 semaphore(%run_scoped3A : memref<!tpu.dma_semaphore, #tpu.memory_space<semaphore_mem>>) src(%dma_wait3A_993 : memref<32x16xf32, #tpu.memory_space<hbm>>) dst(%arg5 : memref<32x16xf32, #tpu.memory_space<vmem>>)
      tpu.yield
    }) : () -> ()
    "tpu.region"() ({
      %run_scoped3A = tpu.sem_alloc : memref<!tpu.dma_semaphore, #tpu.memory_space<semaphore_mem>>
      %dma_start3A = arith.constant 0 : i32
      %dma_start3A_980 = arith.constant 0 : i32
      %dma_start3A_981 = tpu.memref_slice %arg3[%dma_start3A, %add3A_4, %dma_start3A_980] : memref<32x64x16xi32, #tpu.memory_space<hbm>> -> memref<32x1x16xi32, #tpu.memory_space<hbm>>
      %dma_start3A_982 = tpu.memref_squeeze %dma_start3A_981 : memref<32x1x16xi32, #tpu.memory_space<hbm>> -> memref<32x16xi32, #tpu.memory_space<hbm>>
      %dma_start3A_983 = arith.constant 0 : i32
      %dma_start3A_984 = arith.constant 0 : i32
      %dma_start3A_985 = tpu.memref_slice %arg3[%dma_start3A_983, %add3A_4, %dma_start3A_984] : memref<32x64x16xi32, #tpu.memory_space<hbm>> -> memref<32x1x16xi32, #tpu.memory_space<hbm>>
      %dma_start3A_986 = tpu.memref_squeeze %dma_start3A_985 : memref<32x1x16xi32, #tpu.memory_space<hbm>> -> memref<32x16xi32, #tpu.memory_space<hbm>>
      tpu.enqueue_dma source(%dma_start3A_986 : memref<32x16xi32, #tpu.memory_space<hbm>>) target(%arg6 : memref<32x16xi32, #tpu.memory_space<vmem>>) target_semaphore(%run_scoped3A : memref<!tpu.dma_semaphore, #tpu.memory_space<semaphore_mem>>)
      %dma_wait3A = arith.constant 0 : i32
      %dma_wait3A_987 = arith.constant 0 : i32
      %dma_wait3A_988 = tpu.memref_slice %arg3[%dma_wait3A, %add3A_4, %dma_wait3A_987] : memref<32x64x16xi32, #tpu.memory_space<hbm>> -> memref<32x1x16xi32, #tpu.memory_space<hbm>>
      %dma_wait3A_989 = tpu.memref_squeeze %dma_wait3A_988 : memref<32x1x16xi32, #tpu.memory_space<hbm>> -> memref<32x16xi32, #tpu.memory_space<hbm>>
      %dma_wait3A_990 = arith.constant 0 : i32
      %dma_wait3A_991 = arith.constant 0 : i32
      %dma_wait3A_992 = tpu.memref_slice %arg3[%dma_wait3A_990, %add3A_4, %dma_wait3A_991] : memref<32x64x16xi32, #tpu.memory_space<hbm>> -> memref<32x1x16xi32, #tpu.memory_space<hbm>>
      %dma_wait3A_993 = tpu.memref_squeeze %dma_wait3A_992 : memref<32x1x16xi32, #tpu.memory_space<hbm>> -> memref<32x16xi32, #tpu.memory_space<hbm>>
      tpu.wait_dma2 semaphore(%run_scoped3A : memref<!tpu.dma_semaphore, #tpu.memory_space<semaphore_mem>>) src(%dma_wait3A_993 : memref<32x16xi32, #tpu.memory_space<hbm>>) dst(%arg6 : memref<32x16xi32, #tpu.memory_space<vmem>>)
      tpu.yield
    }) : () -> ()
    %broadcast_in_dim3A = arith.constant -1.000000e+00 : f32
    %broadcast_in_dim3A_7 = vector.broadcast %broadcast_in_dim3A : f32 to vector<16xf32>
    %scan3A = arith.constant 0 : i32
    %scan3A_8 = arith.constant 32 : i32
    %scan3A_9 = arith.addi %scan3A, %scan3A_8 : i32
    %scan3A_10 = arith.constant 1 : i32
    %scan3A_11 = scf.for %scan3A_980 = %scan3A to %scan3A_9 step %scan3A_10 iter_args(%scan3A_981 = %broadcast_in_dim3A_7) -> (vector<16xf32>)  : i32 {
      %get3A = arith.index_cast %scan3A_980 : i32 to index
      %get3A_982 = arith.constant 0 : index
      %get3A_983 = tpu.vector_load %arg5[%get3A, %get3A_982] {strides = array<i32>} : memref<32x16xf32, #tpu.memory_space<vmem>>, vector<1x16xf32>,
      %get3A_984 = vector.shape_cast %get3A_983 : vector<1x16xf32> to vector<16xf32>
      %max3A_985 = arith.maximumf %scan3A_981, %get3A_984 : vector<16xf32>
      scf.yield %max3A_985 : vector<16xf32>
    }
    %scan3A_12 = arith.constant 32 : i32
    %iota3A_13 = tpu.iota {dimensions = array<i32: 0>} : vector<16xi32>
    %xor3A = arith.constant 1 : i32
    %xor3A_14 = vector.broadcast %xor3A : i32 to vector<16xi32>
    %xor3A_15 = arith.xori %iota3A_13, %xor3A_14 : vector<16xi32>
    %lt3A = arith.constant 0 : i32
    %lt3A_16 = vector.broadcast %lt3A : i32 to vector<16xi32>
    %lt3A_17 = arith.cmpi slt, %xor3A_15, %lt3A_16 : vector<16xi32>
    %add3A_18 = arith.constant 16 : i32
    %add3A_19 = vector.broadcast %add3A_18 : i32 to vector<16xi32>
    %add3A_20 = arith.addi %xor3A_15, %add3A_19 : vector<16xi32>
    %select_n3A = arith.select %lt3A_17, %add3A_20, %xor3A_15 : vector<16xi1>, vector<16xi32>
    %broadcast_in_dim3A_21 = vector.shape_cast %select_n3A : vector<16xi32> to vector<16x1xi32>
    %gather3A = vector.shape_cast %broadcast_in_dim3A_21 : vector<16x1xi32> to vector<16xi32>
    %gather3A_22 = tpu.dynamic_gather %scan3A_11[%gather3A] in [0] : vector<16xf32>, vector<16xi32> -> vector<16xf32>
    %max3A = arith.maximumf %scan3A_11, %gather3A_22 : vector<16xf32>
    %iota3A_23 = tpu.iota {dimensions = array<i32: 0>} : vector<16xi32>
    %xor3A_24 = arith.constant 2 : i32
    %xor3A_25 = vector.broadcast %xor3A_24 : i32 to vector<16xi32>
    %xor3A_26 = arith.xori %iota3A_23, %xor3A_25 : vector<16xi32>
    %lt3A_27 = arith.constant 0 : i32
    %lt3A_28 = vector.broadcast %lt3A_27 : i32 to vector<16xi32>
    %lt3A_29 = arith.cmpi slt, %xor3A_26, %lt3A_28 : vector<16xi32>
    %add3A_30 = arith.constant 16 : i32
    %add3A_31 = vector.broadcast %add3A_30 : i32 to vector<16xi32>
    %add3A_32 = arith.addi %xor3A_26, %add3A_31 : vector<16xi32>
    %select_n3A_33 = arith.select %lt3A_29, %add3A_32, %xor3A_26 : vector<16xi1>, vector<16xi32>
    %broadcast_in_dim3A_34 = vector.shape_cast %select_n3A_33 : vector<16xi32> to vector<16x1xi32>
    %gather3A_35 = vector.shape_cast %broadcast_in_dim3A_34 : vector<16x1xi32> to vector<16xi32>
    %gather3A_36 = tpu.dynamic_gather %max3A[%gather3A_35] in [0] : vector<16xf32>, vector<16xi32> -> vector<16xf32>
    %max3A_37 = arith.maximumf %max3A, %gather3A_36 : vector<16xf32>
    %iota3A_38 = tpu.iota {dimensions = array<i32: 0>} : vector<16xi32>
    %xor3A_39 = arith.constant 4 : i32
    %xor3A_40 = vector.broadcast %xor3A_39 : i32 to vector<16xi32>
    %xor3A_41 = arith.xori %iota3A_38, %xor3A_40 : vector<16xi32>
    %lt3A_42 = arith.constant 0 : i32
    %lt3A_43 = vector.broadcast %lt3A_42 : i32 to vector<16xi32>
    %lt3A_44 = arith.cmpi slt, %xor3A_41, %lt3A_43 : vector<16xi32>
    %add3A_45 = arith.constant 16 : i32
    %add3A_46 = vector.broadcast %add3A_45 : i32 to vector<16xi32>
    %add3A_47 = arith.addi %xor3A_41, %add3A_46 : vector<16xi32>
    %select_n3A_48 = arith.select %lt3A_44, %add3A_47, %xor3A_41 : vector<16xi1>, vector<16xi32>
    %broadcast_in_dim3A_49 = vector.shape_cast %select_n3A_48 : vector<16xi32> to vector<16x1xi32>
    %gather3A_50 = vector.shape_cast %broadcast_in_dim3A_49 : vector<16x1xi32> to vector<16xi32>
    %gather3A_51 = tpu.dynamic_gather %max3A_37[%gather3A_50] in [0] : vector<16xf32>, vector<16xi32> -> vector<16xf32>
    %max3A_52 = arith.maximumf %max3A_37, %gather3A_51 : vector<16xf32>
    %iota3A_53 = tpu.iota {dimensions = array<i32: 0>} : vector<16xi32>
    %xor3A_54 = arith.constant 8 : i32
    %xor3A_55 = vector.broadcast %xor3A_54 : i32 to vector<16xi32>
    %xor3A_56 = arith.xori %iota3A_53, %xor3A_55 : vector<16xi32>
    %lt3A_57 = arith.constant 0 : i32
    %lt3A_58 = vector.broadcast %lt3A_57 : i32 to vector<16xi32>
    %lt3A_59 = arith.cmpi slt, %xor3A_56, %lt3A_58 : vector<16xi32>
    %add3A_60 = arith.constant 16 : i32
    %add3A_61 = vector.broadcast %add3A_60 : i32 to vector<16xi32>
    %add3A_62 = arith.addi %xor3A_56, %add3A_61 : vector<16xi32>
    %select_n3A_63 = arith.select %lt3A_59, %add3A_62, %xor3A_56 : vector<16xi1>, vector<16xi32>
    %broadcast_in_dim3A_64 = vector.shape_cast %select_n3A_63 : vector<16xi32> to vector<16x1xi32>
    %gather3A_65 = vector.shape_cast %broadcast_in_dim3A_64 : vector<16x1xi32> to vector<16xi32>
    %gather3A_66 = tpu.dynamic_gather %max3A_52[%gather3A_65] in [0] : vector<16xf32>, vector<16xi32> -> vector<16xf32>
    %max3A_67 = arith.maximumf %max3A_52, %gather3A_66 : vector<16xf32>
    %broadcast_in_dim3A_68 = arith.constant 1073741824 : i32
    %broadcast_in_dim3A_69 = vector.broadcast %broadcast_in_dim3A_68 : i32 to vector<16xi32>
    %scan3A_70 = arith.constant 0 : i32
    %scan3A_71 = arith.constant 32 : i32
    %scan3A_72 = arith.addi %scan3A_70, %scan3A_71 : i32
    %scan3A_73 = arith.constant 1 : i32
    %scan3A_74 = scf.for %scan3A_980 = %scan3A_70 to %scan3A_72 step %scan3A_73 iter_args(%scan3A_981 = %broadcast_in_dim3A_69) -> (vector<16xi32>)  : i32 {
      %get3A = arith.index_cast %scan3A_980 : i32 to index
      %get3A_982 = arith.constant 0 : index
      %get3A_983 = tpu.vector_load %arg5[%get3A, %get3A_982] {strides = array<i32>} : memref<32x16xf32, #tpu.memory_space<vmem>>, vector<1x16xf32>,
      %get3A_984 = vector.shape_cast %get3A_983 : vector<1x16xf32> to vector<16xf32>
      %eq3A_985 = arith.cmpf oeq, %get3A_984, %max3A_67 : vector<16xf32>
      %get3A_986 = arith.index_cast %scan3A_980 : i32 to index
      %get3A_987 = arith.constant 0 : index
      %get3A_988 = tpu.vector_load %arg6[%get3A_986, %get3A_987] {strides = array<i32>} : memref<32x16xi32, #tpu.memory_space<vmem>>, vector<1x16xi32>,
      %get3A_989 = vector.shape_cast %get3A_988 : vector<1x16xi32> to vector<16xi32>
      %jit3A_990 = arith.constant 1073741824 : i32
      %broadcast_in_dim3A_991 = vector.broadcast %jit3A_990 : i32 to vector<16xi32>
      %select_n3A_992 = arith.select %eq3A_985, %get3A_989, %broadcast_in_dim3A_991 : vector<16xi1>, vector<16xi32>
      %min3A_993 = arith.minsi %scan3A_981, %select_n3A_992 : vector<16xi32>
      scf.yield %min3A_993 : vector<16xi32>
    }
    %scan3A_75 = arith.constant 32 : i32
    %iota3A_76 = tpu.iota {dimensions = array<i32: 0>} : vector<16xi32>
    %xor3A_77 = arith.constant 1 : i32
    %xor3A_78 = vector.broadcast %xor3A_77 : i32 to vector<16xi32>
    %xor3A_79 = arith.xori %iota3A_76, %xor3A_78 : vector<16xi32>
    %lt3A_80 = arith.constant 0 : i32
    %lt3A_81 = vector.broadcast %lt3A_80 : i32 to vector<16xi32>
    %lt3A_82 = arith.cmpi slt, %xor3A_79, %lt3A_81 : vector<16xi32>
    %add3A_83 = arith.constant 16 : i32
    %add3A_84 = vector.broadcast %add3A_83 : i32 to vector<16xi32>
    %add3A_85 = arith.addi %xor3A_79, %add3A_84 : vector<16xi32>
    %select_n3A_86 = arith.select %lt3A_82, %add3A_85, %xor3A_79 : vector<16xi1>, vector<16xi32>
    %broadcast_in_dim3A_87 = vector.shape_cast %select_n3A_86 : vector<16xi32> to vector<16x1xi32>
    %gather3A_88 = vector.shape_cast %broadcast_in_dim3A_87 : vector<16x1xi32> to vector<16xi32>
    %gather3A_89 = tpu.dynamic_gather %scan3A_74[%gather3A_88] in [0] : vector<16xi32>, vector<16xi32> -> vector<16xi32>
    %min3A = arith.minsi %scan3A_74, %gather3A_89 : vector<16xi32>
    %iota3A_90 = tpu.iota {dimensions = array<i32: 0>} : vector<16xi32>
    %xor3A_91 = arith.constant 2 : i32
    %xor3A_92 = vector.broadcast %xor3A_91 : i32 to vector<16xi32>
    %xor3A_93 = arith.xori %iota3A_90, %xor3A_92 : vector<16xi32>
    %lt3A_94 = arith.constant 0 : i32
    %lt3A_95 = vector.broadcast %lt3A_94 : i32 to vector<16xi32>
    %lt3A_96 = arith.cmpi slt, %xor3A_93, %lt3A_95 : vector<16xi32>
    %add3A_97 = arith.constant 16 : i32
    %add3A_98 = vector.broadcast %add3A_97 : i32 to vector<16xi32>
    %add3A_99 = arith.addi %xor3A_93, %add3A_98 : vector<16xi32>
    %select_n3A_100 = arith.select %lt3A_96, %add3A_99, %xor3A_93 : vector<16xi1>, vector<16xi32>
    %broadcast_in_dim3A_101 = vector.shape_cast %select_n3A_100 : vector<16xi32> to vector<16x1xi32>
    %gather3A_102 = vector.shape_cast %broadcast_in_dim3A_101 : vector<16x1xi32> to vector<16xi32>
    %gather3A_103 = tpu.dynamic_gather %min3A[%gather3A_102] in [0] : vector<16xi32>, vector<16xi32> -> vector<16xi32>
    %min3A_104 = arith.minsi %min3A, %gather3A_103 : vector<16xi32>
    %iota3A_105 = tpu.iota {dimensions = array<i32: 0>} : vector<16xi32>
    %xor3A_106 = arith.constant 4 : i32
    %xor3A_107 = vector.broadcast %xor3A_106 : i32 to vector<16xi32>
    %xor3A_108 = arith.xori %iota3A_105, %xor3A_107 : vector<16xi32>
    %lt3A_109 = arith.constant 0 : i32
    %lt3A_110 = vector.broadcast %lt3A_109 : i32 to vector<16xi32>
    %lt3A_111 = arith.cmpi slt, %xor3A_108, %lt3A_110 : vector<16xi32>
    %add3A_112 = arith.constant 16 : i32
    %add3A_113 = vector.broadcast %add3A_112 : i32 to vector<16xi32>
    %add3A_114 = arith.addi %xor3A_108, %add3A_113 : vector<16xi32>
    %select_n3A_115 = arith.select %lt3A_111, %add3A_114, %xor3A_108 : vector<16xi1>, vector<16xi32>
    %broadcast_in_dim3A_116 = vector.shape_cast %select_n3A_115 : vector<16xi32> to vector<16x1xi32>
    %gather3A_117 = vector.shape_cast %broadcast_in_dim3A_116 : vector<16x1xi32> to vector<16xi32>
    %gather3A_118 = tpu.dynamic_gather %min3A_104[%gather3A_117] in [0] : vector<16xi32>, vector<16xi32> -> vector<16xi32>
    %min3A_119 = arith.minsi %min3A_104, %gather3A_118 : vector<16xi32>
    %iota3A_120 = tpu.iota {dimensions = array<i32: 0>} : vector<16xi32>
    %xor3A_121 = arith.constant 8 : i32
    %xor3A_122 = vector.broadcast %xor3A_121 : i32 to vector<16xi32>
    %xor3A_123 = arith.xori %iota3A_120, %xor3A_122 : vector<16xi32>
    %lt3A_124 = arith.constant 0 : i32
    %lt3A_125 = vector.broadcast %lt3A_124 : i32 to vector<16xi32>
    %lt3A_126 = arith.cmpi slt, %xor3A_123, %lt3A_125 : vector<16xi32>
    %add3A_127 = arith.constant 16 : i32
    %add3A_128 = vector.broadcast %add3A_127 : i32 to vector<16xi32>
    %add3A_129 = arith.addi %xor3A_123, %add3A_128 : vector<16xi32>
    %select_n3A_130 = arith.select %lt3A_126, %add3A_129, %xor3A_123 : vector<16xi1>, vector<16xi32>
    %broadcast_in_dim3A_131 = vector.shape_cast %select_n3A_130 : vector<16xi32> to vector<16x1xi32>
    %gather3A_132 = vector.shape_cast %broadcast_in_dim3A_131 : vector<16x1xi32> to vector<16xi32>
    %gather3A_133 = tpu.dynamic_gather %min3A_119[%gather3A_132] in [0] : vector<16xi32>, vector<16xi32> -> vector<16xi32>
    %min3A_134 = arith.minsi %min3A_119, %gather3A_133 : vector<16xi32>
    %scan3A_135 = arith.constant 0 : i32
    %scan3A_136 = arith.constant 0 : i32
    %scan3A_137 = arith.constant 32 : i32
    %scan3A_138 = arith.addi %scan3A_136, %scan3A_137 : i32
    %scan3A_139 = arith.constant 1 : i32
    %scan3A_140 = scf.for %scan3A_980 = %scan3A_136 to %scan3A_138 step %scan3A_139 iter_args(%scan3A_981 = %scan3A_135) -> (i32)  : i32 {
      %get3A = arith.index_cast %scan3A_980 : i32 to index
      %get3A_982 = arith.constant 0 : index
      %get3A_983 = tpu.vector_load %arg6[%get3A, %get3A_982] {strides = array<i32>} : memref<32x16xi32, #tpu.memory_space<vmem>>, vector<1x16xi32>,
      %get3A_984 = vector.shape_cast %get3A_983 : vector<1x16xi32> to vector<16xi32>
      %eq3A_985 = arith.cmpi eq, %get3A_984, %min3A_134 : vector<16xi32>
      %get3A_986 = arith.index_cast %scan3A_980 : i32 to index
      %get3A_987 = arith.constant 0 : index
      %get3A_988 = tpu.vector_load %arg5[%get3A_986, %get3A_987] {strides = array<i32>} : memref<32x16xf32, #tpu.memory_space<vmem>>, vector<1x16xf32>,
      %get3A_989 = vector.shape_cast %get3A_988 : vector<1x16xf32> to vector<16xf32>
      %jit3A_990 = arith.constant -1.000000e+00 : f32
      %broadcast_in_dim3A_991 = vector.broadcast %jit3A_990 : f32 to vector<16xf32>
      %select_n3A_992 = arith.select %eq3A_985, %broadcast_in_dim3A_991, %get3A_989 : vector<16xi1>, vector<16xf32>
      %swap3A_993 = arith.index_cast %scan3A_980 : i32 to index
      %swap3A_994 = arith.constant 0 : index
      %swap3A_995 = tpu.vector_load %arg5[%swap3A_993, %swap3A_994] {strides = array<i32>} : memref<32x16xf32, #tpu.memory_space<vmem>>, vector<1x16xf32>,
      %swap3A_996 = vector.shape_cast %swap3A_995 : vector<1x16xf32> to vector<16xf32>
      %swap3A_997 = vector.shape_cast %select_n3A_992 : vector<16xf32> to vector<1x16xf32>
      tpu.vector_store %arg5[%swap3A_993, %swap3A_994], %swap3A_997 {strides = array<i32>} : memref<32x16xf32, #tpu.memory_space<vmem>>, vector<1x16xf32>,
      %scan3A_998 = arith.constant 0 : i32
      scf.yield %scan3A_998 : i32
    }
    %scan3A_141 = arith.constant 32 : i32
    %broadcast_in_dim3A_142 = arith.constant -1.000000e+00 : f32
    %broadcast_in_dim3A_143 = vector.broadcast %broadcast_in_dim3A_142 : f32 to vector<16xf32>
    %scan3A_144 = arith.constant 0 : i32
    %scan3A_145 = arith.constant 32 : i32
    %scan3A_146 = arith.addi %scan3A_144, %scan3A_145 : i32
    %scan3A_147 = arith.constant 1 : i32
    %scan3A_148 = scf.for %scan3A_980 = %scan3A_144 to %scan3A_146 step %scan3A_147 iter_args(%scan3A_981 = %broadcast_in_dim3A_143) -> (vector<16xf32>)  : i32 {
      %get3A = arith.index_cast %scan3A_980 : i32 to index
      %get3A_982 = arith.constant 0 : index
      %get3A_983 = tpu.vector_load %arg5[%get3A, %get3A_982] {strides = array<i32>} : memref<32x16xf32, #tpu.memory_space<vmem>>, vector<1x16xf32>,
      %get3A_984 = vector.shape_cast %get3A_983 : vector<1x16xf32> to vector<16xf32>
      %max3A_985 = arith.maximumf %scan3A_981, %get3A_984 : vector<16xf32>
      scf.yield %max3A_985 : vector<16xf32>
    }
    %scan3A_149 = arith.constant 32 : i32
    %iota3A_150 = tpu.iota {dimensions = array<i32: 0>} : vector<16xi32>
    %xor3A_151 = arith.constant 1 : i32
    %xor3A_152 = vector.broadcast %xor3A_151 : i32 to vector<16xi32>
    %xor3A_153 = arith.xori %iota3A_150, %xor3A_152 : vector<16xi32>
    %lt3A_154 = arith.constant 0 : i32
    %lt3A_155 = vector.broadcast %lt3A_154 : i32 to vector<16xi32>
    %lt3A_156 = arith.cmpi slt, %xor3A_153, %lt3A_155 : vector<16xi32>
    %add3A_157 = arith.constant 16 : i32
    %add3A_158 = vector.broadcast %add3A_157 : i32 to vector<16xi32>
    %add3A_159 = arith.addi %xor3A_153, %add3A_158 : vector<16xi32>
    %select_n3A_160 = arith.select %lt3A_156, %add3A_159, %xor3A_153 : vector<16xi1>, vector<16xi32>
    %broadcast_in_dim3A_161 = vector.shape_cast %select_n3A_160 : vector<16xi32> to vector<16x1xi32>
    %gather3A_162 = vector.shape_cast %broadcast_in_dim3A_161 : vector<16x1xi32> to vector<16xi32>
    %gather3A_163 = tpu.dynamic_gather %scan3A_148[%gather3A_162] in [0] : vector<16xf32>, vector<16xi32> -> vector<16xf32>
    %max3A_164 = arith.maximumf %scan3A_148, %gather3A_163 : vector<16xf32>
    %iota3A_165 = tpu.iota {dimensions = array<i32: 0>} : vector<16xi32>
    %xor3A_166 = arith.constant 2 : i32
    %xor3A_167 = vector.broadcast %xor3A_166 : i32 to vector<16xi32>
    %xor3A_168 = arith.xori %iota3A_165, %xor3A_167 : vector<16xi32>
    %lt3A_169 = arith.constant 0 : i32
    %lt3A_170 = vector.broadcast %lt3A_169 : i32 to vector<16xi32>
    %lt3A_171 = arith.cmpi slt, %xor3A_168, %lt3A_170 : vector<16xi32>
    %add3A_172 = arith.constant 16 : i32
    %add3A_173 = vector.broadcast %add3A_172 : i32 to vector<16xi32>
    %add3A_174 = arith.addi %xor3A_168, %add3A_173 : vector<16xi32>
    %select_n3A_175 = arith.select %lt3A_171, %add3A_174, %xor3A_168 : vector<16xi1>, vector<16xi32>
    %broadcast_in_dim3A_176 = vector.shape_cast %select_n3A_175 : vector<16xi32> to vector<16x1xi32>
    %gather3A_177 = vector.shape_cast %broadcast_in_dim3A_176 : vector<16x1xi32> to vector<16xi32>
    %gather3A_178 = tpu.dynamic_gather %max3A_164[%gather3A_177] in [0] : vector<16xf32>, vector<16xi32> -> vector<16xf32>
    %max3A_179 = arith.maximumf %max3A_164, %gather3A_178 : vector<16xf32>
    %iota3A_180 = tpu.iota {dimensions = array<i32: 0>} : vector<16xi32>
    %xor3A_181 = arith.constant 4 : i32
    %xor3A_182 = vector.broadcast %xor3A_181 : i32 to vector<16xi32>
    %xor3A_183 = arith.xori %iota3A_180, %xor3A_182 : vector<16xi32>
    %lt3A_184 = arith.constant 0 : i32
    %lt3A_185 = vector.broadcast %lt3A_184 : i32 to vector<16xi32>
    %lt3A_186 = arith.cmpi slt, %xor3A_183, %lt3A_185 : vector<16xi32>
    %add3A_187 = arith.constant 16 : i32
    %add3A_188 = vector.broadcast %add3A_187 : i32 to vector<16xi32>
    %add3A_189 = arith.addi %xor3A_183, %add3A_188 : vector<16xi32>
    %select_n3A_190 = arith.select %lt3A_186, %add3A_189, %xor3A_183 : vector<16xi1>, vector<16xi32>
    %broadcast_in_dim3A_191 = vector.shape_cast %select_n3A_190 : vector<16xi32> to vector<16x1xi32>
    %gather3A_192 = vector.shape_cast %broadcast_in_dim3A_191 : vector<16x1xi32> to vector<16xi32>
    %gather3A_193 = tpu.dynamic_gather %max3A_179[%gather3A_192] in [0] : vector<16xf32>, vector<16xi32> -> vector<16xf32>
    %max3A_194 = arith.maximumf %max3A_179, %gather3A_193 : vector<16xf32>
    %iota3A_195 = tpu.iota {dimensions = array<i32: 0>} : vector<16xi32>
    %xor3A_196 = arith.constant 8 : i32
    %xor3A_197 = vector.broadcast %xor3A_196 : i32 to vector<16xi32>
    %xor3A_198 = arith.xori %iota3A_195, %xor3A_197 : vector<16xi32>
    %lt3A_199 = arith.constant 0 : i32
    %lt3A_200 = vector.broadcast %lt3A_199 : i32 to vector<16xi32>
    %lt3A_201 = arith.cmpi slt, %xor3A_198, %lt3A_200 : vector<16xi32>
    %add3A_202 = arith.constant 16 : i32
    %add3A_203 = vector.broadcast %add3A_202 : i32 to vector<16xi32>
    %add3A_204 = arith.addi %xor3A_198, %add3A_203 : vector<16xi32>
    %select_n3A_205 = arith.select %lt3A_201, %add3A_204, %xor3A_198 : vector<16xi1>, vector<16xi32>
    %broadcast_in_dim3A_206 = vector.shape_cast %select_n3A_205 : vector<16xi32> to vector<16x1xi32>
    %gather3A_207 = vector.shape_cast %broadcast_in_dim3A_206 : vector<16x1xi32> to vector<16xi32>
    %gather3A_208 = tpu.dynamic_gather %max3A_194[%gather3A_207] in [0] : vector<16xf32>, vector<16xi32> -> vector<16xf32>
    %max3A_209 = arith.maximumf %max3A_194, %gather3A_208 : vector<16xf32>
    %broadcast_in_dim3A_210 = arith.constant 1073741824 : i32
    %broadcast_in_dim3A_211 = vector.broadcast %broadcast_in_dim3A_210 : i32 to vector<16xi32>
    %scan3A_212 = arith.constant 0 : i32
    %scan3A_213 = arith.constant 32 : i32
    %scan3A_214 = arith.addi %scan3A_212, %scan3A_213 : i32
    %scan3A_215 = arith.constant 1 : i32
    %scan3A_216 = scf.for %scan3A_980 = %scan3A_212 to %scan3A_214 step %scan3A_215 iter_args(%scan3A_981 = %broadcast_in_dim3A_211) -> (vector<16xi32>)  : i32 {
      %get3A = arith.index_cast %scan3A_980 : i32 to index
      %get3A_982 = arith.constant 0 : index
      %get3A_983 = tpu.vector_load %arg5[%get3A, %get3A_982] {strides = array<i32>} : memref<32x16xf32, #tpu.memory_space<vmem>>, vector<1x16xf32>,
      %get3A_984 = vector.shape_cast %get3A_983 : vector<1x16xf32> to vector<16xf32>
      %eq3A_985 = arith.cmpf oeq, %get3A_984, %max3A_209 : vector<16xf32>
      %get3A_986 = arith.index_cast %scan3A_980 : i32 to index
      %get3A_987 = arith.constant 0 : index
      %get3A_988 = tpu.vector_load %arg6[%get3A_986, %get3A_987] {strides = array<i32>} : memref<32x16xi32, #tpu.memory_space<vmem>>, vector<1x16xi32>,
      %get3A_989 = vector.shape_cast %get3A_988 : vector<1x16xi32> to vector<16xi32>
      %jit3A_990 = arith.constant 1073741824 : i32
      %broadcast_in_dim3A_991 = vector.broadcast %jit3A_990 : i32 to vector<16xi32>
      %select_n3A_992 = arith.select %eq3A_985, %get3A_989, %broadcast_in_dim3A_991 : vector<16xi1>, vector<16xi32>
      %min3A_993 = arith.minsi %scan3A_981, %select_n3A_992 : vector<16xi32>
      scf.yield %min3A_993 : vector<16xi32>
    }
    %scan3A_217 = arith.constant 32 : i32
    %iota3A_218 = tpu.iota {dimensions = array<i32: 0>} : vector<16xi32>
    %xor3A_219 = arith.constant 1 : i32
    %xor3A_220 = vector.broadcast %xor3A_219 : i32 to vector<16xi32>
    %xor3A_221 = arith.xori %iota3A_218, %xor3A_220 : vector<16xi32>
    %lt3A_222 = arith.constant 0 : i32
    %lt3A_223 = vector.broadcast %lt3A_222 : i32 to vector<16xi32>
    %lt3A_224 = arith.cmpi slt, %xor3A_221, %lt3A_223 : vector<16xi32>
    %add3A_225 = arith.constant 16 : i32
    %add3A_226 = vector.broadcast %add3A_225 : i32 to vector<16xi32>
    %add3A_227 = arith.addi %xor3A_221, %add3A_226 : vector<16xi32>
    %select_n3A_228 = arith.select %lt3A_224, %add3A_227, %xor3A_221 : vector<16xi1>, vector<16xi32>
    %broadcast_in_dim3A_229 = vector.shape_cast %select_n3A_228 : vector<16xi32> to vector<16x1xi32>
    %gather3A_230 = vector.shape_cast %broadcast_in_dim3A_229 : vector<16x1xi32> to vector<16xi32>
    %gather3A_231 = tpu.dynamic_gather %scan3A_216[%gather3A_230] in [0] : vector<16xi32>, vector<16xi32> -> vector<16xi32>
    %min3A_232 = arith.minsi %scan3A_216, %gather3A_231 : vector<16xi32>
    %iota3A_233 = tpu.iota {dimensions = array<i32: 0>} : vector<16xi32>
    %xor3A_234 = arith.constant 2 : i32
    %xor3A_235 = vector.broadcast %xor3A_234 : i32 to vector<16xi32>
    %xor3A_236 = arith.xori %iota3A_233, %xor3A_235 : vector<16xi32>
    %lt3A_237 = arith.constant 0 : i32
    %lt3A_238 = vector.broadcast %lt3A_237 : i32 to vector<16xi32>
    %lt3A_239 = arith.cmpi slt, %xor3A_236, %lt3A_238 : vector<16xi32>
    %add3A_240 = arith.constant 16 : i32
    %add3A_241 = vector.broadcast %add3A_240 : i32 to vector<16xi32>
    %add3A_242 = arith.addi %xor3A_236, %add3A_241 : vector<16xi32>
    %select_n3A_243 = arith.select %lt3A_239, %add3A_242, %xor3A_236 : vector<16xi1>, vector<16xi32>
    %broadcast_in_dim3A_244 = vector.shape_cast %select_n3A_243 : vector<16xi32> to vector<16x1xi32>
    %gather3A_245 = vector.shape_cast %broadcast_in_dim3A_244 : vector<16x1xi32> to vector<16xi32>
    %gather3A_246 = tpu.dynamic_gather %min3A_232[%gather3A_245] in [0] : vector<16xi32>, vector<16xi32> -> vector<16xi32>
    %min3A_247 = arith.minsi %min3A_232, %gather3A_246 : vector<16xi32>
    %iota3A_248 = tpu.iota {dimensions = array<i32: 0>} : vector<16xi32>
    %xor3A_249 = arith.constant 4 : i32
    %xor3A_250 = vector.broadcast %xor3A_249 : i32 to vector<16xi32>
    %xor3A_251 = arith.xori %iota3A_248, %xor3A_250 : vector<16xi32>
    %lt3A_252 = arith.constant 0 : i32
    %lt3A_253 = vector.broadcast %lt3A_252 : i32 to vector<16xi32>
    %lt3A_254 = arith.cmpi slt, %xor3A_251, %lt3A_253 : vector<16xi32>
    %add3A_255 = arith.constant 16 : i32
    %add3A_256 = vector.broadcast %add3A_255 : i32 to vector<16xi32>
    %add3A_257 = arith.addi %xor3A_251, %add3A_256 : vector<16xi32>
    %select_n3A_258 = arith.select %lt3A_254, %add3A_257, %xor3A_251 : vector<16xi1>, vector<16xi32>
    %broadcast_in_dim3A_259 = vector.shape_cast %select_n3A_258 : vector<16xi32> to vector<16x1xi32>
    %gather3A_260 = vector.shape_cast %broadcast_in_dim3A_259 : vector<16x1xi32> to vector<16xi32>
    %gather3A_261 = tpu.dynamic_gather %min3A_247[%gather3A_260] in [0] : vector<16xi32>, vector<16xi32> -> vector<16xi32>
    %min3A_262 = arith.minsi %min3A_247, %gather3A_261 : vector<16xi32>
    %iota3A_263 = tpu.iota {dimensions = array<i32: 0>} : vector<16xi32>
    %xor3A_264 = arith.constant 8 : i32
    %xor3A_265 = vector.broadcast %xor3A_264 : i32 to vector<16xi32>
    %xor3A_266 = arith.xori %iota3A_263, %xor3A_265 : vector<16xi32>
    %lt3A_267 = arith.constant 0 : i32
    %lt3A_268 = vector.broadcast %lt3A_267 : i32 to vector<16xi32>
    %lt3A_269 = arith.cmpi slt, %xor3A_266, %lt3A_268 : vector<16xi32>
    %add3A_270 = arith.constant 16 : i32
    %add3A_271 = vector.broadcast %add3A_270 : i32 to vector<16xi32>
    %add3A_272 = arith.addi %xor3A_266, %add3A_271 : vector<16xi32>
    %select_n3A_273 = arith.select %lt3A_269, %add3A_272, %xor3A_266 : vector<16xi1>, vector<16xi32>
    %broadcast_in_dim3A_274 = vector.shape_cast %select_n3A_273 : vector<16xi32> to vector<16x1xi32>
    %gather3A_275 = vector.shape_cast %broadcast_in_dim3A_274 : vector<16x1xi32> to vector<16xi32>
    %gather3A_276 = tpu.dynamic_gather %min3A_262[%gather3A_275] in [0] : vector<16xi32>, vector<16xi32> -> vector<16xi32>
    %min3A_277 = arith.minsi %min3A_262, %gather3A_276 : vector<16xi32>
    %scan3A_278 = arith.constant 0 : i32
    %scan3A_279 = arith.constant 0 : i32
    %scan3A_280 = arith.constant 32 : i32
    %scan3A_281 = arith.addi %scan3A_279, %scan3A_280 : i32
    %scan3A_282 = arith.constant 1 : i32
    %scan3A_283 = scf.for %scan3A_980 = %scan3A_279 to %scan3A_281 step %scan3A_282 iter_args(%scan3A_981 = %scan3A_278) -> (i32)  : i32 {
      %get3A = arith.index_cast %scan3A_980 : i32 to index
      %get3A_982 = arith.constant 0 : index
      %get3A_983 = tpu.vector_load %arg6[%get3A, %get3A_982] {strides = array<i32>} : memref<32x16xi32, #tpu.memory_space<vmem>>, vector<1x16xi32>,
      %get3A_984 = vector.shape_cast %get3A_983 : vector<1x16xi32> to vector<16xi32>
      %eq3A_985 = arith.cmpi eq, %get3A_984, %min3A_277 : vector<16xi32>
      %get3A_986 = arith.index_cast %scan3A_980 : i32 to index
      %get3A_987 = arith.constant 0 : index
      %get3A_988 = tpu.vector_load %arg5[%get3A_986, %get3A_987] {strides = array<i32>} : memref<32x16xf32, #tpu.memory_space<vmem>>, vector<1x16xf32>,
      %get3A_989 = vector.shape_cast %get3A_988 : vector<1x16xf32> to vector<16xf32>
      %jit3A_990 = arith.constant -1.000000e+00 : f32
      %broadcast_in_dim3A_991 = vector.broadcast %jit3A_990 : f32 to vector<16xf32>
      %select_n3A_992 = arith.select %eq3A_985, %broadcast_in_dim3A_991, %get3A_989 : vector<16xi1>, vector<16xf32>
      %swap3A_993 = arith.index_cast %scan3A_980 : i32 to index
      %swap3A_994 = arith.constant 0 : index
      %swap3A_995 = tpu.vector_load %arg5[%swap3A_993, %swap3A_994] {strides = array<i32>} : memref<32x16xf32, #tpu.memory_space<vmem>>, vector<1x16xf32>,
      %swap3A_996 = vector.shape_cast %swap3A_995 : vector<1x16xf32> to vector<16xf32>
      %swap3A_997 = vector.shape_cast %select_n3A_992 : vector<16xf32> to vector<1x16xf32>
      tpu.vector_store %arg5[%swap3A_993, %swap3A_994], %swap3A_997 {strides = array<i32>} : memref<32x16xf32, #tpu.memory_space<vmem>>, vector<1x16xf32>,
      %scan3A_998 = arith.constant 0 : i32
      scf.yield %scan3A_998 : i32
    }
    %scan3A_284 = arith.constant 32 : i32
    %broadcast_in_dim3A_285 = arith.constant -1.000000e+00 : f32
    %broadcast_in_dim3A_286 = vector.broadcast %broadcast_in_dim3A_285 : f32 to vector<16xf32>
    %scan3A_287 = arith.constant 0 : i32
    %scan3A_288 = arith.constant 32 : i32
    %scan3A_289 = arith.addi %scan3A_287, %scan3A_288 : i32
    %scan3A_290 = arith.constant 1 : i32
    %scan3A_291 = scf.for %scan3A_980 = %scan3A_287 to %scan3A_289 step %scan3A_290 iter_args(%scan3A_981 = %broadcast_in_dim3A_286) -> (vector<16xf32>)  : i32 {
      %get3A = arith.index_cast %scan3A_980 : i32 to index
      %get3A_982 = arith.constant 0 : index
      %get3A_983 = tpu.vector_load %arg5[%get3A, %get3A_982] {strides = array<i32>} : memref<32x16xf32, #tpu.memory_space<vmem>>, vector<1x16xf32>,
      %get3A_984 = vector.shape_cast %get3A_983 : vector<1x16xf32> to vector<16xf32>
      %max3A_985 = arith.maximumf %scan3A_981, %get3A_984 : vector<16xf32>
      scf.yield %max3A_985 : vector<16xf32>
    }
    %scan3A_292 = arith.constant 32 : i32
    %iota3A_293 = tpu.iota {dimensions = array<i32: 0>} : vector<16xi32>
    %xor3A_294 = arith.constant 1 : i32
    %xor3A_295 = vector.broadcast %xor3A_294 : i32 to vector<16xi32>
    %xor3A_296 = arith.xori %iota3A_293, %xor3A_295 : vector<16xi32>
    %lt3A_297 = arith.constant 0 : i32
    %lt3A_298 = vector.broadcast %lt3A_297 : i32 to vector<16xi32>
    %lt3A_299 = arith.cmpi slt, %xor3A_296, %lt3A_298 : vector<16xi32>
    %add3A_300 = arith.constant 16 : i32
    %add3A_301 = vector.broadcast %add3A_300 : i32 to vector<16xi32>
    %add3A_302 = arith.addi %xor3A_296, %add3A_301 : vector<16xi32>
    %select_n3A_303 = arith.select %lt3A_299, %add3A_302, %xor3A_296 : vector<16xi1>, vector<16xi32>
    %broadcast_in_dim3A_304 = vector.shape_cast %select_n3A_303 : vector<16xi32> to vector<16x1xi32>
    %gather3A_305 = vector.shape_cast %broadcast_in_dim3A_304 : vector<16x1xi32> to vector<16xi32>
    %gather3A_306 = tpu.dynamic_gather %scan3A_291[%gather3A_305] in [0] : vector<16xf32>, vector<16xi32> -> vector<16xf32>
    %max3A_307 = arith.maximumf %scan3A_291, %gather3A_306 : vector<16xf32>
    %iota3A_308 = tpu.iota {dimensions = array<i32: 0>} : vector<16xi32>
    %xor3A_309 = arith.constant 2 : i32
    %xor3A_310 = vector.broadcast %xor3A_309 : i32 to vector<16xi32>
    %xor3A_311 = arith.xori %iota3A_308, %xor3A_310 : vector<16xi32>
    %lt3A_312 = arith.constant 0 : i32
    %lt3A_313 = vector.broadcast %lt3A_312 : i32 to vector<16xi32>
    %lt3A_314 = arith.cmpi slt, %xor3A_311, %lt3A_313 : vector<16xi32>
    %add3A_315 = arith.constant 16 : i32
    %add3A_316 = vector.broadcast %add3A_315 : i32 to vector<16xi32>
    %add3A_317 = arith.addi %xor3A_311, %add3A_316 : vector<16xi32>
    %select_n3A_318 = arith.select %lt3A_314, %add3A_317, %xor3A_311 : vector<16xi1>, vector<16xi32>
    %broadcast_in_dim3A_319 = vector.shape_cast %select_n3A_318 : vector<16xi32> to vector<16x1xi32>
    %gather3A_320 = vector.shape_cast %broadcast_in_dim3A_319 : vector<16x1xi32> to vector<16xi32>
    %gather3A_321 = tpu.dynamic_gather %max3A_307[%gather3A_320] in [0] : vector<16xf32>, vector<16xi32> -> vector<16xf32>
    %max3A_322 = arith.maximumf %max3A_307, %gather3A_321 : vector<16xf32>
    %iota3A_323 = tpu.iota {dimensions = array<i32: 0>} : vector<16xi32>
    %xor3A_324 = arith.constant 4 : i32
    %xor3A_325 = vector.broadcast %xor3A_324 : i32 to vector<16xi32>
    %xor3A_326 = arith.xori %iota3A_323, %xor3A_325 : vector<16xi32>
    %lt3A_327 = arith.constant 0 : i32
    %lt3A_328 = vector.broadcast %lt3A_327 : i32 to vector<16xi32>
    %lt3A_329 = arith.cmpi slt, %xor3A_326, %lt3A_328 : vector<16xi32>
    %add3A_330 = arith.constant 16 : i32
    %add3A_331 = vector.broadcast %add3A_330 : i32 to vector<16xi32>
    %add3A_332 = arith.addi %xor3A_326, %add3A_331 : vector<16xi32>
    %select_n3A_333 = arith.select %lt3A_329, %add3A_332, %xor3A_326 : vector<16xi1>, vector<16xi32>
    %broadcast_in_dim3A_334 = vector.shape_cast %select_n3A_333 : vector<16xi32> to vector<16x1xi32>
    %gather3A_335 = vector.shape_cast %broadcast_in_dim3A_334 : vector<16x1xi32> to vector<16xi32>
    %gather3A_336 = tpu.dynamic_gather %max3A_322[%gather3A_335] in [0] : vector<16xf32>, vector<16xi32> -> vector<16xf32>
    %max3A_337 = arith.maximumf %max3A_322, %gather3A_336 : vector<16xf32>
    %iota3A_338 = tpu.iota {dimensions = array<i32: 0>} : vector<16xi32>
    %xor3A_339 = arith.constant 8 : i32
    %xor3A_340 = vector.broadcast %xor3A_339 : i32 to vector<16xi32>
    %xor3A_341 = arith.xori %iota3A_338, %xor3A_340 : vector<16xi32>
    %lt3A_342 = arith.constant 0 : i32
    %lt3A_343 = vector.broadcast %lt3A_342 : i32 to vector<16xi32>
    %lt3A_344 = arith.cmpi slt, %xor3A_341, %lt3A_343 : vector<16xi32>
    %add3A_345 = arith.constant 16 : i32
    %add3A_346 = vector.broadcast %add3A_345 : i32 to vector<16xi32>
    %add3A_347 = arith.addi %xor3A_341, %add3A_346 : vector<16xi32>
    %select_n3A_348 = arith.select %lt3A_344, %add3A_347, %xor3A_341 : vector<16xi1>, vector<16xi32>
    %broadcast_in_dim3A_349 = vector.shape_cast %select_n3A_348 : vector<16xi32> to vector<16x1xi32>
    %gather3A_350 = vector.shape_cast %broadcast_in_dim3A_349 : vector<16x1xi32> to vector<16xi32>
    %gather3A_351 = tpu.dynamic_gather %max3A_337[%gather3A_350] in [0] : vector<16xf32>, vector<16xi32> -> vector<16xf32>
    %max3A_352 = arith.maximumf %max3A_337, %gather3A_351 : vector<16xf32>
    %broadcast_in_dim3A_353 = arith.constant 1073741824 : i32
    %broadcast_in_dim3A_354 = vector.broadcast %broadcast_in_dim3A_353 : i32 to vector<16xi32>
    %scan3A_355 = arith.constant 0 : i32
    %scan3A_356 = arith.constant 32 : i32
    %scan3A_357 = arith.addi %scan3A_355, %scan3A_356 : i32
    %scan3A_358 = arith.constant 1 : i32
    %scan3A_359 = scf.for %scan3A_980 = %scan3A_355 to %scan3A_357 step %scan3A_358 iter_args(%scan3A_981 = %broadcast_in_dim3A_354) -> (vector<16xi32>)  : i32 {
      %get3A = arith.index_cast %scan3A_980 : i32 to index
      %get3A_982 = arith.constant 0 : index
      %get3A_983 = tpu.vector_load %arg5[%get3A, %get3A_982] {strides = array<i32>} : memref<32x16xf32, #tpu.memory_space<vmem>>, vector<1x16xf32>,
      %get3A_984 = vector.shape_cast %get3A_983 : vector<1x16xf32> to vector<16xf32>
      %eq3A_985 = arith.cmpf oeq, %get3A_984, %max3A_352 : vector<16xf32>
      %get3A_986 = arith.index_cast %scan3A_980 : i32 to index
      %get3A_987 = arith.constant 0 : index
      %get3A_988 = tpu.vector_load %arg6[%get3A_986, %get3A_987] {strides = array<i32>} : memref<32x16xi32, #tpu.memory_space<vmem>>, vector<1x16xi32>,
      %get3A_989 = vector.shape_cast %get3A_988 : vector<1x16xi32> to vector<16xi32>
      %jit3A_990 = arith.constant 1073741824 : i32
      %broadcast_in_dim3A_991 = vector.broadcast %jit3A_990 : i32 to vector<16xi32>
      %select_n3A_992 = arith.select %eq3A_985, %get3A_989, %broadcast_in_dim3A_991 : vector<16xi1>, vector<16xi32>
      %min3A_993 = arith.minsi %scan3A_981, %select_n3A_992 : vector<16xi32>
      scf.yield %min3A_993 : vector<16xi32>
    }
    %scan3A_360 = arith.constant 32 : i32
    %iota3A_361 = tpu.iota {dimensions = array<i32: 0>} : vector<16xi32>
    %xor3A_362 = arith.constant 1 : i32
    %xor3A_363 = vector.broadcast %xor3A_362 : i32 to vector<16xi32>
    %xor3A_364 = arith.xori %iota3A_361, %xor3A_363 : vector<16xi32>
    %lt3A_365 = arith.constant 0 : i32
    %lt3A_366 = vector.broadcast %lt3A_365 : i32 to vector<16xi32>
    %lt3A_367 = arith.cmpi slt, %xor3A_364, %lt3A_366 : vector<16xi32>
    %add3A_368 = arith.constant 16 : i32
    %add3A_369 = vector.broadcast %add3A_368 : i32 to vector<16xi32>
    %add3A_370 = arith.addi %xor3A_364, %add3A_369 : vector<16xi32>
    %select_n3A_371 = arith.select %lt3A_367, %add3A_370, %xor3A_364 : vector<16xi1>, vector<16xi32>
    %broadcast_in_dim3A_372 = vector.shape_cast %select_n3A_371 : vector<16xi32> to vector<16x1xi32>
    %gather3A_373 = vector.shape_cast %broadcast_in_dim3A_372 : vector<16x1xi32> to vector<16xi32>
    %gather3A_374 = tpu.dynamic_gather %scan3A_359[%gather3A_373] in [0] : vector<16xi32>, vector<16xi32> -> vector<16xi32>
    %min3A_375 = arith.minsi %scan3A_359, %gather3A_374 : vector<16xi32>
    %iota3A_376 = tpu.iota {dimensions = array<i32: 0>} : vector<16xi32>
    %xor3A_377 = arith.constant 2 : i32
    %xor3A_378 = vector.broadcast %xor3A_377 : i32 to vector<16xi32>
    %xor3A_379 = arith.xori %iota3A_376, %xor3A_378 : vector<16xi32>
    %lt3A_380 = arith.constant 0 : i32
    %lt3A_381 = vector.broadcast %lt3A_380 : i32 to vector<16xi32>
    %lt3A_382 = arith.cmpi slt, %xor3A_379, %lt3A_381 : vector<16xi32>
    %add3A_383 = arith.constant 16 : i32
    %add3A_384 = vector.broadcast %add3A_383 : i32 to vector<16xi32>
    %add3A_385 = arith.addi %xor3A_379, %add3A_384 : vector<16xi32>
    %select_n3A_386 = arith.select %lt3A_382, %add3A_385, %xor3A_379 : vector<16xi1>, vector<16xi32>
    %broadcast_in_dim3A_387 = vector.shape_cast %select_n3A_386 : vector<16xi32> to vector<16x1xi32>
    %gather3A_388 = vector.shape_cast %broadcast_in_dim3A_387 : vector<16x1xi32> to vector<16xi32>
    %gather3A_389 = tpu.dynamic_gather %min3A_375[%gather3A_388] in [0] : vector<16xi32>, vector<16xi32> -> vector<16xi32>
    %min3A_390 = arith.minsi %min3A_375, %gather3A_389 : vector<16xi32>
    %iota3A_391 = tpu.iota {dimensions = array<i32: 0>} : vector<16xi32>
    %xor3A_392 = arith.constant 4 : i32
    %xor3A_393 = vector.broadcast %xor3A_392 : i32 to vector<16xi32>
    %xor3A_394 = arith.xori %iota3A_391, %xor3A_393 : vector<16xi32>
    %lt3A_395 = arith.constant 0 : i32
    %lt3A_396 = vector.broadcast %lt3A_395 : i32 to vector<16xi32>
    %lt3A_397 = arith.cmpi slt, %xor3A_394, %lt3A_396 : vector<16xi32>
    %add3A_398 = arith.constant 16 : i32
    %add3A_399 = vector.broadcast %add3A_398 : i32 to vector<16xi32>
    %add3A_400 = arith.addi %xor3A_394, %add3A_399 : vector<16xi32>
    %select_n3A_401 = arith.select %lt3A_397, %add3A_400, %xor3A_394 : vector<16xi1>, vector<16xi32>
    %broadcast_in_dim3A_402 = vector.shape_cast %select_n3A_401 : vector<16xi32> to vector<16x1xi32>
    %gather3A_403 = vector.shape_cast %broadcast_in_dim3A_402 : vector<16x1xi32> to vector<16xi32>
    %gather3A_404 = tpu.dynamic_gather %min3A_390[%gather3A_403] in [0] : vector<16xi32>, vector<16xi32> -> vector<16xi32>
    %min3A_405 = arith.minsi %min3A_390, %gather3A_404 : vector<16xi32>
    %iota3A_406 = tpu.iota {dimensions = array<i32: 0>} : vector<16xi32>
    %xor3A_407 = arith.constant 8 : i32
    %xor3A_408 = vector.broadcast %xor3A_407 : i32 to vector<16xi32>
    %xor3A_409 = arith.xori %iota3A_406, %xor3A_408 : vector<16xi32>
    %lt3A_410 = arith.constant 0 : i32
    %lt3A_411 = vector.broadcast %lt3A_410 : i32 to vector<16xi32>
    %lt3A_412 = arith.cmpi slt, %xor3A_409, %lt3A_411 : vector<16xi32>
    %add3A_413 = arith.constant 16 : i32
    %add3A_414 = vector.broadcast %add3A_413 : i32 to vector<16xi32>
    %add3A_415 = arith.addi %xor3A_409, %add3A_414 : vector<16xi32>
    %select_n3A_416 = arith.select %lt3A_412, %add3A_415, %xor3A_409 : vector<16xi1>, vector<16xi32>
    %broadcast_in_dim3A_417 = vector.shape_cast %select_n3A_416 : vector<16xi32> to vector<16x1xi32>
    %gather3A_418 = vector.shape_cast %broadcast_in_dim3A_417 : vector<16x1xi32> to vector<16xi32>
    %gather3A_419 = tpu.dynamic_gather %min3A_405[%gather3A_418] in [0] : vector<16xi32>, vector<16xi32> -> vector<16xi32>
    %min3A_420 = arith.minsi %min3A_405, %gather3A_419 : vector<16xi32>
    %scan3A_421 = arith.constant 0 : i32
    %scan3A_422 = arith.constant 0 : i32
    %scan3A_423 = arith.constant 32 : i32
    %scan3A_424 = arith.addi %scan3A_422, %scan3A_423 : i32
    %scan3A_425 = arith.constant 1 : i32
    %scan3A_426 = scf.for %scan3A_980 = %scan3A_422 to %scan3A_424 step %scan3A_425 iter_args(%scan3A_981 = %scan3A_421) -> (i32)  : i32 {
      %get3A = arith.index_cast %scan3A_980 : i32 to index
      %get3A_982 = arith.constant 0 : index
      %get3A_983 = tpu.vector_load %arg6[%get3A, %get3A_982] {strides = array<i32>} : memref<32x16xi32, #tpu.memory_space<vmem>>, vector<1x16xi32>,
      %get3A_984 = vector.shape_cast %get3A_983 : vector<1x16xi32> to vector<16xi32>
      %eq3A_985 = arith.cmpi eq, %get3A_984, %min3A_420 : vector<16xi32>
      %get3A_986 = arith.index_cast %scan3A_980 : i32 to index
      %get3A_987 = arith.constant 0 : index
      %get3A_988 = tpu.vector_load %arg5[%get3A_986, %get3A_987] {strides = array<i32>} : memref<32x16xf32, #tpu.memory_space<vmem>>, vector<1x16xf32>,
      %get3A_989 = vector.shape_cast %get3A_988 : vector<1x16xf32> to vector<16xf32>
      %jit3A_990 = arith.constant -1.000000e+00 : f32
      %broadcast_in_dim3A_991 = vector.broadcast %jit3A_990 : f32 to vector<16xf32>
      %select_n3A_992 = arith.select %eq3A_985, %broadcast_in_dim3A_991, %get3A_989 : vector<16xi1>, vector<16xf32>
      %swap3A_993 = arith.index_cast %scan3A_980 : i32 to index
      %swap3A_994 = arith.constant 0 : index
      %swap3A_995 = tpu.vector_load %arg5[%swap3A_993, %swap3A_994] {strides = array<i32>} : memref<32x16xf32, #tpu.memory_space<vmem>>, vector<1x16xf32>,
      %swap3A_996 = vector.shape_cast %swap3A_995 : vector<1x16xf32> to vector<16xf32>
      %swap3A_997 = vector.shape_cast %select_n3A_992 : vector<16xf32> to vector<1x16xf32>
      tpu.vector_store %arg5[%swap3A_993, %swap3A_994], %swap3A_997 {strides = array<i32>} : memref<32x16xf32, #tpu.memory_space<vmem>>, vector<1x16xf32>,
      %scan3A_998 = arith.constant 0 : i32
      scf.yield %scan3A_998 : i32
    }
    %scan3A_427 = arith.constant 32 : i32
    %gt3A = arith.constant 5.000000e-01 : f32
    %gt3A_428 = vector.broadcast %gt3A : f32 to vector<16xf32>
    %gt3A_429 = arith.cmpf ogt, %max3A_67, %gt3A_428 : vector<16xf32>
    %jit3A = arith.constant 1 : i32
    %jit3A_430 = arith.constant 0 : i32
    %broadcast_in_dim3A_431 = vector.broadcast %jit3A : i32 to vector<16xi32>
    %broadcast_in_dim3A_432 = vector.broadcast %jit3A_430 : i32 to vector<16xi32>
    %select_n3A_433 = arith.select %gt3A_429, %broadcast_in_dim3A_431, %broadcast_in_dim3A_432 : vector<16xi1>, vector<16xi32>
    %gt3A_434 = arith.constant 5.000000e-01 : f32
    %gt3A_435 = vector.broadcast %gt3A_434 : f32 to vector<16xf32>
    %gt3A_436 = arith.cmpf ogt, %max3A_209, %gt3A_435 : vector<16xf32>
    %jit3A_437 = arith.constant 1 : i32
    %jit3A_438 = arith.constant 0 : i32
    %broadcast_in_dim3A_439 = vector.broadcast %jit3A_437 : i32 to vector<16xi32>
    %broadcast_in_dim3A_440 = vector.broadcast %jit3A_438 : i32 to vector<16xi32>
    %select_n3A_441 = arith.select %gt3A_436, %broadcast_in_dim3A_439, %broadcast_in_dim3A_440 : vector<16xi1>, vector<16xi32>
    %add3A_442 = arith.addi %select_n3A_433, %select_n3A_441 : vector<16xi32>
    %gt3A_443 = arith.constant 5.000000e-01 : f32
    %gt3A_444 = vector.broadcast %gt3A_443 : f32 to vector<16xf32>
    %gt3A_445 = arith.cmpf ogt, %max3A_352, %gt3A_444 : vector<16xf32>
    %jit3A_446 = arith.constant 1 : i32
    %jit3A_447 = arith.constant 0 : i32
    %broadcast_in_dim3A_448 = vector.broadcast %jit3A_446 : i32 to vector<16xi32>
    %broadcast_in_dim3A_449 = vector.broadcast %jit3A_447 : i32 to vector<16xi32>
    %select_n3A_450 = arith.select %gt3A_445, %broadcast_in_dim3A_448, %broadcast_in_dim3A_449 : vector<16xi1>, vector<16xi32>
    %add3A_451 = arith.addi %add3A_442, %select_n3A_450 : vector<16xi32>
    %lt3A_452 = arith.constant 3 : i32
    %lt3A_453 = vector.broadcast %lt3A_452 : i32 to vector<16xi32>
    %lt3A_454 = arith.cmpi slt, %add3A_451, %lt3A_453 : vector<16xi32>
    %gt3A_455 = arith.constant 1.000000e-01 : f32
    %gt3A_456 = vector.broadcast %gt3A_455 : f32 to vector<16xf32>
    %gt3A_457 = arith.cmpf ogt, %max3A_209, %gt3A_456 : vector<16xf32>
    %and3A = arith.andi %gt3A_457, %lt3A_454 : vector<16xi1>
    %jit3A_458 = arith.constant -1 : i32
    %broadcast_in_dim3A_459 = vector.broadcast %jit3A_458 : i32 to vector<16xi32>
    %select_n3A_460 = arith.select %and3A, %min3A_277, %broadcast_in_dim3A_459 : vector<16xi1>, vector<16xi32>
    %gt3A_461 = arith.constant 1.000000e-01 : f32
    %gt3A_462 = vector.broadcast %gt3A_461 : f32 to vector<16xf32>
    %gt3A_463 = arith.cmpf ogt, %max3A_352, %gt3A_462 : vector<16xf32>
    %and3A_464 = arith.andi %gt3A_463, %lt3A_454 : vector<16xi1>
    %jit3A_465 = arith.constant -1 : i32
    %broadcast_in_dim3A_466 = vector.broadcast %jit3A_465 : i32 to vector<16xi32>
    %select_n3A_467 = arith.select %and3A_464, %min3A_420, %broadcast_in_dim3A_466 : vector<16xi1>, vector<16xi32>
    %eq3A = arith.constant 0 : i32
    %eq3A_468 = vector.broadcast %eq3A : i32 to vector<16xi32>
    %eq3A_469 = arith.cmpi eq, %iota3A, %eq3A_468 : vector<16xi32>
    %eq3A_470 = arith.constant 1 : i32
    %eq3A_471 = vector.broadcast %eq3A_470 : i32 to vector<16xi32>
    %eq3A_472 = arith.cmpi eq, %iota3A, %eq3A_471 : vector<16xi32>
    %eq3A_473 = arith.constant 2 : i32
    %eq3A_474 = vector.broadcast %eq3A_473 : i32 to vector<16xi32>
    %eq3A_475 = arith.cmpi eq, %iota3A, %eq3A_474 : vector<16xi32>
    %jit3A_476 = arith.constant -1 : i32
    %broadcast_in_dim3A_477 = vector.broadcast %jit3A_476 : i32 to vector<16xi32>
    %select_n3A_478 = arith.select %eq3A_475, %select_n3A_467, %broadcast_in_dim3A_477 : vector<16xi1>, vector<16xi32>
    %select_n3A_479 = arith.select %eq3A_472, %select_n3A_460, %select_n3A_478 : vector<16xi1>, vector<16xi32>
    %select_n3A_480 = arith.select %eq3A_469, %min3A_134, %select_n3A_479 : vector<16xi1>, vector<16xi32>
    %swap3A = arith.constant 0 : index
    %swap3A_481 = tpu.vector_load %arg7[%swap3A] {strides = array<i32>} : memref<16xi32, #tpu.memory_space<vmem>>, vector<16xi32>,
    %swap3A_482 = vector.shape_cast %swap3A_481 : vector<16xi32> to vector<16xi32>
    %swap3A_483 = vector.shape_cast %select_n3A_480 : vector<16xi32> to vector<16xi32>
    tpu.vector_store %arg7[%swap3A], %swap3A_483 {strides = array<i32>} : memref<16xi32, #tpu.memory_space<vmem>>, vector<16xi32>,
    "tpu.region"() ({
      %run_scoped3A = tpu.sem_alloc : memref<!tpu.dma_semaphore, #tpu.memory_space<semaphore_mem>>
      %dma_start3A = tpu.memref_slice %arg4[%mul3A_6] : memref<1024xi32, #tpu.memory_space<hbm>> -> memref<16xi32, #tpu.memory_space<hbm>>
      %dma_start3A_980 = tpu.memref_slice %arg4[%mul3A_6] : memref<1024xi32, #tpu.memory_space<hbm>> -> memref<16xi32, #tpu.memory_space<hbm>>
      tpu.enqueue_dma source(%arg7 : memref<16xi32, #tpu.memory_space<vmem>>) target(%dma_start3A_980 : memref<16xi32, #tpu.memory_space<hbm>>) target_semaphore(%run_scoped3A : memref<!tpu.dma_semaphore, #tpu.memory_space<semaphore_mem>>)
      %dma_wait3A = tpu.memref_slice %arg4[%mul3A_6] : memref<1024xi32, #tpu.memory_space<hbm>> -> memref<16xi32, #tpu.memory_space<hbm>>
      %dma_wait3A_981 = tpu.memref_slice %arg4[%mul3A_6] : memref<1024xi32, #tpu.memory_space<hbm>> -> memref<16xi32, #tpu.memory_space<hbm>>
      tpu.wait_dma2 semaphore(%run_scoped3A : memref<!tpu.dma_semaphore, #tpu.memory_space<semaphore_mem>>) src(%arg7 : memref<16xi32, #tpu.memory_space<vmem>>) dst(%dma_wait3A_981 : memref<16xi32, #tpu.memory_space<hbm>>)
      tpu.yield
    }) : () -> ()
    %mul3A_484 = arith.constant 2 : i32
    %mul3A_485 = arith.muli %add3A, %mul3A_484 : i32
    %add3A_486 = arith.constant 1 : i32
    %add3A_487 = arith.addi %mul3A_485, %add3A_486 : i32
    %mul3A_488 = arith.constant 16 : i32
    %mul3A_489 = arith.muli %add3A_487, %mul3A_488 : i32
    "tpu.region"() ({
      %run_scoped3A = tpu.sem_alloc : memref<!tpu.dma_semaphore, #tpu.memory_space<semaphore_mem>>
      %dma_start3A = arith.constant 0 : i32
      %dma_start3A_980 = arith.constant 0 : i32
      %dma_start3A_981 = tpu.memref_slice %arg2[%dma_start3A, %add3A_487, %dma_start3A_980] : memref<32x64x16xf32, #tpu.memory_space<hbm>> -> memref<32x1x16xf32, #tpu.memory_space<hbm>>
      %dma_start3A_982 = tpu.memref_squeeze %dma_start3A_981 : memref<32x1x16xf32, #tpu.memory_space<hbm>> -> memref<32x16xf32, #tpu.memory_space<hbm>>
      %dma_start3A_983 = arith.constant 0 : i32
      %dma_start3A_984 = arith.constant 0 : i32
      %dma_start3A_985 = tpu.memref_slice %arg2[%dma_start3A_983, %add3A_487, %dma_start3A_984] : memref<32x64x16xf32, #tpu.memory_space<hbm>> -> memref<32x1x16xf32, #tpu.memory_space<hbm>>
      %dma_start3A_986 = tpu.memref_squeeze %dma_start3A_985 : memref<32x1x16xf32, #tpu.memory_space<hbm>> -> memref<32x16xf32, #tpu.memory_space<hbm>>
      tpu.enqueue_dma source(%dma_start3A_986 : memref<32x16xf32, #tpu.memory_space<hbm>>) target(%arg5 : memref<32x16xf32, #tpu.memory_space<vmem>>) target_semaphore(%run_scoped3A : memref<!tpu.dma_semaphore, #tpu.memory_space<semaphore_mem>>)
      %dma_wait3A = arith.constant 0 : i32
      %dma_wait3A_987 = arith.constant 0 : i32
      %dma_wait3A_988 = tpu.memref_slice %arg2[%dma_wait3A, %add3A_487, %dma_wait3A_987] : memref<32x64x16xf32, #tpu.memory_space<hbm>> -> memref<32x1x16xf32, #tpu.memory_space<hbm>>
      %dma_wait3A_989 = tpu.memref_squeeze %dma_wait3A_988 : memref<32x1x16xf32, #tpu.memory_space<hbm>> -> memref<32x16xf32, #tpu.memory_space<hbm>>
      %dma_wait3A_990 = arith.constant 0 : i32
      %dma_wait3A_991 = arith.constant 0 : i32
      %dma_wait3A_992 = tpu.memref_slice %arg2[%dma_wait3A_990, %add3A_487, %dma_wait3A_991] : memref<32x64x16xf32, #tpu.memory_space<hbm>> -> memref<32x1x16xf32, #tpu.memory_space<hbm>>
      %dma_wait3A_993 = tpu.memref_squeeze %dma_wait3A_992 : memref<32x1x16xf32, #tpu.memory_space<hbm>> -> memref<32x16xf32, #tpu.memory_space<hbm>>
      tpu.wait_dma2 semaphore(%run_scoped3A : memref<!tpu.dma_semaphore, #tpu.memory_space<semaphore_mem>>) src(%dma_wait3A_993 : memref<32x16xf32, #tpu.memory_space<hbm>>) dst(%arg5 : memref<32x16xf32, #tpu.memory_space<vmem>>)
      tpu.yield
    }) : () -> ()
    "tpu.region"() ({
      %run_scoped3A = tpu.sem_alloc : memref<!tpu.dma_semaphore, #tpu.memory_space<semaphore_mem>>
      %dma_start3A = arith.constant 0 : i32
      %dma_start3A_980 = arith.constant 0 : i32
      %dma_start3A_981 = tpu.memref_slice %arg3[%dma_start3A, %add3A_487, %dma_start3A_980] : memref<32x64x16xi32, #tpu.memory_space<hbm>> -> memref<32x1x16xi32, #tpu.memory_space<hbm>>
      %dma_start3A_982 = tpu.memref_squeeze %dma_start3A_981 : memref<32x1x16xi32, #tpu.memory_space<hbm>> -> memref<32x16xi32, #tpu.memory_space<hbm>>
      %dma_start3A_983 = arith.constant 0 : i32
      %dma_start3A_984 = arith.constant 0 : i32
      %dma_start3A_985 = tpu.memref_slice %arg3[%dma_start3A_983, %add3A_487, %dma_start3A_984] : memref<32x64x16xi32, #tpu.memory_space<hbm>> -> memref<32x1x16xi32, #tpu.memory_space<hbm>>
      %dma_start3A_986 = tpu.memref_squeeze %dma_start3A_985 : memref<32x1x16xi32, #tpu.memory_space<hbm>> -> memref<32x16xi32, #tpu.memory_space<hbm>>
      tpu.enqueue_dma source(%dma_start3A_986 : memref<32x16xi32, #tpu.memory_space<hbm>>) target(%arg6 : memref<32x16xi32, #tpu.memory_space<vmem>>) target_semaphore(%run_scoped3A : memref<!tpu.dma_semaphore, #tpu.memory_space<semaphore_mem>>)
      %dma_wait3A = arith.constant 0 : i32
      %dma_wait3A_987 = arith.constant 0 : i32
      %dma_wait3A_988 = tpu.memref_slice %arg3[%dma_wait3A, %add3A_487, %dma_wait3A_987] : memref<32x64x16xi32, #tpu.memory_space<hbm>> -> memref<32x1x16xi32, #tpu.memory_space<hbm>>
      %dma_wait3A_989 = tpu.memref_squeeze %dma_wait3A_988 : memref<32x1x16xi32, #tpu.memory_space<hbm>> -> memref<32x16xi32, #tpu.memory_space<hbm>>
      %dma_wait3A_990 = arith.constant 0 : i32
      %dma_wait3A_991 = arith.constant 0 : i32
      %dma_wait3A_992 = tpu.memref_slice %arg3[%dma_wait3A_990, %add3A_487, %dma_wait3A_991] : memref<32x64x16xi32, #tpu.memory_space<hbm>> -> memref<32x1x16xi32, #tpu.memory_space<hbm>>
      %dma_wait3A_993 = tpu.memref_squeeze %dma_wait3A_992 : memref<32x1x16xi32, #tpu.memory_space<hbm>> -> memref<32x16xi32, #tpu.memory_space<hbm>>
      tpu.wait_dma2 semaphore(%run_scoped3A : memref<!tpu.dma_semaphore, #tpu.memory_space<semaphore_mem>>) src(%dma_wait3A_993 : memref<32x16xi32, #tpu.memory_space<hbm>>) dst(%arg6 : memref<32x16xi32, #tpu.memory_space<vmem>>)
      tpu.yield
    }) : () -> ()
    %broadcast_in_dim3A_490 = arith.constant -1.000000e+00 : f32
    %broadcast_in_dim3A_491 = vector.broadcast %broadcast_in_dim3A_490 : f32 to vector<16xf32>
    %scan3A_492 = arith.constant 0 : i32
    %scan3A_493 = arith.constant 32 : i32
    %scan3A_494 = arith.addi %scan3A_492, %scan3A_493 : i32
    %scan3A_495 = arith.constant 1 : i32
    %scan3A_496 = scf.for %scan3A_980 = %scan3A_492 to %scan3A_494 step %scan3A_495 iter_args(%scan3A_981 = %broadcast_in_dim3A_491) -> (vector<16xf32>)  : i32 {
      %get3A = arith.index_cast %scan3A_980 : i32 to index
      %get3A_982 = arith.constant 0 : index
      %get3A_983 = tpu.vector_load %arg5[%get3A, %get3A_982] {strides = array<i32>} : memref<32x16xf32, #tpu.memory_space<vmem>>, vector<1x16xf32>,
      %get3A_984 = vector.shape_cast %get3A_983 : vector<1x16xf32> to vector<16xf32>
      %max3A_985 = arith.maximumf %scan3A_981, %get3A_984 : vector<16xf32>
      scf.yield %max3A_985 : vector<16xf32>
    }
    %scan3A_497 = arith.constant 32 : i32
    %iota3A_498 = tpu.iota {dimensions = array<i32: 0>} : vector<16xi32>
    %xor3A_499 = arith.constant 1 : i32
    %xor3A_500 = vector.broadcast %xor3A_499 : i32 to vector<16xi32>
    %xor3A_501 = arith.xori %iota3A_498, %xor3A_500 : vector<16xi32>
    %lt3A_502 = arith.constant 0 : i32
    %lt3A_503 = vector.broadcast %lt3A_502 : i32 to vector<16xi32>
    %lt3A_504 = arith.cmpi slt, %xor3A_501, %lt3A_503 : vector<16xi32>
    %add3A_505 = arith.constant 16 : i32
    %add3A_506 = vector.broadcast %add3A_505 : i32 to vector<16xi32>
    %add3A_507 = arith.addi %xor3A_501, %add3A_506 : vector<16xi32>
    %select_n3A_508 = arith.select %lt3A_504, %add3A_507, %xor3A_501 : vector<16xi1>, vector<16xi32>
    %broadcast_in_dim3A_509 = vector.shape_cast %select_n3A_508 : vector<16xi32> to vector<16x1xi32>
    %gather3A_510 = vector.shape_cast %broadcast_in_dim3A_509 : vector<16x1xi32> to vector<16xi32>
    %gather3A_511 = tpu.dynamic_gather %scan3A_496[%gather3A_510] in [0] : vector<16xf32>, vector<16xi32> -> vector<16xf32>
    %max3A_512 = arith.maximumf %scan3A_496, %gather3A_511 : vector<16xf32>
    %iota3A_513 = tpu.iota {dimensions = array<i32: 0>} : vector<16xi32>
    %xor3A_514 = arith.constant 2 : i32
    %xor3A_515 = vector.broadcast %xor3A_514 : i32 to vector<16xi32>
    %xor3A_516 = arith.xori %iota3A_513, %xor3A_515 : vector<16xi32>
    %lt3A_517 = arith.constant 0 : i32
    %lt3A_518 = vector.broadcast %lt3A_517 : i32 to vector<16xi32>
    %lt3A_519 = arith.cmpi slt, %xor3A_516, %lt3A_518 : vector<16xi32>
    %add3A_520 = arith.constant 16 : i32
    %add3A_521 = vector.broadcast %add3A_520 : i32 to vector<16xi32>
    %add3A_522 = arith.addi %xor3A_516, %add3A_521 : vector<16xi32>
    %select_n3A_523 = arith.select %lt3A_519, %add3A_522, %xor3A_516 : vector<16xi1>, vector<16xi32>
    %broadcast_in_dim3A_524 = vector.shape_cast %select_n3A_523 : vector<16xi32> to vector<16x1xi32>
    %gather3A_525 = vector.shape_cast %broadcast_in_dim3A_524 : vector<16x1xi32> to vector<16xi32>
    %gather3A_526 = tpu.dynamic_gather %max3A_512[%gather3A_525] in [0] : vector<16xf32>, vector<16xi32> -> vector<16xf32>
    %max3A_527 = arith.maximumf %max3A_512, %gather3A_526 : vector<16xf32>
    %iota3A_528 = tpu.iota {dimensions = array<i32: 0>} : vector<16xi32>
    %xor3A_529 = arith.constant 4 : i32
    %xor3A_530 = vector.broadcast %xor3A_529 : i32 to vector<16xi32>
    %xor3A_531 = arith.xori %iota3A_528, %xor3A_530 : vector<16xi32>
    %lt3A_532 = arith.constant 0 : i32
    %lt3A_533 = vector.broadcast %lt3A_532 : i32 to vector<16xi32>
    %lt3A_534 = arith.cmpi slt, %xor3A_531, %lt3A_533 : vector<16xi32>
    %add3A_535 = arith.constant 16 : i32
    %add3A_536 = vector.broadcast %add3A_535 : i32 to vector<16xi32>
    %add3A_537 = arith.addi %xor3A_531, %add3A_536 : vector<16xi32>
    %select_n3A_538 = arith.select %lt3A_534, %add3A_537, %xor3A_531 : vector<16xi1>, vector<16xi32>
    %broadcast_in_dim3A_539 = vector.shape_cast %select_n3A_538 : vector<16xi32> to vector<16x1xi32>
    %gather3A_540 = vector.shape_cast %broadcast_in_dim3A_539 : vector<16x1xi32> to vector<16xi32>
    %gather3A_541 = tpu.dynamic_gather %max3A_527[%gather3A_540] in [0] : vector<16xf32>, vector<16xi32> -> vector<16xf32>
    %max3A_542 = arith.maximumf %max3A_527, %gather3A_541 : vector<16xf32>
    %iota3A_543 = tpu.iota {dimensions = array<i32: 0>} : vector<16xi32>
    %xor3A_544 = arith.constant 8 : i32
    %xor3A_545 = vector.broadcast %xor3A_544 : i32 to vector<16xi32>
    %xor3A_546 = arith.xori %iota3A_543, %xor3A_545 : vector<16xi32>
    %lt3A_547 = arith.constant 0 : i32
    %lt3A_548 = vector.broadcast %lt3A_547 : i32 to vector<16xi32>
    %lt3A_549 = arith.cmpi slt, %xor3A_546, %lt3A_548 : vector<16xi32>
    %add3A_550 = arith.constant 16 : i32
    %add3A_551 = vector.broadcast %add3A_550 : i32 to vector<16xi32>
    %add3A_552 = arith.addi %xor3A_546, %add3A_551 : vector<16xi32>
    %select_n3A_553 = arith.select %lt3A_549, %add3A_552, %xor3A_546 : vector<16xi1>, vector<16xi32>
    %broadcast_in_dim3A_554 = vector.shape_cast %select_n3A_553 : vector<16xi32> to vector<16x1xi32>
    %gather3A_555 = vector.shape_cast %broadcast_in_dim3A_554 : vector<16x1xi32> to vector<16xi32>
    %gather3A_556 = tpu.dynamic_gather %max3A_542[%gather3A_555] in [0] : vector<16xf32>, vector<16xi32> -> vector<16xf32>
    %max3A_557 = arith.maximumf %max3A_542, %gather3A_556 : vector<16xf32>
    %broadcast_in_dim3A_558 = arith.constant 1073741824 : i32
    %broadcast_in_dim3A_559 = vector.broadcast %broadcast_in_dim3A_558 : i32 to vector<16xi32>
    %scan3A_560 = arith.constant 0 : i32
    %scan3A_561 = arith.constant 32 : i32
    %scan3A_562 = arith.addi %scan3A_560, %scan3A_561 : i32
    %scan3A_563 = arith.constant 1 : i32
    %scan3A_564 = scf.for %scan3A_980 = %scan3A_560 to %scan3A_562 step %scan3A_563 iter_args(%scan3A_981 = %broadcast_in_dim3A_559) -> (vector<16xi32>)  : i32 {
      %get3A = arith.index_cast %scan3A_980 : i32 to index
      %get3A_982 = arith.constant 0 : index
      %get3A_983 = tpu.vector_load %arg5[%get3A, %get3A_982] {strides = array<i32>} : memref<32x16xf32, #tpu.memory_space<vmem>>, vector<1x16xf32>,
      %get3A_984 = vector.shape_cast %get3A_983 : vector<1x16xf32> to vector<16xf32>
      %eq3A_985 = arith.cmpf oeq, %get3A_984, %max3A_557 : vector<16xf32>
      %get3A_986 = arith.index_cast %scan3A_980 : i32 to index
      %get3A_987 = arith.constant 0 : index
      %get3A_988 = tpu.vector_load %arg6[%get3A_986, %get3A_987] {strides = array<i32>} : memref<32x16xi32, #tpu.memory_space<vmem>>, vector<1x16xi32>,
      %get3A_989 = vector.shape_cast %get3A_988 : vector<1x16xi32> to vector<16xi32>
      %jit3A_990 = arith.constant 1073741824 : i32
      %broadcast_in_dim3A_991 = vector.broadcast %jit3A_990 : i32 to vector<16xi32>
      %select_n3A_992 = arith.select %eq3A_985, %get3A_989, %broadcast_in_dim3A_991 : vector<16xi1>, vector<16xi32>
      %min3A_993 = arith.minsi %scan3A_981, %select_n3A_992 : vector<16xi32>
      scf.yield %min3A_993 : vector<16xi32>
    }
    %scan3A_565 = arith.constant 32 : i32
    %iota3A_566 = tpu.iota {dimensions = array<i32: 0>} : vector<16xi32>
    %xor3A_567 = arith.constant 1 : i32
    %xor3A_568 = vector.broadcast %xor3A_567 : i32 to vector<16xi32>
    %xor3A_569 = arith.xori %iota3A_566, %xor3A_568 : vector<16xi32>
    %lt3A_570 = arith.constant 0 : i32
    %lt3A_571 = vector.broadcast %lt3A_570 : i32 to vector<16xi32>
    %lt3A_572 = arith.cmpi slt, %xor3A_569, %lt3A_571 : vector<16xi32>
    %add3A_573 = arith.constant 16 : i32
    %add3A_574 = vector.broadcast %add3A_573 : i32 to vector<16xi32>
    %add3A_575 = arith.addi %xor3A_569, %add3A_574 : vector<16xi32>
    %select_n3A_576 = arith.select %lt3A_572, %add3A_575, %xor3A_569 : vector<16xi1>, vector<16xi32>
    %broadcast_in_dim3A_577 = vector.shape_cast %select_n3A_576 : vector<16xi32> to vector<16x1xi32>
    %gather3A_578 = vector.shape_cast %broadcast_in_dim3A_577 : vector<16x1xi32> to vector<16xi32>
    %gather3A_579 = tpu.dynamic_gather %scan3A_564[%gather3A_578] in [0] : vector<16xi32>, vector<16xi32> -> vector<16xi32>
    %min3A_580 = arith.minsi %scan3A_564, %gather3A_579 : vector<16xi32>
    %iota3A_581 = tpu.iota {dimensions = array<i32: 0>} : vector<16xi32>
    %xor3A_582 = arith.constant 2 : i32
    %xor3A_583 = vector.broadcast %xor3A_582 : i32 to vector<16xi32>
    %xor3A_584 = arith.xori %iota3A_581, %xor3A_583 : vector<16xi32>
    %lt3A_585 = arith.constant 0 : i32
    %lt3A_586 = vector.broadcast %lt3A_585 : i32 to vector<16xi32>
    %lt3A_587 = arith.cmpi slt, %xor3A_584, %lt3A_586 : vector<16xi32>
    %add3A_588 = arith.constant 16 : i32
    %add3A_589 = vector.broadcast %add3A_588 : i32 to vector<16xi32>
    %add3A_590 = arith.addi %xor3A_584, %add3A_589 : vector<16xi32>
    %select_n3A_591 = arith.select %lt3A_587, %add3A_590, %xor3A_584 : vector<16xi1>, vector<16xi32>
    %broadcast_in_dim3A_592 = vector.shape_cast %select_n3A_591 : vector<16xi32> to vector<16x1xi32>
    %gather3A_593 = vector.shape_cast %broadcast_in_dim3A_592 : vector<16x1xi32> to vector<16xi32>
    %gather3A_594 = tpu.dynamic_gather %min3A_580[%gather3A_593] in [0] : vector<16xi32>, vector<16xi32> -> vector<16xi32>
    %min3A_595 = arith.minsi %min3A_580, %gather3A_594 : vector<16xi32>
    %iota3A_596 = tpu.iota {dimensions = array<i32: 0>} : vector<16xi32>
    %xor3A_597 = arith.constant 4 : i32
    %xor3A_598 = vector.broadcast %xor3A_597 : i32 to vector<16xi32>
    %xor3A_599 = arith.xori %iota3A_596, %xor3A_598 : vector<16xi32>
    %lt3A_600 = arith.constant 0 : i32
    %lt3A_601 = vector.broadcast %lt3A_600 : i32 to vector<16xi32>
    %lt3A_602 = arith.cmpi slt, %xor3A_599, %lt3A_601 : vector<16xi32>
    %add3A_603 = arith.constant 16 : i32
    %add3A_604 = vector.broadcast %add3A_603 : i32 to vector<16xi32>
    %add3A_605 = arith.addi %xor3A_599, %add3A_604 : vector<16xi32>
    %select_n3A_606 = arith.select %lt3A_602, %add3A_605, %xor3A_599 : vector<16xi1>, vector<16xi32>
    %broadcast_in_dim3A_607 = vector.shape_cast %select_n3A_606 : vector<16xi32> to vector<16x1xi32>
    %gather3A_608 = vector.shape_cast %broadcast_in_dim3A_607 : vector<16x1xi32> to vector<16xi32>
    %gather3A_609 = tpu.dynamic_gather %min3A_595[%gather3A_608] in [0] : vector<16xi32>, vector<16xi32> -> vector<16xi32>
    %min3A_610 = arith.minsi %min3A_595, %gather3A_609 : vector<16xi32>
    %iota3A_611 = tpu.iota {dimensions = array<i32: 0>} : vector<16xi32>
    %xor3A_612 = arith.constant 8 : i32
    %xor3A_613 = vector.broadcast %xor3A_612 : i32 to vector<16xi32>
    %xor3A_614 = arith.xori %iota3A_611, %xor3A_613 : vector<16xi32>
    %lt3A_615 = arith.constant 0 : i32
    %lt3A_616 = vector.broadcast %lt3A_615 : i32 to vector<16xi32>
    %lt3A_617 = arith.cmpi slt, %xor3A_614, %lt3A_616 : vector<16xi32>
    %add3A_618 = arith.constant 16 : i32
    %add3A_619 = vector.broadcast %add3A_618 : i32 to vector<16xi32>
    %add3A_620 = arith.addi %xor3A_614, %add3A_619 : vector<16xi32>
    %select_n3A_621 = arith.select %lt3A_617, %add3A_620, %xor3A_614 : vector<16xi1>, vector<16xi32>
    %broadcast_in_dim3A_622 = vector.shape_cast %select_n3A_621 : vector<16xi32> to vector<16x1xi32>
    %gather3A_623 = vector.shape_cast %broadcast_in_dim3A_622 : vector<16x1xi32> to vector<16xi32>
    %gather3A_624 = tpu.dynamic_gather %min3A_610[%gather3A_623] in [0] : vector<16xi32>, vector<16xi32> -> vector<16xi32>
    %min3A_625 = arith.minsi %min3A_610, %gather3A_624 : vector<16xi32>
    %scan3A_626 = arith.constant 0 : i32
    %scan3A_627 = arith.constant 0 : i32
    %scan3A_628 = arith.constant 32 : i32
    %scan3A_629 = arith.addi %scan3A_627, %scan3A_628 : i32
    %scan3A_630 = arith.constant 1 : i32
    %scan3A_631 = scf.for %scan3A_980 = %scan3A_627 to %scan3A_629 step %scan3A_630 iter_args(%scan3A_981 = %scan3A_626) -> (i32)  : i32 {
      %get3A = arith.index_cast %scan3A_980 : i32 to index
      %get3A_982 = arith.constant 0 : index
      %get3A_983 = tpu.vector_load %arg6[%get3A, %get3A_982] {strides = array<i32>} : memref<32x16xi32, #tpu.memory_space<vmem>>, vector<1x16xi32>,
      %get3A_984 = vector.shape_cast %get3A_983 : vector<1x16xi32> to vector<16xi32>
      %eq3A_985 = arith.cmpi eq, %get3A_984, %min3A_625 : vector<16xi32>
      %get3A_986 = arith.index_cast %scan3A_980 : i32 to index
      %get3A_987 = arith.constant 0 : index
      %get3A_988 = tpu.vector_load %arg5[%get3A_986, %get3A_987] {strides = array<i32>} : memref<32x16xf32, #tpu.memory_space<vmem>>, vector<1x16xf32>,
      %get3A_989 = vector.shape_cast %get3A_988 : vector<1x16xf32> to vector<16xf32>
      %jit3A_990 = arith.constant -1.000000e+00 : f32
      %broadcast_in_dim3A_991 = vector.broadcast %jit3A_990 : f32 to vector<16xf32>
      %select_n3A_992 = arith.select %eq3A_985, %broadcast_in_dim3A_991, %get3A_989 : vector<16xi1>, vector<16xf32>
      %swap3A_993 = arith.index_cast %scan3A_980 : i32 to index
      %swap3A_994 = arith.constant 0 : index
      %swap3A_995 = tpu.vector_load %arg5[%swap3A_993, %swap3A_994] {strides = array<i32>} : memref<32x16xf32, #tpu.memory_space<vmem>>, vector<1x16xf32>,
      %swap3A_996 = vector.shape_cast %swap3A_995 : vector<1x16xf32> to vector<16xf32>
      %swap3A_997 = vector.shape_cast %select_n3A_992 : vector<16xf32> to vector<1x16xf32>
      tpu.vector_store %arg5[%swap3A_993, %swap3A_994], %swap3A_997 {strides = array<i32>} : memref<32x16xf32, #tpu.memory_space<vmem>>, vector<1x16xf32>,
      %scan3A_998 = arith.constant 0 : i32
      scf.yield %scan3A_998 : i32
    }
    %scan3A_632 = arith.constant 32 : i32
    %broadcast_in_dim3A_633 = arith.constant -1.000000e+00 : f32
    %broadcast_in_dim3A_634 = vector.broadcast %broadcast_in_dim3A_633 : f32 to vector<16xf32>
    %scan3A_635 = arith.constant 0 : i32
    %scan3A_636 = arith.constant 32 : i32
    %scan3A_637 = arith.addi %scan3A_635, %scan3A_636 : i32
    %scan3A_638 = arith.constant 1 : i32
    %scan3A_639 = scf.for %scan3A_980 = %scan3A_635 to %scan3A_637 step %scan3A_638 iter_args(%scan3A_981 = %broadcast_in_dim3A_634) -> (vector<16xf32>)  : i32 {
      %get3A = arith.index_cast %scan3A_980 : i32 to index
      %get3A_982 = arith.constant 0 : index
      %get3A_983 = tpu.vector_load %arg5[%get3A, %get3A_982] {strides = array<i32>} : memref<32x16xf32, #tpu.memory_space<vmem>>, vector<1x16xf32>,
      %get3A_984 = vector.shape_cast %get3A_983 : vector<1x16xf32> to vector<16xf32>
      %max3A_985 = arith.maximumf %scan3A_981, %get3A_984 : vector<16xf32>
      scf.yield %max3A_985 : vector<16xf32>
    }
    %scan3A_640 = arith.constant 32 : i32
    %iota3A_641 = tpu.iota {dimensions = array<i32: 0>} : vector<16xi32>
    %xor3A_642 = arith.constant 1 : i32
    %xor3A_643 = vector.broadcast %xor3A_642 : i32 to vector<16xi32>
    %xor3A_644 = arith.xori %iota3A_641, %xor3A_643 : vector<16xi32>
    %lt3A_645 = arith.constant 0 : i32
    %lt3A_646 = vector.broadcast %lt3A_645 : i32 to vector<16xi32>
    %lt3A_647 = arith.cmpi slt, %xor3A_644, %lt3A_646 : vector<16xi32>
    %add3A_648 = arith.constant 16 : i32
    %add3A_649 = vector.broadcast %add3A_648 : i32 to vector<16xi32>
    %add3A_650 = arith.addi %xor3A_644, %add3A_649 : vector<16xi32>
    %select_n3A_651 = arith.select %lt3A_647, %add3A_650, %xor3A_644 : vector<16xi1>, vector<16xi32>
    %broadcast_in_dim3A_652 = vector.shape_cast %select_n3A_651 : vector<16xi32> to vector<16x1xi32>
    %gather3A_653 = vector.shape_cast %broadcast_in_dim3A_652 : vector<16x1xi32> to vector<16xi32>
    %gather3A_654 = tpu.dynamic_gather %scan3A_639[%gather3A_653] in [0] : vector<16xf32>, vector<16xi32> -> vector<16xf32>
    %max3A_655 = arith.maximumf %scan3A_639, %gather3A_654 : vector<16xf32>
    %iota3A_656 = tpu.iota {dimensions = array<i32: 0>} : vector<16xi32>
    %xor3A_657 = arith.constant 2 : i32
    %xor3A_658 = vector.broadcast %xor3A_657 : i32 to vector<16xi32>
    %xor3A_659 = arith.xori %iota3A_656, %xor3A_658 : vector<16xi32>
    %lt3A_660 = arith.constant 0 : i32
    %lt3A_661 = vector.broadcast %lt3A_660 : i32 to vector<16xi32>
    %lt3A_662 = arith.cmpi slt, %xor3A_659, %lt3A_661 : vector<16xi32>
    %add3A_663 = arith.constant 16 : i32
    %add3A_664 = vector.broadcast %add3A_663 : i32 to vector<16xi32>
    %add3A_665 = arith.addi %xor3A_659, %add3A_664 : vector<16xi32>
    %select_n3A_666 = arith.select %lt3A_662, %add3A_665, %xor3A_659 : vector<16xi1>, vector<16xi32>
    %broadcast_in_dim3A_667 = vector.shape_cast %select_n3A_666 : vector<16xi32> to vector<16x1xi32>
    %gather3A_668 = vector.shape_cast %broadcast_in_dim3A_667 : vector<16x1xi32> to vector<16xi32>
    %gather3A_669 = tpu.dynamic_gather %max3A_655[%gather3A_668] in [0] : vector<16xf32>, vector<16xi32> -> vector<16xf32>
    %max3A_670 = arith.maximumf %max3A_655, %gather3A_669 : vector<16xf32>
    %iota3A_671 = tpu.iota {dimensions = array<i32: 0>} : vector<16xi32>
    %xor3A_672 = arith.constant 4 : i32
    %xor3A_673 = vector.broadcast %xor3A_672 : i32 to vector<16xi32>
    %xor3A_674 = arith.xori %iota3A_671, %xor3A_673 : vector<16xi32>
    %lt3A_675 = arith.constant 0 : i32
    %lt3A_676 = vector.broadcast %lt3A_675 : i32 to vector<16xi32>
    %lt3A_677 = arith.cmpi slt, %xor3A_674, %lt3A_676 : vector<16xi32>
    %add3A_678 = arith.constant 16 : i32
    %add3A_679 = vector.broadcast %add3A_678 : i32 to vector<16xi32>
    %add3A_680 = arith.addi %xor3A_674, %add3A_679 : vector<16xi32>
    %select_n3A_681 = arith.select %lt3A_677, %add3A_680, %xor3A_674 : vector<16xi1>, vector<16xi32>
    %broadcast_in_dim3A_682 = vector.shape_cast %select_n3A_681 : vector<16xi32> to vector<16x1xi32>
    %gather3A_683 = vector.shape_cast %broadcast_in_dim3A_682 : vector<16x1xi32> to vector<16xi32>
    %gather3A_684 = tpu.dynamic_gather %max3A_670[%gather3A_683] in [0] : vector<16xf32>, vector<16xi32> -> vector<16xf32>
    %max3A_685 = arith.maximumf %max3A_670, %gather3A_684 : vector<16xf32>
    %iota3A_686 = tpu.iota {dimensions = array<i32: 0>} : vector<16xi32>
    %xor3A_687 = arith.constant 8 : i32
    %xor3A_688 = vector.broadcast %xor3A_687 : i32 to vector<16xi32>
    %xor3A_689 = arith.xori %iota3A_686, %xor3A_688 : vector<16xi32>
    %lt3A_690 = arith.constant 0 : i32
    %lt3A_691 = vector.broadcast %lt3A_690 : i32 to vector<16xi32>
    %lt3A_692 = arith.cmpi slt, %xor3A_689, %lt3A_691 : vector<16xi32>
    %add3A_693 = arith.constant 16 : i32
    %add3A_694 = vector.broadcast %add3A_693 : i32 to vector<16xi32>
    %add3A_695 = arith.addi %xor3A_689, %add3A_694 : vector<16xi32>
    %select_n3A_696 = arith.select %lt3A_692, %add3A_695, %xor3A_689 : vector<16xi1>, vector<16xi32>
    %broadcast_in_dim3A_697 = vector.shape_cast %select_n3A_696 : vector<16xi32> to vector<16x1xi32>
    %gather3A_698 = vector.shape_cast %broadcast_in_dim3A_697 : vector<16x1xi32> to vector<16xi32>
    %gather3A_699 = tpu.dynamic_gather %max3A_685[%gather3A_698] in [0] : vector<16xf32>, vector<16xi32> -> vector<16xf32>
    %max3A_700 = arith.maximumf %max3A_685, %gather3A_699 : vector<16xf32>
    %broadcast_in_dim3A_701 = arith.constant 1073741824 : i32
    %broadcast_in_dim3A_702 = vector.broadcast %broadcast_in_dim3A_701 : i32 to vector<16xi32>
    %scan3A_703 = arith.constant 0 : i32
    %scan3A_704 = arith.constant 32 : i32
    %scan3A_705 = arith.addi %scan3A_703, %scan3A_704 : i32
    %scan3A_706 = arith.constant 1 : i32
    %scan3A_707 = scf.for %scan3A_980 = %scan3A_703 to %scan3A_705 step %scan3A_706 iter_args(%scan3A_981 = %broadcast_in_dim3A_702) -> (vector<16xi32>)  : i32 {
      %get3A = arith.index_cast %scan3A_980 : i32 to index
      %get3A_982 = arith.constant 0 : index
      %get3A_983 = tpu.vector_load %arg5[%get3A, %get3A_982] {strides = array<i32>} : memref<32x16xf32, #tpu.memory_space<vmem>>, vector<1x16xf32>,
      %get3A_984 = vector.shape_cast %get3A_983 : vector<1x16xf32> to vector<16xf32>
      %eq3A_985 = arith.cmpf oeq, %get3A_984, %max3A_700 : vector<16xf32>
      %get3A_986 = arith.index_cast %scan3A_980 : i32 to index
      %get3A_987 = arith.constant 0 : index
      %get3A_988 = tpu.vector_load %arg6[%get3A_986, %get3A_987] {strides = array<i32>} : memref<32x16xi32, #tpu.memory_space<vmem>>, vector<1x16xi32>,
      %get3A_989 = vector.shape_cast %get3A_988 : vector<1x16xi32> to vector<16xi32>
      %jit3A_990 = arith.constant 1073741824 : i32
      %broadcast_in_dim3A_991 = vector.broadcast %jit3A_990 : i32 to vector<16xi32>
      %select_n3A_992 = arith.select %eq3A_985, %get3A_989, %broadcast_in_dim3A_991 : vector<16xi1>, vector<16xi32>
      %min3A_993 = arith.minsi %scan3A_981, %select_n3A_992 : vector<16xi32>
      scf.yield %min3A_993 : vector<16xi32>
    }
    %scan3A_708 = arith.constant 32 : i32
    %iota3A_709 = tpu.iota {dimensions = array<i32: 0>} : vector<16xi32>
    %xor3A_710 = arith.constant 1 : i32
    %xor3A_711 = vector.broadcast %xor3A_710 : i32 to vector<16xi32>
    %xor3A_712 = arith.xori %iota3A_709, %xor3A_711 : vector<16xi32>
    %lt3A_713 = arith.constant 0 : i32
    %lt3A_714 = vector.broadcast %lt3A_713 : i32 to vector<16xi32>
    %lt3A_715 = arith.cmpi slt, %xor3A_712, %lt3A_714 : vector<16xi32>
    %add3A_716 = arith.constant 16 : i32
    %add3A_717 = vector.broadcast %add3A_716 : i32 to vector<16xi32>
    %add3A_718 = arith.addi %xor3A_712, %add3A_717 : vector<16xi32>
    %select_n3A_719 = arith.select %lt3A_715, %add3A_718, %xor3A_712 : vector<16xi1>, vector<16xi32>
    %broadcast_in_dim3A_720 = vector.shape_cast %select_n3A_719 : vector<16xi32> to vector<16x1xi32>
    %gather3A_721 = vector.shape_cast %broadcast_in_dim3A_720 : vector<16x1xi32> to vector<16xi32>
    %gather3A_722 = tpu.dynamic_gather %scan3A_707[%gather3A_721] in [0] : vector<16xi32>, vector<16xi32> -> vector<16xi32>
    %min3A_723 = arith.minsi %scan3A_707, %gather3A_722 : vector<16xi32>
    %iota3A_724 = tpu.iota {dimensions = array<i32: 0>} : vector<16xi32>
    %xor3A_725 = arith.constant 2 : i32
    %xor3A_726 = vector.broadcast %xor3A_725 : i32 to vector<16xi32>
    %xor3A_727 = arith.xori %iota3A_724, %xor3A_726 : vector<16xi32>
    %lt3A_728 = arith.constant 0 : i32
    %lt3A_729 = vector.broadcast %lt3A_728 : i32 to vector<16xi32>
    %lt3A_730 = arith.cmpi slt, %xor3A_727, %lt3A_729 : vector<16xi32>
    %add3A_731 = arith.constant 16 : i32
    %add3A_732 = vector.broadcast %add3A_731 : i32 to vector<16xi32>
    %add3A_733 = arith.addi %xor3A_727, %add3A_732 : vector<16xi32>
    %select_n3A_734 = arith.select %lt3A_730, %add3A_733, %xor3A_727 : vector<16xi1>, vector<16xi32>
    %broadcast_in_dim3A_735 = vector.shape_cast %select_n3A_734 : vector<16xi32> to vector<16x1xi32>
    %gather3A_736 = vector.shape_cast %broadcast_in_dim3A_735 : vector<16x1xi32> to vector<16xi32>
    %gather3A_737 = tpu.dynamic_gather %min3A_723[%gather3A_736] in [0] : vector<16xi32>, vector<16xi32> -> vector<16xi32>
    %min3A_738 = arith.minsi %min3A_723, %gather3A_737 : vector<16xi32>
    %iota3A_739 = tpu.iota {dimensions = array<i32: 0>} : vector<16xi32>
    %xor3A_740 = arith.constant 4 : i32
    %xor3A_741 = vector.broadcast %xor3A_740 : i32 to vector<16xi32>
    %xor3A_742 = arith.xori %iota3A_739, %xor3A_741 : vector<16xi32>
    %lt3A_743 = arith.constant 0 : i32
    %lt3A_744 = vector.broadcast %lt3A_743 : i32 to vector<16xi32>
    %lt3A_745 = arith.cmpi slt, %xor3A_742, %lt3A_744 : vector<16xi32>
    %add3A_746 = arith.constant 16 : i32
    %add3A_747 = vector.broadcast %add3A_746 : i32 to vector<16xi32>
    %add3A_748 = arith.addi %xor3A_742, %add3A_747 : vector<16xi32>
    %select_n3A_749 = arith.select %lt3A_745, %add3A_748, %xor3A_742 : vector<16xi1>, vector<16xi32>
    %broadcast_in_dim3A_750 = vector.shape_cast %select_n3A_749 : vector<16xi32> to vector<16x1xi32>
    %gather3A_751 = vector.shape_cast %broadcast_in_dim3A_750 : vector<16x1xi32> to vector<16xi32>
    %gather3A_752 = tpu.dynamic_gather %min3A_738[%gather3A_751] in [0] : vector<16xi32>, vector<16xi32> -> vector<16xi32>
    %min3A_753 = arith.minsi %min3A_738, %gather3A_752 : vector<16xi32>
    %iota3A_754 = tpu.iota {dimensions = array<i32: 0>} : vector<16xi32>
    %xor3A_755 = arith.constant 8 : i32
    %xor3A_756 = vector.broadcast %xor3A_755 : i32 to vector<16xi32>
    %xor3A_757 = arith.xori %iota3A_754, %xor3A_756 : vector<16xi32>
    %lt3A_758 = arith.constant 0 : i32
    %lt3A_759 = vector.broadcast %lt3A_758 : i32 to vector<16xi32>
    %lt3A_760 = arith.cmpi slt, %xor3A_757, %lt3A_759 : vector<16xi32>
    %add3A_761 = arith.constant 16 : i32
    %add3A_762 = vector.broadcast %add3A_761 : i32 to vector<16xi32>
    %add3A_763 = arith.addi %xor3A_757, %add3A_762 : vector<16xi32>
    %select_n3A_764 = arith.select %lt3A_760, %add3A_763, %xor3A_757 : vector<16xi1>, vector<16xi32>
    %broadcast_in_dim3A_765 = vector.shape_cast %select_n3A_764 : vector<16xi32> to vector<16x1xi32>
    %gather3A_766 = vector.shape_cast %broadcast_in_dim3A_765 : vector<16x1xi32> to vector<16xi32>
    %gather3A_767 = tpu.dynamic_gather %min3A_753[%gather3A_766] in [0] : vector<16xi32>, vector<16xi32> -> vector<16xi32>
    %min3A_768 = arith.minsi %min3A_753, %gather3A_767 : vector<16xi32>
    %scan3A_769 = arith.constant 0 : i32
    %scan3A_770 = arith.constant 0 : i32
    %scan3A_771 = arith.constant 32 : i32
    %scan3A_772 = arith.addi %scan3A_770, %scan3A_771 : i32
    %scan3A_773 = arith.constant 1 : i32
    %scan3A_774 = scf.for %scan3A_980 = %scan3A_770 to %scan3A_772 step %scan3A_773 iter_args(%scan3A_981 = %scan3A_769) -> (i32)  : i32 {
      %get3A = arith.index_cast %scan3A_980 : i32 to index
      %get3A_982 = arith.constant 0 : index
      %get3A_983 = tpu.vector_load %arg6[%get3A, %get3A_982] {strides = array<i32>} : memref<32x16xi32, #tpu.memory_space<vmem>>, vector<1x16xi32>,
      %get3A_984 = vector.shape_cast %get3A_983 : vector<1x16xi32> to vector<16xi32>
      %eq3A_985 = arith.cmpi eq, %get3A_984, %min3A_768 : vector<16xi32>
      %get3A_986 = arith.index_cast %scan3A_980 : i32 to index
      %get3A_987 = arith.constant 0 : index
      %get3A_988 = tpu.vector_load %arg5[%get3A_986, %get3A_987] {strides = array<i32>} : memref<32x16xf32, #tpu.memory_space<vmem>>, vector<1x16xf32>,
      %get3A_989 = vector.shape_cast %get3A_988 : vector<1x16xf32> to vector<16xf32>
      %jit3A_990 = arith.constant -1.000000e+00 : f32
      %broadcast_in_dim3A_991 = vector.broadcast %jit3A_990 : f32 to vector<16xf32>
      %select_n3A_992 = arith.select %eq3A_985, %broadcast_in_dim3A_991, %get3A_989 : vector<16xi1>, vector<16xf32>
      %swap3A_993 = arith.index_cast %scan3A_980 : i32 to index
      %swap3A_994 = arith.constant 0 : index
      %swap3A_995 = tpu.vector_load %arg5[%swap3A_993, %swap3A_994] {strides = array<i32>} : memref<32x16xf32, #tpu.memory_space<vmem>>, vector<1x16xf32>,
      %swap3A_996 = vector.shape_cast %swap3A_995 : vector<1x16xf32> to vector<16xf32>
      %swap3A_997 = vector.shape_cast %select_n3A_992 : vector<16xf32> to vector<1x16xf32>
      tpu.vector_store %arg5[%swap3A_993, %swap3A_994], %swap3A_997 {strides = array<i32>} : memref<32x16xf32, #tpu.memory_space<vmem>>, vector<1x16xf32>,
      %scan3A_998 = arith.constant 0 : i32
      scf.yield %scan3A_998 : i32
    }
    %scan3A_775 = arith.constant 32 : i32
    %broadcast_in_dim3A_776 = arith.constant -1.000000e+00 : f32
    %broadcast_in_dim3A_777 = vector.broadcast %broadcast_in_dim3A_776 : f32 to vector<16xf32>
    %scan3A_778 = arith.constant 0 : i32
    %scan3A_779 = arith.constant 32 : i32
    %scan3A_780 = arith.addi %scan3A_778, %scan3A_779 : i32
    %scan3A_781 = arith.constant 1 : i32
    %scan3A_782 = scf.for %scan3A_980 = %scan3A_778 to %scan3A_780 step %scan3A_781 iter_args(%scan3A_981 = %broadcast_in_dim3A_777) -> (vector<16xf32>)  : i32 {
      %get3A = arith.index_cast %scan3A_980 : i32 to index
      %get3A_982 = arith.constant 0 : index
      %get3A_983 = tpu.vector_load %arg5[%get3A, %get3A_982] {strides = array<i32>} : memref<32x16xf32, #tpu.memory_space<vmem>>, vector<1x16xf32>,
      %get3A_984 = vector.shape_cast %get3A_983 : vector<1x16xf32> to vector<16xf32>
      %max3A_985 = arith.maximumf %scan3A_981, %get3A_984 : vector<16xf32>
      scf.yield %max3A_985 : vector<16xf32>
    }
    %scan3A_783 = arith.constant 32 : i32
    %iota3A_784 = tpu.iota {dimensions = array<i32: 0>} : vector<16xi32>
    %xor3A_785 = arith.constant 1 : i32
    %xor3A_786 = vector.broadcast %xor3A_785 : i32 to vector<16xi32>
    %xor3A_787 = arith.xori %iota3A_784, %xor3A_786 : vector<16xi32>
    %lt3A_788 = arith.constant 0 : i32
    %lt3A_789 = vector.broadcast %lt3A_788 : i32 to vector<16xi32>
    %lt3A_790 = arith.cmpi slt, %xor3A_787, %lt3A_789 : vector<16xi32>
    %add3A_791 = arith.constant 16 : i32
    %add3A_792 = vector.broadcast %add3A_791 : i32 to vector<16xi32>
    %add3A_793 = arith.addi %xor3A_787, %add3A_792 : vector<16xi32>
    %select_n3A_794 = arith.select %lt3A_790, %add3A_793, %xor3A_787 : vector<16xi1>, vector<16xi32>
    %broadcast_in_dim3A_795 = vector.shape_cast %select_n3A_794 : vector<16xi32> to vector<16x1xi32>
    %gather3A_796 = vector.shape_cast %broadcast_in_dim3A_795 : vector<16x1xi32> to vector<16xi32>
    %gather3A_797 = tpu.dynamic_gather %scan3A_782[%gather3A_796] in [0] : vector<16xf32>, vector<16xi32> -> vector<16xf32>
    %max3A_798 = arith.maximumf %scan3A_782, %gather3A_797 : vector<16xf32>
    %iota3A_799 = tpu.iota {dimensions = array<i32: 0>} : vector<16xi32>
    %xor3A_800 = arith.constant 2 : i32
    %xor3A_801 = vector.broadcast %xor3A_800 : i32 to vector<16xi32>
    %xor3A_802 = arith.xori %iota3A_799, %xor3A_801 : vector<16xi32>
    %lt3A_803 = arith.constant 0 : i32
    %lt3A_804 = vector.broadcast %lt3A_803 : i32 to vector<16xi32>
    %lt3A_805 = arith.cmpi slt, %xor3A_802, %lt3A_804 : vector<16xi32>
    %add3A_806 = arith.constant 16 : i32
    %add3A_807 = vector.broadcast %add3A_806 : i32 to vector<16xi32>
    %add3A_808 = arith.addi %xor3A_802, %add3A_807 : vector<16xi32>
    %select_n3A_809 = arith.select %lt3A_805, %add3A_808, %xor3A_802 : vector<16xi1>, vector<16xi32>
    %broadcast_in_dim3A_810 = vector.shape_cast %select_n3A_809 : vector<16xi32> to vector<16x1xi32>
    %gather3A_811 = vector.shape_cast %broadcast_in_dim3A_810 : vector<16x1xi32> to vector<16xi32>
    %gather3A_812 = tpu.dynamic_gather %max3A_798[%gather3A_811] in [0] : vector<16xf32>, vector<16xi32> -> vector<16xf32>
    %max3A_813 = arith.maximumf %max3A_798, %gather3A_812 : vector<16xf32>
    %iota3A_814 = tpu.iota {dimensions = array<i32: 0>} : vector<16xi32>
    %xor3A_815 = arith.constant 4 : i32
    %xor3A_816 = vector.broadcast %xor3A_815 : i32 to vector<16xi32>
    %xor3A_817 = arith.xori %iota3A_814, %xor3A_816 : vector<16xi32>
    %lt3A_818 = arith.constant 0 : i32
    %lt3A_819 = vector.broadcast %lt3A_818 : i32 to vector<16xi32>
    %lt3A_820 = arith.cmpi slt, %xor3A_817, %lt3A_819 : vector<16xi32>
    %add3A_821 = arith.constant 16 : i32
    %add3A_822 = vector.broadcast %add3A_821 : i32 to vector<16xi32>
    %add3A_823 = arith.addi %xor3A_817, %add3A_822 : vector<16xi32>
    %select_n3A_824 = arith.select %lt3A_820, %add3A_823, %xor3A_817 : vector<16xi1>, vector<16xi32>
    %broadcast_in_dim3A_825 = vector.shape_cast %select_n3A_824 : vector<16xi32> to vector<16x1xi32>
    %gather3A_826 = vector.shape_cast %broadcast_in_dim3A_825 : vector<16x1xi32> to vector<16xi32>
    %gather3A_827 = tpu.dynamic_gather %max3A_813[%gather3A_826] in [0] : vector<16xf32>, vector<16xi32> -> vector<16xf32>
    %max3A_828 = arith.maximumf %max3A_813, %gather3A_827 : vector<16xf32>
    %iota3A_829 = tpu.iota {dimensions = array<i32: 0>} : vector<16xi32>
    %xor3A_830 = arith.constant 8 : i32
    %xor3A_831 = vector.broadcast %xor3A_830 : i32 to vector<16xi32>
    %xor3A_832 = arith.xori %iota3A_829, %xor3A_831 : vector<16xi32>
    %lt3A_833 = arith.constant 0 : i32
    %lt3A_834 = vector.broadcast %lt3A_833 : i32 to vector<16xi32>
    %lt3A_835 = arith.cmpi slt, %xor3A_832, %lt3A_834 : vector<16xi32>
    %add3A_836 = arith.constant 16 : i32
    %add3A_837 = vector.broadcast %add3A_836 : i32 to vector<16xi32>
    %add3A_838 = arith.addi %xor3A_832, %add3A_837 : vector<16xi32>
    %select_n3A_839 = arith.select %lt3A_835, %add3A_838, %xor3A_832 : vector<16xi1>, vector<16xi32>
    %broadcast_in_dim3A_840 = vector.shape_cast %select_n3A_839 : vector<16xi32> to vector<16x1xi32>
    %gather3A_841 = vector.shape_cast %broadcast_in_dim3A_840 : vector<16x1xi32> to vector<16xi32>
    %gather3A_842 = tpu.dynamic_gather %max3A_828[%gather3A_841] in [0] : vector<16xf32>, vector<16xi32> -> vector<16xf32>
    %max3A_843 = arith.maximumf %max3A_828, %gather3A_842 : vector<16xf32>
    %broadcast_in_dim3A_844 = arith.constant 1073741824 : i32
    %broadcast_in_dim3A_845 = vector.broadcast %broadcast_in_dim3A_844 : i32 to vector<16xi32>
    %scan3A_846 = arith.constant 0 : i32
    %scan3A_847 = arith.constant 32 : i32
    %scan3A_848 = arith.addi %scan3A_846, %scan3A_847 : i32
    %scan3A_849 = arith.constant 1 : i32
    %scan3A_850 = scf.for %scan3A_980 = %scan3A_846 to %scan3A_848 step %scan3A_849 iter_args(%scan3A_981 = %broadcast_in_dim3A_845) -> (vector<16xi32>)  : i32 {
      %get3A = arith.index_cast %scan3A_980 : i32 to index
      %get3A_982 = arith.constant 0 : index
      %get3A_983 = tpu.vector_load %arg5[%get3A, %get3A_982] {strides = array<i32>} : memref<32x16xf32, #tpu.memory_space<vmem>>, vector<1x16xf32>,
      %get3A_984 = vector.shape_cast %get3A_983 : vector<1x16xf32> to vector<16xf32>
      %eq3A_985 = arith.cmpf oeq, %get3A_984, %max3A_843 : vector<16xf32>
      %get3A_986 = arith.index_cast %scan3A_980 : i32 to index
      %get3A_987 = arith.constant 0 : index
      %get3A_988 = tpu.vector_load %arg6[%get3A_986, %get3A_987] {strides = array<i32>} : memref<32x16xi32, #tpu.memory_space<vmem>>, vector<1x16xi32>,
      %get3A_989 = vector.shape_cast %get3A_988 : vector<1x16xi32> to vector<16xi32>
      %jit3A_990 = arith.constant 1073741824 : i32
      %broadcast_in_dim3A_991 = vector.broadcast %jit3A_990 : i32 to vector<16xi32>
      %select_n3A_992 = arith.select %eq3A_985, %get3A_989, %broadcast_in_dim3A_991 : vector<16xi1>, vector<16xi32>
      %min3A_993 = arith.minsi %scan3A_981, %select_n3A_992 : vector<16xi32>
      scf.yield %min3A_993 : vector<16xi32>
    }
    %scan3A_851 = arith.constant 32 : i32
    %iota3A_852 = tpu.iota {dimensions = array<i32: 0>} : vector<16xi32>
    %xor3A_853 = arith.constant 1 : i32
    %xor3A_854 = vector.broadcast %xor3A_853 : i32 to vector<16xi32>
    %xor3A_855 = arith.xori %iota3A_852, %xor3A_854 : vector<16xi32>
    %lt3A_856 = arith.constant 0 : i32
    %lt3A_857 = vector.broadcast %lt3A_856 : i32 to vector<16xi32>
    %lt3A_858 = arith.cmpi slt, %xor3A_855, %lt3A_857 : vector<16xi32>
    %add3A_859 = arith.constant 16 : i32
    %add3A_860 = vector.broadcast %add3A_859 : i32 to vector<16xi32>
    %add3A_861 = arith.addi %xor3A_855, %add3A_860 : vector<16xi32>
    %select_n3A_862 = arith.select %lt3A_858, %add3A_861, %xor3A_855 : vector<16xi1>, vector<16xi32>
    %broadcast_in_dim3A_863 = vector.shape_cast %select_n3A_862 : vector<16xi32> to vector<16x1xi32>
    %gather3A_864 = vector.shape_cast %broadcast_in_dim3A_863 : vector<16x1xi32> to vector<16xi32>
    %gather3A_865 = tpu.dynamic_gather %scan3A_850[%gather3A_864] in [0] : vector<16xi32>, vector<16xi32> -> vector<16xi32>
    %min3A_866 = arith.minsi %scan3A_850, %gather3A_865 : vector<16xi32>
    %iota3A_867 = tpu.iota {dimensions = array<i32: 0>} : vector<16xi32>
    %xor3A_868 = arith.constant 2 : i32
    %xor3A_869 = vector.broadcast %xor3A_868 : i32 to vector<16xi32>
    %xor3A_870 = arith.xori %iota3A_867, %xor3A_869 : vector<16xi32>
    %lt3A_871 = arith.constant 0 : i32
    %lt3A_872 = vector.broadcast %lt3A_871 : i32 to vector<16xi32>
    %lt3A_873 = arith.cmpi slt, %xor3A_870, %lt3A_872 : vector<16xi32>
    %add3A_874 = arith.constant 16 : i32
    %add3A_875 = vector.broadcast %add3A_874 : i32 to vector<16xi32>
    %add3A_876 = arith.addi %xor3A_870, %add3A_875 : vector<16xi32>
    %select_n3A_877 = arith.select %lt3A_873, %add3A_876, %xor3A_870 : vector<16xi1>, vector<16xi32>
    %broadcast_in_dim3A_878 = vector.shape_cast %select_n3A_877 : vector<16xi32> to vector<16x1xi32>
    %gather3A_879 = vector.shape_cast %broadcast_in_dim3A_878 : vector<16x1xi32> to vector<16xi32>
    %gather3A_880 = tpu.dynamic_gather %min3A_866[%gather3A_879] in [0] : vector<16xi32>, vector<16xi32> -> vector<16xi32>
    %min3A_881 = arith.minsi %min3A_866, %gather3A_880 : vector<16xi32>
    %iota3A_882 = tpu.iota {dimensions = array<i32: 0>} : vector<16xi32>
    %xor3A_883 = arith.constant 4 : i32
    %xor3A_884 = vector.broadcast %xor3A_883 : i32 to vector<16xi32>
    %xor3A_885 = arith.xori %iota3A_882, %xor3A_884 : vector<16xi32>
    %lt3A_886 = arith.constant 0 : i32
    %lt3A_887 = vector.broadcast %lt3A_886 : i32 to vector<16xi32>
    %lt3A_888 = arith.cmpi slt, %xor3A_885, %lt3A_887 : vector<16xi32>
    %add3A_889 = arith.constant 16 : i32
    %add3A_890 = vector.broadcast %add3A_889 : i32 to vector<16xi32>
    %add3A_891 = arith.addi %xor3A_885, %add3A_890 : vector<16xi32>
    %select_n3A_892 = arith.select %lt3A_888, %add3A_891, %xor3A_885 : vector<16xi1>, vector<16xi32>
    %broadcast_in_dim3A_893 = vector.shape_cast %select_n3A_892 : vector<16xi32> to vector<16x1xi32>
    %gather3A_894 = vector.shape_cast %broadcast_in_dim3A_893 : vector<16x1xi32> to vector<16xi32>
    %gather3A_895 = tpu.dynamic_gather %min3A_881[%gather3A_894] in [0] : vector<16xi32>, vector<16xi32> -> vector<16xi32>
    %min3A_896 = arith.minsi %min3A_881, %gather3A_895 : vector<16xi32>
    %iota3A_897 = tpu.iota {dimensions = array<i32: 0>} : vector<16xi32>
    %xor3A_898 = arith.constant 8 : i32
    %xor3A_899 = vector.broadcast %xor3A_898 : i32 to vector<16xi32>
    %xor3A_900 = arith.xori %iota3A_897, %xor3A_899 : vector<16xi32>
    %lt3A_901 = arith.constant 0 : i32
    %lt3A_902 = vector.broadcast %lt3A_901 : i32 to vector<16xi32>
    %lt3A_903 = arith.cmpi slt, %xor3A_900, %lt3A_902 : vector<16xi32>
    %add3A_904 = arith.constant 16 : i32
    %add3A_905 = vector.broadcast %add3A_904 : i32 to vector<16xi32>
    %add3A_906 = arith.addi %xor3A_900, %add3A_905 : vector<16xi32>
    %select_n3A_907 = arith.select %lt3A_903, %add3A_906, %xor3A_900 : vector<16xi1>, vector<16xi32>
    %broadcast_in_dim3A_908 = vector.shape_cast %select_n3A_907 : vector<16xi32> to vector<16x1xi32>
    %gather3A_909 = vector.shape_cast %broadcast_in_dim3A_908 : vector<16x1xi32> to vector<16xi32>
    %gather3A_910 = tpu.dynamic_gather %min3A_896[%gather3A_909] in [0] : vector<16xi32>, vector<16xi32> -> vector<16xi32>
    %min3A_911 = arith.minsi %min3A_896, %gather3A_910 : vector<16xi32>
    %scan3A_912 = arith.constant 0 : i32
    %scan3A_913 = arith.constant 0 : i32
    %scan3A_914 = arith.constant 32 : i32
    %scan3A_915 = arith.addi %scan3A_913, %scan3A_914 : i32
    %scan3A_916 = arith.constant 1 : i32
    %scan3A_917 = scf.for %scan3A_980 = %scan3A_913 to %scan3A_915 step %scan3A_916 iter_args(%scan3A_981 = %scan3A_912) -> (i32)  : i32 {
      %get3A = arith.index_cast %scan3A_980 : i32 to index
      %get3A_982 = arith.constant 0 : index
      %get3A_983 = tpu.vector_load %arg6[%get3A, %get3A_982] {strides = array<i32>} : memref<32x16xi32, #tpu.memory_space<vmem>>, vector<1x16xi32>,
      %get3A_984 = vector.shape_cast %get3A_983 : vector<1x16xi32> to vector<16xi32>
      %eq3A_985 = arith.cmpi eq, %get3A_984, %min3A_911 : vector<16xi32>
      %get3A_986 = arith.index_cast %scan3A_980 : i32 to index
      %get3A_987 = arith.constant 0 : index
      %get3A_988 = tpu.vector_load %arg5[%get3A_986, %get3A_987] {strides = array<i32>} : memref<32x16xf32, #tpu.memory_space<vmem>>, vector<1x16xf32>,
      %get3A_989 = vector.shape_cast %get3A_988 : vector<1x16xf32> to vector<16xf32>
      %jit3A_990 = arith.constant -1.000000e+00 : f32
      %broadcast_in_dim3A_991 = vector.broadcast %jit3A_990 : f32 to vector<16xf32>
      %select_n3A_992 = arith.select %eq3A_985, %broadcast_in_dim3A_991, %get3A_989 : vector<16xi1>, vector<16xf32>
      %swap3A_993 = arith.index_cast %scan3A_980 : i32 to index
      %swap3A_994 = arith.constant 0 : index
      %swap3A_995 = tpu.vector_load %arg5[%swap3A_993, %swap3A_994] {strides = array<i32>} : memref<32x16xf32, #tpu.memory_space<vmem>>, vector<1x16xf32>,
      %swap3A_996 = vector.shape_cast %swap3A_995 : vector<1x16xf32> to vector<16xf32>
      %swap3A_997 = vector.shape_cast %select_n3A_992 : vector<16xf32> to vector<1x16xf32>
      tpu.vector_store %arg5[%swap3A_993, %swap3A_994], %swap3A_997 {strides = array<i32>} : memref<32x16xf32, #tpu.memory_space<vmem>>, vector<1x16xf32>,
      %scan3A_998 = arith.constant 0 : i32
      scf.yield %scan3A_998 : i32
    }
    %scan3A_918 = arith.constant 32 : i32
    %gt3A_919 = arith.constant 5.000000e-01 : f32
    %gt3A_920 = vector.broadcast %gt3A_919 : f32 to vector<16xf32>
    %gt3A_921 = arith.cmpf ogt, %max3A_557, %gt3A_920 : vector<16xf32>
    %jit3A_922 = arith.constant 1 : i32
    %jit3A_923 = arith.constant 0 : i32
    %broadcast_in_dim3A_924 = vector.broadcast %jit3A_922 : i32 to vector<16xi32>
    %broadcast_in_dim3A_925 = vector.broadcast %jit3A_923 : i32 to vector<16xi32>
    %select_n3A_926 = arith.select %gt3A_921, %broadcast_in_dim3A_924, %broadcast_in_dim3A_925 : vector<16xi1>, vector<16xi32>
    %gt3A_927 = arith.constant 5.000000e-01 : f32
    %gt3A_928 = vector.broadcast %gt3A_927 : f32 to vector<16xf32>
    %gt3A_929 = arith.cmpf ogt, %max3A_700, %gt3A_928 : vector<16xf32>
    %jit3A_930 = arith.constant 1 : i32
    %jit3A_931 = arith.constant 0 : i32
    %broadcast_in_dim3A_932 = vector.broadcast %jit3A_930 : i32 to vector<16xi32>
    %broadcast_in_dim3A_933 = vector.broadcast %jit3A_931 : i32 to vector<16xi32>
    %select_n3A_934 = arith.select %gt3A_929, %broadcast_in_dim3A_932, %broadcast_in_dim3A_933 : vector<16xi1>, vector<16xi32>
    %add3A_935 = arith.addi %select_n3A_926, %select_n3A_934 : vector<16xi32>
    %gt3A_936 = arith.constant 5.000000e-01 : f32
    %gt3A_937 = vector.broadcast %gt3A_936 : f32 to vector<16xf32>
    %gt3A_938 = arith.cmpf ogt, %max3A_843, %gt3A_937 : vector<16xf32>
    %jit3A_939 = arith.constant 1 : i32
    %jit3A_940 = arith.constant 0 : i32
    %broadcast_in_dim3A_941 = vector.broadcast %jit3A_939 : i32 to vector<16xi32>
    %broadcast_in_dim3A_942 = vector.broadcast %jit3A_940 : i32 to vector<16xi32>
    %select_n3A_943 = arith.select %gt3A_938, %broadcast_in_dim3A_941, %broadcast_in_dim3A_942 : vector<16xi1>, vector<16xi32>
    %add3A_944 = arith.addi %add3A_935, %select_n3A_943 : vector<16xi32>
    %lt3A_945 = arith.constant 3 : i32
    %lt3A_946 = vector.broadcast %lt3A_945 : i32 to vector<16xi32>
    %lt3A_947 = arith.cmpi slt, %add3A_944, %lt3A_946 : vector<16xi32>
    %gt3A_948 = arith.constant 1.000000e-01 : f32
    %gt3A_949 = vector.broadcast %gt3A_948 : f32 to vector<16xf32>
    %gt3A_950 = arith.cmpf ogt, %max3A_700, %gt3A_949 : vector<16xf32>
    %and3A_951 = arith.andi %gt3A_950, %lt3A_947 : vector<16xi1>
    %jit3A_952 = arith.constant -1 : i32
    %broadcast_in_dim3A_953 = vector.broadcast %jit3A_952 : i32 to vector<16xi32>
    %select_n3A_954 = arith.select %and3A_951, %min3A_768, %broadcast_in_dim3A_953 : vector<16xi1>, vector<16xi32>
    %gt3A_955 = arith.constant 1.000000e-01 : f32
    %gt3A_956 = vector.broadcast %gt3A_955 : f32 to vector<16xf32>
    %gt3A_957 = arith.cmpf ogt, %max3A_843, %gt3A_956 : vector<16xf32>
    %and3A_958 = arith.andi %gt3A_957, %lt3A_947 : vector<16xi1>
    %jit3A_959 = arith.constant -1 : i32
    %broadcast_in_dim3A_960 = vector.broadcast %jit3A_959 : i32 to vector<16xi32>
    %select_n3A_961 = arith.select %and3A_958, %min3A_911, %broadcast_in_dim3A_960 : vector<16xi1>, vector<16xi32>
    %eq3A_962 = arith.constant 0 : i32
    %eq3A_963 = vector.broadcast %eq3A_962 : i32 to vector<16xi32>
    %eq3A_964 = arith.cmpi eq, %iota3A, %eq3A_963 : vector<16xi32>
    %eq3A_965 = arith.constant 1 : i32
    %eq3A_966 = vector.broadcast %eq3A_965 : i32 to vector<16xi32>
    %eq3A_967 = arith.cmpi eq, %iota3A, %eq3A_966 : vector<16xi32>
    %eq3A_968 = arith.constant 2 : i32
    %eq3A_969 = vector.broadcast %eq3A_968 : i32 to vector<16xi32>
    %eq3A_970 = arith.cmpi eq, %iota3A, %eq3A_969 : vector<16xi32>
    %jit3A_971 = arith.constant -1 : i32
    %broadcast_in_dim3A_972 = vector.broadcast %jit3A_971 : i32 to vector<16xi32>
    %select_n3A_973 = arith.select %eq3A_970, %select_n3A_961, %broadcast_in_dim3A_972 : vector<16xi1>, vector<16xi32>
    %select_n3A_974 = arith.select %eq3A_967, %select_n3A_954, %select_n3A_973 : vector<16xi1>, vector<16xi32>
    %select_n3A_975 = arith.select %eq3A_964, %min3A_625, %select_n3A_974 : vector<16xi1>, vector<16xi32>
    %swap3A_976 = arith.constant 0 : index
    %swap3A_977 = tpu.vector_load %arg7[%swap3A_976] {strides = array<i32>} : memref<16xi32, #tpu.memory_space<vmem>>, vector<16xi32>,
    %swap3A_978 = vector.shape_cast %swap3A_977 : vector<16xi32> to vector<16xi32>
    %swap3A_979 = vector.shape_cast %select_n3A_975 : vector<16xi32> to vector<16xi32>
    tpu.vector_store %arg7[%swap3A_976], %swap3A_979 {strides = array<i32>} : memref<16xi32, #tpu.memory_space<vmem>>, vector<16xi32>,
    "tpu.region"() ({
      %run_scoped3A = tpu.sem_alloc : memref<!tpu.dma_semaphore, #tpu.memory_space<semaphore_mem>>
      %dma_start3A = tpu.memref_slice %arg4[%mul3A_489] : memref<1024xi32, #tpu.memory_space<hbm>> -> memref<16xi32, #tpu.memory_space<hbm>>
      %dma_start3A_980 = tpu.memref_slice %arg4[%mul3A_489] : memref<1024xi32, #tpu.memory_space<hbm>> -> memref<16xi32, #tpu.memory_space<hbm>>
      tpu.enqueue_dma source(%arg7 : memref<16xi32, #tpu.memory_space<vmem>>) target(%dma_start3A_980 : memref<16xi32, #tpu.memory_space<hbm>>) target_semaphore(%run_scoped3A : memref<!tpu.dma_semaphore, #tpu.memory_space<semaphore_mem>>)
      %dma_wait3A = tpu.memref_slice %arg4[%mul3A_489] : memref<1024xi32, #tpu.memory_space<hbm>> -> memref<16xi32, #tpu.memory_space<hbm>>
      %dma_wait3A_981 = tpu.memref_slice %arg4[%mul3A_489] : memref<1024xi32, #tpu.memory_space<hbm>> -> memref<16xi32, #tpu.memory_space<hbm>>
      tpu.wait_dma2 semaphore(%run_scoped3A : memref<!tpu.dma_semaphore, #tpu.memory_space<semaphore_mem>>) src(%arg7 : memref<16xi32, #tpu.memory_space<vmem>>) dst(%dma_wait3A_981 : memref<16xi32, #tpu.memory_space<hbm>>)
      tpu.yield
    }) : () -> ()
    return
  }
}

#map = affine_map<(d0, d1) -> (0)>
module attributes {stable_mosaic.version = 14 : i64} {
  func.func @_phase3(%arg0: i32, %arg1: i32, %arg2: memref<20480xi32, #tpu.memory_space<hbm>>, %arg3: memref<1024xi32, #tpu.memory_space<hbm>>, %arg4: memref<20480xi32, #tpu.memory_space<hbm>>, %arg5: memref<640xi32, #tpu.memory_space<vmem>>, %arg6: memref<1024xi32, #tpu.memory_space<vmem>>) attributes {dimension_semantics = [#tpu.dimension_semantics<core_parallel>, #tpu.dimension_semantics<subcore_parallel>], iteration_bounds = array<i64: 2, 16>, scalar_prefetch = 0 : i64, scratch_operands = 2 : i64, tpu.core_type = #tpu.core_type<sc_vector_subcore>, window_params = [{transform_indices = #map}, {transform_indices = #map}, {transform_indices = #map}]} {
    %mul3A = arith.constant 2 : i32
    %mul3A_0 = arith.muli %arg1, %mul3A : i32
    %add3A = arith.addi %mul3A_0, %arg0 : i32
    %mul3A_1 = arith.constant 640 : i32
    %mul3A_2 = arith.muli %add3A, %mul3A_1 : i32
    %iota3A = tpu.iota {dimensions = array<i32: 0>} : vector<16xi32>
    "tpu.region"() ({
      %run_scoped3A = tpu.sem_alloc : memref<!tpu.dma_semaphore, #tpu.memory_space<semaphore_mem>>
      %dma_start3A = tpu.memref_slice %arg2[%mul3A_2] : memref<20480xi32, #tpu.memory_space<hbm>> -> memref<640xi32, #tpu.memory_space<hbm>>
      %dma_start3A_9 = tpu.memref_slice %arg2[%mul3A_2] : memref<20480xi32, #tpu.memory_space<hbm>> -> memref<640xi32, #tpu.memory_space<hbm>>
      tpu.enqueue_dma source(%dma_start3A_9 : memref<640xi32, #tpu.memory_space<hbm>>) target(%arg5 : memref<640xi32, #tpu.memory_space<vmem>>) target_semaphore(%run_scoped3A : memref<!tpu.dma_semaphore, #tpu.memory_space<semaphore_mem>>)
      %dma_wait3A = tpu.memref_slice %arg2[%mul3A_2] : memref<20480xi32, #tpu.memory_space<hbm>> -> memref<640xi32, #tpu.memory_space<hbm>>
      %dma_wait3A_10 = tpu.memref_slice %arg2[%mul3A_2] : memref<20480xi32, #tpu.memory_space<hbm>> -> memref<640xi32, #tpu.memory_space<hbm>>
      tpu.wait_dma2 semaphore(%run_scoped3A : memref<!tpu.dma_semaphore, #tpu.memory_space<semaphore_mem>>) src(%dma_wait3A_10 : memref<640xi32, #tpu.memory_space<hbm>>) dst(%arg5 : memref<640xi32, #tpu.memory_space<vmem>>)
      tpu.yield
    }) : () -> ()
    "tpu.region"() ({
      %run_scoped3A = tpu.sem_alloc : memref<!tpu.dma_semaphore, #tpu.memory_space<semaphore_mem>>
      tpu.enqueue_dma source(%arg3 : memref<1024xi32, #tpu.memory_space<hbm>>) target(%arg6 : memref<1024xi32, #tpu.memory_space<vmem>>) target_semaphore(%run_scoped3A : memref<!tpu.dma_semaphore, #tpu.memory_space<semaphore_mem>>)
      tpu.wait_dma2 semaphore(%run_scoped3A : memref<!tpu.dma_semaphore, #tpu.memory_space<semaphore_mem>>) src(%arg3 : memref<1024xi32, #tpu.memory_space<hbm>>) dst(%arg6 : memref<1024xi32, #tpu.memory_space<vmem>>)
      tpu.yield
    }) : () -> ()
    %scan3A = arith.constant 0 : i32
    %scan3A_3 = arith.constant 0 : i32
    %scan3A_4 = arith.constant 64 : i32
    %scan3A_5 = arith.addi %scan3A_3, %scan3A_4 : i32
    %scan3A_6 = arith.constant 1 : i32
    %scan3A_7 = scf.for %scan3A_9 = %scan3A_3 to %scan3A_5 step %scan3A_6 iter_args(%scan3A_10 = %scan3A) -> (i32)  : i32 {
      %mul3A_11 = arith.constant 16 : i32
      %mul3A_12 = arith.muli %scan3A_9, %mul3A_11 : i32
      %get3A = arith.index_cast %mul3A_12 : i32 to index
      %get3A_13 = tpu.vector_load %arg6[%get3A] {strides = array<i32>} : memref<1024xi32, #tpu.memory_space<vmem>>, vector<16xi32>,
      %get3A_14 = vector.shape_cast %get3A_13 : vector<16xi32> to vector<16xi32>
      %broadcast_in_dim3A = arith.constant 0 : i32
      %broadcast_in_dim3A_15 = vector.broadcast %broadcast_in_dim3A : i32 to vector<16xi32>
      %lt3A = arith.constant 0 : i32
      %lt3A_16 = vector.broadcast %lt3A : i32 to vector<16xi32>
      %lt3A_17 = arith.cmpi slt, %broadcast_in_dim3A_15, %lt3A_16 : vector<16xi32>
      %add3A_18 = arith.constant 16 : i32
      %add3A_19 = vector.broadcast %add3A_18 : i32 to vector<16xi32>
      %add3A_20 = arith.addi %broadcast_in_dim3A_15, %add3A_19 : vector<16xi32>
      %select_n3A = arith.select %lt3A_17, %add3A_20, %broadcast_in_dim3A_15 : vector<16xi1>, vector<16xi32>
      %broadcast_in_dim3A_21 = vector.shape_cast %select_n3A : vector<16xi32> to vector<16x1xi32>
      %gather3A = vector.shape_cast %broadcast_in_dim3A_21 : vector<16x1xi32> to vector<16xi32>
      %gather3A_22 = tpu.dynamic_gather %get3A_14[%gather3A] in [0] : vector<16xi32>, vector<16xi32> -> vector<16xi32>
      %broadcast_in_dim3A_23 = arith.constant 1 : i32
      %broadcast_in_dim3A_24 = vector.broadcast %broadcast_in_dim3A_23 : i32 to vector<16xi32>
      %lt3A_25 = arith.constant 0 : i32
      %lt3A_26 = vector.broadcast %lt3A_25 : i32 to vector<16xi32>
      %lt3A_27 = arith.cmpi slt, %broadcast_in_dim3A_24, %lt3A_26 : vector<16xi32>
      %add3A_28 = arith.constant 16 : i32
      %add3A_29 = vector.broadcast %add3A_28 : i32 to vector<16xi32>
      %add3A_30 = arith.addi %broadcast_in_dim3A_24, %add3A_29 : vector<16xi32>
      %select_n3A_31 = arith.select %lt3A_27, %add3A_30, %broadcast_in_dim3A_24 : vector<16xi1>, vector<16xi32>
      %broadcast_in_dim3A_32 = vector.shape_cast %select_n3A_31 : vector<16xi32> to vector<16x1xi32>
      %gather3A_33 = vector.shape_cast %broadcast_in_dim3A_32 : vector<16x1xi32> to vector<16xi32>
      %gather3A_34 = tpu.dynamic_gather %get3A_14[%gather3A_33] in [0] : vector<16xi32>, vector<16xi32> -> vector<16xi32>
      %broadcast_in_dim3A_35 = arith.constant 2 : i32
      %broadcast_in_dim3A_36 = vector.broadcast %broadcast_in_dim3A_35 : i32 to vector<16xi32>
      %lt3A_37 = arith.constant 0 : i32
      %lt3A_38 = vector.broadcast %lt3A_37 : i32 to vector<16xi32>
      %lt3A_39 = arith.cmpi slt, %broadcast_in_dim3A_36, %lt3A_38 : vector<16xi32>
      %add3A_40 = arith.constant 16 : i32
      %add3A_41 = vector.broadcast %add3A_40 : i32 to vector<16xi32>
      %add3A_42 = arith.addi %broadcast_in_dim3A_36, %add3A_41 : vector<16xi32>
      %select_n3A_43 = arith.select %lt3A_39, %add3A_42, %broadcast_in_dim3A_36 : vector<16xi1>, vector<16xi32>
      %broadcast_in_dim3A_44 = vector.shape_cast %select_n3A_43 : vector<16xi32> to vector<16x1xi32>
      %gather3A_45 = vector.shape_cast %broadcast_in_dim3A_44 : vector<16x1xi32> to vector<16xi32>
      %gather3A_46 = tpu.dynamic_gather %get3A_14[%gather3A_45] in [0] : vector<16xi32>, vector<16xi32> -> vector<16xi32>
      %broadcast_in_dim3A_47 = vector.broadcast %scan3A_9 : i32 to vector<16xi32>
      %scan3A_48 = arith.constant 0 : i32
      %scan3A_49 = arith.constant 0 : i32
      %scan3A_50 = arith.constant 10 : i32
      %scan3A_51 = arith.addi %scan3A_49, %scan3A_50 : i32
      %scan3A_52 = arith.constant 1 : i32
      %scan3A_53 = scf.for %scan3A_56 = %scan3A_49 to %scan3A_51 step %scan3A_52 iter_args(%scan3A_57 = %scan3A_48) -> (i32)  : i32 {
        %mul3A_58 = arith.constant 64 : i32
        %mul3A_59 = arith.muli %scan3A_56, %mul3A_58 : i32
        %add3A_60 = arith.constant 0 : i32
        %add3A_61 = arith.addi %mul3A_59, %add3A_60 : i32
        %get3A_62 = arith.index_cast %add3A_61 : i32 to index
        %get3A_63 = tpu.vector_load %arg5[%get3A_62] {strides = array<i32>} : memref<640xi32, #tpu.memory_space<vmem>>, vector<16xi32>,
        %get3A_64 = vector.shape_cast %get3A_63 : vector<16xi32> to vector<16xi32>
        %add3A_65 = arith.addi %mul3A_2, %add3A_61 : i32
        %add3A_66 = vector.broadcast %add3A_65 : i32 to vector<16xi32>
        %add3A_67 = arith.addi %add3A_66, %iota3A : vector<16xi32>
        %eq3A = arith.cmpi eq, %add3A_67, %gather3A_22 : vector<16xi32>
        %eq3A_68 = arith.cmpi eq, %add3A_67, %gather3A_34 : vector<16xi32>
        %or3A = arith.ori %eq3A, %eq3A_68 : vector<16xi1>
        %eq3A_69 = arith.cmpi eq, %add3A_67, %gather3A_46 : vector<16xi32>
        %or3A_70 = arith.ori %or3A, %eq3A_69 : vector<16xi1>
        %select_n3A_71 = arith.select %or3A_70, %broadcast_in_dim3A_47, %get3A_64 : vector<16xi1>, vector<16xi32>
        %swap3A = arith.index_cast %add3A_61 : i32 to index
        %swap3A_72 = tpu.vector_load %arg5[%swap3A] {strides = array<i32>} : memref<640xi32, #tpu.memory_space<vmem>>, vector<16xi32>,
        %swap3A_73 = vector.shape_cast %swap3A_72 : vector<16xi32> to vector<16xi32>
        %swap3A_74 = vector.shape_cast %select_n3A_71 : vector<16xi32> to vector<16xi32>
        tpu.vector_store %arg5[%swap3A], %swap3A_74 {strides = array<i32>} : memref<640xi32, #tpu.memory_space<vmem>>, vector<16xi32>,
        %mul3A_75 = arith.constant 64 : i32
        %mul3A_76 = arith.muli %scan3A_56, %mul3A_75 : i32
        %add3A_77 = arith.constant 16 : i32
        %add3A_78 = arith.addi %mul3A_76, %add3A_77 : i32
        %get3A_79 = arith.index_cast %add3A_78 : i32 to index
        %get3A_80 = tpu.vector_load %arg5[%get3A_79] {strides = array<i32>} : memref<640xi32, #tpu.memory_space<vmem>>, vector<16xi32>,
        %get3A_81 = vector.shape_cast %get3A_80 : vector<16xi32> to vector<16xi32>
        %add3A_82 = arith.addi %mul3A_2, %add3A_78 : i32
        %add3A_83 = vector.broadcast %add3A_82 : i32 to vector<16xi32>
        %add3A_84 = arith.addi %add3A_83, %iota3A : vector<16xi32>
        %eq3A_85 = arith.cmpi eq, %add3A_84, %gather3A_22 : vector<16xi32>
        %eq3A_86 = arith.cmpi eq, %add3A_84, %gather3A_34 : vector<16xi32>
        %or3A_87 = arith.ori %eq3A_85, %eq3A_86 : vector<16xi1>
        %eq3A_88 = arith.cmpi eq, %add3A_84, %gather3A_46 : vector<16xi32>
        %or3A_89 = arith.ori %or3A_87, %eq3A_88 : vector<16xi1>
        %select_n3A_90 = arith.select %or3A_89, %broadcast_in_dim3A_47, %get3A_81 : vector<16xi1>, vector<16xi32>
        %swap3A_91 = arith.index_cast %add3A_78 : i32 to index
        %swap3A_92 = tpu.vector_load %arg5[%swap3A_91] {strides = array<i32>} : memref<640xi32, #tpu.memory_space<vmem>>, vector<16xi32>,
        %swap3A_93 = vector.shape_cast %swap3A_92 : vector<16xi32> to vector<16xi32>
        %swap3A_94 = vector.shape_cast %select_n3A_90 : vector<16xi32> to vector<16xi32>
        tpu.vector_store %arg5[%swap3A_91], %swap3A_94 {strides = array<i32>} : memref<640xi32, #tpu.memory_space<vmem>>, vector<16xi32>,
        %mul3A_95 = arith.constant 64 : i32
        %mul3A_96 = arith.muli %scan3A_56, %mul3A_95 : i32
        %add3A_97 = arith.constant 32 : i32
        %add3A_98 = arith.addi %mul3A_96, %add3A_97 : i32
        %get3A_99 = arith.index_cast %add3A_98 : i32 to index
        %get3A_100 = tpu.vector_load %arg5[%get3A_99] {strides = array<i32>} : memref<640xi32, #tpu.memory_space<vmem>>, vector<16xi32>,
        %get3A_101 = vector.shape_cast %get3A_100 : vector<16xi32> to vector<16xi32>
        %add3A_102 = arith.addi %mul3A_2, %add3A_98 : i32
        %add3A_103 = vector.broadcast %add3A_102 : i32 to vector<16xi32>
        %add3A_104 = arith.addi %add3A_103, %iota3A : vector<16xi32>
        %eq3A_105 = arith.cmpi eq, %add3A_104, %gather3A_22 : vector<16xi32>
        %eq3A_106 = arith.cmpi eq, %add3A_104, %gather3A_34 : vector<16xi32>
        %or3A_107 = arith.ori %eq3A_105, %eq3A_106 : vector<16xi1>
        %eq3A_108 = arith.cmpi eq, %add3A_104, %gather3A_46 : vector<16xi32>
        %or3A_109 = arith.ori %or3A_107, %eq3A_108 : vector<16xi1>
        %select_n3A_110 = arith.select %or3A_109, %broadcast_in_dim3A_47, %get3A_101 : vector<16xi1>, vector<16xi32>
        %swap3A_111 = arith.index_cast %add3A_98 : i32 to index
        %swap3A_112 = tpu.vector_load %arg5[%swap3A_111] {strides = array<i32>} : memref<640xi32, #tpu.memory_space<vmem>>, vector<16xi32>,
        %swap3A_113 = vector.shape_cast %swap3A_112 : vector<16xi32> to vector<16xi32>
        %swap3A_114 = vector.shape_cast %select_n3A_110 : vector<16xi32> to vector<16xi32>
        tpu.vector_store %arg5[%swap3A_111], %swap3A_114 {strides = array<i32>} : memref<640xi32, #tpu.memory_space<vmem>>, vector<16xi32>,
        %mul3A_115 = arith.constant 64 : i32
        %mul3A_116 = arith.muli %scan3A_56, %mul3A_115 : i32
        %add3A_117 = arith.constant 48 : i32
        %add3A_118 = arith.addi %mul3A_116, %add3A_117 : i32
        %get3A_119 = arith.index_cast %add3A_118 : i32 to index
        %get3A_120 = tpu.vector_load %arg5[%get3A_119] {strides = array<i32>} : memref<640xi32, #tpu.memory_space<vmem>>, vector<16xi32>,
        %get3A_121 = vector.shape_cast %get3A_120 : vector<16xi32> to vector<16xi32>
        %add3A_122 = arith.addi %mul3A_2, %add3A_118 : i32
        %add3A_123 = vector.broadcast %add3A_122 : i32 to vector<16xi32>
        %add3A_124 = arith.addi %add3A_123, %iota3A : vector<16xi32>
        %eq3A_125 = arith.cmpi eq, %add3A_124, %gather3A_22 : vector<16xi32>
        %eq3A_126 = arith.cmpi eq, %add3A_124, %gather3A_34 : vector<16xi32>
        %or3A_127 = arith.ori %eq3A_125, %eq3A_126 : vector<16xi1>
        %eq3A_128 = arith.cmpi eq, %add3A_124, %gather3A_46 : vector<16xi32>
        %or3A_129 = arith.ori %or3A_127, %eq3A_128 : vector<16xi1>
        %select_n3A_130 = arith.select %or3A_129, %broadcast_in_dim3A_47, %get3A_121 : vector<16xi1>, vector<16xi32>
        %swap3A_131 = arith.index_cast %add3A_118 : i32 to index
        %swap3A_132 = tpu.vector_load %arg5[%swap3A_131] {strides = array<i32>} : memref<640xi32, #tpu.memory_space<vmem>>, vector<16xi32>,
        %swap3A_133 = vector.shape_cast %swap3A_132 : vector<16xi32> to vector<16xi32>
        %swap3A_134 = vector.shape_cast %select_n3A_130 : vector<16xi32> to vector<16xi32>
        tpu.vector_store %arg5[%swap3A_131], %swap3A_134 {strides = array<i32>} : memref<640xi32, #tpu.memory_space<vmem>>, vector<16xi32>,
        %scan3A_135 = arith.constant 0 : i32
        scf.yield %scan3A_135 : i32
      }
      %scan3A_54 = arith.constant 10 : i32
      %scan3A_55 = arith.constant 0 : i32
      scf.yield %scan3A_55 : i32
    }
    %scan3A_8 = arith.constant 64 : i32
    "tpu.region"() ({
      %run_scoped3A = tpu.sem_alloc : memref<!tpu.dma_semaphore, #tpu.memory_space<semaphore_mem>>
      %dma_start3A = tpu.memref_slice %arg4[%mul3A_2] : memref<20480xi32, #tpu.memory_space<hbm>> -> memref<640xi32, #tpu.memory_space<hbm>>
      %dma_start3A_9 = tpu.memref_slice %arg4[%mul3A_2] : memref<20480xi32, #tpu.memory_space<hbm>> -> memref<640xi32, #tpu.memory_space<hbm>>
      tpu.enqueue_dma source(%arg5 : memref<640xi32, #tpu.memory_space<vmem>>) target(%dma_start3A_9 : memref<640xi32, #tpu.memory_space<hbm>>) target_semaphore(%run_scoped3A : memref<!tpu.dma_semaphore, #tpu.memory_space<semaphore_mem>>)
      %dma_wait3A = tpu.memref_slice %arg4[%mul3A_2] : memref<20480xi32, #tpu.memory_space<hbm>> -> memref<640xi32, #tpu.memory_space<hbm>>
      %dma_wait3A_10 = tpu.memref_slice %arg4[%mul3A_2] : memref<20480xi32, #tpu.memory_space<hbm>> -> memref<640xi32, #tpu.memory_space<hbm>>
      tpu.wait_dma2 semaphore(%run_scoped3A : memref<!tpu.dma_semaphore, #tpu.memory_space<semaphore_mem>>) src(%arg5 : memref<640xi32, #tpu.memory_space<vmem>>) dst(%dma_wait3A_10 : memref<640xi32, #tpu.memory_space<hbm>>)
      tpu.yield
    }) : () -> ()
    return
  }
}

</mosaic_0001>

<sc_bundles>
// kernel: kernel.11.cloned.1.call-start
scs
__scs_entry_jumppad:
0x0: {  	(pc) =	sbr.rel $0x88, $3  }
0x1: {  	(tag) =	ssettag $0x0;
	lr =	simm.s32 $0x1  }
0x2: {  	[smem:$0x3F9F] =	sst lr;
	_ =	strace $0xD0000000  }
0x3: {  	_ = 	snop  }
0x4: {  	_ = 	snop  }
0x5: {  	_ = 	snop  }
0x6: {  	_ = 	snop  }
0x7: {  	_ = 	snop  }
__scs_overlays_trampoline_lowered:
0x8: {  	[smem:$0x3FAE] =	sst s0  }
0x9: {  	[smem:$0x3FAF] =	sst s1  }
0xa: {  	[smem:$0x3FB0] =	sst s2  }
0xb: {  	[smem:$0x3FB1] =	sst s3  }
0xc: {  	[smem:$0x3FB2] =	sst s4  }
0xd: {  	[smem:$0x3FB3] =	sst s5  }
0xe: {  	[smem:$0x3FB4] =	sst s6  }
0xf: {  	[smem:$0x3FB5] =	sst s7  }
0x10: {  	[smem:$0x3FB6] =	sst s8  }
0x11: {  	[smem:$0x3FB7] =	sst s9;
	s0 =	simm.s32 @!p0 $0x0  }
0x12: {  	s1 =	sld [smem:$0x3F9D];
	s0 =	simm.s32 @p0 $0x1  }
0x13: {  	[smem:$0x3FB8] =	sst s0;
	s0 =	simm.s32 @!p1 $0x0  }
0x14: {  	s2 =	sld [smem:$0x3F9C];
	s0 =	simm.s32 @p1 $0x1  }
0x15: {  	[smem:$0x3FB9] =	sst s0;
	s0 =	simm.s32 @!p2 $0x0  }
0x16: {  	s3 =	sld [smem:$0x3FDB];
	s0 =	simm.s32 @p2 $0x1  }
0x17: {  	s4 =	simm.s32 $0x1BF5;
	[smem:$0x3FBB] =	sst s0  }
0x18: {  	s0 =	sld [smem:$0x3F9E];
	_ =	swait.ge [sflag:s4], $0x0  }
0x19: {  	s7 =	sld [smem:$0x3F9F]  }
0x1a: {  	s8 =	sadd.s32 $0xFFFFE003, lr  }
0x1b: {  	s9 =	sadd.s32 $0xFFFFFEF7, lr;
	s5 =	simm.s32 $0xFFFFFFFF;
	p2 =	slt.u32 s8, $0xFFFFF086  }
0x1c: {  	p1 =	slt.u32 s9, $0xF7A;
	s5 =	simm.s32 @!p2 $0x0  }
0x1d: {  	s5 =	simm.s32 @p1 $0x1;
	p0 =	seq.s32 s7, s2  }
0x1e: {  	s7 =	smul.u32 @!p0 $0xF7A, s2;
	p2 =	seq.s32 @!p0 s5, $0x0  }
0x1f: {  	s9 =	smul.u32 $0xF7A, s1;
	s8 =	simm.s32 @!p0 $0x1BF5;
	p2 =	por !p2, p0  }
0x20: {  	[sflag:s8] =	ssyncset.s32 @!p0 $0xFFFFF086;
	s6 =	sadd.s32 @!p0 s3, s7;
	s7 =	simm.s32 @!p0 $0x108  }
0x21: {  	s3 =	sadd.s32 s3, s9;
	s6 =	sadd.s32 @!p0 $0x88, s6;
	s7 =	simm.s32 @p2 $0x1082  }
0x22: {  	[simem:s7], [sflag:s8] =	dma.local @!p0 [hbm:s6], $0xF7A  }
0x23: {  	s9 =	sor.u32 $0xD0000000, s2;
	s6 =	simm.s32 $0x108;
	_ =	swait.ge @!p0 [sflag:s8], $0x0  }
0x24: {  	s3 =	sadd.s32 $0x88, s3;
	s6 =	simm.s32 @!p1 $0x1082;
	[sflag:s4] =	ssyncset.s32 $0xFFFFF086  }
0x25: {  	[simem:s6], [sflag:s4] =	dma.local [hbm:s3], $0xF7A  }
0x26: {  	[smem:$0x3F9F] =	sst s1;
	(tag) =	ssettag s2;
	_ =	strace s9  }
0x27: {  	s1 =	sld [smem:$0x3FAF]  }
0x28: {  	s2 =	sld [smem:$0x3FB0]  }
0x29: {  	s4 =	sld [smem:$0x3FB2]  }
0x2a: {  	p0 =	seq.s32 s5, $0x0;
	s5 =	sld [smem:$0x3FB3]  }
0x2b: {  	s6 =	sld [smem:$0x3FB4]  }
0x2c: {  	s7 =	sld [smem:$0x3FB5]  }
0x2d: {  	s3 =	simm.s32 $0x108;
	s8 =	sld [smem:$0x3FB6]  }
0x2e: {  	s3 =	simm.s32 @!p0 $0x1082;
	s9 =	sld [smem:$0x3FB7]  }
0x2f: {  	lr =	sadd.s32 s0, s3;
	s0 =	sld [smem:$0x3FAE]  }
0x30: {  	s3 =	sld [smem:$0x3FB1]  }
0x31: {  	[smem:$0x3FBA] =	sst s10  }
0x32: {  	s10 =	sld [smem:$0x3FB8];
	_ =	sdelay $0x3  }
0x33: {  	p0 =	seq.s32 s10, $0x1;
	s10 =	sld [smem:$0x3FBA];
	_ =	sdelay $0x3  }
0x34: {  	[smem:$0x3FBA] =	sst s10  }
0x35: {  	s10 =	sld [smem:$0x3FB9];
	_ =	sdelay $0x3  }
0x36: {  	p1 =	seq.s32 s10, $0x1;
	s10 =	sld [smem:$0x3FBA];
	_ =	sdelay $0x3  }
0x37: {  	[smem:$0x3FBA] =	sst s10  }
0x38: {  	s10 =	sld [smem:$0x3FBB]  }
0x39: {  	_ = 	snop;
	(pc) =	sbr.ind lr, $3  }
0x3a: {  	_ = 	snop  }
0x3b: {  	_ = 	snop  }
0x3c: {  	p2 =	seq.s32 s10, $0x1;
	s10 =	sld [smem:$0x3FBA]  }
0x3d: {  	_ =	shalt  }
0x3e: {  	_ =	shalt  }
0x3f: {  	_ =	shalt  }
0x40: {  	_ =	shalt  }
0x41: {  	_ =	shalt  }
0x42: {  	_ =	shalt  }
0x43: {  	_ =	shalt  }
0x44: {  	_ =	shalt  }
0x45: {  	_ =	shalt  }
0x46: {  	_ =	shalt  }
0x47: {  	_ =	shalt  }
0x48: {  	_ =	shalt  }
0x49: {  	_ =	shalt  }
0x4a: {  	_ =	shalt  }
0x4b: {  	_ =	shalt  }
0x4c: {  	_ =	shalt  }
0x4d: {  	_ =	shalt  }
0x4e: {  	_ =	shalt  }
0x4f: {  	_ =	shalt  }
0x50: {  	_ =	shalt  }
0x51: {  	_ =	shalt  }
0x52: {  	_ =	shalt  }
0x53: {  	_ =	shalt  }
0x54: {  	_ =	shalt  }
0x55: {  	_ =	shalt  }
0x56: {  	_ =	shalt  }
0x57: {  	_ =	shalt  }
0x58: {  	_ =	shalt  }
0x59: {  	_ =	shalt  }
0x5a: {  	_ =	shalt  }
0x5b: {  	_ =	shalt  }
0x5c: {  	_ =	shalt  }
0x5d: {  	_ =	shalt  }
0x5e: {  	_ =	shalt  }
0x5f: {  	_ =	shalt  }
0x60: {  	_ =	shalt  }
0x61: {  	_ =	shalt  }
0x62: {  	_ =	shalt  }
0x63: {  	_ =	shalt  }
0x64: {  	_ =	shalt  }
0x65: {  	_ =	shalt  }
0x66: {  	_ =	shalt  }
0x67: {  	_ =	shalt  }
0x68: {  	_ =	shalt  }
0x69: {  	_ =	shalt  }
0x6a: {  	_ =	shalt  }
0x6b: {  	_ =	shalt  }
0x6c: {  	_ =	shalt  }
0x6d: {  	_ =	shalt  }
0x6e: {  	_ =	shalt  }
0x6f: {  	_ =	shalt  }
0x70: {  	_ =	shalt  }
0x71: {  	_ =	shalt  }
0x72: {  	_ =	shalt  }
0x73: {  	_ =	shalt  }
0x74: {  	_ =	shalt  }
0x75: {  	_ =	shalt  }
0x76: {  	_ =	shalt  }
0x77: {  	_ =	shalt  }
0x78: {  	_ =	shalt  }
0x79: {  	_ =	shalt  }
0x7a: {  	_ =	shalt  }
0x7b: {  	_ =	shalt  }
0x7c: {  	_ =	shalt  }
0x7d: {  	_ =	shalt  }
0x7e: {  	_ =	shalt  }
0x7f: {  	_ =	shalt  }
0x80: {  	_ =	shalt  }
0x81: {  	_ =	shalt  }
0x82: {  	_ =	shalt  }
0x83: {  	_ =	shalt  }
0x84: {  	_ =	shalt  }
0x85: {  	_ =	shalt  }
0x86: {  	_ =	shalt  }
0x87: {  	_ =	shalt  }
.Lfunc_end0:
.L_simem_size_0:
called_computation.2_lowered:
.L_overlay_start_0:
0x88: {  	s2 =	sld [smem:$0x3FD9]  }
0x89: {  	s3 =	sld [smem:$0x3FFE];
	_ =	sdelay $0x1  }
0x8a: {  	s1 =	srdreg.scid  }
0x8b: {  	s0 =	sand.u32 $0x1, s1  }
0x8c: {  	s17 =	sshll.u32 s0, $0xA;
	s2 =	sadd.s32 s3, s2  }
0x8d: {  	s2 =	sadd.s32 s2, s17  }
0x8e: {  	[smem:$0x3FC6] =	sst s2  }
0x8f: {  	_ = 	snop  }
0x90: {  	s2 =	sld [smem:$0x3FD0];
	(tm) =	ssettm $0x1  }
0x91: {  	s18 =	sld [smem:$0x3FFB];
	_ =	sdelay $0x3  }
0x92: {  	_ =	strace s18  }
0x93: {  	s3 =	sld [smem:$0x3FFC];
	_ =	sdelay $0x3  }
0x94: {  	_ =	strace s3  }
0x95: {  	s3 =	sld [smem:$0x3FFD];
	_ =	sdelay $0x3  }
0x96: {  	_ =	strace s3  }
0x97: {  	_ =	strace $0x8FFFFFFF  }
0x98: {  	s19 =	sld [smem:$0x3FDB];
	_ =	sdelay $0x1  }
0x99: {  	s4 =	simm.s32 $_scs_section_size  }
0x9a: {  	s5 =	simm.s32 $_size__tile_overlayer_lowered;
	s6 =	simm.s32 $_tile_overlayer_lowered  }
0x9b: {  	s22 =	simm.s32 $0x1BFF;
	s21 =	sshll.u32 s6, $0x1;
	s3 =	sadd.s32 s4, s19  }
0x9c: {  	s7 =	simm.s32 $0x0;
	s20 =	sshll.u32 s5, $0x1;
	s5 =	sadd.s32 s21, s3  }
0x9d: {  	[timem:s7], [sflag:s22] =	dma.local [hbm:s5], s20  }
0x9e: {  	_ =	swait.ge [sflag:s22], s20  }
0x9f: {  	s4 =	ssub.s32 $0x0, s20;
	[sflag:s22] =	ssyncset.done $0x0  }
0xa0: {  	[sflag:s22] =	ssyncadd.s32 s4;
	_ =	sdelay $0x1  }
0xa1: {  	s23 =	simm.s32 $0x1B8B  }
0xa2: {  	_ =	swait.ge [sflag:s23], $0x1  }
0xa3: {  	[sflag:s23] =	ssyncset.done $0x0  }
0xa4: {  	s25 =	simm.s32 $0x1B8E;
	s24 =	sld [smem:$0x3FFE];
	[sflag:s23] =	ssyncadd.s32 $0xFFFFFFFF  }
0xa5: {  	s26 =	simm.s32 $execute0_lowered;
	[smem:$0x3FD2] =	sst s25  }
0xa6: {  	s5 =	sshll.u32 s26, $0x1;
	_ =	strace $0x8000004C;
	[dreg:$0x1] =	wrdreg $0xFFFFFFFF  }
0xa7: {  	s28 =	simm.s32 $_size_execute0_lowered;
	s3 =	sadd.s32 s3, s5;
	[dreg:$0x0] =	wrdreg $0x0  }
0xa8: {  	s5 =	sshll.u32 s28, $0x1;
	[dreg:$0x2] =	wrdreg s3  }
0xa9: {  	[dreg:$0x3] =	wrdreg s5  }
0xaa: {  	[dreg:$0x4] =	wrdreg $0xC0  }
0xab: {  	_ =	task [dreg:s7], $0x5FFFF  }
0xac: {  	[dreg:$0x1] =	wrdreg $0xFFFFFFFF  }
0xad: {  	[dreg:$0x0] =	wrdreg $0x60  }
0xae: {  	[dreg:$0x2] =	wrdreg s24  }
0xaf: {  	[dreg:$0x3] =	wrdreg s2  }
0xb0: {  	[dreg:$0x4] =	wrdreg $0x9  }
0xb1: {  	_ =	task.clear_ibuf [dreg:s7], $0x5FFFF;
	_ =	strace $0x9000004C  }
0xb2: {  	s29 =	simm.s32 $0x9;
	_ =	strace $0x8000004E  }
0xb3: {  	_ =	swait.ge [sflag:s29], $0x1  }
0xb4: {  	[sflag:s29] =	ssyncadd.s32 $0xFFFFFFFF  }
0xb5: {  	_ =	strace $0x9000004E  }
0xb6: {  	_ =	sfence  }
0xb7: {  	s30 =	sld [smem:$0x0];
	_ =	sdelay $0x2  }
0xb8: {  	s31 =	sshll.u32 s1, $0xD;
	s1 =	sshrl.u32 s1, $0x2  }
0xb9: {  	s3 =	sand.u32 $0x4000, s31;
	s1 =	sadd.s32 s1, s30  }
0xba: {  	s0 =	sor.u32 s3, s0;
	s1 =	sshll.u32 s1, $0x11  }
0xbb: {  	s0 =	sor.u32 s1, s0  }
0xbc: {  	s0 =	sadd.s32 $0x8F2B, s0  }
0xbd: {  	[sflag:s0] =	ssyncadd.remote.s32 $0x1  }
0xbe: {  	_ =	sfence.sel $0xFFFF  }
0xbf: {  	[dreg:$0x0] =	wrdreg $0xFFFFFFFF;
	(pc) =	sbr.abs _section_cstart, $3  }
0xc0: {  	[dreg:$0x1] =	wrdreg $0xFFFFFFFF  }
0xc1: {  	_ =	task.clear_ibuf [dreg:s7], $0x2FFFF;
	_ =	strace $0x9FFFFFFF  }
0xc2: {  	(tm) =	ssettm $0x7FFFFFFF  }
0xc3: {  	_ =	shalt  }
tec
execute0_lowered:
.L_overlay_start_1:
0x0: {  	(tag) =	ssettag $0x1  }
0x1: {  	s3 =	rddreg [dreg:$0x0]  }
0x2: {  	s1 =	srdreg.scid;
	s0 =	stileid.u32  }
0x3: {  	s5 =	rddreg [dreg:$0x1];
	s4 =	sand.u32 $0x1, s1;
	s6 =	sshll.u32 s0, $0x1  }
0x4: {  	s2 =	simm.s32 $0x0;
	s1 =	rddreg [dreg:$0x2];
	s6 =	sor.u32 s4, s6  }
0x5: {  	[smem:$0x7FF] =	sst s2;
	s7 =	ssub.s32 $0x2, s4;
	s6 =	smul.u32 $0x280, s6  }
0x6: {  	s8 =	smul.u32 $0x500, s0;
	_ =	strace $0x8000004D;
	s10 =	sshrl.u32 s7, $0x1  }
0x7: {  	s11 =	smul.u32 $0x280, s4;
	s7 =	ssub.s32 s7, s10;
	s6 =	sshrl.u32 s6, $0x3  }
0x8: {  	s10 =	simm.s32 $0x0;
	s9 =	sadd.s32 s6, s3;
	s3 =	sadd.s32 $0x1400, s3  }
0x9: {  	v0 =	vimm.s32 $0x0;
	s5 =	sadd.s32 s5, s6;
	s6 =	smax.u32 s7, $0x1;
	s7 =	sadd.s32 s11, s8  }
0xa: {  	v1 =	vimm.s32 $0x1;
	v2 =	vimm.s32 $0x2;
	v3 =	vlaneseq.u32;
	s8 =	simm.s32 $0x1;
	s4 =	sadd.s32 $0x13A00, s9;
	s9 =	simm.s32 $0x280  }
.LBB2_1:
0xb: {  	[tilespmem:s2], [sflag:$0x1] =	stream.linear.gather [hbm4b:s4+s2], $0x280, $0x38;
	[tilespmem:$0x680] =	vst v63  }
0xc: {  	_ =	swait.ge [sflag:s8], $0x280  }
0xd: {  	[sflag:s8] =	ssyncset.done $0x0  }
0xe: {  	[sflag:s8] =	ssyncadd.s32 $0xFFFFFD80  }
0xf: {  	[tilespmem:s9], [sflag:$0x1] =	stream.linear.gather [hbm4b:s3+s2], $0x400, $0x38;
	[tilespmem:$0x680] =	vst v63  }
0x10: {  	_ =	swait.ge [sflag:s8], $0x400  }
0x11: {  	[sflag:s8] =	ssyncset.done $0x0  }
0x12: {  	s11 =	simm.s32 $0x0;
	[sflag:s8] =	ssyncadd.s32 $0xFFFFFC00  }
.LBB2_2:
0x13: {  	s12 =	sshll.u32 s11, $0x4  }
0x14: {  	s12 =	sand.u32 $0x3FFFFFF0, s12  }
0x15: {  	v4 =	vld [tilespmem:s12+$0x280];
	_ =	sdelay $0x3  }
0x16: {  	s13 =	sadd.s32 $0x0, s7  }
0x17: {  	v8 =	vor.u32 s13, v3;
	s14 =	sadd.s32 $0x10, s13;
	v7 =	vperm.xlane v4, v0  }
0x18: {  	s29 =	sadd.s32 $0x20, s13;
	s13 =	sadd.s32 $0x30, s13;
	s12 =	simm.s32 $0x20;
	v10 =	vor.u32 s14, v3;
	v5 =	vperm.xlane v4, v1;
	v6 =	vperm.xlane v4, v2  }
0x19: {  	v12 =	vor.u32 s13, v3;
	v9 =	vld [tilespmem:s12+$0xFFFFFFE0];
	v4 =	vmov s11;
	vm0 =	veq.s32 v8, v7  }
0x1a: {  	v11 =	vld [tilespmem:s12+$0x0];
	vm1 =	veq.s32 v8, v6;
	vm2 =	veq.s32 v8, v5;
	v8 =	vor.u32 s29, v3  }
0x1b: {  	v13 =	vld [tilespmem:s12+$0x10];
	vm3 =	veq.s32 v12, v6;
	vm6 =	veq.s32 v12, v7;
	vm0 =	vmor vm0, vm2  }
0x1c: {  	vm2 =	veq.s32 v8, v6;
	vm4 =	veq.s32 v8, v7;
	vm5 =	veq.s32 v8, v5  }
0x1d: {  	s30 =	sadd.s32 $0x40, s7;
	vm0 =	vmor vm1, vm0;
	vm1 =	vmor vm4, vm5;
	vm4 =	veq.s32 v12, v5  }
0x1e: {  	s14 =	sadd.s32 $0x30, s30;
	v9 =	vsel vm0, v4, v9;
	vm0 =	vmor vm2, vm1;
	vm1 =	vmor vm6, vm4  }
0x1f: {  	v12 =	vor.u32 s14, v3;
	[tilespmem:s12+$0xFFFFFFE0] =	vst v9;
	v9 =	vsel vm0, v4, v11;
	vm0 =	vmor vm3, vm1  }
0x20: {  	vm2 =	veq.s32 v10, v7;
	vm1 =	veq.s32 v10, v5;
	[tilespmem:s12+$0x0] =	vst v9;
	v9 =	vsel vm0, v4, v13  }
0x21: {  	s31 =	sadd.s32 $0x20, s30;
	s13 =	simm.s32 $0x60;
	v8 =	vld [tilespmem:s12+$0xFFFFFFF0];
	vm3 =	veq.s32 v10, v6;
	v11 =	vor.u32 s30, v3;
	vm0 =	vmor vm2, vm1;
	[tilespmem:s12+$0x10] =	vst v9  }
0x22: {  	s15 =	sadd.s32 $0x10, s30;
	vm2 =	veq.s32 v11, v7;
	vm1 =	veq.s32 v11, v6;
	v13 =	vor.u32 s31, v3;
	v10 =	vld [tilespmem:s13+$0xFFFFFFE0]  }
0x23: {  	s14 =	simm.s32 $0x80;
	vm0 =	vmor vm3, vm0;
	v9 =	vor.u32 s15, v3;
	vm3 =	veq.s32 v11, v5;
	v11 =	vld [tilespmem:s13+$0x0]  }
.LBB2_3:
0x24: {  	p0 =	sne.s32 s14, $0x240;
	vm2 =	vmor vm2, vm3;
	vm3 =	veq.s32 v13, v6;
	v14 =	vld [tilespmem:s13+$0x10];
	vm4 =	veq.s32 v12, v6  }
0x25: {  	vm5 =	veq.s32 v13, v7;
	vm6 =	veq.s32 v13, v5;
	vm7 =	veq.s32 v12, v7;
	v15 =	vld [tilespmem:s13+$0xFFFFFFF0]  }
0x26: {  	vm1 =	vmor vm1, vm2;
	vm2 =	vmor vm5, vm6;
	vm5 =	veq.s32 v12, v5  }
0x27: {  	v10 =	vsel vm1, v4, v10;
	vm1 =	vmor vm3, vm2;
	vm2 =	vmor vm7, vm5  }
0x28: {  	vm3 =	veq.s32 v9, v7;
	[tilespmem:s13+$0xFFFFFFE0] =	vst v10;
	v10 =	vsel vm1, v4, v11;
	vm1 =	vmor vm4, vm2  }
.Ltmp0:
0x29: {  	vm2 =	veq.s32 v9, v5;
	vm4 =	veq.s32 v9, v6;
	[tilespmem:s13+$0x0] =	vst v10;
	v9 =	vsel vm1, v4, v14;
	(pc) =	sbr.rel @p0 .LBB2_3-.Ltmp0, $4  }
0x2a: {  	s15 =	sadd.s32 s14, s7;
	vm1 =	vmor vm3, vm2;
	[tilespmem:s13+$0x10] =	vst v9;
	v9 =	vsel vm0, v4, v8;
	v8 =	vmov v15  }
0x2b: {  	s16 =	sadd.s32 $0x10, s15;
	v11 =	vor.u32 s15, v3;
	vm0 =	vmor vm4, vm1;
	[tilespmem:s12+$0xFFFFFFF0] =	vst v9;
	s12 =	smov.u32 s13;
	s13 =	sadd.s32 $0x40, s13  }
0x2c: {  	vm2 =	veq.s32 v11, v7;
	vm1 =	veq.s32 v11, v6;
	v9 =	vor.u32 s16, v3;
	s16 =	sadd.s32 $0x20, s15;
	s15 =	sadd.s32 $0x30, s15;
	v10 =	vld [tilespmem:s13+$0xFFFFFFE0]  }
0x2d: {  	s14 =	sadd.s32 $0x40, s14;
	vm3 =	veq.s32 v11, v5;
	v13 =	vor.u32 s16, v3;
	v12 =	vor.u32 s15, v3;
	v11 =	vld [tilespmem:s13+$0x0]  }
0x2e: {  	vm2 =	vmor vm2, vm3  }
0x2f: {  	vm13 =	veq.s32 v13, v6;
	v14 =	vld [tilespmem:s13+$0x10];
	vm4 =	veq.s32 v12, v6;
	vm5 =	veq.s32 v13, v7  }
0x30: {  	vm6 =	veq.s32 v13, v5;
	vm7 =	veq.s32 v12, v7;
	vm15 =	veq.s32 v12, v5  }
0x31: {  	v62 =	vld [tilespmem:s13+$0xFFFFFFF0];
	vm10 =	veq.s32 v9, v7;
	s11 =	sadd.s32 $0x1, s11;
	vm1 =	vmor vm1, vm2;
	vm14 =	vmor vm5, vm6  }
0x32: {  	vm9 =	vmor vm7, vm15;
	p0 =	sne.s32 s11, $0x40;
	vm8 =	vmor vm13, vm14;
	v10 =	vsel vm1, v4, v10  }
.Ltmp1:
0x33: {  	vm12 =	veq.s32 v9, v5;
	vm11 =	vmor vm4, vm9;
	[tilespmem:s13+$0xFFFFFFE0] =	vst v10;
	v63 =	vsel vm8, v4, v11;
	(pc) =	sbr.rel @p0 .LBB2_2-.Ltmp1, $4  }
0x34: {  	vm13 =	veq.s32 v9, v6;
	vm14 =	vmor vm10, vm12;
	[tilespmem:s13+$0x0] =	vst v63;
	v5 =	vsel vm11, v4, v14  }
0x35: {  	vm15 =	vmor vm13, vm14;
	[tilespmem:s13+$0x10] =	vst v5;
	v5 =	vsel vm0, v4, v8  }
0x36: {  	v4 =	vsel vm15, v4, v62;
	[tilespmem:s12+$0xFFFFFFF0] =	vst v5  }
0x37: {  	[tilespmem:s13+$0xFFFFFFF0] =	vst v4  }
0x38: {  	s10 =	sadd.s32 $0x1, s10  }
0x39: {  	p0 =	sne.s32 s10, s6  }
.Ltmp2:
0x3a: {  	_ = 	snop;
	(pc) =	sbr.rel @p0 .LBB2_1-.Ltmp2, $4  }
0x3b: {  	[hbm4b:s5+s2] =	stream.linear.scatter [tilespmem:s2], [sflag:$0x1], $0x280, $0x38;
	[tilespmem:$0x680] =	vst v63  }
0x3c: {  	_ =	swait.ge [sflag:s8], $0x280  }
0x3d: {  	[sflag:s8] =	ssyncset.done $0x0  }
0x3e: {  	[sflag:s8] =	ssyncadd.s32 $0xFFFFFD80  }
0x3f: {  	_ =	sfence.sel $0x180000  }
0x40: {  	[bflag:$0x0] =	sbarrier.arrive $0xFFFF  }
0x41: {  	p0 =	sne.s32 s0, $0x0;
	_ =	strace $0x9000004D  }
0x42: {  	s0 =	sadd.s32 @!p0 $0x100000, s1;
	[bflag:$0x2] =	sbarrier.arrive $0xFFFF  }
0x43: {  	[sflag:s0] =	ssyncadd.tile.s32 @!p0 $0x1;
	_ =	shalt  }
.Lfunc_end2:
_tile_overlayer_lowered:
.L_overlay_start_2:
0x44: {  	(tag) =	ssettag $0x2  }
0x45: {  	s0 =	rddreg [dreg:$0x0];
	s2 =	stileid.u32  }
0x46: {  	s1 =	rddreg [dreg:$0x1];
	p0 =	sne.s32 s2, $0x0  }
0x47: {  	s3 =	rddreg [dreg:$0x2];
	[bflag:$0x3] =	sbarrier.arrive $0xFFFF;
	s2 =	simm.s32 @!p0 $0x1C01  }
0x48: {  	[timem:s3], [sflag:s2] =	dma.local @!p0 [hbm:s0], s1  }
0x49: {  	s0 =	simm.s32 @!p0 $0x1  }
0x4a: {  	_ =	swait.ge @!p0 [sflag:s0], s1  }
0x4b: {  	s1 =	ssub.s32 @!p0 $0x0, s1;
	[sflag:s0] =	ssyncset.done @!p0 $0x0  }
0x4c: {  	[sflag:s0] =	ssyncadd.s32 @!p0 s1  }
0x4d: {  	[bflag:$0x3] =	sbarrier.arrive $0xFFFF  }
0x4e: {  	_ =	shalt  }

// kernel: kernel.5.cloned.1.call-start
scs
__scs_entry_jumppad:
0x0: {  	(pc) =	sbr.rel $0x88, $3  }
0x1: {  	(tag) =	ssettag $0x0;
	lr =	simm.s32 $0x1  }
0x2: {  	[smem:$0x3F9F] =	sst lr;
	_ =	strace $0xD0000000  }
0x3: {  	_ = 	snop  }
0x4: {  	_ = 	snop  }
0x5: {  	_ = 	snop  }
0x6: {  	_ = 	snop  }
0x7: {  	_ = 	snop  }
__scs_overlays_trampoline_lowered:
0x8: {  	[smem:$0x3FAE] =	sst s0  }
0x9: {  	[smem:$0x3FAF] =	sst s1  }
0xa: {  	[smem:$0x3FB0] =	sst s2  }
0xb: {  	[smem:$0x3FB1] =	sst s3  }
0xc: {  	[smem:$0x3FB2] =	sst s4  }
0xd: {  	[smem:$0x3FB3] =	sst s5  }
0xe: {  	[smem:$0x3FB4] =	sst s6  }
0xf: {  	[smem:$0x3FB5] =	sst s7  }
0x10: {  	[smem:$0x3FB6] =	sst s8  }
0x11: {  	[smem:$0x3FB7] =	sst s9;
	s0 =	simm.s32 @!p0 $0x0  }
0x12: {  	s1 =	sld [smem:$0x3F9D];
	s0 =	simm.s32 @p0 $0x1  }
0x13: {  	[smem:$0x3FB8] =	sst s0;
	s0 =	simm.s32 @!p1 $0x0  }
0x14: {  	s2 =	sld [smem:$0x3F9C];
	s0 =	simm.s32 @p1 $0x1  }
0x15: {  	[smem:$0x3FB9] =	sst s0;
	s0 =	simm.s32 @!p2 $0x0  }
0x16: {  	s3 =	sld [smem:$0x3FDB];
	s0 =	simm.s32 @p2 $0x1  }
0x17: {  	s4 =	simm.s32 $0x1BF5;
	[smem:$0x3FBB] =	sst s0  }
0x18: {  	s0 =	sld [smem:$0x3F9E];
	_ =	swait.ge [sflag:s4], $0x0  }
0x19: {  	s7 =	sld [smem:$0x3F9F]  }
0x1a: {  	s8 =	sadd.s32 $0xFFFFE003, lr  }
0x1b: {  	s9 =	sadd.s32 $0xFFFFFEF7, lr;
	s5 =	simm.s32 $0xFFFFFFFF;
	p2 =	slt.u32 s8, $0xFFFFF086  }
0x1c: {  	p1 =	slt.u32 s9, $0xF7A;
	s5 =	simm.s32 @!p2 $0x0  }
0x1d: {  	s5 =	simm.s32 @p1 $0x1;
	p0 =	seq.s32 s7, s2  }
0x1e: {  	s7 =	smul.u32 @!p0 $0xF7A, s2;
	p2 =	seq.s32 @!p0 s5, $0x0  }
0x1f: {  	s9 =	smul.u32 $0xF7A, s1;
	s8 =	simm.s32 @!p0 $0x1BF5;
	p2 =	por !p2, p0  }
0x20: {  	[sflag:s8] =	ssyncset.s32 @!p0 $0xFFFFF086;
	s6 =	sadd.s32 @!p0 s3, s7;
	s7 =	simm.s32 @!p0 $0x108  }
0x21: {  	s3 =	sadd.s32 s3, s9;
	s6 =	sadd.s32 @!p0 $0x88, s6;
	s7 =	simm.s32 @p2 $0x1082  }
0x22: {  	[simem:s7], [sflag:s8] =	dma.local @!p0 [hbm:s6], $0xF7A  }
0x23: {  	s9 =	sor.u32 $0xD0000000, s2;
	s6 =	simm.s32 $0x108;
	_ =	swait.ge @!p0 [sflag:s8], $0x0  }
0x24: {  	s3 =	sadd.s32 $0x88, s3;
	s6 =	simm.s32 @!p1 $0x1082;
	[sflag:s4] =	ssyncset.s32 $0xFFFFF086  }
0x25: {  	[simem:s6], [sflag:s4] =	dma.local [hbm:s3], $0xF7A  }
0x26: {  	[smem:$0x3F9F] =	sst s1;
	(tag) =	ssettag s2;
	_ =	strace s9  }
0x27: {  	s1 =	sld [smem:$0x3FAF]  }
0x28: {  	s2 =	sld [smem:$0x3FB0]  }
0x29: {  	s4 =	sld [smem:$0x3FB2]  }
0x2a: {  	p0 =	seq.s32 s5, $0x0;
	s5 =	sld [smem:$0x3FB3]  }
0x2b: {  	s6 =	sld [smem:$0x3FB4]  }
0x2c: {  	s7 =	sld [smem:$0x3FB5]  }
0x2d: {  	s3 =	simm.s32 $0x108;
	s8 =	sld [smem:$0x3FB6]  }
0x2e: {  	s3 =	simm.s32 @!p0 $0x1082;
	s9 =	sld [smem:$0x3FB7]  }
0x2f: {  	lr =	sadd.s32 s0, s3;
	s0 =	sld [smem:$0x3FAE]  }
0x30: {  	s3 =	sld [smem:$0x3FB1]  }
0x31: {  	[smem:$0x3FBA] =	sst s10  }
0x32: {  	s10 =	sld [smem:$0x3FB8];
	_ =	sdelay $0x3  }
0x33: {  	p0 =	seq.s32 s10, $0x1;
	s10 =	sld [smem:$0x3FBA];
	_ =	sdelay $0x3  }
0x34: {  	[smem:$0x3FBA] =	sst s10  }
0x35: {  	s10 =	sld [smem:$0x3FB9];
	_ =	sdelay $0x3  }
0x36: {  	p1 =	seq.s32 s10, $0x1;
	s10 =	sld [smem:$0x3FBA];
	_ =	sdelay $0x3  }
0x37: {  	[smem:$0x3FBA] =	sst s10  }
0x38: {  	s10 =	sld [smem:$0x3FBB]  }
0x39: {  	_ = 	snop;
	(pc) =	sbr.ind lr, $3  }
0x3a: {  	_ = 	snop  }
0x3b: {  	_ = 	snop  }
0x3c: {  	p2 =	seq.s32 s10, $0x1;
	s10 =	sld [smem:$0x3FBA]  }
0x3d: {  	_ =	shalt  }
0x3e: {  	_ =	shalt  }
0x3f: {  	_ =	shalt  }
0x40: {  	_ =	shalt  }
0x41: {  	_ =	shalt  }
0x42: {  	_ =	shalt  }
0x43: {  	_ =	shalt  }
0x44: {  	_ =	shalt  }
0x45: {  	_ =	shalt  }
0x46: {  	_ =	shalt  }
0x47: {  	_ =	shalt  }
0x48: {  	_ =	shalt  }
0x49: {  	_ =	shalt  }
0x4a: {  	_ =	shalt  }
0x4b: {  	_ =	shalt  }
0x4c: {  	_ =	shalt  }
0x4d: {  	_ =	shalt  }
0x4e: {  	_ =	shalt  }
0x4f: {  	_ =	shalt  }
0x50: {  	_ =	shalt  }
0x51: {  	_ =	shalt  }
0x52: {  	_ =	shalt  }
0x53: {  	_ =	shalt  }
0x54: {  	_ =	shalt  }
0x55: {  	_ =	shalt  }
0x56: {  	_ =	shalt  }
0x57: {  	_ =	shalt  }
0x58: {  	_ =	shalt  }
0x59: {  	_ =	shalt  }
0x5a: {  	_ =	shalt  }
0x5b: {  	_ =	shalt  }
0x5c: {  	_ =	shalt  }
0x5d: {  	_ =	shalt  }
0x5e: {  	_ =	shalt  }
0x5f: {  	_ =	shalt  }
0x60: {  	_ =	shalt  }
0x61: {  	_ =	shalt  }
0x62: {  	_ =	shalt  }
0x63: {  	_ =	shalt  }
0x64: {  	_ =	shalt  }
0x65: {  	_ =	shalt  }
0x66: {  	_ =	shalt  }
0x67: {  	_ =	shalt  }
0x68: {  	_ =	shalt  }
0x69: {  	_ =	shalt  }
0x6a: {  	_ =	shalt  }
0x6b: {  	_ =	shalt  }
0x6c: {  	_ =	shalt  }
0x6d: {  	_ =	shalt  }
0x6e: {  	_ =	shalt  }
0x6f: {  	_ =	shalt  }
0x70: {  	_ =	shalt  }
0x71: {  	_ =	shalt  }
0x72: {  	_ =	shalt  }
0x73: {  	_ =	shalt  }
0x74: {  	_ =	shalt  }
0x75: {  	_ =	shalt  }
0x76: {  	_ =	shalt  }
0x77: {  	_ =	shalt  }
0x78: {  	_ =	shalt  }
0x79: {  	_ =	shalt  }
0x7a: {  	_ =	shalt  }
0x7b: {  	_ =	shalt  }
0x7c: {  	_ =	shalt  }
0x7d: {  	_ =	shalt  }
0x7e: {  	_ =	shalt  }
0x7f: {  	_ =	shalt  }
0x80: {  	_ =	shalt  }
0x81: {  	_ =	shalt  }
0x82: {  	_ =	shalt  }
0x83: {  	_ =	shalt  }
0x84: {  	_ =	shalt  }
0x85: {  	_ =	shalt  }
0x86: {  	_ =	shalt  }
0x87: {  	_ =	shalt  }
.Lfunc_end0:
.L_simem_size_0:
called_computation_lowered:
.L_overlay_start_0:
0x88: {  	s2 =	sld [smem:$0x3FD9]  }
0x89: {  	s3 =	sld [smem:$0x3FFE];
	_ =	sdelay $0x1  }
0x8a: {  	s1 =	srdreg.scid  }
0x8b: {  	s0 =	sand.u32 $0x1, s1  }
0x8c: {  	s17 =	sshll.u32 s0, $0xA;
	s2 =	sadd.s32 s3, s2  }
0x8d: {  	s2 =	sadd.s32 s2, s17  }
0x8e: {  	[smem:$0x3FC6] =	sst s2  }
0x8f: {  	_ = 	snop  }
0x90: {  	s2 =	sld [smem:$0x3FD0];
	(tm) =	ssettm $0x1  }
0x91: {  	s18 =	sld [smem:$0x3FFB];
	_ =	sdelay $0x3  }
0x92: {  	_ =	strace s18  }
0x93: {  	s3 =	sld [smem:$0x3FFC];
	_ =	sdelay $0x3  }
0x94: {  	_ =	strace s3  }
0x95: {  	s3 =	sld [smem:$0x3FFD];
	_ =	sdelay $0x3  }
0x96: {  	_ =	strace s3  }
0x97: {  	_ =	strace $0x8FFFFFFF  }
0x98: {  	s19 =	sld [smem:$0x3FDB];
	_ =	sdelay $0x1  }
0x99: {  	s4 =	simm.s32 $_scs_section_size  }
0x9a: {  	s5 =	simm.s32 $_size__tile_overlayer_lowered;
	s6 =	simm.s32 $_tile_overlayer_lowered  }
0x9b: {  	s22 =	simm.s32 $0x1BFF;
	s21 =	sshll.u32 s6, $0x1;
	s3 =	sadd.s32 s4, s19  }
0x9c: {  	s7 =	simm.s32 $0x0;
	s20 =	sshll.u32 s5, $0x1;
	s5 =	sadd.s32 s21, s3  }
0x9d: {  	[timem:s7], [sflag:s22] =	dma.local [hbm:s5], s20  }
0x9e: {  	_ =	swait.ge [sflag:s22], s20  }
0x9f: {  	s4 =	ssub.s32 $0x0, s20;
	[sflag:s22] =	ssyncset.done $0x0  }
0xa0: {  	[sflag:s22] =	ssyncadd.s32 s4;
	_ =	sdelay $0x1  }
0xa1: {  	s23 =	simm.s32 $0x1B8B  }
0xa2: {  	_ =	swait.ge [sflag:s23], $0x1  }
0xa3: {  	[sflag:s23] =	ssyncset.done $0x0  }
0xa4: {  	s25 =	simm.s32 $0x1B8E;
	s24 =	sld [smem:$0x3FFE];
	[sflag:s23] =	ssyncadd.s32 $0xFFFFFFFF  }
0xa5: {  	s26 =	simm.s32 $execute0_lowered;
	[smem:$0x3FD2] =	sst s25  }
0xa6: {  	s5 =	sshll.u32 s26, $0x1;
	_ =	strace $0x80000046;
	[dreg:$0x1] =	wrdreg $0xFFFFFFFF  }
0xa7: {  	s28 =	simm.s32 $_size_execute0_lowered;
	s3 =	sadd.s32 s3, s5;
	[dreg:$0x0] =	wrdreg $0x0  }
0xa8: {  	s5 =	sshll.u32 s28, $0x1;
	[dreg:$0x2] =	wrdreg s3  }
0xa9: {  	[dreg:$0x3] =	wrdreg s5  }
0xaa: {  	[dreg:$0x4] =	wrdreg $0xC0  }
0xab: {  	_ =	task [dreg:s7], $0x5FFFF  }
0xac: {  	[dreg:$0x1] =	wrdreg $0xFFFFFFFF  }
0xad: {  	[dreg:$0x0] =	wrdreg $0x60  }
0xae: {  	[dreg:$0x2] =	wrdreg s24  }
0xaf: {  	[dreg:$0x3] =	wrdreg s2  }
0xb0: {  	[dreg:$0x4] =	wrdreg $0x9  }
0xb1: {  	_ =	task.clear_ibuf [dreg:s7], $0x5FFFF;
	_ =	strace $0x90000046  }
0xb2: {  	s29 =	simm.s32 $0x9;
	_ =	strace $0x80000048  }
0xb3: {  	_ =	swait.ge [sflag:s29], $0x1  }
0xb4: {  	[sflag:s29] =	ssyncadd.s32 $0xFFFFFFFF  }
0xb5: {  	_ =	strace $0x90000048  }
0xb6: {  	_ =	sfence  }
0xb7: {  	s30 =	sld [smem:$0x0];
	_ =	sdelay $0x2  }
0xb8: {  	s31 =	sshll.u32 s1, $0xD;
	s1 =	sshrl.u32 s1, $0x2  }
0xb9: {  	s3 =	sand.u32 $0x4000, s31;
	s1 =	sadd.s32 s1, s30  }
0xba: {  	s0 =	sor.u32 s3, s0;
	s1 =	sshll.u32 s1, $0x11  }
0xbb: {  	s0 =	sor.u32 s1, s0  }
0xbc: {  	s0 =	sadd.s32 $0x8F2B, s0  }
0xbd: {  	[sflag:s0] =	ssyncadd.remote.s32 $0x1  }
0xbe: {  	_ =	sfence.sel $0xFFFF  }
0xbf: {  	[dreg:$0x0] =	wrdreg $0xFFFFFFFF;
	(pc) =	sbr.abs _section_cstart, $3  }
0xc0: {  	[dreg:$0x1] =	wrdreg $0xFFFFFFFF  }
0xc1: {  	_ =	task.clear_ibuf [dreg:s7], $0x2FFFF;
	_ =	strace $0x9FFFFFFF  }
0xc2: {  	(tm) =	ssettm $0x7FFFFFFF  }
0xc3: {  	_ =	shalt  }
tec
execute0_lowered:
.L_overlay_start_1:
0x0: {  	(tag) =	ssettag $0x1  }
0x1: {  	v0 =	vimm.s32 $0xEFCDAB89;
	v1 =	vimm.s32 $0x67452301  }
0x2: {  	s0 =	rddreg [dreg:$0x0];
	v0 =	vunpack.c.l.s4.s8 v0;
	v1 =	vunpack.c.l.s4.s8 v1  }
0x3: {  	s1 =	rddreg [dreg:$0x1];
	s3 =	srdreg.scid  }
0x4: {  	s9 =	stileid.u32;
	s2 =	simm.s32 $0x0;
	v2 =	vimm.s32 $0xDCFE98BA;
	s20 =	simm.s32 $0xA00;
	v0 =	vunpack.c.0.s8.s32 v0;
	v1 =	vunpack.c.0.s8.s32 v1  }
0x5: {  	v4 =	vimm.s32 $0x32107654;
	s21 =	simm.s32 $0xE00;
	s22 =	simm.s32 $0x1200;
	s23 =	simm.s32 $0x1600  }
0x6: {  	s24 =	simm.s32 $0x1F00;
	s25 =	simm.s32 $0x2180;
	s26 =	simm.s32 $0x4180;
	v2 =	vunpack.c.l.s4.s8 v2;
	v3 =	vcombine.low v1, v0;
	v0 =	vimm.s32 $0x54761032  }
0x7: {  	v5 =	vimm.s32 $0xFEDCBA98;
	s28 =	simm.s32 $0x0;
	s10 =	sand.u32 $0x1, s3;
	s29 =	sshll.u32 s9, $0x1;
	v4 =	vunpack.c.l.s4.s8 v4;
	v0 =	vunpack.c.l.s4.s8 v0  }
0x8: {  	[smem:$0x7FF] =	sst s2;
	s3 =	sadd.s32 $0x1A00, s0;
	s4 =	sadd.s32 $0x1800, s0;
	v5 =	vunpack.c.l.s4.s8 v5;
	v1 =	vunpack.c.0.s8.s32 v2;
	v2 =	vimm.s32 $0xBA98FEDC  }
0x9: {  	s5 =	sadd.s32 $0x1600, s0;
	s6 =	sadd.s32 $0x1400, s0;
	s15 =	smul.u32 $0x500, s9;
	v2 =	vunpack.c.l.s4.s8 v2;
	v6 =	vunpack.c.0.s8.s32 v0;
	v0 =	vimm.s32 $0x76543210  }
0xa: {  	s7 =	sor.u32 s10, s29;
	s30 =	ssub.s32 $0x2, s10;
	s16 =	smul.u32 $0x280, s10;
	v7 =	vunpack.c.l.s4.s8 v0  }
0xb: {  	_ =	strace $0x80000047;
	s8 =	smul.u32 $0x280, s7;
	s31 =	sshrl.u32 s30, $0x1;
	v4 =	vunpack.c.0.s8.s32 v4;
	v5 =	vunpack.c.0.s8.s32 v5;
	v2 =	vunpack.c.0.s8.s32 v2  }
0xc: {  	s7 =	sshll.u32 s7, $0xA;
	s14 =	ssub.s32 s30, s31;
	s15 =	sadd.s32 s16, s15;
	v6 =	vcombine.low v6, v1;
	v7 =	vunpack.c.0.s8.s32 v7  }
0xd: {  	vm0 =	vmmov $0x1;
	s16 =	simm.s32 $0x1;
	s11 =	sshrl.u32 s8, $0x3;
	s14 =	smax.u32 s14, $0x1;
	v9 =	vand.u32 $0xF, v5;
	v8 =	vcombine.low v4, v2  }
0xe: {  	s12 =	sadd.s32 s11, s0;
	s0 =	sadd.s32 s7, s0;
	s10 =	sadd.s32 s1, s11;
	v4 =	vand.u32 $0xF, v6;
	v6 =	vcombine.low v9, v7;
	v7 =	vimm.s32 $0x0  }
0xf: {  	s7 =	sadd.s32 $0x3000, s12;
	s8 =	sadd.s32 $0x1C00, s12;
	s9 =	sadd.s32 $0x2600, s12;
	v3 =	vand.u32 $0xF, v3;
	v0 =	vimm.f32 $-1.000000000e+00;
	v7 =	vsel vm0, $0xFFFFFFFF, v7  }
0x10: {  	s11 =	sadd.s32 $0x13A00, s12;
	s12 =	sadd.s32 $0x3A00, s0;
	s13 =	sadd.s32 $0xBA00, s0;
	v1 =	vimm.s32 $0x0;
	v2 =	vlaneseq.u32;
	v5 =	vand.u32 $0xF, v8;
	[tilespmem:$0x1FFF0] =	vst v7  }
.LBB2_1:
0x11: {  	[tilespmem:s2], [sflag:$0x1] =	stream.linear.gather [hbm4b:s7+s2], $0x280, $0x38;
	[tilespmem:$0x6400] =	vst v63  }
0x12: {  	_ =	swait.ge [sflag:s16], $0x280  }
0x13: {  	[sflag:s16] =	ssyncset.done $0x0  }
0x14: {  	s0 =	simm.s32 $0x280;
	[sflag:s16] =	ssyncadd.s32 $0xFFFFFD80  }
0x15: {  	[tilespmem:s0], [sflag:$0x1] =	stream.linear.gather [hbm4b:s8+s2], $0x280, $0x38;
	[tilespmem:$0x6400] =	vst v63  }
0x16: {  	_ =	swait.ge [sflag:s16], $0x280  }
0x17: {  	[sflag:s16] =	ssyncset.done $0x0  }
0x18: {  	s30 =	simm.s32 $0x500;
	[sflag:s16] =	ssyncadd.s32 $0xFFFFFD80  }
0x19: {  	[tilespmem:s30], [sflag:$0x1] =	stream.linear.gather [hbm4b:s9+s2], $0x280, $0x38;
	[tilespmem:$0x6400] =	vst v63  }
0x1a: {  	_ =	swait.ge [sflag:s16], $0x280  }
0x1b: {  	[sflag:s16] =	ssyncset.done $0x0  }
0x1c: {  	s31 =	simm.s32 $0x780;
	[sflag:s16] =	ssyncadd.s32 $0xFFFFFD80  }
0x1d: {  	[tilespmem:s31], [sflag:$0x1] =	stream.linear.gather [hbm4b:s10+s2], $0x280, $0x38;
	[tilespmem:$0x6400] =	vst v63  }
0x1e: {  	_ =	swait.ge [sflag:s16], $0x280  }
0x1f: {  	[sflag:s16] =	ssyncset.done $0x0  }
0x20: {  	[sflag:s16] =	ssyncadd.s32 $0xFFFFFD80  }
0x21: {  	[tilespmem:s20], [sflag:$0x1] =	stream.linear.gather [hbm4b:s3+s2], $0x400, $0x38;
	[tilespmem:$0x6400] =	vst v63  }
0x22: {  	_ =	swait.ge [sflag:s16], $0x400  }
0x23: {  	[sflag:s16] =	ssyncset.done $0x0  }
0x24: {  	[sflag:s16] =	ssyncadd.s32 $0xFFFFFC00  }
0x25: {  	[tilespmem:s21], [sflag:$0x1] =	stream.linear.gather [hbm4b:s4+s2], $0x400, $0x38;
	[tilespmem:$0x6400] =	vst v63  }
0x26: {  	_ =	swait.ge [sflag:s16], $0x400  }
0x27: {  	[sflag:s16] =	ssyncset.done $0x0  }
0x28: {  	[sflag:s16] =	ssyncadd.s32 $0xFFFFFC00  }
0x29: {  	[tilespmem:s22], [sflag:$0x1] =	stream.linear.gather [hbm4b:s5+s2], $0x400, $0x38;
	[tilespmem:$0x6400] =	vst v63  }
0x2a: {  	_ =	swait.ge [sflag:s16], $0x400  }
0x2b: {  	[sflag:s16] =	ssyncset.done $0x0  }
0x2c: {  	[sflag:s16] =	ssyncadd.s32 $0xFFFFFC00  }
0x2d: {  	[tilespmem:s23], [sflag:$0x1] =	stream.linear.gather [hbm4b:s6+s2], $0x400, $0x38;
	[tilespmem:$0x6400] =	vst v63  }
0x2e: {  	_ =	swait.ge [sflag:s16], $0x400  }
0x2f: {  	[sflag:s16] =	ssyncset.done $0x0  }
0x30: {  	s0 =	simm.s32 $0x0;
	[sflag:s16] =	ssyncadd.s32 $0xFFFFFC00  }
0x31: {  	v9 =	vld [tilespmem:s0+$0x0]  }
0x32: {  	v10 =	vld [tilespmem:s0+$0x280]  }
0x33: {  	v11 =	vld [tilespmem:s0+$0x500]  }
0x34: {  	v12 =	vld [tilespmem:s0+$0x780]  }
0x35: {  	[tilespmem:s0+$0x1A00] =	vst v0  }
0x36: {  	s1 =	simm.s32 $0x10;
	[tilespmem:s0+$0x1C80] =	vst v1  }
0x37: {  	v7 =	vld [tilespmem:s1+$0x0]  }
0x38: {  	v8 =	vld [tilespmem:s1+$0x280]  }
0x39: {  	v11 =	vsub.f32 v11, v9;
	v12 =	vsub.f32 v12, v10;
	v9 =	vld [tilespmem:s1+$0x500]  }
0x3a: {  	[tilespmem:s1+$0x1A00] =	vst v0;
	v10 =	vld [tilespmem:s1+$0x780]  }
0x3b: {  	s17 =	simm.s32 $0x80;
	[tilespmem:s1+$0x1C80] =	vst v1;
	v11 =	vmul.f32 v12, v11  }
.LBB2_2:
0x3c: {  	s18 =	sshra.s32 s17, $0x2;
	v12 =	vmov v7;
	p0 =	sne.s32 s17, $0x9C0  }
.Ltmp0:
0x3d: {  	v7 =	vld [tilespmem:s18+$0x0];
	[tilespmem:s0+$0x6180] =	vst v11;
	v11 =	vmov v8;
	s0 =	smov.u32 s1;
	(pc) =	sbr.rel @p0 .LBB2_2-.Ltmp0, $4  }
0x3e: {  	s1 =	smov.u32 s18;
	[tilespmem:s18+$0x1A00] =	vst v0;
	v8 =	vld [tilespmem:s18+$0x280]  }
0x3f: {  	s17 =	sadd.s32 $0x40, s17;
	v12 =	vsub.f32 v9, v12;
	[tilespmem:s1+$0x1C80] =	vst v1;
	v9 =	vld [tilespmem:s1+$0x500];
	v11 =	vsub.f32 v10, v11  }
0x40: {  	v10 =	vld [tilespmem:s1+$0x780]  }
0x41: {  	v11 =	vmul.f32 v11, v12  }
0x42: {  	_ =	sdelay $0x2  }
0x43: {  	v7 =	vsub.f32 v9, v7;
	v8 =	vsub.f32 v10, v8;
	_ =	sdelay $0x1  }
0x44: {  	v7 =	vmul.f32 v8, v7  }
0x45: {  	[tilespmem:s0+$0x6180] =	vst v11  }
0x46: {  	s29 =	simm.s32 $0x0;
	[tilespmem:s1+$0x6180] =	vst v7  }
.LBB2_4:
0x47: {  	s0 =	sshll.u32 s29, $0x4  }
0x48: {  	v9 =	vld [tilespmem:s0+$0xA00]  }
0x49: {  	v10 =	vld [tilespmem:s0+$0xE00]  }
0x4a: {  	v11 =	vld [tilespmem:s0+$0x1200]  }
0x4b: {  	s30 =	simm.s32 $0x0;
	v12 =	vld [tilespmem:s0+$0x1600]  }
0x4c: {  	v7 =	vld [tilespmem:s30+$0x61B0]  }
0x4d: {  	v8 =	vld [tilespmem:s30+$0x61A0]  }
0x4e: {  	v14 =	vld [tilespmem:s30+$0x530]  }
0x4f: {  	v15 =	vld [tilespmem:s30+$0x7B0]  }
0x50: {  	v16 =	vld [tilespmem:s30+$0x2B0]  }
0x51: {  	v17 =	vld [tilespmem:s30+$0x7A0]  }
0x52: {  	v18 =	vld [tilespmem:s30+$0x30]  }
0x53: {  	v19 =	vld [tilespmem:s30+$0x2A0]  }
0x54: {  	v21 =	vld [tilespmem:s30+$0x520]  }
0x55: {  	v22 =	vld [tilespmem:s30+$0x20]  }
0x56: {  	v25 =	vld [tilespmem:s30+$0x10]  }
0x57: {  	v23 =	vld [tilespmem:s30+$0x510];
	v13 =	vsub.f32 v11, v9;
	v20 =	vsub.f32 v12, v10  }
0x58: {  	v24 =	vld [tilespmem:s30+$0x290];
	v14 =	vmin.f32 v14, v11;
	v15 =	vmin.f32 v15, v12  }
0x59: {  	v16 =	vmax.f32 v16, v10;
	v18 =	vmax.f32 v18, v9;
	v13 =	vmul.f32 v20, v13;
	v20 =	vld [tilespmem:s30+$0x790]  }
0x5a: {  	v15 =	vsub.f32 v15, v16;
	v16 =	vmin.f32 v17, v12;
	v17 =	vmax.f32 v19, v10  }
0x5b: {  	v14 =	vsub.f32 v14, v18;
	v18 =	vmin.f32 v21, v11;
	v21 =	vmax.f32 v25, v9  }
0x5c: {  	v16 =	vsub.f32 v16, v17;
	v17 =	vmax.f32 v22, v9;
	v22 =	vmin.f32 v23, v11  }
0x5d: {  	v19 =	vld [tilespmem:s30+$0x6190];
	v15 =	vmax.f32 v15, $0.0e+00;
	v17 =	vsub.f32 v18, v17;
	v18 =	vmax.f32 v24, v10  }
0x5e: {  	v7 =	vadd.f32 v7, v13;
	v8 =	vadd.f32 v8, v13;
	v20 =	vmin.f32 v20, v12  }
0x5f: {  	v14 =	vmax.f32 v14, $0.0e+00;
	v18 =	vsub.f32 v20, v18;
	v20 =	vsub.f32 v22, v21  }
0x60: {  	v21 =	vld [tilespmem:s30+$0x780];
	v22 =	vmax.f32 v16, $0.0e+00;
	v16 =	vmul.f32 v15, v14;
	v14 =	vmax.f32 v17, $0.0e+00  }
0x61: {  	v15 =	vld [tilespmem:s30+$0x500];
	v14 =	vmul.f32 v22, v14;
	v17 =	vmax.f32 v20, $0.0e+00;
	v18 =	vmax.f32 v18, $0.0e+00  }
0x62: {  	v19 =	vadd.f32 v19, v13;
	v20 =	vld [tilespmem:s30+$0x0];
	v7 =	vsub.f32 v7, v16;
	v17 =	vmul.f32 v18, v17  }
0x63: {  	v18 =	vld [tilespmem:s30+$0x280];
	v8 =	vsub.f32 v8, v14  }
0x64: {  	v7 =	vmax.f32 v7, $9.999999710e-10;
	v19 =	vsub.f32 v19, v17  }
0x65: {  	(erf) = vrcp.f32 v7;
	v7 =	vmax.f32 v8, $9.999999710e-10  }
0x66: {  	(erf) = vrcp.f32 v7;
	v7 =	vmax.f32 v19, $9.999999710e-10  }
0x67: {  	v8 =	vld [tilespmem:s30+$0x6180];
	v19 =	vmin.f32 v21, v12;
	(erf) = vrcp.f32 v7  }
0x68: {  	v7 =	vmin.f32 v15, v11;
	v15 =	vmax.f32 v20, v9;
	v18 =	vmax.f32 v18, v10  }
0x69: {  	v18 =	vsub.f32 v19, v18;
	v7 =	vsub.f32 v7, v15;
	_ =	sdelay $0x1  }
0x6a: {  	v18 =	vmax.f32 v18, $0.0e+00;
	v7 =	vmax.f32 v7, $0.0e+00  }
0x6b: {  	s31 =	simm.s32 $0x40;
	v8 =	vadd.f32 v8, v13;
	v18 =	vmul.f32 v18, v7  }
0x6c: {  	v26 =	vld [tilespmem:s31+$0x61A0]  }
0x6d: {  	v28 =	vld [tilespmem:s31+$0x6190];
	v8 =	vsub.f32 v8, v18  }
0x6e: {  	v29 =	vld [tilespmem:s31+$0x2B0]  }
0x6f: {  	v7 =	vld [tilespmem:s30+$0x1A10];
	v21 =	vpop (erf);
	v8 =	vmax.f32 v8, $9.999999710e-10  }
0x70: {  	v24 =	vld [tilespmem:s31+$0x61B0];
	v23 =	vpop (erf);
	(erf) = vrcp.f32 v8  }
0x71: {  	v15 =	vld [tilespmem:s30+$0x1C90];
	v25 =	vpop (erf)  }
0x72: {  	v22 =	vld [tilespmem:s30+$0x1A20];
	v27 =	vmul.f32 v25, v17  }
0x73: {  	v20 =	vld [tilespmem:s30+$0x1C80]  }
0x74: {  	v19 =	vld [tilespmem:s30+$0x1A00];
	vm0 =	vgt.f32 v27, v7  }
0x75: {  	v17 =	vld [tilespmem:s31+$0x530];
	v8 =	vsel vm0, v27, v7;
	v7 =	vmov s29  }
0x76: {  	v25 =	vld [tilespmem:s31+$0x7B0];
	[tilespmem:s30+$0x1A10] =	vst v8;
	v8 =	vsel vm0, v7, v15  }
0x77: {  	v30 =	vld [tilespmem:s31+$0x7A0];
	[tilespmem:s30+$0x1C90] =	vst v8  }
0x78: {  	v31 =	vld [tilespmem:s31+$0x6180]  }
0x79: {  	v32 =	vld [tilespmem:s31+$0x30];
	v8 =	vpop (erf)  }
0x7a: {  	v33 =	vld [tilespmem:s31+$0x2A0];
	v18 =	vmul.f32 v8, v18  }
0x7b: {  	v34 =	vld [tilespmem:s31+$0x520]  }
0x7c: {  	v35 =	vld [tilespmem:s31+$0x20];
	vm0 =	vgt.f32 v18, v19  }
0x7d: {  	v15 =	vmul.f32 v23, v14;
	v23 =	vmin.f32 v25, v12;
	v37 =	vld [tilespmem:s31+$0x790];
	v20 =	vsel vm0, v7, v20  }
0x7e: {  	v39 =	vld [tilespmem:s31+$0x510];
	v14 =	vsel vm0, v18, v19;
	[tilespmem:s30+$0x1C80] =	vst v20;
	v20 =	vadd.f32 v24, v13;
	v24 =	vmax.f32 v29, v10  }
0x7f: {  	v26 =	vadd.f32 v26, v13;
	v17 =	vmin.f32 v17, v11;
	v19 =	vld [tilespmem:s31+$0x290];
	[tilespmem:s30+$0x1A00] =	vst v14;
	v23 =	vsub.f32 v23, v24  }
0x80: {  	v24 =	vadd.f32 v28, v13;
	v28 =	vmin.f32 v30, v12;
	v30 =	vmax.f32 v33, v10;
	v25 =	vld [tilespmem:s31+$0x10]  }
0x81: {  	v58 =	vmin.f32 v34, v11;
	v29 =	vmax.f32 v32, v9;
	v28 =	vsub.f32 v28, v30;
	v30 =	vld [tilespmem:s31+$0x780]  }
0x82: {  	v61 =	vmin.f32 v37, v12;
	v17 =	vsub.f32 v17, v29;
	v29 =	vmax.f32 v35, v9;
	v63 =	vld [tilespmem:s31+$0x280]  }
0x83: {  	v62 =	vmin.f32 v39, v11;
	vm0 =	vgt.f32 v15, v22;
	v29 =	vsub.f32 v58, v29  }
0x84: {  	v59 =	vld [tilespmem:s31+$0x500];
	v23 =	vmax.f32 v23, $0.0e+00;
	v17 =	vmax.f32 v17, $0.0e+00;
	v19 =	vmax.f32 v19, v10  }
0x85: {  	v60 =	vld [tilespmem:s31+$0x0];
	v25 =	vmax.f32 v25, v9;
	v34 =	vsub.f32 v61, v19;
	v19 =	vmul.f32 v23, v17  }
0x86: {  	v17 =	vmax.f32 v29, $0.0e+00;
	v35 =	vsub.f32 v62, v25;
	v25 =	vmax.f32 v28, $0.0e+00  }
0x87: {  	v29 =	vmax.f32 v63, v10;
	v28 =	vmin.f32 v30, v12;
	v25 =	vmul.f32 v25, v17  }
0x88: {  	v23 =	vmax.f32 v34, $0.0e+00;
	v20 =	vsub.f32 v20, v19;
	v17 =	vmax.f32 v35, $0.0e+00  }
0x89: {  	v28 =	vsub.f32 v28, v29;
	v34 =	vmul.f32 v23, v17;
	v17 =	vmin.f32 v59, v11  }
0x8a: {  	v29 =	vld [tilespmem:s30+$0x1CA0];
	v23 =	vsub.f32 v26, v25;
	v26 =	vmax.f32 v60, v9;
	v20 =	vmax.f32 v20, $9.999999710e-10  }
0x8b: {  	v30 =	vld [tilespmem:s30+$0x1A30];
	(erf) = vrcp.f32 v20;
	v17 =	vsub.f32 v17, v26;
	v26 =	vmax.f32 v28, $0.0e+00  }
0x8c: {  	v24 =	vsub.f32 v24, v34;
	v20 =	vmax.f32 v23, $9.999999710e-10;
	v23 =	vmul.f32 v21, v16  }
0x8d: {  	v21 =	vsel vm0, v15, v22;
	(erf) = vrcp.f32 v20;
	v17 =	vmax.f32 v17, $0.0e+00  }
0x8e: {  	v20 =	vmax.f32 v24, $9.999999710e-10;
	v24 =	vadd.f32 v31, v13;
	v37 =	vmul.f32 v26, v17  }
0x8f: {  	v36 =	vimm.f32 $-1.000000000e+00;
	v16 =	vld [tilespmem:s31+$0x1C90];
	[tilespmem:s30+$0x1A20] =	vst v21;
	v21 =	vsel vm0, v7, v29  }
0x90: {  	vm4 =	vgt.f32 v23, v30;
	(erf) = vrcp.f32 v20;
	v22 =	vsub.f32 v24, v37  }
0x91: {  	vm5 =	vgt.f32 v18, v36;
	[tilespmem:s30+$0x1CA0] =	vst v21;
	v21 =	vsel vm4, v23, v30  }
0x92: {  	v38 =	vimm.s32 $0x0;
	s17 =	sadd.s32 $0x20, s15;
	s0 =	sadd.s32 $0x40, s15;
	v40 =	vsel vm5, v18, v36;
	[tilespmem:s30+$0x1A30] =	vst v21;
	v21 =	vmax.f32 v22, $9.999999710e-10  }
0x93: {  	s1 =	sadd.s32 $0x20, s0;
	v8 =	vor.u32 s17, v2;
	vm3 =	vgt.f32 v27, v40;
	(erf) = vrcp.f32 v21  }
0x94: {  	v18 =	vsel vm3, v27, v40;
	v14 =	vor.u32 s1, v2;
	v26 =	vsel vm5, v36, v40  }
0x95: {  	s18 =	sadd.s32 $0x30, s15;
	vm6 =	vgt.f32 v15, v18;
	v20 =	vor.u32 s15, v2;
	vm7 =	vgt.f32 v27, v26  }
0x96: {  	s19 =	sadd.s32 $0x10, s15;
	v17 =	vor.u32 s18, v2;
	v28 =	vsel vm5, v20, v38;
	v29 =	vsel vm7, v27, v26;
	v20 =	vld [tilespmem:s31+$0x1A00]  }
0x97: {  	v30 =	vor.u32 s19, v2;
	v36 =	vsel vm5, v38, v28;
	v33 =	vsel vm3, v40, v29;
	v27 =	vld [tilespmem:s31+$0x1A10];
	v24 =	vpop (erf)  }
0x98: {  	v32 =	vsel vm3, v30, v28;
	v22 =	vld [tilespmem:s30+$0x1CB0];
	v31 =	vsel vm7, v30, v36;
	vm5 =	vgt.f32 v15, v33;
	v38 =	vpop (erf)  }
0x99: {  	s17 =	simm.s32 $0x200;
	s1 =	smov.u32 s0;
	v29 =	vsel vm7, v26, v29;
	v21 =	vld [tilespmem:s31+$0x1C80];
	v26 =	vsel vm7, v36, v31;
	v35 =	vsel vm5, v15, v33;
	v39 =	vpop (erf)  }
.LBB2_5:
0x9a: {  	s19 =	smov.u32 s17  }
0x9b: {  	s18 =	sshra.s32 s17, $0x2;
	v31 =	vld [tilespmem:s31+$0x1A20];
	s0 =	sadd.s32 $0x40, s0;
	vm0 =	vgt.f32 v15, v29;
	v40 =	vsel vm6, v18, v35;
	v18 =	vsel vm6, v15, v18;
	s19 =	sadd.s32 $0x100, s17  }
0x9c: {  	p0 =	sne.s32 s17, $0x900;
	v15 =	vsel vm0, v15, v29;
	v42 =	vsel vm0, v8, v26;
	vm8 =	vgt.f32 v23, v18;
	v35 =	vld [tilespmem:s18+$0x61B0];
	v41 =	vpop (erf)  }
0x9d: {  	v26 =	vmul.f32 v39, v34;
	v34 =	vsel vm5, v33, v15;
	v43 =	vld [tilespmem:s18+$0x61A0];
	v29 =	vmul.f32 v41, v37  }
0x9e: {  	v15 =	vmul.f32 v38, v25;
	v33 =	vsel vm8, v23, v18;
	vm1 =	vgt.f32 v23, v34;
	v37 =	vld [tilespmem:s18+$0x530]  }
0x9f: {  	v30 =	vsel vm7, v30, v36;
	vm0 =	vgt.f32 v26, v27;
	v34 =	vsel vm1, v23, v34;
	v25 =	vld [tilespmem:s18+$0x7B0]  }
0xa0: {  	v27 =	vsel vm0, v26, v27;
	v16 =	vsel vm0, v7, v16;
	vm7 =	vgt.f32 v29, v33;
	v36 =	vld [tilespmem:s18+$0x6190]  }
0xa1: {  	v28 =	vsel vm3, v28, v30;
	v38 =	vld [tilespmem:s18+$0x2B0];
	v39 =	vadd.f32 v35, v13;
	[tilespmem:s31+$0x1A10] =	vst v27;
	v27 =	vsel vm7, v29, v33  }
0xa2: {  	vm0 =	vgt.f32 v23, v40;
	v30 =	vld [tilespmem:s18+$0x7A0];
	[tilespmem:s31+$0x1C90] =	vst v16;
	vm3 =	vgt.f32 v26, v27;
	v16 =	vsel vm5, v8, v28  }
0xa3: {  	v23 =	vsel vm0, v23, v40;
	v41 =	vld [tilespmem:s18+$0x6180];
	v37 =	vmin.f32 v37, v11;
	v16 =	vsel vm6, v32, v16  }
0xa4: {  	v35 =	vsel vm8, v18, v23;
	v28 =	vsel vm5, v28, v42;
	v44 =	vld [tilespmem:s18+$0x30];
	v25 =	vmin.f32 v25, v12  }
0xa5: {  	v18 =	vsel vm3, v26, v27;
	v32 =	vsel vm6, v8, v32;
	v28 =	vsel vm1, v17, v28;
	v8 =	vmovc v14;
	v23 =	vld [tilespmem:s18+$0x2A0]  }
0xa6: {  	v42 =	vld [tilespmem:s18+$0x520];
	v14 =	vmax.f32 v38, v10;
	v38 =	vsel vm4, v7, v22;
	v22 =	vsel vm0, v16, v28  }
0xa7: {  	vm1 =	vgt.f32 v29, v20;
	v28 =	vld [tilespmem:s18+$0x20];
	v25 =	vsub.f32 v25, v14;
	[tilespmem:s30+$0x1CB0] =	vst v38;
	v38 =	vsel vm8, v17, v32;
	s30 =	smov.u32 s31;
	s31 =	smov.u32 s18  }
0xa8: {  	s17 =	sadd.s32 $0x20, s0;
	v20 =	vsel vm1, v29, v20;
	v21 =	vsel vm1, v7, v21;
	v36 =	vadd.f32 v36, v13;
	v45 =	vld [tilespmem:s31+$0x790]  }
0xa9: {  	v30 =	vmin.f32 v30, v12;
	v14 =	vor.u32 s17, v2;
	v46 =	vld [tilespmem:s31+$0x510];
	v44 =	vmax.f32 v44, v9;
	[tilespmem:s30+$0x1C80] =	vst v21  }
0xaa: {  	v43 =	vadd.f32 v43, v13;
	v16 =	vsel vm0, v17, v16;
	v21 =	vld [tilespmem:s31+$0x290];
	v23 =	vmax.f32 v23, v10;
	[tilespmem:s30+$0x1A00] =	vst v20  }
0xab: {  	v25 =	vmax.f32 v25, $0.0e+00;
	v17 =	vld [tilespmem:s31+$0x780];
	v20 =	vsub.f32 v30, v23;
	v23 =	vsub.f32 v37, v44  }
0xac: {  	v40 =	vsel vm0, v40, v34;
	v37 =	vmin.f32 v42, v11;
	v30 =	vld [tilespmem:s31+$0x10];
	v28 =	vmax.f32 v28, v9  }
0xad: {  	v42 =	vsel vm8, v32, v16;
	v34 =	vld [tilespmem:s31+$0x500];
	v28 =	vsub.f32 v37, v28;
	v23 =	vmax.f32 v23, $0.0e+00  }
0xae: {  	v20 =	vmax.f32 v20, $0.0e+00;
	v32 =	vld [tilespmem:s31+$0x0];
	v44 =	vmul.f32 v25, v23  }
0xaf: {  	v23 =	vld [tilespmem:s31+$0x280];
	v16 =	vmax.f32 v21, v10;
	v21 =	vmin.f32 v45, v12;
	v25 =	vmax.f32 v28, $0.0e+00  }
0xb0: {  	v17 =	vmin.f32 v17, v12;
	v21 =	vsub.f32 v21, v16;
	v16 =	vld [tilespmem:s31+$0x1C90];
	v25 =	vmul.f32 v20, v25  }
0xb1: {  	v28 =	vmin.f32 v46, v11;
	v20 =	vmax.f32 v30, v9;
	v30 =	vsub.f32 v39, v44  }
0xb2: {  	v37 =	vmin.f32 v34, v11;
	v20 =	vsub.f32 v28, v20;
	v28 =	vsub.f32 v43, v25  }
0xb3: {  	v39 =	vadd.f32 v41, v13;
	v32 =	vmax.f32 v32, v9;
	v30 =	vmax.f32 v30, $9.999999710e-10  }
0xb4: {  	v21 =	vmax.f32 v21, $0.0e+00;
	v23 =	vmax.f32 v23, v10;
	v20 =	vmax.f32 v20, $0.0e+00  }
0xb5: {  	v17 =	vsub.f32 v17, v23;
	v34 =	vmul.f32 v21, v20;
	(erf) = vrcp.f32 v30  }
0xb6: {  	v20 =	vsub.f32 v37, v32;
	v21 =	vmax.f32 v28, $9.999999710e-10  }
0xb7: {  	v17 =	vmax.f32 v17, $0.0e+00;
	v23 =	vsub.f32 v36, v34  }
0xb8: {  	v20 =	vmax.f32 v20, $0.0e+00;
	(erf) = vrcp.f32 v21;
	v21 =	vld [tilespmem:s30+$0x1A30]  }
0xb9: {  	s17 =	sadd.s32 $0x30, s1;
	v37 =	vmul.f32 v17, v20;
	v17 =	vmax.f32 v23, $9.999999710e-10;
	v20 =	vld [tilespmem:s30+$0x1CA0]  }
0xba: {  	s18 =	sadd.s32 $0x10, s1;
	v41 =	vor.u32 s1, v2;
	s1 =	smov.u32 s0;
	(erf) = vrcp.f32 v17;
	v17 =	vor.u32 s17, v2  }
0xbb: {  	v28 =	vsel vm7, v41, v38;
	v30 =	vor.u32 s18, v2;
	v32 =	vsub.f32 v39, v37  }
0xbc: {  	vm1 =	vgt.f32 v15, v31;
	vm0 =	vgt.f32 v29, v35;
	v23 =	vmul.f32 v24, v19;
	v19 =	vmovc v44  }
0xbd: {  	vm6 =	vgt.f32 v15, v18;
	v31 =	vsel vm1, v15, v31;
	v32 =	vmax.f32 v32, $9.999999710e-10  }
0xbe: {  	vm4 =	vgt.f32 v23, v21;
	(erf) = vrcp.f32 v32;
	v24 =	vpop (erf);
	[tilespmem:s30+$0x1A20] =	vst v31;
	v20 =	vsel vm1, v7, v20  }
0xbf: {  	v31 =	vsel vm0, v41, v42;
	[tilespmem:s30+$0x1CA0] =	vst v20;
	v20 =	vsel vm4, v23, v21;
	v21 =	vsel vm0, v29, v35  }
0xc0: {  	vm1 =	vgt.f32 v29, v40;
	v36 =	vsel vm7, v38, v31;
	[tilespmem:s30+$0x1A30] =	vst v20;
	v43 =	vsel vm7, v33, v21  }
.Ltmp1:
0xc1: {  	v32 =	vsel vm3, v30, v28;
	v21 =	vsel vm1, v29, v40;
	v38 =	vpop (erf);
	vm7 =	vgt.f32 v26, v43;
	(pc) =	sbr.rel @p0 .LBB2_5-.Ltmp1, $4  }
0xc2: {  	v29 =	vsel vm0, v35, v21;
	v21 =	vsel vm1, v41, v22;
	v20 =	vld [tilespmem:s31+$0x1A00];
	v31 =	vsel vm7, v26, v43  }
0xc3: {  	v35 =	vsel vm0, v42, v21;
	vm0 =	vgt.f32 v26, v29;
	v39 =	vpop (erf);
	v22 =	vld [tilespmem:s30+$0x1CB0];
	v33 =	vsel vm3, v27, v31  }
0xc4: {  	v26 =	vsel vm0, v26, v29;
	v31 =	vsel vm0, v30, v35;
	v21 =	vld [tilespmem:s31+$0x1C80];
	vm5 =	vgt.f32 v15, v33  }
0xc5: {  	s17 =	smov.u32 s19;
	v29 =	vsel vm7, v43, v26;
	v26 =	vsel vm7, v36, v31;
	v27 =	vld [tilespmem:s31+$0x1A10];
	v35 =	vsel vm5, v15, v33  }
0xc6: {  	_ = 	snop  }
0xc7: {  	v31 =	vsel vm6, v15, v18;
	v9 =	vpop (erf)  }
0xc8: {  	vm14 =	vgt.f32 v23, v31;
	v12 =	vmul.f32 v9, v37  }
0xc9: {  	v63 =	vsel vm14, v23, v31  }
0xca: {  	v13 =	vmul.f32 v39, v34;
	vm1 =	vgt.f32 v12, v63  }
0xcb: {  	v52 =	vsel vm1, v12, v63  }
0xcc: {  	v10 =	vmul.f32 v38, v25;
	vm15 =	vgt.f32 v13, v52  }
0xcd: {  	v53 =	vsel vm15, v13, v52  }
0xce: {  	v9 =	vmul.f32 v24, v19;
	vm8 =	vgt.f32 v10, v53  }
0xcf: {  	v54 =	vsel vm8, v10, v53  }
0xd0: {  	vm13 =	vgt.f32 v9, v54  }
0xd1: {  	v24 =	vsel vm13, v9, v54  }
0xd2: {  	v11 =	vperm.xlane v24, v3;
	_ =	sdelay $0x1  }
0xd3: {  	v11 =	vmax.f32 v24, v11  }
0xd4: {  	v55 =	vperm.xlane v11, v4;
	_ =	sdelay $0x1  }
0xd5: {  	v11 =	vmax.f32 v11, v55  }
0xd6: {  	v38 =	vperm.xlane v11, v5  }
0xd7: {  	v56 =	vsel vm6, v8, v32  }
0xd8: {  	v41 =	vor.u32 s1, v2;
	s0 =	sadd.s32 $0x10, s1;
	v40 =	vsel vm14, v17, v56;
	v11 =	vmax.f32 v11, v38  }
0xd9: {  	v42 =	vsel vm1, v41, v40;
	v38 =	vor.u32 s0, v2;
	v43 =	vperm.xlane v11, v6  }
0xda: {  	s19 =	sadd.s32 $0x30, s1;
	v44 =	vsel vm15, v38, v42  }
0xdb: {  	v45 =	vor.u32 s19, v2;
	v46 =	vsel vm8, v14, v44;
	v11 =	vmax.f32 v11, v43  }
0xdc: {  	v43 =	vsel vm13, v45, v46;
	vm2 =	veq.f32 v24, v11  }
0xdd: {  	v47 =	vnsel vm2, $0x40000000, v43  }
0xde: {  	v48 =	vperm.xlane v47, v3;
	_ =	sdelay $0x1  }
0xdf: {  	v35 =	vsel vm6, v18, v35;
	vm9 =	vlt.s32 v47, v48  }
0xe0: {  	vm0 =	vgt.f32 v23, v35;
	v58 =	vsel vm9, v47, v48  }
0xe1: {  	v59 =	vsel vm0, v23, v35;
	v48 =	vperm.xlane v58, v4  }
0xe2: {  	v57 =	vimm.s32 $0x0;
	v31 =	vsel vm14, v31, v59  }
0xe3: {  	v18 =	vsel vm0, $0xFFFFFFFF, v57;
	vm9 =	vgt.f32 v12, v31;
	vm10 =	vlt.s32 v58, v48  }
0xe4: {  	[tilespmem:$0x1FFE0] =	vst v18;
	v47 =	vsel vm9, v12, v31;
	v18 =	vsel vm10, v58, v48  }
0xe5: {  	v37 =	vsel vm1, v63, v47;
	v60 =	vperm.xlane v18, v5  }
0xe6: {  	vm11 =	vgt.f32 v13, v37  }
0xe7: {  	v61 =	vsel vm11, v13, v37;
	vm10 =	vlt.s32 v18, v60  }
0xe8: {  	v34 =	vsel vm15, v52, v61;
	v18 =	vsel vm10, v18, v60  }
0xe9: {  	vm12 =	vgt.f32 v10, v34;
	v47 =	vperm.xlane v18, v6  }
0xea: {  	v48 =	vsel vm12, v10, v34  }
0xeb: {  	v25 =	vsel vm8, v53, v48;
	vm10 =	vlt.s32 v18, v47  }
0xec: {  	v55 =	vld [tilespmem:$0x1FFE0];
	v18 =	vsel vm10, v18, v47;
	vm10 =	vgt.f32 v9, v25  }
0xed: {  	v62 =	vsel vm10, v9, v25;
	vm0 =	veq.s32 v43, v18  }
0xee: {  	v30 =	vsel vm7, v30, v36;
	v19 =	vsel vm13, v54, v62;
	vm7 =	vmand vm2, vm0  }
0xef: {  	v28 =	vsel vm3, v28, v30;
	v63 =	vsel vm7, v19, v24  }
0xf0: {  	v52 =	vsel vm5, v8, v28;
	v53 =	vperm.xlane v63, v3  }
0xf1: {  	v54 =	vsel vm6, v32, v52;
	vm6 =	vnez.u8 v55  }
0xf2: {  	v36 =	vsel vm6, v17, v54;
	v47 =	vmax.f32 v63, v53  }
0xf3: {  	v36 =	vsel vm14, v56, v36;
	v56 =	vperm.xlane v47, v4  }
0xf4: {  	v57 =	vsel vm9, v41, v36  }
0xf5: {  	v40 =	vsel vm1, v40, v57;
	v39 =	vmax.f32 v47, v56  }
0xf6: {  	v58 =	vsel vm11, v38, v40;
	v59 =	vperm.xlane v39, v5  }
0xf7: {  	v42 =	vsel vm15, v42, v58  }
0xf8: {  	v47 =	vsel vm12, v14, v42;
	v39 =	vmax.f32 v39, v59  }
0xf9: {  	v44 =	vsel vm8, v44, v47;
	v60 =	vperm.xlane v39, v6  }
0xfa: {  	v61 =	vsel vm10, v45, v44  }
0xfb: {  	v46 =	vsel vm13, v46, v61;
	v39 =	vmax.f32 v39, v60  }
0xfc: {  	v62 =	vsel vm7, v46, v43;
	vm1 =	veq.f32 v63, v39  }
0xfd: {  	v30 =	vnsel vm1, $0x40000000, v62  }
0xfe: {  	v63 =	vperm.xlane v30, v3;
	_ =	sdelay $0x1  }
0xff: {  	vm0 =	vgt.f32 v15, v29;
	vm15 =	vlt.s32 v30, v63  }
0x100: {  	v15 =	vsel vm0, v15, v29;
	v49 =	vsel vm15, v30, v63  }
0x101: {  	v15 =	vsel vm5, v33, v15;
	v30 =	vperm.xlane v49, v4  }
0x102: {  	vm2 =	vgt.f32 v23, v15  }
0x103: {  	v15 =	vsel vm2, v23, v15;
	vm8 =	vlt.s32 v49, v30  }
0x104: {  	v15 =	vsel vm6, v35, v15;
	v50 =	vsel vm8, v49, v30  }
0x105: {  	vm3 =	vgt.f32 v12, v15;
	v29 =	vperm.xlane v50, v5  }
0x106: {  	v15 =	vsel vm3, v12, v15  }
0x107: {  	v15 =	vsel vm9, v31, v15;
	vm14 =	vlt.s32 v50, v29  }
0x108: {  	vm8 =	vgt.f32 v13, v15;
	v23 =	vsel vm14, v50, v29  }
0x109: {  	v15 =	vsel vm8, v13, v15;
	v29 =	vperm.xlane v23, v6  }
0x10a: {  	v15 =	vsel vm11, v37, v15  }
0x10b: {  	vm15 =	vmmov vm6;
	vm6 =	vgt.f32 v10, v15;
	vm13 =	vlt.s32 v23, v29  }
0x10c: {  	v15 =	vsel vm6, v10, v15;
	v23 =	vsel vm13, v23, v29  }
0x10d: {  	v15 =	vsel vm12, v34, v15;
	vm13 =	veq.s32 v62, v23  }
0x10e: {  	vm14 =	vgt.f32 v9, v15;
	vm1 =	vmand vm1, vm13  }
0x10f: {  	v15 =	vsel vm14, v9, v15;
	vm13 =	vmxor vm7, vm1  }
0x110: {  	v15 =	vsel vm10, v25, v15;
	vm1 =	vmand vm7, vm1;
	v19 =	vsel vm13, v19, v24  }
0x111: {  	v15 =	vsel vm1, v15, v19  }
0x112: {  	v8 =	vsel vm0, v8, v26;
	v19 =	vperm.xlane v15, v3  }
0x113: {  	v8 =	vsel vm5, v28, v8  }
0x114: {  	v8 =	vsel vm2, v17, v8;
	v51 =	vmax.f32 v15, v19  }
0x115: {  	v8 =	vsel vm15, v54, v8;
	v19 =	vperm.xlane v51, v4  }
0x116: {  	v8 =	vsel vm3, v41, v8  }
0x117: {  	v8 =	vsel vm9, v36, v8;
	v17 =	vmax.f32 v51, v19  }
0x118: {  	v8 =	vsel vm8, v38, v8;
	v19 =	vperm.xlane v17, v5  }
0x119: {  	v8 =	vsel vm11, v40, v8  }
0x11a: {  	v8 =	vsel vm6, v14, v8;
	v52 =	vmax.f32 v17, v19  }
0x11b: {  	v8 =	vsel vm12, v42, v8;
	v17 =	vperm.xlane v52, v6  }
0x11c: {  	v8 =	vsel vm14, v45, v8  }
0x11d: {  	v8 =	vsel vm10, v44, v8;
	v54 =	vsel vm13, v46, v43;
	v14 =	vmax.f32 v52, v17  }
0x11e: {  	vm5 =	vgt.f32 v13, v27;
	v8 =	vsel vm1, v8, v54;
	vm8 =	veq.f32 v15, v14  }
0x11f: {  	v16 =	vsel vm5, v7, v16;
	v8 =	vnsel vm8, $0x40000000, v8  }
0x120: {  	[tilespmem:s31+$0x1C90] =	vst v16;
	v13 =	vsel vm5, v13, v27;
	v56 =	vperm.xlane v8, v3  }
0x121: {  	v22 =	vsel vm4, v7, v22;
	[tilespmem:s31+$0x1A10] =	vst v13  }
0x122: {  	v53 =	vld [tilespmem:s31+$0x1A20];
	[tilespmem:s30+$0x1CB0] =	vst v22;
	vm9 =	vlt.s32 v8, v56  }
0x123: {  	v57 =	vld [tilespmem:s31+$0x1A30];
	v8 =	vsel vm9, v8, v56  }
0x124: {  	v58 =	vld [tilespmem:s31+$0x1CA0];
	v13 =	vperm.xlane v8, v4  }
0x125: {  	v60 =	vld [tilespmem:s31+$0x1CB0]  }
0x126: {  	vm11 =	vlt.s32 v8, v13  }
0x127: {  	v8 =	vsel vm11, v8, v13  }
0x128: {  	vm10 =	vgt.f32 v10, v53;
	v13 =	vperm.xlane v8, v5  }
0x129: {  	v59 =	vsel vm10, v7, v58;
	vm12 =	vgt.f32 v9, v57;
	vm7 =	vgt.f32 v12, v20  }
0x12a: {  	v55 =	vsel vm7, v7, v21;
	v7 =	vsel vm12, v7, v60;
	vm1 =	vlt.s32 v8, v13  }
0x12b: {  	[tilespmem:s31+$0x1CB0] =	vst v7;
	v7 =	vld [tilespmem:$0x1FFF0];
	v8 =	vsel vm1, v8, v13  }
0x12c: {  	v10 =	vsel vm10, v10, v53;
	v61 =	vperm.xlane v8, v6  }
0x12d: {  	s30 =	sshll.u32 s29, $0x7;
	s29 =	sadd.s32 $0x1, s29;
	vm14 =	vcmask $0x3F08;
	[tilespmem:s31+$0x1A20] =	vst v10  }
0x12e: {  	p0 =	sne.s32 s29, $0x40;
	[tilespmem:s31+$0x1CA0] =	vst v59;
	v9 =	vsel vm12, v9, v57;
	vm13 =	vcmask $0x3F0C;
	vm1 =	vlt.s32 v8, v61  }
.Ltmp2:
0x12f: {  	[tilespmem:s31+$0x1A30] =	vst v9;
	v12 =	vsel vm7, v12, v20;
	v62 =	vsel vm13, $0xBF800000, v14;
	v8 =	vsel vm1, v8, v61;
	(pc) =	sbr.rel @p0 .LBB2_4-.Ltmp2, $4  }
0x130: {  	[tilespmem:s31+$0x1C80] =	vst v55;
	vm15 =	vnez.u8 v7;
	v63 =	vsel vm14, v62, v39;
	v8 =	vsel vm13, $0x40000000, v8  }
0x131: {  	[tilespmem:s31+$0x1A00] =	vst v12;
	v7 =	vsel vm15, v11, v63;
	v8 =	vsel vm14, v8, v23  }
0x132: {  	[tilespmem:s30+$0x2180] =	vst v7;
	v7 =	vsel vm15, v18, v8  }
0x133: {  	[tilespmem:s30+$0x4180] =	vst v7  }
0x134: {  	s0 =	simm.s32 $0x0  }
0x135: {  	v7 =	vld [tilespmem:s0+$0x1A00]  }
0x136: {  	s1 =	simm.s32 $0x40;
	v8 =	vld [tilespmem:s0+$0x1C80]  }
.LBB2_8:
0x137: {  	_ = 	snop  }
0x138: {  	p0 =	sne.s32 s1, $0x9C0  }
.Ltmp3:
0x139: {  	_ = 	snop;
	(pc) =	sbr.rel @p0 .LBB2_8-.Ltmp3, $4  }
0x13a: {  	vm0 =	vgt.f32 v7, $5.000000000e-01  }
0x13b: {  	s17 =	sshra.s32 s1, $0x2;
	vm15 =	vlt.f32 v7, $3.000000120e-01;
	v9 =	vnsel vm0, $0xFFFFFFFE, v8  }
0x13c: {  	v7 =	vld [tilespmem:s17+$0x1A00];
	v9 =	vsel vm15, $0xFFFFFFFF, v9  }
0x13d: {  	s1 =	sadd.s32 $0x40, s1;
	v8 =	vld [tilespmem:s17+$0x1C80];
	[tilespmem:s0+$0x1F00] =	vst v9;
	s0 =	smov.u32 s17  }
0x13e: {  	_ =	sdelay $0x2  }
0x13f: {  	vm0 =	vgt.f32 v7, $5.000000000e-01  }
0x140: {  	vm15 =	vlt.f32 v7, $3.000000120e-01;
	v8 =	vnsel vm0, $0xFFFFFFFE, v8  }
0x141: {  	v7 =	vsel vm15, $0xFFFFFFFF, v8  }
0x142: {  	[tilespmem:s0+$0x1F00] =	vst v7  }
0x143: {  	[hbm4b:s11+s2] =	stream.linear.scatter [tilespmem:s24], [sflag:$0x1], $0x280, $0x38;
	[tilespmem:$0x6400] =	vst v63  }
0x144: {  	_ =	swait.ge [sflag:s16], $0x280  }
0x145: {  	[sflag:s16] =	ssyncset.done $0x0  }
0x146: {  	[sflag:s16] =	ssyncadd.s32 $0xFFFFFD80  }
0x147: {  	[hbm4b:s12+s2] =	stream.linear.scatter [tilespmem:s25], [sflag:$0x1], $0x2000, $0x38;
	[tilespmem:$0x6400] =	vst v63  }
0x148: {  	s28 =	sadd.s32 $0x1, s28;
	_ =	swait.ge [sflag:s16], $0x2000  }
0x149: {  	p0 =	sne.s32 s28, s14;
	[sflag:s16] =	ssyncset.done $0x0  }
.Ltmp4:
0x14a: {  	[sflag:s16] =	ssyncadd.s32 $0xFFFFE000;
	(pc) =	sbr.rel @p0 .LBB2_1-.Ltmp4, $4  }
0x14b: {  	[hbm4b:s13+s2] =	stream.linear.scatter [tilespmem:s26], [sflag:$0x1], $0x2000, $0x38;
	[tilespmem:$0x6400] =	vst v63  }
0x14c: {  	_ =	swait.ge [sflag:s16], $0x2000  }
0x14d: {  	[sflag:s16] =	ssyncset.done $0x0  }
0x14e: {  	[sflag:s16] =	ssyncadd.s32 $0xFFFFE000  }
0x14f: {  	_ =	sfence.sel $0x180000  }
0x150: {  	[bflag:$0x0] =	sbarrier.arrive $0xFFFF  }
0x151: {  	_ =	strace $0x90000047  }
0x152: {  	s0 =	stileid.u32;
	[bflag:$0x2] =	sbarrier.arrive $0xFFFF  }
0x153: {  	p0 =	sne.s32 s0, $0x0;
	s0 =	rddreg [dreg:$0x2]  }
0x154: {  	s0 =	sadd.s32 @!p0 $0x100000, s0  }
0x155: {  	[sflag:s0] =	ssyncadd.tile.s32 @!p0 $0x1;
	_ =	shalt  }
.Lfunc_end2:
_tile_overlayer_lowered:
.L_overlay_start_2:
0x156: {  	(tag) =	ssettag $0x2  }
0x157: {  	s0 =	rddreg [dreg:$0x0];
	s2 =	stileid.u32  }
0x158: {  	s1 =	rddreg [dreg:$0x1];
	p0 =	sne.s32 s2, $0x0  }
0x159: {  	s3 =	rddreg [dreg:$0x2];
	[bflag:$0x3] =	sbarrier.arrive $0xFFFF;
	s2 =	simm.s32 @!p0 $0x1C01  }
0x15a: {  	[timem:s3], [sflag:s2] =	dma.local @!p0 [hbm:s0], s1  }
0x15b: {  	s0 =	simm.s32 @!p0 $0x1  }
0x15c: {  	_ =	swait.ge @!p0 [sflag:s0], s1  }
0x15d: {  	s1 =	ssub.s32 @!p0 $0x0, s1;
	[sflag:s0] =	ssyncset.done @!p0 $0x0  }
0x15e: {  	[sflag:s0] =	ssyncadd.s32 @!p0 s1  }
0x15f: {  	[bflag:$0x3] =	sbarrier.arrive $0xFFFF  }
0x160: {  	_ =	shalt  }

// kernel: kernel.8.cloned.1.call-start
scs
__scs_entry_jumppad:
0x0: {  	(pc) =	sbr.rel $0x88, $3  }
0x1: {  	(tag) =	ssettag $0x0;
	lr =	simm.s32 $0x1  }
0x2: {  	[smem:$0x3F9F] =	sst lr;
	_ =	strace $0xD0000000  }
0x3: {  	_ = 	snop  }
0x4: {  	_ = 	snop  }
0x5: {  	_ = 	snop  }
0x6: {  	_ = 	snop  }
0x7: {  	_ = 	snop  }
__scs_overlays_trampoline_lowered:
0x8: {  	[smem:$0x3FAE] =	sst s0  }
0x9: {  	[smem:$0x3FAF] =	sst s1  }
0xa: {  	[smem:$0x3FB0] =	sst s2  }
0xb: {  	[smem:$0x3FB1] =	sst s3  }
0xc: {  	[smem:$0x3FB2] =	sst s4  }
0xd: {  	[smem:$0x3FB3] =	sst s5  }
0xe: {  	[smem:$0x3FB4] =	sst s6  }
0xf: {  	[smem:$0x3FB5] =	sst s7  }
0x10: {  	[smem:$0x3FB6] =	sst s8  }
0x11: {  	[smem:$0x3FB7] =	sst s9;
	s0 =	simm.s32 @!p0 $0x0  }
0x12: {  	s1 =	sld [smem:$0x3F9D];
	s0 =	simm.s32 @p0 $0x1  }
0x13: {  	[smem:$0x3FB8] =	sst s0;
	s0 =	simm.s32 @!p1 $0x0  }
0x14: {  	s2 =	sld [smem:$0x3F9C];
	s0 =	simm.s32 @p1 $0x1  }
0x15: {  	[smem:$0x3FB9] =	sst s0;
	s0 =	simm.s32 @!p2 $0x0  }
0x16: {  	s3 =	sld [smem:$0x3FDB];
	s0 =	simm.s32 @p2 $0x1  }
0x17: {  	s4 =	simm.s32 $0x1BF5;
	[smem:$0x3FBB] =	sst s0  }
0x18: {  	s0 =	sld [smem:$0x3F9E];
	_ =	swait.ge [sflag:s4], $0x0  }
0x19: {  	s7 =	sld [smem:$0x3F9F]  }
0x1a: {  	s8 =	sadd.s32 $0xFFFFE003, lr  }
0x1b: {  	s9 =	sadd.s32 $0xFFFFFEF7, lr;
	s5 =	simm.s32 $0xFFFFFFFF;
	p2 =	slt.u32 s8, $0xFFFFF086  }
0x1c: {  	p1 =	slt.u32 s9, $0xF7A;
	s5 =	simm.s32 @!p2 $0x0  }
0x1d: {  	s5 =	simm.s32 @p1 $0x1;
	p0 =	seq.s32 s7, s2  }
0x1e: {  	s7 =	smul.u32 @!p0 $0xF7A, s2;
	p2 =	seq.s32 @!p0 s5, $0x0  }
0x1f: {  	s9 =	smul.u32 $0xF7A, s1;
	s8 =	simm.s32 @!p0 $0x1BF5;
	p2 =	por !p2, p0  }
0x20: {  	[sflag:s8] =	ssyncset.s32 @!p0 $0xFFFFF086;
	s6 =	sadd.s32 @!p0 s3, s7;
	s7 =	simm.s32 @!p0 $0x108  }
0x21: {  	s3 =	sadd.s32 s3, s9;
	s6 =	sadd.s32 @!p0 $0x88, s6;
	s7 =	simm.s32 @p2 $0x1082  }
0x22: {  	[simem:s7], [sflag:s8] =	dma.local @!p0 [hbm:s6], $0xF7A  }
0x23: {  	s9 =	sor.u32 $0xD0000000, s2;
	s6 =	simm.s32 $0x108;
	_ =	swait.ge @!p0 [sflag:s8], $0x0  }
0x24: {  	s3 =	sadd.s32 $0x88, s3;
	s6 =	simm.s32 @!p1 $0x1082;
	[sflag:s4] =	ssyncset.s32 $0xFFFFF086  }
0x25: {  	[simem:s6], [sflag:s4] =	dma.local [hbm:s3], $0xF7A  }
0x26: {  	[smem:$0x3F9F] =	sst s1;
	(tag) =	ssettag s2;
	_ =	strace s9  }
0x27: {  	s1 =	sld [smem:$0x3FAF]  }
0x28: {  	s2 =	sld [smem:$0x3FB0]  }
0x29: {  	s4 =	sld [smem:$0x3FB2]  }
0x2a: {  	p0 =	seq.s32 s5, $0x0;
	s5 =	sld [smem:$0x3FB3]  }
0x2b: {  	s6 =	sld [smem:$0x3FB4]  }
0x2c: {  	s7 =	sld [smem:$0x3FB5]  }
0x2d: {  	s3 =	simm.s32 $0x108;
	s8 =	sld [smem:$0x3FB6]  }
0x2e: {  	s3 =	simm.s32 @!p0 $0x1082;
	s9 =	sld [smem:$0x3FB7]  }
0x2f: {  	lr =	sadd.s32 s0, s3;
	s0 =	sld [smem:$0x3FAE]  }
0x30: {  	s3 =	sld [smem:$0x3FB1]  }
0x31: {  	[smem:$0x3FBA] =	sst s10  }
0x32: {  	s10 =	sld [smem:$0x3FB8];
	_ =	sdelay $0x3  }
0x33: {  	p0 =	seq.s32 s10, $0x1;
	s10 =	sld [smem:$0x3FBA];
	_ =	sdelay $0x3  }
0x34: {  	[smem:$0x3FBA] =	sst s10  }
0x35: {  	s10 =	sld [smem:$0x3FB9];
	_ =	sdelay $0x3  }
0x36: {  	p1 =	seq.s32 s10, $0x1;
	s10 =	sld [smem:$0x3FBA];
	_ =	sdelay $0x3  }
0x37: {  	[smem:$0x3FBA] =	sst s10  }
0x38: {  	s10 =	sld [smem:$0x3FBB]  }
0x39: {  	_ = 	snop;
	(pc) =	sbr.ind lr, $3  }
0x3a: {  	_ = 	snop  }
0x3b: {  	_ = 	snop  }
0x3c: {  	p2 =	seq.s32 s10, $0x1;
	s10 =	sld [smem:$0x3FBA]  }
0x3d: {  	_ =	shalt  }
0x3e: {  	_ =	shalt  }
0x3f: {  	_ =	shalt  }
0x40: {  	_ =	shalt  }
0x41: {  	_ =	shalt  }
0x42: {  	_ =	shalt  }
0x43: {  	_ =	shalt  }
0x44: {  	_ =	shalt  }
0x45: {  	_ =	shalt  }
0x46: {  	_ =	shalt  }
0x47: {  	_ =	shalt  }
0x48: {  	_ =	shalt  }
0x49: {  	_ =	shalt  }
0x4a: {  	_ =	shalt  }
0x4b: {  	_ =	shalt  }
0x4c: {  	_ =	shalt  }
0x4d: {  	_ =	shalt  }
0x4e: {  	_ =	shalt  }
0x4f: {  	_ =	shalt  }
0x50: {  	_ =	shalt  }
0x51: {  	_ =	shalt  }
0x52: {  	_ =	shalt  }
0x53: {  	_ =	shalt  }
0x54: {  	_ =	shalt  }
0x55: {  	_ =	shalt  }
0x56: {  	_ =	shalt  }
0x57: {  	_ =	shalt  }
0x58: {  	_ =	shalt  }
0x59: {  	_ =	shalt  }
0x5a: {  	_ =	shalt  }
0x5b: {  	_ =	shalt  }
0x5c: {  	_ =	shalt  }
0x5d: {  	_ =	shalt  }
0x5e: {  	_ =	shalt  }
0x5f: {  	_ =	shalt  }
0x60: {  	_ =	shalt  }
0x61: {  	_ =	shalt  }
0x62: {  	_ =	shalt  }
0x63: {  	_ =	shalt  }
0x64: {  	_ =	shalt  }
0x65: {  	_ =	shalt  }
0x66: {  	_ =	shalt  }
0x67: {  	_ =	shalt  }
0x68: {  	_ =	shalt  }
0x69: {  	_ =	shalt  }
0x6a: {  	_ =	shalt  }
0x6b: {  	_ =	shalt  }
0x6c: {  	_ =	shalt  }
0x6d: {  	_ =	shalt  }
0x6e: {  	_ =	shalt  }
0x6f: {  	_ =	shalt  }
0x70: {  	_ =	shalt  }
0x71: {  	_ =	shalt  }
0x72: {  	_ =	shalt  }
0x73: {  	_ =	shalt  }
0x74: {  	_ =	shalt  }
0x75: {  	_ =	shalt  }
0x76: {  	_ =	shalt  }
0x77: {  	_ =	shalt  }
0x78: {  	_ =	shalt  }
0x79: {  	_ =	shalt  }
0x7a: {  	_ =	shalt  }
0x7b: {  	_ =	shalt  }
0x7c: {  	_ =	shalt  }
0x7d: {  	_ =	shalt  }
0x7e: {  	_ =	shalt  }
0x7f: {  	_ =	shalt  }
0x80: {  	_ =	shalt  }
0x81: {  	_ =	shalt  }
0x82: {  	_ =	shalt  }
0x83: {  	_ =	shalt  }
0x84: {  	_ =	shalt  }
0x85: {  	_ =	shalt  }
0x86: {  	_ =	shalt  }
0x87: {  	_ =	shalt  }
.Lfunc_end0:
.L_simem_size_0:
called_computation.1_lowered:
.L_overlay_start_0:
0x88: {  	s2 =	sld [smem:$0x3FD9]  }
0x89: {  	s3 =	sld [smem:$0x3FFE];
	_ =	sdelay $0x1  }
0x8a: {  	s1 =	srdreg.scid  }
0x8b: {  	s0 =	sand.u32 $0x1, s1  }
0x8c: {  	s16 =	sshll.u32 s0, $0xA;
	s2 =	sadd.s32 s3, s2  }
0x8d: {  	s2 =	sadd.s32 s2, s16  }
0x8e: {  	[smem:$0x3FC6] =	sst s2  }
0x8f: {  	_ = 	snop  }
0x90: {  	(tm) =	ssettm $0x1  }
0x91: {  	s17 =	sld [smem:$0x3FFB];
	_ =	sdelay $0x3  }
0x92: {  	_ =	strace s17  }
0x93: {  	s2 =	sld [smem:$0x3FFC];
	_ =	sdelay $0x3  }
0x94: {  	_ =	strace s2  }
0x95: {  	s2 =	sld [smem:$0x3FFD];
	_ =	sdelay $0x3  }
0x96: {  	_ =	strace s2  }
0x97: {  	_ =	strace $0x8FFFFFFF  }
0x98: {  	s18 =	sld [smem:$0x3FDB];
	_ =	sdelay $0x1  }
0x99: {  	s19 =	simm.s32 $_scs_section_size  }
0x9a: {  	s4 =	simm.s32 $_size__tile_overlayer_lowered;
	s5 =	simm.s32 $_tile_overlayer_lowered  }
0x9b: {  	s22 =	simm.s32 $0x1BFF;
	s21 =	sshll.u32 s5, $0x1;
	s2 =	sadd.s32 s19, s18  }
0x9c: {  	s6 =	simm.s32 $0x0;
	s20 =	sshll.u32 s4, $0x1;
	s4 =	sadd.s32 s21, s2  }
0x9d: {  	[timem:s6], [sflag:s22] =	dma.local [hbm:s4], s20  }
0x9e: {  	_ =	swait.ge [sflag:s22], s20  }
0x9f: {  	s3 =	ssub.s32 $0x0, s20;
	[sflag:s22] =	ssyncset.done $0x0  }
0xa0: {  	[sflag:s22] =	ssyncadd.s32 s3;
	_ =	sdelay $0x1  }
0xa1: {  	s23 =	simm.s32 $0x1B8B  }
0xa2: {  	_ =	swait.ge [sflag:s23], $0x1  }
0xa3: {  	[sflag:s23] =	ssyncset.done $0x0  }
0xa4: {  	s25 =	simm.s32 $0x1B8E;
	s24 =	sld [smem:$0x3FFE];
	[sflag:s23] =	ssyncadd.s32 $0xFFFFFFFF  }
0xa5: {  	s26 =	simm.s32 $execute0_lowered;
	[smem:$0x3FD2] =	sst s25  }
0xa6: {  	s4 =	sshll.u32 s26, $0x1;
	_ =	strace $0x80000049;
	[dreg:$0x1] =	wrdreg $0xFFFFFFFF  }
0xa7: {  	s28 =	simm.s32 $_size_execute0_lowered;
	s2 =	sadd.s32 s2, s4;
	[dreg:$0x0] =	wrdreg $0x0  }
0xa8: {  	s4 =	sshll.u32 s28, $0x1;
	[dreg:$0x2] =	wrdreg s2  }
0xa9: {  	[dreg:$0x3] =	wrdreg s4  }
0xaa: {  	[dreg:$0x4] =	wrdreg $0xC0  }
0xab: {  	_ =	task [dreg:s6], $0x5FFFF  }
0xac: {  	[dreg:$0x1] =	wrdreg $0xFFFFFFFF  }
0xad: {  	[dreg:$0x0] =	wrdreg $0x60  }
0xae: {  	[dreg:$0x2] =	wrdreg s24  }
0xaf: {  	[dreg:$0x3] =	wrdreg $0x9  }
0xb0: {  	_ =	task.clear_ibuf [dreg:s6], $0x4FFFF;
	_ =	strace $0x90000049  }
0xb1: {  	s29 =	simm.s32 $0x9;
	_ =	strace $0x8000004B  }
0xb2: {  	_ =	swait.ge [sflag:s29], $0x1  }
0xb3: {  	[sflag:s29] =	ssyncadd.s32 $0xFFFFFFFF  }
0xb4: {  	_ =	strace $0x9000004B  }
0xb5: {  	_ =	sfence  }
0xb6: {  	s30 =	sld [smem:$0x0];
	_ =	sdelay $0x2  }
0xb7: {  	s31 =	sshll.u32 s1, $0xD;
	s1 =	sshrl.u32 s1, $0x2  }
0xb8: {  	s3 =	sand.u32 $0x4000, s31;
	s1 =	sadd.s32 s1, s30  }
0xb9: {  	s0 =	sor.u32 s3, s0;
	s1 =	sshll.u32 s1, $0x11  }
0xba: {  	s0 =	sor.u32 s1, s0  }
0xbb: {  	s0 =	sadd.s32 $0x8F2B, s0  }
0xbc: {  	[sflag:s0] =	ssyncadd.remote.s32 $0x1  }
0xbd: {  	_ =	sfence.sel $0xFFFF  }
0xbe: {  	[dreg:$0x0] =	wrdreg $0xFFFFFFFF;
	(pc) =	sbr.abs _section_cstart, $3  }
0xbf: {  	[dreg:$0x1] =	wrdreg $0xFFFFFFFF  }
0xc0: {  	_ =	task.clear_ibuf [dreg:s6], $0x2FFFF;
	_ =	strace $0x9FFFFFFF  }
0xc1: {  	(tm) =	ssettm $0x7FFFFFFF  }
tec
execute0_lowered:
.L_overlay_start_1:
0x0: {  	(tag) =	ssettag $0x1  }
0x1: {  	s3 =	rddreg [dreg:$0x0];
	v0 =	vimm.s32 $0xEFCDAB89  }
0x2: {  	s0 =	rddreg [dreg:$0x1];
	s1 =	simm.s32 $0x0;
	s2 =	srdreg.scid;
	v1 =	vimm.s32 $0x67452301;
	v2 =	vimm.s32 $0xDCFE98BA;
	v3 =	vimm.s32 $0x54761032  }
0x3: {  	v4 =	vimm.s32 $0xBA98FEDC;
	v5 =	vimm.s32 $0xFEDCBA98;
	s13 =	simm.s32 $0x1000;
	s14 =	simm.s32 $0x0;
	[smem:$0x7FF] =	sst s1  }
0x4: {  	v6 =	vimm.s32 $0x32107654;
	v7 =	vimm.s32 $0x76543210;
	s4 =	sand.u32 $0x1, s2;
	s6 =	sadd.s32 $0x3A00, s3;
	s2 =	stileid.u32  }
0x5: {  	vm0 =	vcmask $0x3F0C;
	s7 =	sadd.s32 $0xBA00, s3;
	s10 =	sadd.s32 $0x1400, s3;
	_ =	strace $0x8000004A  }
0x6: {  	vm1 =	vcmask $0x3F08;
	vm2 =	vmmov $0x1;
	v0 =	vunpack.c.l.s4.s8 v0;
	s5 =	ssub.s32 $0x2, s4;
	s9 =	sshll.u32 s2, $0x1;
	s29 =	sshll.u32 s2, $0x6  }
0x7: {  	v1 =	vunpack.c.l.s4.s8 v1;
	v2 =	vunpack.c.l.s4.s8 v2;
	v3 =	vunpack.c.l.s4.s8 v3;
	s8 =	sshrl.u32 s5, $0x1;
	s28 =	sor.u32 s4, s9;
	s31 =	sand.u32 $0x380, s29  }
0x8: {  	v5 =	vunpack.c.l.s4.s8 v5;
	v4 =	vunpack.c.l.s4.s8 v4;
	v6 =	vunpack.c.l.s4.s8 v6;
	s11 =	ssub.s32 s5, s8;
	s4 =	sshll.u32 s28, $0x5;
	s30 =	sshllo.u32 s28, $0x1  }
0x9: {  	v7 =	vunpack.c.l.s4.s8 v7;
	v0 =	vunpack.c.0.s8.s32 v0;
	v1 =	vunpack.c.0.s8.s32 v1;
	s5 =	sshll.u32 s28, $0x2;
	s3 =	sadd.s32 s6, s4;
	s12 =	sshll.u32 s30, $0x4  }
0xa: {  	v2 =	vunpack.c.0.s8.s32 v2;
	v3 =	vunpack.c.0.s8.s32 v3;
	v5 =	vunpack.c.0.s8.s32 v5;
	s4 =	sadd.s32 s7, s4;
	s8 =	sshll.u32 s30, $0x1;
	s12 =	sand.u32 $0x70, s12  }
0xb: {  	v4 =	vunpack.c.0.s8.s32 v4;
	v6 =	vunpack.c.0.s8.s32 v6;
	v7 =	vunpack.c.0.s8.s32 v7;
	s5 =	sadd.s32 s10, s5;
	s8 =	sadd.s32 s10, s8;
	s9 =	sor.u32 s31, s12  }
0xc: {  	v0 =	vcombine.low v1, v0;
	v1 =	vcombine.low v3, v2;
	v3 =	vand.u32 $0xF, v5;
	s10 =	simm.s32 $0x80;
	s12 =	simm.s32 $0x1;
	s6 =	sadd.s32 s6, s9  }
0xd: {  	v2 =	vcombine.low v6, v4;
	v4 =	vimm.s32 $0x0;
	v3 =	vcombine.low v3, v7;
	s7 =	sadd.s32 s7, s9;
	s9 =	smax.u32 s11, $0x1;
	s11 =	simm.s32 $0x2000  }
.LBB2_1:
0xe: {  	[tilespmem:s1], [sflag:$0x1] =	stream.strided.gather [hbm4b:s3+s10], $0x1000, s11, s10, $0x38;
	[tilespmem:$0x2080] =	vst v63  }
0xf: {  	_ =	swait.ge [sflag:s12], $0x1000  }
0x10: {  	[sflag:s12] =	ssyncset.done $0x0  }
0x11: {  	[sflag:s12] =	ssyncadd.s32 $0xFFFFF000  }
0x12: {  	[tilespmem:s13], [sflag:$0x1] =	stream.strided.gather [hbm4b:s4+s10], $0x1000, s11, s10, $0x38;
	[tilespmem:$0x2080] =	vst v63  }
0x13: {  	_ =	swait.ge [sflag:s12], $0x1000  }
0x14: {  	[sflag:s12] =	ssyncset.done $0x0  }
0x15: {  	[sflag:s12] =	ssyncadd.s32 $0xFFFFF000  }
0x16: {  	v5 =	vld [tilespmem:$0x0]  }
0x17: {  	v6 =	vld [tilespmem:$0x80]  }
0x18: {  	v7 =	vld [tilespmem:$0x100]  }
0x19: {  	v8 =	vld [tilespmem:$0x180]  }
0x1a: {  	v9 =	vld [tilespmem:$0x200]  }
0x1b: {  	v10 =	vld [tilespmem:$0x280];
	v5 =	vmax.f32 v5, $-1.000000000e+00  }
0x1c: {  	v5 =	vmax.f32 v5, v6;
	v6 =	vld [tilespmem:$0x300]  }
0x1d: {  	v5 =	vmax.f32 v5, v7;
	v7 =	vld [tilespmem:$0x380]  }
0x1e: {  	v5 =	vmax.f32 v5, v8;
	v8 =	vld [tilespmem:$0x400]  }
0x1f: {  	v5 =	vmax.f32 v5, v9;
	v9 =	vld [tilespmem:$0x480]  }
0x20: {  	v5 =	vmax.f32 v5, v10;
	v10 =	vld [tilespmem:$0x500]  }
0x21: {  	v5 =	vmax.f32 v5, v6;
	v6 =	vld [tilespmem:$0x580]  }
0x22: {  	v5 =	vmax.f32 v5, v7;
	v7 =	vld [tilespmem:$0x600]  }
0x23: {  	v5 =	vmax.f32 v5, v8;
	v8 =	vld [tilespmem:$0x680]  }
0x24: {  	v5 =	vmax.f32 v5, v9;
	v9 =	vld [tilespmem:$0x700]  }
0x25: {  	v5 =	vmax.f32 v5, v10;
	v10 =	vld [tilespmem:$0x780]  }
0x26: {  	v5 =	vmax.f32 v5, v6;
	v6 =	vld [tilespmem:$0x800]  }
0x27: {  	v5 =	vmax.f32 v5, v7;
	v7 =	vld [tilespmem:$0x880]  }
0x28: {  	v5 =	vmax.f32 v5, v8;
	v8 =	vld [tilespmem:$0x900]  }
0x29: {  	v5 =	vmax.f32 v5, v9;
	v9 =	vld [tilespmem:$0x980]  }
0x2a: {  	v5 =	vmax.f32 v5, v10;
	v10 =	vld [tilespmem:$0xA00]  }
0x2b: {  	v5 =	vmax.f32 v5, v6;
	v6 =	vld [tilespmem:$0xA80]  }
0x2c: {  	v5 =	vmax.f32 v5, v7;
	v7 =	vld [tilespmem:$0xB00]  }
0x2d: {  	v5 =	vmax.f32 v5, v8;
	v8 =	vld [tilespmem:$0xB80]  }
0x2e: {  	v5 =	vmax.f32 v5, v9;
	v9 =	vld [tilespmem:$0xC00]  }
0x2f: {  	v5 =	vmax.f32 v5, v10;
	v10 =	vld [tilespmem:$0xC80]  }
0x30: {  	v5 =	vmax.f32 v5, v6;
	v6 =	vld [tilespmem:$0xD00]  }
0x31: {  	v5 =	vmax.f32 v5, v7;
	v7 =	vld [tilespmem:$0xD80]  }
0x32: {  	v5 =	vmax.f32 v5, v8;
	v8 =	vld [tilespmem:$0xE00]  }
0x33: {  	v5 =	vmax.f32 v5, v9;
	v9 =	vld [tilespmem:$0xE80]  }
0x34: {  	v5 =	vmax.f32 v5, v10;
	v10 =	vld [tilespmem:$0xF00]  }
0x35: {  	v5 =	vmax.f32 v5, v6;
	v6 =	vld [tilespmem:$0xF80]  }
0x36: {  	v5 =	vmax.f32 v5, v7  }
0x37: {  	v5 =	vmax.f32 v5, v8  }
0x38: {  	v5 =	vmax.f32 v5, v9  }
0x39: {  	v5 =	vmax.f32 v5, v10  }
0x3a: {  	v5 =	vmax.f32 v5, v6  }
0x3b: {  	v6 =	vperm.xlane v5, v0;
	_ =	sdelay $0x1  }
0x3c: {  	v5 =	vmax.f32 v5, v6  }
0x3d: {  	v6 =	vperm.xlane v5, v1;
	_ =	sdelay $0x1  }
0x3e: {  	v5 =	vmax.f32 v5, v6  }
0x3f: {  	v6 =	vperm.xlane v5, v2;
	_ =	sdelay $0x1  }
0x40: {  	v5 =	vmax.f32 v5, v6  }
0x41: {  	s16 =	simm.s32 $0x0;
	v6 =	vperm.xlane v5, v3  }
0x42: {  	v7 =	vld [tilespmem:s16+$0x0]  }
0x43: {  	s15 =	simm.s32 $0x200;
	v8 =	vld [tilespmem:s16+$0x1000];
	v5 =	vmax.f32 v5, v6;
	v6 =	vimm.s32 $0x40000000  }
.LBB2_2:
0x44: {  	_ = 	snop  }
0x45: {  	p0 =	sne.s32 s15, $0x3E00  }
.Ltmp0:
0x46: {  	_ = 	snop;
	(pc) =	sbr.rel @p0 .LBB2_2-.Ltmp0, $4  }
0x47: {  	vm3 =	veq.f32 v7, v5  }
0x48: {  	s16 =	sshra.s32 s15, $0x2;
	v9 =	vnsel vm3, $0x40000000, v8  }
0x49: {  	v7 =	vld [tilespmem:s16+$0x0];
	vm3 =	vlt.s32 v6, v9  }
0x4a: {  	s15 =	sadd.s32 $0x200, s15;
	v8 =	vld [tilespmem:s16+$0x1000];
	v6 =	vsel vm3, v6, v9  }
0x4b: {  	_ =	sdelay $0x2  }
0x4c: {  	vm3 =	veq.f32 v7, v5  }
0x4d: {  	v7 =	vnsel vm3, $0x40000000, v8  }
0x4e: {  	vm3 =	vlt.s32 v6, v7  }
0x4f: {  	v6 =	vsel vm3, v6, v7  }
0x50: {  	v7 =	vperm.xlane v6, v0;
	_ =	sdelay $0x1  }
0x51: {  	vm3 =	vlt.s32 v6, v7  }
0x52: {  	v6 =	vsel vm3, v6, v7  }
0x53: {  	v7 =	vperm.xlane v6, v1;
	_ =	sdelay $0x1  }
0x54: {  	vm3 =	vlt.s32 v6, v7  }
0x55: {  	v6 =	vsel vm3, v6, v7  }
0x56: {  	v7 =	vperm.xlane v6, v2;
	_ =	sdelay $0x1  }
0x57: {  	s15 =	simm.s32 $0x0;
	vm3 =	vlt.s32 v6, v7  }
0x58: {  	v6 =	vsel vm3, v6, v7;
	v7 =	vld [tilespmem:s15+$0x1000]  }
0x59: {  	v9 =	vld [tilespmem:s15+$0x0];
	v8 =	vperm.xlane v6, v3;
	_ =	sdelay $0x1  }
0x5a: {  	vm3 =	vlt.s32 v6, v8  }
0x5b: {  	v6 =	vsel vm3, v6, v8  }
0x5c: {  	vm3 =	veq.s32 v7, v6  }
0x5d: {  	s17 =	simm.s32 $0x80;
	s16 =	simm.s32 $0x400;
	v7 =	vsel vm3, $0xBF800000, v9  }
.LBB2_4:
0x5e: {  	p0 =	sne.s32 s16, $0x3E00;
	v8 =	vld [tilespmem:s17+$0x1000];
	[tilespmem:s15+$0x0] =	vst v7;
	s15 =	smov.u32 s17  }
0x5f: {  	v7 =	vld [tilespmem:s15+$0x0]  }
.Ltmp1:
0x60: {  	(pc) =	sbr.rel @p0 .LBB2_4-.Ltmp1, $3  }
0x61: {  	_ =	sdelay $0x1  }
0x62: {  	vm3 =	veq.s32 v8, v6  }
0x63: {  	s17 =	sshra.s32 s16, $0x2;
	s16 =	sadd.s32 $0x200, s16;
	v7 =	vsel vm3, $0xBF800000, v7  }
0x64: {  	v8 =	vld [tilespmem:s17+$0x1000];
	[tilespmem:s15+$0x0] =	vst v7  }
0x65: {  	v7 =	vld [tilespmem:s17+$0x0];
	_ =	sdelay $0x3  }
0x66: {  	vm3 =	veq.s32 v8, v6  }
0x67: {  	v7 =	vsel vm3, $0xBF800000, v7  }
0x68: {  	[tilespmem:s17+$0x0] =	vst v7  }
0x69: {  	v7 =	vld [tilespmem:$0x0]  }
0x6a: {  	v8 =	vld [tilespmem:$0x80]  }
0x6b: {  	v9 =	vld [tilespmem:$0x100]  }
0x6c: {  	v10 =	vld [tilespmem:$0x180]  }
0x6d: {  	v11 =	vld [tilespmem:$0x200]  }
0x6e: {  	v12 =	vld [tilespmem:$0x280];
	v7 =	vmax.f32 v7, $-1.000000000e+00  }
0x6f: {  	v7 =	vmax.f32 v7, v8;
	v8 =	vld [tilespmem:$0x300]  }
0x70: {  	v7 =	vmax.f32 v7, v9;
	v9 =	vld [tilespmem:$0x380]  }
0x71: {  	v7 =	vmax.f32 v7, v10;
	v10 =	vld [tilespmem:$0x400]  }
0x72: {  	v7 =	vmax.f32 v7, v11;
	v11 =	vld [tilespmem:$0x480]  }
0x73: {  	v59 =	vld [tilespmem:$0x500];
	v7 =	vmax.f32 v7, v12  }
0x74: {  	v7 =	vmax.f32 v7, v8;
	v8 =	vld [tilespmem:$0x580]  }
0x75: {  	v7 =	vmax.f32 v7, v9;
	v9 =	vld [tilespmem:$0x600]  }
0x76: {  	v7 =	vmax.f32 v7, v10;
	v10 =	vld [tilespmem:$0x680]  }
0x77: {  	v7 =	vmax.f32 v7, v11;
	v11 =	vld [tilespmem:$0x700]  }
0x78: {  	v60 =	vld [tilespmem:$0x780];
	v7 =	vmax.f32 v7, v59  }
0x79: {  	v7 =	vmax.f32 v7, v8;
	v8 =	vld [tilespmem:$0x800]  }
0x7a: {  	v7 =	vmax.f32 v7, v9;
	v9 =	vld [tilespmem:$0x880]  }
0x7b: {  	v7 =	vmax.f32 v7, v10;
	v10 =	vld [tilespmem:$0x900]  }
0x7c: {  	v7 =	vmax.f32 v7, v11;
	v11 =	vld [tilespmem:$0x980]  }
0x7d: {  	v61 =	vld [tilespmem:$0xA00];
	v7 =	vmax.f32 v7, v60  }
0x7e: {  	v7 =	vmax.f32 v7, v8;
	v8 =	vld [tilespmem:$0xA80]  }
0x7f: {  	v7 =	vmax.f32 v7, v9;
	v9 =	vld [tilespmem:$0xB00]  }
0x80: {  	v7 =	vmax.f32 v7, v10;
	v10 =	vld [tilespmem:$0xB80]  }
0x81: {  	v7 =	vmax.f32 v7, v11;
	v11 =	vld [tilespmem:$0xC00]  }
0x82: {  	v62 =	vld [tilespmem:$0xC80];
	v7 =	vmax.f32 v7, v61  }
0x83: {  	v7 =	vmax.f32 v7, v8;
	v8 =	vld [tilespmem:$0xD00]  }
0x84: {  	v7 =	vmax.f32 v7, v9;
	v9 =	vld [tilespmem:$0xD80]  }
0x85: {  	v7 =	vmax.f32 v7, v10;
	v10 =	vld [tilespmem:$0xE00]  }
0x86: {  	v7 =	vmax.f32 v7, v11;
	v11 =	vld [tilespmem:$0xE80]  }
0x87: {  	v63 =	vld [tilespmem:$0xF00];
	v7 =	vmax.f32 v7, v62  }
0x88: {  	v7 =	vmax.f32 v7, v8;
	v8 =	vld [tilespmem:$0xF80]  }
0x89: {  	v7 =	vmax.f32 v7, v9  }
0x8a: {  	v7 =	vmax.f32 v7, v10  }
0x8b: {  	v7 =	vmax.f32 v7, v11  }
0x8c: {  	v7 =	vmax.f32 v7, v63  }
0x8d: {  	v7 =	vmax.f32 v7, v8  }
0x8e: {  	v8 =	vperm.xlane v7, v0;
	_ =	sdelay $0x1  }
0x8f: {  	v7 =	vmax.f32 v7, v8  }
0x90: {  	v8 =	vperm.xlane v7, v1;
	_ =	sdelay $0x1  }
0x91: {  	v7 =	vmax.f32 v7, v8  }
0x92: {  	v8 =	vperm.xlane v7, v2;
	_ =	sdelay $0x1  }
0x93: {  	v7 =	vmax.f32 v7, v8  }
0x94: {  	s16 =	simm.s32 $0x0;
	v8 =	vperm.xlane v7, v3  }
0x95: {  	v9 =	vld [tilespmem:s16+$0x0]  }
0x96: {  	s15 =	simm.s32 $0x200;
	v10 =	vld [tilespmem:s16+$0x1000];
	v7 =	vmax.f32 v7, v8;
	v8 =	vimm.s32 $0x40000000  }
.LBB2_6:
0x97: {  	_ = 	snop  }
0x98: {  	p0 =	sne.s32 s15, $0x3E00  }
.Ltmp2:
0x99: {  	_ = 	snop;
	(pc) =	sbr.rel @p0 .LBB2_6-.Ltmp2, $4  }
0x9a: {  	vm3 =	veq.f32 v9, v7  }
0x9b: {  	s16 =	sshra.s32 s15, $0x2;
	v11 =	vnsel vm3, $0x40000000, v10  }
0x9c: {  	v9 =	vld [tilespmem:s16+$0x0];
	vm3 =	vlt.s32 v8, v11  }
0x9d: {  	s15 =	sadd.s32 $0x200, s15;
	v10 =	vld [tilespmem:s16+$0x1000];
	v8 =	vsel vm3, v8, v11  }
0x9e: {  	_ =	sdelay $0x2  }
0x9f: {  	vm3 =	veq.f32 v9, v7  }
0xa0: {  	v9 =	vnsel vm3, $0x40000000, v10  }
0xa1: {  	vm3 =	vlt.s32 v8, v9  }
0xa2: {  	v8 =	vsel vm3, v8, v9  }
0xa3: {  	v9 =	vperm.xlane v8, v0;
	_ =	sdelay $0x1  }
0xa4: {  	vm3 =	vlt.s32 v8, v9  }
0xa5: {  	v8 =	vsel vm3, v8, v9  }
0xa6: {  	v9 =	vperm.xlane v8, v1;
	_ =	sdelay $0x1  }
0xa7: {  	vm3 =	vlt.s32 v8, v9  }
0xa8: {  	v8 =	vsel vm3, v8, v9  }
0xa9: {  	v9 =	vperm.xlane v8, v2;
	_ =	sdelay $0x1  }
0xaa: {  	s15 =	simm.s32 $0x0;
	vm3 =	vlt.s32 v8, v9  }
0xab: {  	v8 =	vsel vm3, v8, v9;
	v9 =	vld [tilespmem:s15+$0x1000]  }
0xac: {  	v11 =	vld [tilespmem:s15+$0x0];
	v10 =	vperm.xlane v8, v3;
	_ =	sdelay $0x1  }
0xad: {  	vm3 =	vlt.s32 v8, v10  }
0xae: {  	v8 =	vsel vm3, v8, v10  }
0xaf: {  	vm3 =	veq.s32 v9, v8  }
0xb0: {  	s17 =	simm.s32 $0x80;
	s16 =	simm.s32 $0x400;
	v9 =	vsel vm3, $0xBF800000, v11  }
.LBB2_8:
0xb1: {  	p0 =	sne.s32 s16, $0x3E00;
	v10 =	vld [tilespmem:s17+$0x1000];
	[tilespmem:s15+$0x0] =	vst v9;
	s15 =	smov.u32 s17  }
0xb2: {  	v9 =	vld [tilespmem:s15+$0x0]  }
.Ltmp3:
0xb3: {  	(pc) =	sbr.rel @p0 .LBB2_8-.Ltmp3, $3  }
0xb4: {  	_ =	sdelay $0x1  }
0xb5: {  	vm3 =	veq.s32 v10, v8  }
0xb6: {  	s17 =	sshra.s32 s16, $0x2;
	s16 =	sadd.s32 $0x200, s16;
	v9 =	vsel vm3, $0xBF800000, v9  }
0xb7: {  	v10 =	vld [tilespmem:s17+$0x1000];
	[tilespmem:s15+$0x0] =	vst v9  }
0xb8: {  	v9 =	vld [tilespmem:s17+$0x0];
	_ =	sdelay $0x3  }
0xb9: {  	vm3 =	veq.s32 v10, v8  }
0xba: {  	v9 =	vsel vm3, $0xBF800000, v9  }
0xbb: {  	[tilespmem:s17+$0x0] =	vst v9  }
0xbc: {  	v9 =	vld [tilespmem:$0x0]  }
0xbd: {  	v10 =	vld [tilespmem:$0x80]  }
0xbe: {  	v11 =	vld [tilespmem:$0x100]  }
0xbf: {  	v12 =	vld [tilespmem:$0x180]  }
0xc0: {  	v13 =	vld [tilespmem:$0x200]  }
0xc1: {  	v14 =	vld [tilespmem:$0x280];
	v9 =	vmax.f32 v9, $-1.000000000e+00  }
0xc2: {  	v9 =	vmax.f32 v9, v10;
	v10 =	vld [tilespmem:$0x300]  }
0xc3: {  	v9 =	vmax.f32 v9, v11;
	v11 =	vld [tilespmem:$0x380]  }
0xc4: {  	v9 =	vmax.f32 v9, v12;
	v12 =	vld [tilespmem:$0x400]  }
0xc5: {  	v9 =	vmax.f32 v9, v13;
	v13 =	vld [tilespmem:$0x480]  }
0xc6: {  	v9 =	vmax.f32 v9, v14;
	v14 =	vld [tilespmem:$0x500]  }
0xc7: {  	v9 =	vmax.f32 v9, v10;
	v10 =	vld [tilespmem:$0x580]  }
0xc8: {  	v9 =	vmax.f32 v9, v11;
	v11 =	vld [tilespmem:$0x600]  }
0xc9: {  	v9 =	vmax.f32 v9, v12;
	v12 =	vld [tilespmem:$0x680]  }
0xca: {  	v9 =	vmax.f32 v9, v13;
	v13 =	vld [tilespmem:$0x700]  }
0xcb: {  	v9 =	vmax.f32 v9, v14;
	v14 =	vld [tilespmem:$0x780]  }
0xcc: {  	v9 =	vmax.f32 v9, v10;
	v10 =	vld [tilespmem:$0x800]  }
0xcd: {  	v9 =	vmax.f32 v9, v11;
	v11 =	vld [tilespmem:$0x880]  }
0xce: {  	v9 =	vmax.f32 v9, v12;
	v12 =	vld [tilespmem:$0x900]  }
0xcf: {  	v9 =	vmax.f32 v9, v13;
	v13 =	vld [tilespmem:$0x980]  }
0xd0: {  	v9 =	vmax.f32 v9, v14;
	v14 =	vld [tilespmem:$0xA00]  }
0xd1: {  	v9 =	vmax.f32 v9, v10;
	v10 =	vld [tilespmem:$0xA80]  }
0xd2: {  	v9 =	vmax.f32 v9, v11;
	v11 =	vld [tilespmem:$0xB00]  }
0xd3: {  	v9 =	vmax.f32 v9, v12;
	v12 =	vld [tilespmem:$0xB80]  }
0xd4: {  	v9 =	vmax.f32 v9, v13;
	v13 =	vld [tilespmem:$0xC00]  }
0xd5: {  	v9 =	vmax.f32 v9, v14;
	v14 =	vld [tilespmem:$0xC80]  }
0xd6: {  	v9 =	vmax.f32 v9, v10;
	v10 =	vld [tilespmem:$0xD00]  }
0xd7: {  	v9 =	vmax.f32 v9, v11;
	v11 =	vld [tilespmem:$0xD80]  }
0xd8: {  	v9 =	vmax.f32 v9, v12;
	v12 =	vld [tilespmem:$0xE00]  }
0xd9: {  	v9 =	vmax.f32 v9, v13;
	v13 =	vld [tilespmem:$0xE80]  }
0xda: {  	v9 =	vmax.f32 v9, v14;
	v14 =	vld [tilespmem:$0xF00]  }
0xdb: {  	v9 =	vmax.f32 v9, v10;
	v10 =	vld [tilespmem:$0xF80]  }
0xdc: {  	v9 =	vmax.f32 v9, v11  }
0xdd: {  	v9 =	vmax.f32 v9, v12  }
0xde: {  	v9 =	vmax.f32 v9, v13  }
0xdf: {  	v9 =	vmax.f32 v9, v14  }
0xe0: {  	v9 =	vmax.f32 v9, v10  }
0xe1: {  	v10 =	vperm.xlane v9, v0;
	_ =	sdelay $0x1  }
0xe2: {  	v9 =	vmax.f32 v9, v10  }
0xe3: {  	v10 =	vperm.xlane v9, v1;
	_ =	sdelay $0x1  }
0xe4: {  	v9 =	vmax.f32 v9, v10  }
0xe5: {  	v10 =	vperm.xlane v9, v2;
	_ =	sdelay $0x1  }
0xe6: {  	v9 =	vmax.f32 v9, v10  }
0xe7: {  	s16 =	simm.s32 $0x0;
	v10 =	vperm.xlane v9, v3  }
0xe8: {  	v11 =	vld [tilespmem:s16+$0x0]  }
0xe9: {  	s15 =	simm.s32 $0x200;
	v12 =	vld [tilespmem:s16+$0x1000];
	v9 =	vmax.f32 v9, v10;
	v10 =	vimm.s32 $0x40000000  }
.LBB2_10:
0xea: {  	_ = 	snop  }
0xeb: {  	p0 =	sne.s32 s15, $0x3E00  }
.Ltmp4:
0xec: {  	_ = 	snop;
	(pc) =	sbr.rel @p0 .LBB2_10-.Ltmp4, $4  }
0xed: {  	vm3 =	veq.f32 v11, v9  }
0xee: {  	s16 =	sshra.s32 s15, $0x2;
	v13 =	vnsel vm3, $0x40000000, v12  }
0xef: {  	v11 =	vld [tilespmem:s16+$0x0];
	vm3 =	vlt.s32 v10, v13  }
0xf0: {  	s15 =	sadd.s32 $0x200, s15;
	v12 =	vld [tilespmem:s16+$0x1000];
	v10 =	vsel vm3, v10, v13  }
0xf1: {  	_ =	sdelay $0x2  }
0xf2: {  	vm3 =	veq.f32 v11, v9  }
0xf3: {  	v11 =	vnsel vm3, $0x40000000, v12  }
0xf4: {  	vm3 =	vlt.s32 v10, v11  }
0xf5: {  	v10 =	vsel vm3, v10, v11  }
0xf6: {  	v11 =	vperm.xlane v10, v0;
	_ =	sdelay $0x1  }
0xf7: {  	vm3 =	vlt.s32 v10, v11  }
0xf8: {  	v10 =	vsel vm3, v10, v11  }
0xf9: {  	v11 =	vperm.xlane v10, v1;
	_ =	sdelay $0x1  }
0xfa: {  	vm3 =	vlt.s32 v10, v11  }
0xfb: {  	v10 =	vsel vm3, v10, v11  }
0xfc: {  	v11 =	vperm.xlane v10, v2;
	_ =	sdelay $0x1  }
0xfd: {  	s15 =	simm.s32 $0x0;
	vm3 =	vlt.s32 v10, v11  }
0xfe: {  	v10 =	vsel vm3, v10, v11;
	v11 =	vld [tilespmem:s15+$0x1000]  }
0xff: {  	v13 =	vld [tilespmem:s15+$0x0];
	v63 =	vperm.xlane v10, v3;
	_ =	sdelay $0x1  }
0x100: {  	vm3 =	vlt.s32 v10, v63  }
0x101: {  	v10 =	vsel vm3, v10, v63  }
0x102: {  	vm3 =	veq.s32 v11, v10  }
0x103: {  	s16 =	simm.s32 $0x80;
	s17 =	simm.s32 $0x400;
	v11 =	vsel vm3, $0xBF800000, v13  }
.LBB2_12:
0x104: {  	p0 =	sne.s32 s17, $0x3E00;
	v12 =	vld [tilespmem:s16+$0x1000];
	[tilespmem:s15+$0x0] =	vst v11;
	s15 =	smov.u32 s16  }
0x105: {  	v11 =	vld [tilespmem:s15+$0x0]  }
.Ltmp5:
0x106: {  	(pc) =	sbr.rel @p0 .LBB2_12-.Ltmp5, $3  }
0x107: {  	_ =	sdelay $0x1  }
0x108: {  	vm3 =	veq.s32 v12, v10  }
0x109: {  	s16 =	sshra.s32 s17, $0x2;
	s17 =	sadd.s32 $0x200, s17;
	v11 =	vsel vm3, $0xBF800000, v11  }
0x10a: {  	vm3 =	vgt.f32 v5, $5.000000000e-01;
	vm4 =	vgt.f32 v7, $5.000000000e-01  }
0x10b: {  	v12 =	vsel vm3, $0x1, v4;
	v13 =	vsel vm4, $0x1, v4;
	vm3 =	vgt.f32 v9, $5.000000000e-01  }
0x10c: {  	v5 =	vld [tilespmem:s16+$0x1000];
	[tilespmem:s15+$0x0] =	vst v11;
	v11 =	vadd.s32 v12, v13;
	v62 =	vsel vm3, $0x1, v4  }
0x10d: {  	v63 =	vld [tilespmem:s16+$0x0];
	v11 =	vadd.s32 v62, v11  }
0x10e: {  	vm14 =	vgt.f32 v9, $1.000000010e-01;
	vm3 =	vlt.u32 v11, $0x3  }
0x10f: {  	vm5 =	vgt.f32 v7, $1.000000010e-01;
	vm4 =	vmand vm14, vm3  }
0x110: {  	vm3 =	vmand vm5, vm3;
	v7 =	vnsel vm4, $0xFFFFFFFF, v10  }
0x111: {  	vm15 =	veq.s32 v5, v10;
	v5 =	vnsel vm3, $0xFFFFFFFF, v8;
	v7 =	vsel vm0, $0xFFFFFFFF, v7  }
0x112: {  	v8 =	vsel vm15, $0xBF800000, v63;
	v5 =	vsel vm1, v7, v5  }
0x113: {  	[tilespmem:s16+$0x0] =	vst v8;
	v5 =	vsel vm2, v6, v5  }
0x114: {  	s30 =	simm.s32 $0x0;
	[tilespmem:$0x2000] =	vst v5  }
0x115: {  	[hbm4b:s5+s30] =	stream.linear.scatter [tilespmem:s11], [sflag:$0x1], $0x10, $0x38;
	[tilespmem:$0x2080] =	vst v63  }
0x116: {  	_ =	swait.ge [sflag:s12], $0x10  }
0x117: {  	[sflag:s12] =	ssyncset.done $0x0  }
0x118: {  	[sflag:s12] =	ssyncadd.s32 $0xFFFFFFF0  }
0x119: {  	[tilespmem:s30], [sflag:$0x1] =	stream.strided.gather [hbm4b:s6+s10], $0x1000, s11, s10, $0x38;
	[tilespmem:$0x2080] =	vst v63  }
0x11a: {  	_ =	swait.ge [sflag:s12], $0x1000  }
0x11b: {  	[sflag:s12] =	ssyncset.done $0x0  }
0x11c: {  	[sflag:s12] =	ssyncadd.s32 $0xFFFFF000  }
0x11d: {  	[tilespmem:s13], [sflag:$0x1] =	stream.strided.gather [hbm4b:s7+s10], $0x1000, s11, s10, $0x38;
	[tilespmem:$0x2080] =	vst v63  }
0x11e: {  	_ =	swait.ge [sflag:s12], $0x1000  }
0x11f: {  	[sflag:s12] =	ssyncset.done $0x0  }
0x120: {  	[sflag:s12] =	ssyncadd.s32 $0xFFFFF000  }
0x121: {  	v5 =	vld [tilespmem:$0x0]  }
0x122: {  	v6 =	vld [tilespmem:$0x80]  }
0x123: {  	v7 =	vld [tilespmem:$0x100]  }
0x124: {  	v8 =	vld [tilespmem:$0x180]  }
0x125: {  	v9 =	vld [tilespmem:$0x200]  }
0x126: {  	v10 =	vld [tilespmem:$0x280];
	v5 =	vmax.f32 v5, $-1.000000000e+00  }
0x127: {  	v5 =	vmax.f32 v5, v6;
	v6 =	vld [tilespmem:$0x300]  }
0x128: {  	v5 =	vmax.f32 v5, v7;
	v7 =	vld [tilespmem:$0x380]  }
0x129: {  	v5 =	vmax.f32 v5, v8;
	v8 =	vld [tilespmem:$0x400]  }
0x12a: {  	v5 =	vmax.f32 v5, v9;
	v9 =	vld [tilespmem:$0x480]  }
0x12b: {  	v5 =	vmax.f32 v5, v10;
	v10 =	vld [tilespmem:$0x500]  }
0x12c: {  	v5 =	vmax.f32 v5, v6;
	v6 =	vld [tilespmem:$0x580]  }
0x12d: {  	v5 =	vmax.f32 v5, v7;
	v7 =	vld [tilespmem:$0x600]  }
0x12e: {  	v5 =	vmax.f32 v5, v8;
	v8 =	vld [tilespmem:$0x680]  }
0x12f: {  	v5 =	vmax.f32 v5, v9;
	v9 =	vld [tilespmem:$0x700]  }
0x130: {  	v5 =	vmax.f32 v5, v10;
	v10 =	vld [tilespmem:$0x780]  }
0x131: {  	v5 =	vmax.f32 v5, v6;
	v6 =	vld [tilespmem:$0x800]  }
0x132: {  	v5 =	vmax.f32 v5, v7;
	v7 =	vld [tilespmem:$0x880]  }
0x133: {  	v5 =	vmax.f32 v5, v8;
	v8 =	vld [tilespmem:$0x900]  }
0x134: {  	v5 =	vmax.f32 v5, v9;
	v9 =	vld [tilespmem:$0x980]  }
0x135: {  	v5 =	vmax.f32 v5, v10;
	v10 =	vld [tilespmem:$0xA00]  }
0x136: {  	v5 =	vmax.f32 v5, v6;
	v6 =	vld [tilespmem:$0xA80]  }
0x137: {  	v5 =	vmax.f32 v5, v7;
	v7 =	vld [tilespmem:$0xB00]  }
0x138: {  	v5 =	vmax.f32 v5, v8;
	v8 =	vld [tilespmem:$0xB80]  }
0x139: {  	v5 =	vmax.f32 v5, v9;
	v9 =	vld [tilespmem:$0xC00]  }
0x13a: {  	v5 =	vmax.f32 v5, v10;
	v10 =	vld [tilespmem:$0xC80]  }
0x13b: {  	v5 =	vmax.f32 v5, v6;
	v6 =	vld [tilespmem:$0xD00]  }
0x13c: {  	v5 =	vmax.f32 v5, v7;
	v7 =	vld [tilespmem:$0xD80]  }
0x13d: {  	v5 =	vmax.f32 v5, v8;
	v8 =	vld [tilespmem:$0xE00]  }
0x13e: {  	v5 =	vmax.f32 v5, v9;
	v9 =	vld [tilespmem:$0xE80]  }
0x13f: {  	v5 =	vmax.f32 v5, v10;
	v10 =	vld [tilespmem:$0xF00]  }
0x140: {  	v5 =	vmax.f32 v5, v6;
	v6 =	vld [tilespmem:$0xF80]  }
0x141: {  	v5 =	vmax.f32 v5, v7  }
0x142: {  	v5 =	vmax.f32 v5, v8  }
0x143: {  	v5 =	vmax.f32 v5, v9  }
0x144: {  	v5 =	vmax.f32 v5, v10  }
0x145: {  	v5 =	vmax.f32 v5, v6  }
0x146: {  	v6 =	vperm.xlane v5, v0;
	_ =	sdelay $0x1  }
0x147: {  	v5 =	vmax.f32 v5, v6  }
0x148: {  	v6 =	vperm.xlane v5, v1;
	_ =	sdelay $0x1  }
0x149: {  	v5 =	vmax.f32 v5, v6  }
0x14a: {  	v6 =	vperm.xlane v5, v2;
	_ =	sdelay $0x1  }
0x14b: {  	v5 =	vmax.f32 v5, v6  }
0x14c: {  	s31 =	simm.s32 $0x0;
	v6 =	vperm.xlane v5, v3  }
0x14d: {  	v7 =	vld [tilespmem:s31+$0x0]  }
0x14e: {  	s15 =	simm.s32 $0x200;
	v8 =	vld [tilespmem:s31+$0x1000];
	v5 =	vmax.f32 v5, v6;
	v6 =	vimm.s32 $0x40000000  }
.LBB2_14:
0x14f: {  	_ = 	snop  }
0x150: {  	p0 =	sne.s32 s15, $0x3E00  }
.Ltmp6:
0x151: {  	_ = 	snop;
	(pc) =	sbr.rel @p0 .LBB2_14-.Ltmp6, $4  }
0x152: {  	vm3 =	veq.f32 v7, v5  }
0x153: {  	s16 =	sshra.s32 s15, $0x2;
	v9 =	vnsel vm3, $0x40000000, v8  }
0x154: {  	v7 =	vld [tilespmem:s16+$0x0];
	vm3 =	vlt.s32 v6, v9  }
0x155: {  	s15 =	sadd.s32 $0x200, s15;
	v8 =	vld [tilespmem:s16+$0x1000];
	v6 =	vsel vm3, v6, v9  }
0x156: {  	_ =	sdelay $0x2  }
0x157: {  	vm3 =	veq.f32 v7, v5  }
0x158: {  	v7 =	vnsel vm3, $0x40000000, v8  }
0x159: {  	vm3 =	vlt.s32 v6, v7  }
0x15a: {  	v6 =	vsel vm3, v6, v7  }
0x15b: {  	v7 =	vperm.xlane v6, v0;
	_ =	sdelay $0x1  }
0x15c: {  	vm3 =	vlt.s32 v6, v7  }
0x15d: {  	v6 =	vsel vm3, v6, v7  }
0x15e: {  	v7 =	vperm.xlane v6, v1;
	_ =	sdelay $0x1  }
0x15f: {  	vm3 =	vlt.s32 v6, v7  }
0x160: {  	v6 =	vsel vm3, v6, v7  }
0x161: {  	v7 =	vperm.xlane v6, v2;
	_ =	sdelay $0x1  }
0x162: {  	s15 =	simm.s32 $0x0;
	vm3 =	vlt.s32 v6, v7  }
0x163: {  	v6 =	vsel vm3, v6, v7;
	v7 =	vld [tilespmem:s15+$0x1000]  }
0x164: {  	v9 =	vld [tilespmem:s15+$0x0];
	v8 =	vperm.xlane v6, v3;
	_ =	sdelay $0x1  }
0x165: {  	vm3 =	vlt.s32 v6, v8  }
0x166: {  	v6 =	vsel vm3, v6, v8  }
0x167: {  	vm3 =	veq.s32 v7, v6  }
0x168: {  	s17 =	simm.s32 $0x80;
	s16 =	simm.s32 $0x400;
	v7 =	vsel vm3, $0xBF800000, v9  }
.LBB2_16:
0x169: {  	p0 =	sne.s32 s16, $0x3E00;
	v8 =	vld [tilespmem:s17+$0x1000];
	[tilespmem:s15+$0x0] =	vst v7;
	s15 =	smov.u32 s17  }
0x16a: {  	v7 =	vld [tilespmem:s15+$0x0]  }
.Ltmp7:
0x16b: {  	(pc) =	sbr.rel @p0 .LBB2_16-.Ltmp7, $3  }
0x16c: {  	_ =	sdelay $0x1  }
0x16d: {  	vm3 =	veq.s32 v8, v6  }
0x16e: {  	s17 =	sshra.s32 s16, $0x2;
	s16 =	sadd.s32 $0x200, s16;
	v7 =	vsel vm3, $0xBF800000, v7  }
0x16f: {  	v8 =	vld [tilespmem:s17+$0x1000];
	[tilespmem:s15+$0x0] =	vst v7  }
0x170: {  	v7 =	vld [tilespmem:s17+$0x0];
	_ =	sdelay $0x3  }
0x171: {  	vm3 =	veq.s32 v8, v6  }
0x172: {  	v7 =	vsel vm3, $0xBF800000, v7  }
0x173: {  	[tilespmem:s17+$0x0] =	vst v7  }
0x174: {  	v7 =	vld [tilespmem:$0x0]  }
0x175: {  	v8 =	vld [tilespmem:$0x80]  }
0x176: {  	v9 =	vld [tilespmem:$0x100]  }
0x177: {  	v10 =	vld [tilespmem:$0x180]  }
0x178: {  	v11 =	vld [tilespmem:$0x200]  }
0x179: {  	v12 =	vld [tilespmem:$0x280];
	v7 =	vmax.f32 v7, $-1.000000000e+00  }
0x17a: {  	v7 =	vmax.f32 v7, v8;
	v8 =	vld [tilespmem:$0x300]  }
0x17b: {  	v7 =	vmax.f32 v7, v9;
	v9 =	vld [tilespmem:$0x380]  }
0x17c: {  	v7 =	vmax.f32 v7, v10;
	v10 =	vld [tilespmem:$0x400]  }
0x17d: {  	v7 =	vmax.f32 v7, v11;
	v11 =	vld [tilespmem:$0x480]  }
0x17e: {  	v59 =	vld [tilespmem:$0x500];
	v7 =	vmax.f32 v7, v12  }
0x17f: {  	v7 =	vmax.f32 v7, v8;
	v8 =	vld [tilespmem:$0x580]  }
0x180: {  	v7 =	vmax.f32 v7, v9;
	v9 =	vld [tilespmem:$0x600]  }
0x181: {  	v7 =	vmax.f32 v7, v10;
	v10 =	vld [tilespmem:$0x680]  }
0x182: {  	v7 =	vmax.f32 v7, v11;
	v11 =	vld [tilespmem:$0x700]  }
0x183: {  	v60 =	vld [tilespmem:$0x780];
	v7 =	vmax.f32 v7, v59  }
0x184: {  	v7 =	vmax.f32 v7, v8;
	v8 =	vld [tilespmem:$0x800]  }
0x185: {  	v7 =	vmax.f32 v7, v9;
	v9 =	vld [tilespmem:$0x880]  }
0x186: {  	v7 =	vmax.f32 v7, v10;
	v10 =	vld [tilespmem:$0x900]  }
0x187: {  	v7 =	vmax.f32 v7, v11;
	v11 =	vld [tilespmem:$0x980]  }
0x188: {  	v61 =	vld [tilespmem:$0xA00];
	v7 =	vmax.f32 v7, v60  }
0x189: {  	v7 =	vmax.f32 v7, v8;
	v8 =	vld [tilespmem:$0xA80]  }
0x18a: {  	v7 =	vmax.f32 v7, v9;
	v9 =	vld [tilespmem:$0xB00]  }
0x18b: {  	v7 =	vmax.f32 v7, v10;
	v10 =	vld [tilespmem:$0xB80]  }
0x18c: {  	v7 =	vmax.f32 v7, v11;
	v11 =	vld [tilespmem:$0xC00]  }
0x18d: {  	v62 =	vld [tilespmem:$0xC80];
	v7 =	vmax.f32 v7, v61  }
0x18e: {  	v7 =	vmax.f32 v7, v8;
	v8 =	vld [tilespmem:$0xD00]  }
0x18f: {  	v7 =	vmax.f32 v7, v9;
	v9 =	vld [tilespmem:$0xD80]  }
0x190: {  	v7 =	vmax.f32 v7, v10;
	v10 =	vld [tilespmem:$0xE00]  }
0x191: {  	v7 =	vmax.f32 v7, v11;
	v11 =	vld [tilespmem:$0xE80]  }
0x192: {  	v63 =	vld [tilespmem:$0xF00];
	v7 =	vmax.f32 v7, v62  }
0x193: {  	v7 =	vmax.f32 v7, v8;
	v8 =	vld [tilespmem:$0xF80]  }
0x194: {  	v7 =	vmax.f32 v7, v9  }
0x195: {  	v7 =	vmax.f32 v7, v10  }
0x196: {  	v7 =	vmax.f32 v7, v11  }
0x197: {  	v7 =	vmax.f32 v7, v63  }
0x198: {  	v7 =	vmax.f32 v7, v8  }
0x199: {  	v8 =	vperm.xlane v7, v0;
	_ =	sdelay $0x1  }
0x19a: {  	v7 =	vmax.f32 v7, v8  }
0x19b: {  	v8 =	vperm.xlane v7, v1;
	_ =	sdelay $0x1  }
0x19c: {  	v7 =	vmax.f32 v7, v8  }
0x19d: {  	v8 =	vperm.xlane v7, v2;
	_ =	sdelay $0x1  }
0x19e: {  	v7 =	vmax.f32 v7, v8  }
0x19f: {  	s16 =	simm.s32 $0x0;
	v8 =	vperm.xlane v7, v3  }
0x1a0: {  	v9 =	vld [tilespmem:s16+$0x0]  }
0x1a1: {  	s15 =	simm.s32 $0x200;
	v10 =	vld [tilespmem:s16+$0x1000];
	v7 =	vmax.f32 v7, v8;
	v8 =	vimm.s32 $0x40000000  }
.LBB2_18:
0x1a2: {  	_ = 	snop  }
0x1a3: {  	p0 =	sne.s32 s15, $0x3E00  }
.Ltmp8:
0x1a4: {  	_ = 	snop;
	(pc) =	sbr.rel @p0 .LBB2_18-.Ltmp8, $4  }
0x1a5: {  	vm3 =	veq.f32 v9, v7  }
0x1a6: {  	s16 =	sshra.s32 s15, $0x2;
	v11 =	vnsel vm3, $0x40000000, v10  }
0x1a7: {  	v9 =	vld [tilespmem:s16+$0x0];
	vm3 =	vlt.s32 v8, v11  }
0x1a8: {  	s15 =	sadd.s32 $0x200, s15;
	v10 =	vld [tilespmem:s16+$0x1000];
	v8 =	vsel vm3, v8, v11  }
0x1a9: {  	_ =	sdelay $0x2  }
0x1aa: {  	vm3 =	veq.f32 v9, v7  }
0x1ab: {  	v9 =	vnsel vm3, $0x40000000, v10  }
0x1ac: {  	vm3 =	vlt.s32 v8, v9  }
0x1ad: {  	v8 =	vsel vm3, v8, v9  }
0x1ae: {  	v9 =	vperm.xlane v8, v0;
	_ =	sdelay $0x1  }
0x1af: {  	vm3 =	vlt.s32 v8, v9  }
0x1b0: {  	v8 =	vsel vm3, v8, v9  }
0x1b1: {  	v9 =	vperm.xlane v8, v1;
	_ =	sdelay $0x1  }
0x1b2: {  	vm3 =	vlt.s32 v8, v9  }
0x1b3: {  	v8 =	vsel vm3, v8, v9  }
0x1b4: {  	v9 =	vperm.xlane v8, v2;
	_ =	sdelay $0x1  }
0x1b5: {  	s15 =	simm.s32 $0x0;
	vm3 =	vlt.s32 v8, v9  }
0x1b6: {  	v8 =	vsel vm3, v8, v9;
	v9 =	vld [tilespmem:s15+$0x1000]  }
0x1b7: {  	v11 =	vld [tilespmem:s15+$0x0];
	v10 =	vperm.xlane v8, v3;
	_ =	sdelay $0x1  }
0x1b8: {  	vm3 =	vlt.s32 v8, v10  }
0x1b9: {  	v8 =	vsel vm3, v8, v10  }
0x1ba: {  	vm3 =	veq.s32 v9, v8  }
0x1bb: {  	s17 =	simm.s32 $0x80;
	s16 =	simm.s32 $0x400;
	v9 =	vsel vm3, $0xBF800000, v11  }
.LBB2_20:
0x1bc: {  	p0 =	sne.s32 s16, $0x3E00;
	v10 =	vld [tilespmem:s17+$0x1000];
	[tilespmem:s15+$0x0] =	vst v9;
	s15 =	smov.u32 s17  }
0x1bd: {  	v9 =	vld [tilespmem:s15+$0x0]  }
.Ltmp9:
0x1be: {  	(pc) =	sbr.rel @p0 .LBB2_20-.Ltmp9, $3  }
0x1bf: {  	_ =	sdelay $0x1  }
0x1c0: {  	vm3 =	veq.s32 v10, v8  }
0x1c1: {  	s17 =	sshra.s32 s16, $0x2;
	s16 =	sadd.s32 $0x200, s16;
	v9 =	vsel vm3, $0xBF800000, v9  }
0x1c2: {  	v10 =	vld [tilespmem:s17+$0x1000];
	[tilespmem:s15+$0x0] =	vst v9  }
0x1c3: {  	v9 =	vld [tilespmem:s17+$0x0];
	_ =	sdelay $0x3  }
0x1c4: {  	vm3 =	veq.s32 v10, v8  }
0x1c5: {  	v9 =	vsel vm3, $0xBF800000, v9  }
0x1c6: {  	[tilespmem:s17+$0x0] =	vst v9  }
0x1c7: {  	v9 =	vld [tilespmem:$0x0]  }
0x1c8: {  	v10 =	vld [tilespmem:$0x80]  }
0x1c9: {  	v11 =	vld [tilespmem:$0x100]  }
0x1ca: {  	v12 =	vld [tilespmem:$0x180]  }
0x1cb: {  	v13 =	vld [tilespmem:$0x200]  }
0x1cc: {  	v14 =	vld [tilespmem:$0x280];
	v9 =	vmax.f32 v9, $-1.000000000e+00  }
0x1cd: {  	v9 =	vmax.f32 v9, v10;
	v10 =	vld [tilespmem:$0x300]  }
0x1ce: {  	v9 =	vmax.f32 v9, v11;
	v11 =	vld [tilespmem:$0x380]  }
0x1cf: {  	v9 =	vmax.f32 v9, v12;
	v12 =	vld [tilespmem:$0x400]  }
0x1d0: {  	v9 =	vmax.f32 v9, v13;
	v13 =	vld [tilespmem:$0x480]  }
0x1d1: {  	v9 =	vmax.f32 v9, v14;
	v14 =	vld [tilespmem:$0x500]  }
0x1d2: {  	v9 =	vmax.f32 v9, v10;
	v10 =	vld [tilespmem:$0x580]  }
0x1d3: {  	v9 =	vmax.f32 v9, v11;
	v11 =	vld [tilespmem:$0x600]  }
0x1d4: {  	v9 =	vmax.f32 v9, v12;
	v12 =	vld [tilespmem:$0x680]  }
0x1d5: {  	v9 =	vmax.f32 v9, v13;
	v13 =	vld [tilespmem:$0x700]  }
0x1d6: {  	v9 =	vmax.f32 v9, v14;
	v14 =	vld [tilespmem:$0x780]  }
0x1d7: {  	v9 =	vmax.f32 v9, v10;
	v10 =	vld [tilespmem:$0x800]  }
0x1d8: {  	v9 =	vmax.f32 v9, v11;
	v11 =	vld [tilespmem:$0x880]  }
0x1d9: {  	v9 =	vmax.f32 v9, v12;
	v12 =	vld [tilespmem:$0x900]  }
0x1da: {  	v9 =	vmax.f32 v9, v13;
	v13 =	vld [tilespmem:$0x980]  }
0x1db: {  	v9 =	vmax.f32 v9, v14;
	v14 =	vld [tilespmem:$0xA00]  }
0x1dc: {  	v9 =	vmax.f32 v9, v10;
	v10 =	vld [tilespmem:$0xA80]  }
0x1dd: {  	v9 =	vmax.f32 v9, v11;
	v11 =	vld [tilespmem:$0xB00]  }
0x1de: {  	v9 =	vmax.f32 v9, v12;
	v12 =	vld [tilespmem:$0xB80]  }
0x1df: {  	v9 =	vmax.f32 v9, v13;
	v13 =	vld [tilespmem:$0xC00]  }
0x1e0: {  	v9 =	vmax.f32 v9, v14;
	v14 =	vld [tilespmem:$0xC80]  }
0x1e1: {  	v9 =	vmax.f32 v9, v10;
	v10 =	vld [tilespmem:$0xD00]  }
0x1e2: {  	v9 =	vmax.f32 v9, v11;
	v11 =	vld [tilespmem:$0xD80]  }
0x1e3: {  	v9 =	vmax.f32 v9, v12;
	v12 =	vld [tilespmem:$0xE00]  }
0x1e4: {  	v9 =	vmax.f32 v9, v13;
	v13 =	vld [tilespmem:$0xE80]  }
0x1e5: {  	v9 =	vmax.f32 v9, v14;
	v14 =	vld [tilespmem:$0xF00]  }
0x1e6: {  	v9 =	vmax.f32 v9, v10;
	v10 =	vld [tilespmem:$0xF80]  }
0x1e7: {  	v9 =	vmax.f32 v9, v11  }
0x1e8: {  	v9 =	vmax.f32 v9, v12  }
0x1e9: {  	v9 =	vmax.f32 v9, v13  }
0x1ea: {  	v9 =	vmax.f32 v9, v14  }
0x1eb: {  	v9 =	vmax.f32 v9, v10  }
0x1ec: {  	v10 =	vperm.xlane v9, v0;
	_ =	sdelay $0x1  }
0x1ed: {  	v9 =	vmax.f32 v9, v10  }
0x1ee: {  	v10 =	vperm.xlane v9, v1;
	_ =	sdelay $0x1  }
0x1ef: {  	v9 =	vmax.f32 v9, v10  }
0x1f0: {  	v10 =	vperm.xlane v9, v2;
	_ =	sdelay $0x1  }
0x1f1: {  	v9 =	vmax.f32 v9, v10  }
0x1f2: {  	s16 =	simm.s32 $0x0;
	v10 =	vperm.xlane v9, v3  }
0x1f3: {  	v11 =	vld [tilespmem:s16+$0x0]  }
0x1f4: {  	s15 =	simm.s32 $0x200;
	v12 =	vld [tilespmem:s16+$0x1000];
	v9 =	vmax.f32 v9, v10;
	v10 =	vimm.s32 $0x40000000  }
.LBB2_22:
0x1f5: {  	_ = 	snop  }
0x1f6: {  	p0 =	sne.s32 s15, $0x3E00  }
.Ltmp10:
0x1f7: {  	_ = 	snop;
	(pc) =	sbr.rel @p0 .LBB2_22-.Ltmp10, $4  }
0x1f8: {  	vm3 =	veq.f32 v11, v9  }
0x1f9: {  	s16 =	sshra.s32 s15, $0x2;
	v13 =	vnsel vm3, $0x40000000, v12  }
0x1fa: {  	v11 =	vld [tilespmem:s16+$0x0];
	vm3 =	vlt.s32 v10, v13  }
0x1fb: {  	s15 =	sadd.s32 $0x200, s15;
	v12 =	vld [tilespmem:s16+$0x1000];
	v10 =	vsel vm3, v10, v13  }
0x1fc: {  	_ =	sdelay $0x2  }
0x1fd: {  	vm3 =	veq.f32 v11, v9  }
0x1fe: {  	v11 =	vnsel vm3, $0x40000000, v12  }
0x1ff: {  	vm3 =	vlt.s32 v10, v11  }
0x200: {  	v10 =	vsel vm3, v10, v11  }
0x201: {  	v11 =	vperm.xlane v10, v0;
	_ =	sdelay $0x1  }
0x202: {  	vm3 =	vlt.s32 v10, v11  }
0x203: {  	v10 =	vsel vm3, v10, v11  }
0x204: {  	v11 =	vperm.xlane v10, v1;
	_ =	sdelay $0x1  }
0x205: {  	vm3 =	vlt.s32 v10, v11  }
0x206: {  	v10 =	vsel vm3, v10, v11  }
0x207: {  	v11 =	vperm.xlane v10, v2;
	_ =	sdelay $0x1  }
0x208: {  	s15 =	simm.s32 $0x0;
	vm3 =	vlt.s32 v10, v11  }
0x209: {  	v10 =	vsel vm3, v10, v11;
	v11 =	vld [tilespmem:s15+$0x1000]  }
0x20a: {  	v13 =	vld [tilespmem:s15+$0x0];
	v63 =	vperm.xlane v10, v3;
	_ =	sdelay $0x1  }
0x20b: {  	vm3 =	vlt.s32 v10, v63  }
0x20c: {  	v10 =	vsel vm3, v10, v63  }
0x20d: {  	vm3 =	veq.s32 v11, v10  }
0x20e: {  	s16 =	simm.s32 $0x80;
	s17 =	simm.s32 $0x400;
	v11 =	vsel vm3, $0xBF800000, v13  }
.LBB2_24:
0x20f: {  	p0 =	sne.s32 s17, $0x3E00;
	v12 =	vld [tilespmem:s16+$0x1000];
	[tilespmem:s15+$0x0] =	vst v11;
	s15 =	smov.u32 s16  }
0x210: {  	v11 =	vld [tilespmem:s15+$0x0]  }
.Ltmp11:
0x211: {  	(pc) =	sbr.rel @p0 .LBB2_24-.Ltmp11, $3  }
0x212: {  	_ =	sdelay $0x1  }
0x213: {  	vm3 =	veq.s32 v12, v10  }
0x214: {  	s16 =	sshra.s32 s17, $0x2;
	s17 =	sadd.s32 $0x200, s17;
	v11 =	vsel vm3, $0xBF800000, v11  }
0x215: {  	vm3 =	vgt.f32 v5, $5.000000000e-01;
	vm4 =	vgt.f32 v7, $5.000000000e-01  }
0x216: {  	v12 =	vsel vm3, $0x1, v4;
	v13 =	vsel vm4, $0x1, v4;
	vm3 =	vgt.f32 v9, $5.000000000e-01  }
0x217: {  	v5 =	vld [tilespmem:s16+$0x1000];
	[tilespmem:s15+$0x0] =	vst v11;
	v60 =	vadd.s32 v12, v13;
	v61 =	vsel vm3, $0x1, v4  }
0x218: {  	v62 =	vld [tilespmem:s16+$0x0];
	v11 =	vadd.s32 v61, v60  }
0x219: {  	vm14 =	vgt.f32 v9, $1.000000010e-01;
	vm3 =	vlt.u32 v11, $0x3  }
0x21a: {  	vm5 =	vgt.f32 v7, $1.000000010e-01;
	vm4 =	vmand vm14, vm3  }
0x21b: {  	vm3 =	vmand vm5, vm3;
	v7 =	vnsel vm4, $0xFFFFFFFF, v10  }
0x21c: {  	vm15 =	veq.s32 v5, v10;
	v5 =	vnsel vm3, $0xFFFFFFFF, v8;
	v7 =	vsel vm0, $0xFFFFFFFF, v7  }
0x21d: {  	s14 =	sadd.s32 $0x1, s14;
	v63 =	vsel vm15, $0xBF800000, v62;
	v5 =	vsel vm1, v7, v5  }
0x21e: {  	p0 =	sne.s32 s14, s9;
	[tilespmem:s16+$0x0] =	vst v63;
	v5 =	vsel vm2, v6, v5  }
.Ltmp12:
0x21f: {  	[tilespmem:$0x2000] =	vst v5;
	(pc) =	sbr.rel @p0 .LBB2_1-.Ltmp12, $4  }
0x220: {  	[hbm4b:s8+s1] =	stream.linear.scatter [tilespmem:s11], [sflag:$0x1], $0x10, $0x38;
	[tilespmem:$0x2080] =	vst v63  }
0x221: {  	_ =	swait.ge [sflag:s12], $0x10  }
0x222: {  	[sflag:s12] =	ssyncset.done $0x0  }
0x223: {  	[sflag:s12] =	ssyncadd.s32 $0xFFFFFFF0  }
0x224: {  	_ =	sfence.sel $0x180000  }
0x225: {  	[bflag:$0x0] =	sbarrier.arrive $0xFFFF  }
0x226: {  	p0 =	sne.s32 s2, $0x0;
	_ =	strace $0x9000004A  }
0x227: {  	s0 =	sadd.s32 @!p0 $0x100000, s0;
	[bflag:$0x2] =	sbarrier.arrive $0xFFFF  }
0x228: {  	[sflag:s0] =	ssyncadd.tile.s32 @!p0 $0x1;
	_ =	shalt  }
.Lfunc_end2:
_tile_overlayer_lowered:
.L_overlay_start_2:
0x229: {  	(tag) =	ssettag $0x2  }
0x22a: {  	s0 =	rddreg [dreg:$0x0];
	s2 =	stileid.u32  }
0x22b: {  	s1 =	rddreg [dreg:$0x1];
	p0 =	sne.s32 s2, $0x0  }
0x22c: {  	s3 =	rddreg [dreg:$0x2];
	[bflag:$0x3] =	sbarrier.arrive $0xFFFF;
	s2 =	simm.s32 @!p0 $0x1C01  }
0x22d: {  	[timem:s3], [sflag:s2] =	dma.local @!p0 [hbm:s0], s1  }
0x22e: {  	s0 =	simm.s32 @!p0 $0x1  }
0x22f: {  	_ =	swait.ge @!p0 [sflag:s0], s1  }
0x230: {  	s1 =	ssub.s32 @!p0 $0x0, s1;
	[sflag:s0] =	ssyncset.done @!p0 $0x0  }
0x231: {  	[sflag:s0] =	ssyncadd.s32 @!p0 s1  }
0x232: {  	[bflag:$0x3] =	sbarrier.arrive $0xFFFF  }
0x233: {  	_ =	shalt  }

</sc_bundles>
